<compile_context>
chip_gen: v7x
topology: tpu7x:2x2x1
jax: 0.10.2.dev20260603
libtpu: 0.0.44.dev20260713+nightly
codegen_flags: <defaults>
</compile_context>

<pallas_src>
import functools

import jax
import jax.numpy as jnp
from jax import lax
from jax.experimental import pallas as pl
from jax.experimental.pallas import tpu as pltpu
from jax.experimental.pallas import tpu_sc as plsc

_NB_KNOTS = 128
_X_MIN = -3.0
_X_MAX = 3.0
_EPS = 1e-06
_SCALE = (_NB_KNOTS - 1) / (_X_MAX - _X_MIN)

_NC = 2
_NS = 16
_NW = _NC * _NS
_L = 16

_ROWS = 2048
_COLS = 4096
_RPW = _ROWS // _NW
_CR = 8
_CC = _COLS // 2
_NG = _RPW // _CR


def _build_tables(theta_ref, y_ref, dy_ref):
    lane = lax.iota(jnp.int32, _L)
    zero = jnp.zeros((_L,), jnp.float32)
    carry = zero
    for k in range(_NB_KNOTS // _L):
        v = theta_ref[pl.ds(k * _L, _L)]
        d = jnp.exp(v) + jnp.float32(_EPS)
        if k == 0:
            d = jnp.where(lane == 0, v, d)
        c = d
        for s in (1, 2, 4, 8):
            y_ref[pl.ds(k * _L, _L)] = c
            shifted = plsc.load_gather(
                y_ref, [jnp.maximum(lane - s, 0) + k * _L])
            c = c + jnp.where(lane >= s, shifted, zero)
        c = c + carry
        y_ref[pl.ds(k * _L, _L)] = c
        carry = plsc.load_gather(
            y_ref, [jnp.full((_L,), k * _L + _L - 1, jnp.int32)]
        )
    for k in range(_NB_KNOTS // _L):
        idx = lane + k * _L
        yl = plsc.load_gather(y_ref, [idx])
        yr = plsc.load_gather(y_ref, [jnp.minimum(idx + 1, _NB_KNOTS - 1)])
        dy_ref[pl.ds(k * _L, _L)] = yr - yl


def _interp_block(inb, outb, y_ref, dy_ref):
    for r in range(_CR):
        @plsc.parallel_loop(0, _CC, step=_L, unroll=4)
        def body(off):
            zv = inb[r, pl.ds(off, _L)]
            zn = (zv - jnp.float32(_X_MIN)) * jnp.float32(_SCALE)
            znc = jnp.minimum(jnp.maximum(zn, jnp.float32(0.0)),
                              jnp.float32(_NB_KNOTS - 2))
            ii = znc.astype(jnp.int32)
            t = zn - ii.astype(jnp.float32)
            yl = plsc.load_gather(y_ref, [ii])
            dy = plsc.load_gather(dy_ref, [ii])
            outb[r, pl.ds(off, _L)] = yl + t * dy


@functools.partial(
    pl.kernel,
    mesh=plsc.VectorSubcoreMesh(core_axis_name="c", subcore_axis_name="s"),
    out_type=jax.ShapeDtypeStruct((_ROWS, _COLS), jnp.float32),
    compiler_params=pltpu.CompilerParams(needs_layout_passes=False),
    scratch_types=[
        pltpu.VMEM((_NB_KNOTS,), jnp.float32),
        pltpu.VMEM((_NB_KNOTS,), jnp.float32),
        pltpu.VMEM((_NB_KNOTS,), jnp.float32),
        pltpu.VMEM((_CR, _CC), jnp.float32),
        pltpu.VMEM((_CR, _CC), jnp.float32),
        pltpu.VMEM((_CR, _CC), jnp.float32),
        pltpu.VMEM((_CR, _CC), jnp.float32),
        pltpu.SemaphoreType.DMA,
        pltpu.SemaphoreType.DMA,
        pltpu.SemaphoreType.DMA,
        pltpu.SemaphoreType.DMA,
    ],
)
def _spline_sc(z_hbm, theta_hbm, out_hbm,
               theta_v, y_v, dy_v, ib0, ib1, ob0, ob1, si0, si1, so0, so1):
    wid = lax.axis_index("s") * _NC + lax.axis_index("c")
    row0 = wid * _RPW

    pltpu.sync_copy(theta_hbm, theta_v)
    _build_tables(theta_v, y_v, dy_v)

    def in_slice(g, b):
        return z_hbm.at[pl.ds(row0 + g * _CR, _CR), pl.ds(b * _CC, _CC)]

    def out_slice(g, b):
        return out_hbm.at[pl.ds(row0 + g * _CR, _CR), pl.ds(b * _CC, _CC)]

    pltpu.async_copy(in_slice(0, 0), ib0, si0)
    pltpu.async_copy(in_slice(0, 1), ib1, si1)

    def group(g, carry):
        pairs = ((ib0, ob0, si0, so0), (ib1, ob1, si1, so1))
        for b, (inb, outb, si, so) in enumerate(pairs):
            pltpu.make_async_copy(in_slice(g, b), inb, si).wait()

            @pl.when(g > 0)
            def _():
                pltpu.make_async_copy(outb, out_slice(g, b), so).wait()

            _interp_block(inb, outb, y_v, dy_v)
            pltpu.async_copy(outb, out_slice(g, b), so)

            @pl.when(g + 1 < _NG)
            def _():
                pltpu.async_copy(in_slice(g + 1, b), inb, si)
        return carry

    lax.fori_loop(0, _NG, group, None)
    pltpu.make_async_copy(ob0, out_slice(_NG - 1, 0), so0).wait()
    pltpu.make_async_copy(ob1, out_slice(_NG - 1, 1), so1).wait()


def kernel(z, theta):
    return _spline_sc(z, theta)

# --- scband reference (transcript-rebuilt; emitter-appended) ---
"""Pipeline reference for scband-spline-52493090291804 (READ-ONLY COPY).

The authoritative reference and input builder live on the scoring server;
editing this copy changes nothing except your own understanding.
"""

import jax, jax.numpy as jnp
import numpy as np

NB_KNOTS = 128
X_MIN = -3.0
X_MAX = 3.0
EPS = 1e-06


def y2theta(y):
    return jnp.concatenate([y[:1], jnp.log(y[1:] - y[:-1] - EPS)], axis=0)


def theta2y(theta):
    return jnp.cumsum(jnp.concatenate([theta[:1], jnp.exp(theta[1:]) + EPS], axis=0), axis=0)


def setup_inputs(seed: int = 0) -> dict:
    key = jax.random.key(seed)
    k1, _ = jax.random.split(key)
    z = jax.random.normal(k1, (2048, 4096), dtype=jnp.float32)
    # learnable parameter theta, initialized exactly like the torch module:
    # y2theta(linspace(x_min, x_max, nb_knots))
    theta = y2theta(jnp.linspace(X_MIN, X_MAX, NB_KNOTS, dtype=jnp.float32))
    return {"z": z, "theta": theta}


def reference(z, theta):
    # forward (inverse=False) path of Spline
    z_shape = z.shape
    zf = z.reshape(-1)
    y = theta2y(theta)
    z_norm = (NB_KNOTS - 1) * (zf - X_MIN) / (X_MAX - X_MIN)
    i = jnp.clip(jnp.floor(jax.lax.stop_gradient(z_norm)), 0, NB_KNOTS - 2).astype(jnp.int32)
    y_left = jnp.take(y, i, axis=0)
    y_right = jnp.take(y, i + 1, axis=0)
    t = z_norm - i.astype(z_norm.dtype)
    out = y_left * (1.0 - t) + y_right * t
    return out.reshape(z_shape)

if __name__ == "__main__":
    import jax
    _d = setup_inputs()
    print(jax.jit(kernel)(*tuple(_d.values())))

</pallas_src>

<mosaic_0001>
#map = affine_map<(d0, d1) -> (0, 0)>
#map1 = affine_map<(d0, d1) -> (0)>
module attributes {stable_mosaic.version = 14 : i64} {
  func.func @_spline_sc(%arg0: i32, %arg1: i32, %arg2: memref<2048x4096xf32, #tpu.memory_space<hbm>>, %arg3: memref<128xf32, #tpu.memory_space<hbm>>, %arg4: memref<2048x4096xf32, #tpu.memory_space<hbm>>, %arg5: memref<128xf32, #tpu.memory_space<vmem>>, %arg6: memref<128xf32, #tpu.memory_space<vmem>>, %arg7: memref<128xf32, #tpu.memory_space<vmem>>, %arg8: memref<8x2048xf32, #tpu.memory_space<vmem>>, %arg9: memref<8x2048xf32, #tpu.memory_space<vmem>>, %arg10: memref<8x2048xf32, #tpu.memory_space<vmem>>, %arg11: memref<8x2048xf32, #tpu.memory_space<vmem>>, %arg12: memref<!tpu.dma_semaphore, #tpu.memory_space<semaphore_mem>>, %arg13: memref<!tpu.dma_semaphore, #tpu.memory_space<semaphore_mem>>, %arg14: memref<!tpu.dma_semaphore, #tpu.memory_space<semaphore_mem>>, %arg15: memref<!tpu.dma_semaphore, #tpu.memory_space<semaphore_mem>>) attributes {dimension_semantics = [#tpu.dimension_semantics<core_parallel>, #tpu.dimension_semantics<subcore_parallel>], iteration_bounds = array<i64: 2, 16>, scalar_prefetch = 0 : i64, scratch_operands = 11 : i64, tpu.core_type = #tpu.core_type<sc_vector_subcore>, window_params = [{transform_indices = #map}, {transform_indices = #map1}, {transform_indices = #map}]} {
    %mul3A = arith.constant 2 : i32
    %mul3A_0 = arith.muli %arg1, %mul3A : i32
    %add3A = arith.addi %mul3A_0, %arg0 : i32
    %mul3A_1 = arith.constant 64 : i32
    %mul3A_2 = arith.muli %add3A, %mul3A_1 : i32
    "tpu.region"() ({
      %run_scoped3A = tpu.sem_alloc : memref<!tpu.dma_semaphore, #tpu.memory_space<semaphore_mem>>
      tpu.enqueue_dma source(%arg3 : memref<128xf32, #tpu.memory_space<hbm>>) target(%arg5 : memref<128xf32, #tpu.memory_space<vmem>>) target_semaphore(%run_scoped3A : memref<!tpu.dma_semaphore, #tpu.memory_space<semaphore_mem>>)
      tpu.wait_dma2 semaphore(%run_scoped3A : memref<!tpu.dma_semaphore, #tpu.memory_space<semaphore_mem>>) src(%arg3 : memref<128xf32, #tpu.memory_space<hbm>>) dst(%arg5 : memref<128xf32, #tpu.memory_space<vmem>>)
      tpu.yield
    }) : () -> ()
    %iota3A = tpu.iota {dimensions = array<i32: 0>} : vector<16xi32>
    %broadcast_in_dim3A = arith.constant 0.000000e+00 : f32
    %broadcast_in_dim3A_3 = vector.broadcast %broadcast_in_dim3A : f32 to vector<16xf32>
    %get3A = arith.constant 0 : index
    %get3A_4 = tpu.vector_load %arg5[%get3A] {strides = array<i32>} : memref<128xf32, #tpu.memory_space<vmem>>, vector<16xf32>,
    %exp3A = math.exp %get3A_4 : vector<16xf32>
    %add3A_5 = arith.constant 9.99999997E-7 : f32
    %add3A_6 = vector.broadcast %add3A_5 : f32 to vector<16xf32>
    %add3A_7 = arith.addf %exp3A, %add3A_6 : vector<16xf32>
    %eq3A = arith.constant 0 : i32
    %eq3A_8 = vector.broadcast %eq3A : i32 to vector<16xi32>
    %eq3A_9 = arith.cmpi eq, %iota3A, %eq3A_8 : vector<16xi32>
    %select_n3A = arith.select %eq3A_9, %get3A_4, %add3A_7 : vector<16xi1>, vector<16xf32>
    %swap3A = arith.constant 0 : index
    %swap3A_10 = tpu.vector_load %arg6[%swap3A] {strides = array<i32>} : memref<128xf32, #tpu.memory_space<vmem>>, vector<16xf32>,
    tpu.vector_store %arg6[%swap3A], %select_n3A {strides = array<i32>} : memref<128xf32, #tpu.memory_space<vmem>>, vector<16xf32>,
    %sub3A = arith.constant 1 : i32
    %sub3A_11 = vector.broadcast %sub3A : i32 to vector<16xi32>
    %sub3A_12 = arith.subi %iota3A, %sub3A_11 : vector<16xi32>
    %max3A = arith.constant 0 : i32
    %max3A_13 = vector.broadcast %max3A : i32 to vector<16xi32>
    %max3A_14 = arith.maxsi %sub3A_12, %max3A_13 : vector<16xi32>
    %add3A_15 = arith.constant 0 : i32
    %add3A_16 = vector.broadcast %add3A_15 : i32 to vector<16xi32>
    %add3A_17 = arith.addi %max3A_14, %add3A_16 : vector<16xi32>
    %gather3A = tpu.vector_load_idx %arg6[%add3A_17] : memref<128xf32, #tpu.memory_space<vmem>>[vector<16xi32>], vector<16xf32>,
    %ge3A = arith.constant 1 : i32
    %ge3A_18 = vector.broadcast %ge3A : i32 to vector<16xi32>
    %ge3A_19 = arith.cmpi sge, %iota3A, %ge3A_18 : vector<16xi32>
    %select_n3A_20 = arith.select %ge3A_19, %gather3A, %broadcast_in_dim3A_3 : vector<16xi1>, vector<16xf32>
    %add3A_21 = arith.addf %select_n3A, %select_n3A_20 : vector<16xf32>
    %swap3A_22 = arith.constant 0 : index
    %swap3A_23 = tpu.vector_load %arg6[%swap3A_22] {strides = array<i32>} : memref<128xf32, #tpu.memory_space<vmem>>, vector<16xf32>,
    tpu.vector_store %arg6[%swap3A_22], %add3A_21 {strides = array<i32>} : memref<128xf32, #tpu.memory_space<vmem>>, vector<16xf32>,
    %sub3A_24 = arith.constant 2 : i32
    %sub3A_25 = vector.broadcast %sub3A_24 : i32 to vector<16xi32>
    %sub3A_26 = arith.subi %iota3A, %sub3A_25 : vector<16xi32>
    %max3A_27 = arith.constant 0 : i32
    %max3A_28 = vector.broadcast %max3A_27 : i32 to vector<16xi32>
    %max3A_29 = arith.maxsi %sub3A_26, %max3A_28 : vector<16xi32>
    %add3A_30 = arith.constant 0 : i32
    %add3A_31 = vector.broadcast %add3A_30 : i32 to vector<16xi32>
    %add3A_32 = arith.addi %max3A_29, %add3A_31 : vector<16xi32>
    %gather3A_33 = tpu.vector_load_idx %arg6[%add3A_32] : memref<128xf32, #tpu.memory_space<vmem>>[vector<16xi32>], vector<16xf32>,
    %ge3A_34 = arith.constant 2 : i32
    %ge3A_35 = vector.broadcast %ge3A_34 : i32 to vector<16xi32>
    %ge3A_36 = arith.cmpi sge, %iota3A, %ge3A_35 : vector<16xi32>
    %select_n3A_37 = arith.select %ge3A_36, %gather3A_33, %broadcast_in_dim3A_3 : vector<16xi1>, vector<16xf32>
    %add3A_38 = arith.addf %add3A_21, %select_n3A_37 : vector<16xf32>
    %swap3A_39 = arith.constant 0 : index
    %swap3A_40 = tpu.vector_load %arg6[%swap3A_39] {strides = array<i32>} : memref<128xf32, #tpu.memory_space<vmem>>, vector<16xf32>,
    tpu.vector_store %arg6[%swap3A_39], %add3A_38 {strides = array<i32>} : memref<128xf32, #tpu.memory_space<vmem>>, vector<16xf32>,
    %sub3A_41 = arith.constant 4 : i32
    %sub3A_42 = vector.broadcast %sub3A_41 : i32 to vector<16xi32>
    %sub3A_43 = arith.subi %iota3A, %sub3A_42 : vector<16xi32>
    %max3A_44 = arith.constant 0 : i32
    %max3A_45 = vector.broadcast %max3A_44 : i32 to vector<16xi32>
    %max3A_46 = arith.maxsi %sub3A_43, %max3A_45 : vector<16xi32>
    %add3A_47 = arith.constant 0 : i32
    %add3A_48 = vector.broadcast %add3A_47 : i32 to vector<16xi32>
    %add3A_49 = arith.addi %max3A_46, %add3A_48 : vector<16xi32>
    %gather3A_50 = tpu.vector_load_idx %arg6[%add3A_49] : memref<128xf32, #tpu.memory_space<vmem>>[vector<16xi32>], vector<16xf32>,
    %ge3A_51 = arith.constant 4 : i32
    %ge3A_52 = vector.broadcast %ge3A_51 : i32 to vector<16xi32>
    %ge3A_53 = arith.cmpi sge, %iota3A, %ge3A_52 : vector<16xi32>
    %select_n3A_54 = arith.select %ge3A_53, %gather3A_50, %broadcast_in_dim3A_3 : vector<16xi1>, vector<16xf32>
    %add3A_55 = arith.addf %add3A_38, %select_n3A_54 : vector<16xf32>
    %swap3A_56 = arith.constant 0 : index
    %swap3A_57 = tpu.vector_load %arg6[%swap3A_56] {strides = array<i32>} : memref<128xf32, #tpu.memory_space<vmem>>, vector<16xf32>,
    tpu.vector_store %arg6[%swap3A_56], %add3A_55 {strides = array<i32>} : memref<128xf32, #tpu.memory_space<vmem>>, vector<16xf32>,
    %sub3A_58 = arith.constant 8 : i32
    %sub3A_59 = vector.broadcast %sub3A_58 : i32 to vector<16xi32>
    %sub3A_60 = arith.subi %iota3A, %sub3A_59 : vector<16xi32>
    %max3A_61 = arith.constant 0 : i32
    %max3A_62 = vector.broadcast %max3A_61 : i32 to vector<16xi32>
    %max3A_63 = arith.maxsi %sub3A_60, %max3A_62 : vector<16xi32>
    %add3A_64 = arith.constant 0 : i32
    %add3A_65 = vector.broadcast %add3A_64 : i32 to vector<16xi32>
    %add3A_66 = arith.addi %max3A_63, %add3A_65 : vector<16xi32>
    %gather3A_67 = tpu.vector_load_idx %arg6[%add3A_66] : memref<128xf32, #tpu.memory_space<vmem>>[vector<16xi32>], vector<16xf32>,
    %ge3A_68 = arith.constant 8 : i32
    %ge3A_69 = vector.broadcast %ge3A_68 : i32 to vector<16xi32>
    %ge3A_70 = arith.cmpi sge, %iota3A, %ge3A_69 : vector<16xi32>
    %select_n3A_71 = arith.select %ge3A_70, %gather3A_67, %broadcast_in_dim3A_3 : vector<16xi1>, vector<16xf32>
    %add3A_72 = arith.addf %add3A_55, %select_n3A_71 : vector<16xf32>
    %add3A_73 = arith.addf %add3A_72, %broadcast_in_dim3A_3 : vector<16xf32>
    %swap3A_74 = arith.constant 0 : index
    %swap3A_75 = tpu.vector_load %arg6[%swap3A_74] {strides = array<i32>} : memref<128xf32, #tpu.memory_space<vmem>>, vector<16xf32>,
    tpu.vector_store %arg6[%swap3A_74], %add3A_73 {strides = array<i32>} : memref<128xf32, #tpu.memory_space<vmem>>, vector<16xf32>,
    %broadcast_in_dim3A_76 = arith.constant 15 : i32
    %broadcast_in_dim3A_77 = vector.broadcast %broadcast_in_dim3A_76 : i32 to vector<16xi32>
    %gather3A_78 = tpu.vector_load_idx %arg6[%broadcast_in_dim3A_77] : memref<128xf32, #tpu.memory_space<vmem>>[vector<16xi32>], vector<16xf32>,
    %get3A_79 = arith.constant 16 : index
    %get3A_80 = tpu.vector_load %arg5[%get3A_79] {strides = array<i32>} : memref<128xf32, #tpu.memory_space<vmem>>, vector<16xf32>,
    %exp3A_81 = math.exp %get3A_80 : vector<16xf32>
    %add3A_82 = arith.constant 9.99999997E-7 : f32
    %add3A_83 = vector.broadcast %add3A_82 : f32 to vector<16xf32>
    %add3A_84 = arith.addf %exp3A_81, %add3A_83 : vector<16xf32>
    %swap3A_85 = arith.constant 16 : index
    %swap3A_86 = tpu.vector_load %arg6[%swap3A_85] {strides = array<i32>} : memref<128xf32, #tpu.memory_space<vmem>>, vector<16xf32>,
    tpu.vector_store %arg6[%swap3A_85], %add3A_84 {strides = array<i32>} : memref<128xf32, #tpu.memory_space<vmem>>, vector<16xf32>,
    %sub3A_87 = arith.constant 1 : i32
    %sub3A_88 = vector.broadcast %sub3A_87 : i32 to vector<16xi32>
    %sub3A_89 = arith.subi %iota3A, %sub3A_88 : vector<16xi32>
    %max3A_90 = arith.constant 0 : i32
    %max3A_91 = vector.broadcast %max3A_90 : i32 to vector<16xi32>
    %max3A_92 = arith.maxsi %sub3A_89, %max3A_91 : vector<16xi32>
    %add3A_93 = arith.constant 16 : i32
    %add3A_94 = vector.broadcast %add3A_93 : i32 to vector<16xi32>
    %add3A_95 = arith.addi %max3A_92, %add3A_94 : vector<16xi32>
    %gather3A_96 = tpu.vector_load_idx %arg6[%add3A_95] : memref<128xf32, #tpu.memory_space<vmem>>[vector<16xi32>], vector<16xf32>,
    %ge3A_97 = arith.constant 1 : i32
    %ge3A_98 = vector.broadcast %ge3A_97 : i32 to vector<16xi32>
    %ge3A_99 = arith.cmpi sge, %iota3A, %ge3A_98 : vector<16xi32>
    %select_n3A_100 = arith.select %ge3A_99, %gather3A_96, %broadcast_in_dim3A_3 : vector<16xi1>, vector<16xf32>
    %add3A_101 = arith.addf %add3A_84, %select_n3A_100 : vector<16xf32>
    %swap3A_102 = arith.constant 16 : index
    %swap3A_103 = tpu.vector_load %arg6[%swap3A_102] {strides = array<i32>} : memref<128xf32, #tpu.memory_space<vmem>>, vector<16xf32>,
    tpu.vector_store %arg6[%swap3A_102], %add3A_101 {strides = array<i32>} : memref<128xf32, #tpu.memory_space<vmem>>, vector<16xf32>,
    %sub3A_104 = arith.constant 2 : i32
    %sub3A_105 = vector.broadcast %sub3A_104 : i32 to vector<16xi32>
    %sub3A_106 = arith.subi %iota3A, %sub3A_105 : vector<16xi32>
    %max3A_107 = arith.constant 0 : i32
    %max3A_108 = vector.broadcast %max3A_107 : i32 to vector<16xi32>
    %max3A_109 = arith.maxsi %sub3A_106, %max3A_108 : vector<16xi32>
    %add3A_110 = arith.constant 16 : i32
    %add3A_111 = vector.broadcast %add3A_110 : i32 to vector<16xi32>
    %add3A_112 = arith.addi %max3A_109, %add3A_111 : vector<16xi32>
    %gather3A_113 = tpu.vector_load_idx %arg6[%add3A_112] : memref<128xf32, #tpu.memory_space<vmem>>[vector<16xi32>], vector<16xf32>,
    %ge3A_114 = arith.constant 2 : i32
    %ge3A_115 = vector.broadcast %ge3A_114 : i32 to vector<16xi32>
    %ge3A_116 = arith.cmpi sge, %iota3A, %ge3A_115 : vector<16xi32>
    %select_n3A_117 = arith.select %ge3A_116, %gather3A_113, %broadcast_in_dim3A_3 : vector<16xi1>, vector<16xf32>
    %add3A_118 = arith.addf %add3A_101, %select_n3A_117 : vector<16xf32>
    %swap3A_119 = arith.constant 16 : index
    %swap3A_120 = tpu.vector_load %arg6[%swap3A_119] {strides = array<i32>} : memref<128xf32, #tpu.memory_space<vmem>>, vector<16xf32>,
    tpu.vector_store %arg6[%swap3A_119], %add3A_118 {strides = array<i32>} : memref<128xf32, #tpu.memory_space<vmem>>, vector<16xf32>,
    %sub3A_121 = arith.constant 4 : i32
    %sub3A_122 = vector.broadcast %sub3A_121 : i32 to vector<16xi32>
    %sub3A_123 = arith.subi %iota3A, %sub3A_122 : vector<16xi32>
    %max3A_124 = arith.constant 0 : i32
    %max3A_125 = vector.broadcast %max3A_124 : i32 to vector<16xi32>
    %max3A_126 = arith.maxsi %sub3A_123, %max3A_125 : vector<16xi32>
    %add3A_127 = arith.constant 16 : i32
    %add3A_128 = vector.broadcast %add3A_127 : i32 to vector<16xi32>
    %add3A_129 = arith.addi %max3A_126, %add3A_128 : vector<16xi32>
    %gather3A_130 = tpu.vector_load_idx %arg6[%add3A_129] : memref<128xf32, #tpu.memory_space<vmem>>[vector<16xi32>], vector<16xf32>,
    %ge3A_131 = arith.constant 4 : i32
    %ge3A_132 = vector.broadcast %ge3A_131 : i32 to vector<16xi32>
    %ge3A_133 = arith.cmpi sge, %iota3A, %ge3A_132 : vector<16xi32>
    %select_n3A_134 = arith.select %ge3A_133, %gather3A_130, %broadcast_in_dim3A_3 : vector<16xi1>, vector<16xf32>
    %add3A_135 = arith.addf %add3A_118, %select_n3A_134 : vector<16xf32>
    %swap3A_136 = arith.constant 16 : index
    %swap3A_137 = tpu.vector_load %arg6[%swap3A_136] {strides = array<i32>} : memref<128xf32, #tpu.memory_space<vmem>>, vector<16xf32>,
    tpu.vector_store %arg6[%swap3A_136], %add3A_135 {strides = array<i32>} : memref<128xf32, #tpu.memory_space<vmem>>, vector<16xf32>,
    %sub3A_138 = arith.constant 8 : i32
    %sub3A_139 = vector.broadcast %sub3A_138 : i32 to vector<16xi32>
    %sub3A_140 = arith.subi %iota3A, %sub3A_139 : vector<16xi32>
    %max3A_141 = arith.constant 0 : i32
    %max3A_142 = vector.broadcast %max3A_141 : i32 to vector<16xi32>
    %max3A_143 = arith.maxsi %sub3A_140, %max3A_142 : vector<16xi32>
    %add3A_144 = arith.constant 16 : i32
    %add3A_145 = vector.broadcast %add3A_144 : i32 to vector<16xi32>
    %add3A_146 = arith.addi %max3A_143, %add3A_145 : vector<16xi32>
    %gather3A_147 = tpu.vector_load_idx %arg6[%add3A_146] : memref<128xf32, #tpu.memory_space<vmem>>[vector<16xi32>], vector<16xf32>,
    %ge3A_148 = arith.constant 8 : i32
    %ge3A_149 = vector.broadcast %ge3A_148 : i32 to vector<16xi32>
    %ge3A_150 = arith.cmpi sge, %iota3A, %ge3A_149 : vector<16xi32>
    %select_n3A_151 = arith.select %ge3A_150, %gather3A_147, %broadcast_in_dim3A_3 : vector<16xi1>, vector<16xf32>
    %add3A_152 = arith.addf %add3A_135, %select_n3A_151 : vector<16xf32>
    %add3A_153 = arith.addf %add3A_152, %gather3A_78 : vector<16xf32>
    %swap3A_154 = arith.constant 16 : index
    %swap3A_155 = tpu.vector_load %arg6[%swap3A_154] {strides = array<i32>} : memref<128xf32, #tpu.memory_space<vmem>>, vector<16xf32>,
    tpu.vector_store %arg6[%swap3A_154], %add3A_153 {strides = array<i32>} : memref<128xf32, #tpu.memory_space<vmem>>, vector<16xf32>,
    %broadcast_in_dim3A_156 = arith.constant 31 : i32
    %broadcast_in_dim3A_157 = vector.broadcast %broadcast_in_dim3A_156 : i32 to vector<16xi32>
    %gather3A_158 = tpu.vector_load_idx %arg6[%broadcast_in_dim3A_157] : memref<128xf32, #tpu.memory_space<vmem>>[vector<16xi32>], vector<16xf32>,
    %get3A_159 = arith.constant 32 : index
    %get3A_160 = tpu.vector_load %arg5[%get3A_159] {strides = array<i32>} : memref<128xf32, #tpu.memory_space<vmem>>, vector<16xf32>,
    %exp3A_161 = math.exp %get3A_160 : vector<16xf32>
    %add3A_162 = arith.constant 9.99999997E-7 : f32
    %add3A_163 = vector.broadcast %add3A_162 : f32 to vector<16xf32>
    %add3A_164 = arith.addf %exp3A_161, %add3A_163 : vector<16xf32>
    %swap3A_165 = arith.constant 32 : index
    %swap3A_166 = tpu.vector_load %arg6[%swap3A_165] {strides = array<i32>} : memref<128xf32, #tpu.memory_space<vmem>>, vector<16xf32>,
    tpu.vector_store %arg6[%swap3A_165], %add3A_164 {strides = array<i32>} : memref<128xf32, #tpu.memory_space<vmem>>, vector<16xf32>,
    %sub3A_167 = arith.constant 1 : i32
    %sub3A_168 = vector.broadcast %sub3A_167 : i32 to vector<16xi32>
    %sub3A_169 = arith.subi %iota3A, %sub3A_168 : vector<16xi32>
    %max3A_170 = arith.constant 0 : i32
    %max3A_171 = vector.broadcast %max3A_170 : i32 to vector<16xi32>
    %max3A_172 = arith.maxsi %sub3A_169, %max3A_171 : vector<16xi32>
    %add3A_173 = arith.constant 32 : i32
    %add3A_174 = vector.broadcast %add3A_173 : i32 to vector<16xi32>
    %add3A_175 = arith.addi %max3A_172, %add3A_174 : vector<16xi32>
    %gather3A_176 = tpu.vector_load_idx %arg6[%add3A_175] : memref<128xf32, #tpu.memory_space<vmem>>[vector<16xi32>], vector<16xf32>,
    %ge3A_177 = arith.constant 1 : i32
    %ge3A_178 = vector.broadcast %ge3A_177 : i32 to vector<16xi32>
    %ge3A_179 = arith.cmpi sge, %iota3A, %ge3A_178 : vector<16xi32>
    %select_n3A_180 = arith.select %ge3A_179, %gather3A_176, %broadcast_in_dim3A_3 : vector<16xi1>, vector<16xf32>
    %add3A_181 = arith.addf %add3A_164, %select_n3A_180 : vector<16xf32>
    %swap3A_182 = arith.constant 32 : index
    %swap3A_183 = tpu.vector_load %arg6[%swap3A_182] {strides = array<i32>} : memref<128xf32, #tpu.memory_space<vmem>>, vector<16xf32>,
    tpu.vector_store %arg6[%swap3A_182], %add3A_181 {strides = array<i32>} : memref<128xf32, #tpu.memory_space<vmem>>, vector<16xf32>,
    %sub3A_184 = arith.constant 2 : i32
    %sub3A_185 = vector.broadcast %sub3A_184 : i32 to vector<16xi32>
    %sub3A_186 = arith.subi %iota3A, %sub3A_185 : vector<16xi32>
    %max3A_187 = arith.constant 0 : i32
    %max3A_188 = vector.broadcast %max3A_187 : i32 to vector<16xi32>
    %max3A_189 = arith.maxsi %sub3A_186, %max3A_188 : vector<16xi32>
    %add3A_190 = arith.constant 32 : i32
    %add3A_191 = vector.broadcast %add3A_190 : i32 to vector<16xi32>
    %add3A_192 = arith.addi %max3A_189, %add3A_191 : vector<16xi32>
    %gather3A_193 = tpu.vector_load_idx %arg6[%add3A_192] : memref<128xf32, #tpu.memory_space<vmem>>[vector<16xi32>], vector<16xf32>,
    %ge3A_194 = arith.constant 2 : i32
    %ge3A_195 = vector.broadcast %ge3A_194 : i32 to vector<16xi32>
    %ge3A_196 = arith.cmpi sge, %iota3A, %ge3A_195 : vector<16xi32>
    %select_n3A_197 = arith.select %ge3A_196, %gather3A_193, %broadcast_in_dim3A_3 : vector<16xi1>, vector<16xf32>
    %add3A_198 = arith.addf %add3A_181, %select_n3A_197 : vector<16xf32>
    %swap3A_199 = arith.constant 32 : index
    %swap3A_200 = tpu.vector_load %arg6[%swap3A_199] {strides = array<i32>} : memref<128xf32, #tpu.memory_space<vmem>>, vector<16xf32>,
    tpu.vector_store %arg6[%swap3A_199], %add3A_198 {strides = array<i32>} : memref<128xf32, #tpu.memory_space<vmem>>, vector<16xf32>,
    %sub3A_201 = arith.constant 4 : i32
    %sub3A_202 = vector.broadcast %sub3A_201 : i32 to vector<16xi32>
    %sub3A_203 = arith.subi %iota3A, %sub3A_202 : vector<16xi32>
    %max3A_204 = arith.constant 0 : i32
    %max3A_205 = vector.broadcast %max3A_204 : i32 to vector<16xi32>
    %max3A_206 = arith.maxsi %sub3A_203, %max3A_205 : vector<16xi32>
    %add3A_207 = arith.constant 32 : i32
    %add3A_208 = vector.broadcast %add3A_207 : i32 to vector<16xi32>
    %add3A_209 = arith.addi %max3A_206, %add3A_208 : vector<16xi32>
    %gather3A_210 = tpu.vector_load_idx %arg6[%add3A_209] : memref<128xf32, #tpu.memory_space<vmem>>[vector<16xi32>], vector<16xf32>,
    %ge3A_211 = arith.constant 4 : i32
    %ge3A_212 = vector.broadcast %ge3A_211 : i32 to vector<16xi32>
    %ge3A_213 = arith.cmpi sge, %iota3A, %ge3A_212 : vector<16xi32>
    %select_n3A_214 = arith.select %ge3A_213, %gather3A_210, %broadcast_in_dim3A_3 : vector<16xi1>, vector<16xf32>
    %add3A_215 = arith.addf %add3A_198, %select_n3A_214 : vector<16xf32>
    %swap3A_216 = arith.constant 32 : index
    %swap3A_217 = tpu.vector_load %arg6[%swap3A_216] {strides = array<i32>} : memref<128xf32, #tpu.memory_space<vmem>>, vector<16xf32>,
    tpu.vector_store %arg6[%swap3A_216], %add3A_215 {strides = array<i32>} : memref<128xf32, #tpu.memory_space<vmem>>, vector<16xf32>,
    %sub3A_218 = arith.constant 8 : i32
    %sub3A_219 = vector.broadcast %sub3A_218 : i32 to vector<16xi32>
    %sub3A_220 = arith.subi %iota3A, %sub3A_219 : vector<16xi32>
    %max3A_221 = arith.constant 0 : i32
    %max3A_222 = vector.broadcast %max3A_221 : i32 to vector<16xi32>
    %max3A_223 = arith.maxsi %sub3A_220, %max3A_222 : vector<16xi32>
    %add3A_224 = arith.constant 32 : i32
    %add3A_225 = vector.broadcast %add3A_224 : i32 to vector<16xi32>
    %add3A_226 = arith.addi %max3A_223, %add3A_225 : vector<16xi32>
    %gather3A_227 = tpu.vector_load_idx %arg6[%add3A_226] : memref<128xf32, #tpu.memory_space<vmem>>[vector<16xi32>], vector<16xf32>,
    %ge3A_228 = arith.constant 8 : i32
    %ge3A_229 = vector.broadcast %ge3A_228 : i32 to vector<16xi32>
    %ge3A_230 = arith.cmpi sge, %iota3A, %ge3A_229 : vector<16xi32>
    %select_n3A_231 = arith.select %ge3A_230, %gather3A_227, %broadcast_in_dim3A_3 : vector<16xi1>, vector<16xf32>
    %add3A_232 = arith.addf %add3A_215, %select_n3A_231 : vector<16xf32>
    %add3A_233 = arith.addf %add3A_232, %gather3A_158 : vector<16xf32>
    %swap3A_234 = arith.constant 32 : index
    %swap3A_235 = tpu.vector_load %arg6[%swap3A_234] {strides = array<i32>} : memref<128xf32, #tpu.memory_space<vmem>>, vector<16xf32>,
    tpu.vector_store %arg6[%swap3A_234], %add3A_233 {strides = array<i32>} : memref<128xf32, #tpu.memory_space<vmem>>, vector<16xf32>,
    %broadcast_in_dim3A_236 = arith.constant 47 : i32
    %broadcast_in_dim3A_237 = vector.broadcast %broadcast_in_dim3A_236 : i32 to vector<16xi32>
    %gather3A_238 = tpu.vector_load_idx %arg6[%broadcast_in_dim3A_237] : memref<128xf32, #tpu.memory_space<vmem>>[vector<16xi32>], vector<16xf32>,
    %get3A_239 = arith.constant 48 : index
    %get3A_240 = tpu.vector_load %arg5[%get3A_239] {strides = array<i32>} : memref<128xf32, #tpu.memory_space<vmem>>, vector<16xf32>,
    %exp3A_241 = math.exp %get3A_240 : vector<16xf32>
    %add3A_242 = arith.constant 9.99999997E-7 : f32
    %add3A_243 = vector.broadcast %add3A_242 : f32 to vector<16xf32>
    %add3A_244 = arith.addf %exp3A_241, %add3A_243 : vector<16xf32>
    %swap3A_245 = arith.constant 48 : index
    %swap3A_246 = tpu.vector_load %arg6[%swap3A_245] {strides = array<i32>} : memref<128xf32, #tpu.memory_space<vmem>>, vector<16xf32>,
    tpu.vector_store %arg6[%swap3A_245], %add3A_244 {strides = array<i32>} : memref<128xf32, #tpu.memory_space<vmem>>, vector<16xf32>,
    %sub3A_247 = arith.constant 1 : i32
    %sub3A_248 = vector.broadcast %sub3A_247 : i32 to vector<16xi32>
    %sub3A_249 = arith.subi %iota3A, %sub3A_248 : vector<16xi32>
    %max3A_250 = arith.constant 0 : i32
    %max3A_251 = vector.broadcast %max3A_250 : i32 to vector<16xi32>
    %max3A_252 = arith.maxsi %sub3A_249, %max3A_251 : vector<16xi32>
    %add3A_253 = arith.constant 48 : i32
    %add3A_254 = vector.broadcast %add3A_253 : i32 to vector<16xi32>
    %add3A_255 = arith.addi %max3A_252, %add3A_254 : vector<16xi32>
    %gather3A_256 = tpu.vector_load_idx %arg6[%add3A_255] : memref<128xf32, #tpu.memory_space<vmem>>[vector<16xi32>], vector<16xf32>,
    %ge3A_257 = arith.constant 1 : i32
    %ge3A_258 = vector.broadcast %ge3A_257 : i32 to vector<16xi32>
    %ge3A_259 = arith.cmpi sge, %iota3A, %ge3A_258 : vector<16xi32>
    %select_n3A_260 = arith.select %ge3A_259, %gather3A_256, %broadcast_in_dim3A_3 : vector<16xi1>, vector<16xf32>
    %add3A_261 = arith.addf %add3A_244, %select_n3A_260 : vector<16xf32>
    %swap3A_262 = arith.constant 48 : index
    %swap3A_263 = tpu.vector_load %arg6[%swap3A_262] {strides = array<i32>} : memref<128xf32, #tpu.memory_space<vmem>>, vector<16xf32>,
    tpu.vector_store %arg6[%swap3A_262], %add3A_261 {strides = array<i32>} : memref<128xf32, #tpu.memory_space<vmem>>, vector<16xf32>,
    %sub3A_264 = arith.constant 2 : i32
    %sub3A_265 = vector.broadcast %sub3A_264 : i32 to vector<16xi32>
    %sub3A_266 = arith.subi %iota3A, %sub3A_265 : vector<16xi32>
    %max3A_267 = arith.constant 0 : i32
    %max3A_268 = vector.broadcast %max3A_267 : i32 to vector<16xi32>
    %max3A_269 = arith.maxsi %sub3A_266, %max3A_268 : vector<16xi32>
    %add3A_270 = arith.constant 48 : i32
    %add3A_271 = vector.broadcast %add3A_270 : i32 to vector<16xi32>
    %add3A_272 = arith.addi %max3A_269, %add3A_271 : vector<16xi32>
    %gather3A_273 = tpu.vector_load_idx %arg6[%add3A_272] : memref<128xf32, #tpu.memory_space<vmem>>[vector<16xi32>], vector<16xf32>,
    %ge3A_274 = arith.constant 2 : i32
    %ge3A_275 = vector.broadcast %ge3A_274 : i32 to vector<16xi32>
    %ge3A_276 = arith.cmpi sge, %iota3A, %ge3A_275 : vector<16xi32>
    %select_n3A_277 = arith.select %ge3A_276, %gather3A_273, %broadcast_in_dim3A_3 : vector<16xi1>, vector<16xf32>
    %add3A_278 = arith.addf %add3A_261, %select_n3A_277 : vector<16xf32>
    %swap3A_279 = arith.constant 48 : index
    %swap3A_280 = tpu.vector_load %arg6[%swap3A_279] {strides = array<i32>} : memref<128xf32, #tpu.memory_space<vmem>>, vector<16xf32>,
    tpu.vector_store %arg6[%swap3A_279], %add3A_278 {strides = array<i32>} : memref<128xf32, #tpu.memory_space<vmem>>, vector<16xf32>,
    %sub3A_281 = arith.constant 4 : i32
    %sub3A_282 = vector.broadcast %sub3A_281 : i32 to vector<16xi32>
    %sub3A_283 = arith.subi %iota3A, %sub3A_282 : vector<16xi32>
    %max3A_284 = arith.constant 0 : i32
    %max3A_285 = vector.broadcast %max3A_284 : i32 to vector<16xi32>
    %max3A_286 = arith.maxsi %sub3A_283, %max3A_285 : vector<16xi32>
    %add3A_287 = arith.constant 48 : i32
    %add3A_288 = vector.broadcast %add3A_287 : i32 to vector<16xi32>
    %add3A_289 = arith.addi %max3A_286, %add3A_288 : vector<16xi32>
    %gather3A_290 = tpu.vector_load_idx %arg6[%add3A_289] : memref<128xf32, #tpu.memory_space<vmem>>[vector<16xi32>], vector<16xf32>,
    %ge3A_291 = arith.constant 4 : i32
    %ge3A_292 = vector.broadcast %ge3A_291 : i32 to vector<16xi32>
    %ge3A_293 = arith.cmpi sge, %iota3A, %ge3A_292 : vector<16xi32>
    %select_n3A_294 = arith.select %ge3A_293, %gather3A_290, %broadcast_in_dim3A_3 : vector<16xi1>, vector<16xf32>
    %add3A_295 = arith.addf %add3A_278, %select_n3A_294 : vector<16xf32>
    %swap3A_296 = arith.constant 48 : index
    %swap3A_297 = tpu.vector_load %arg6[%swap3A_296] {strides = array<i32>} : memref<128xf32, #tpu.memory_space<vmem>>, vector<16xf32>,
    tpu.vector_store %arg6[%swap3A_296], %add3A_295 {strides = array<i32>} : memref<128xf32, #tpu.memory_space<vmem>>, vector<16xf32>,
    %sub3A_298 = arith.constant 8 : i32
    %sub3A_299 = vector.broadcast %sub3A_298 : i32 to vector<16xi32>
    %sub3A_300 = arith.subi %iota3A, %sub3A_299 : vector<16xi32>
    %max3A_301 = arith.constant 0 : i32
    %max3A_302 = vector.broadcast %max3A_301 : i32 to vector<16xi32>
    %max3A_303 = arith.maxsi %sub3A_300, %max3A_302 : vector<16xi32>
    %add3A_304 = arith.constant 48 : i32
    %add3A_305 = vector.broadcast %add3A_304 : i32 to vector<16xi32>
    %add3A_306 = arith.addi %max3A_303, %add3A_305 : vector<16xi32>
    %gather3A_307 = tpu.vector_load_idx %arg6[%add3A_306] : memref<128xf32, #tpu.memory_space<vmem>>[vector<16xi32>], vector<16xf32>,
    %ge3A_308 = arith.constant 8 : i32
    %ge3A_309 = vector.broadcast %ge3A_308 : i32 to vector<16xi32>
    %ge3A_310 = arith.cmpi sge, %iota3A, %ge3A_309 : vector<16xi32>
    %select_n3A_311 = arith.select %ge3A_310, %gather3A_307, %broadcast_in_dim3A_3 : vector<16xi1>, vector<16xf32>
    %add3A_312 = arith.addf %add3A_295, %select_n3A_311 : vector<16xf32>
    %add3A_313 = arith.addf %add3A_312, %gather3A_238 : vector<16xf32>
    %swap3A_314 = arith.constant 48 : index
    %swap3A_315 = tpu.vector_load %arg6[%swap3A_314] {strides = array<i32>} : memref<128xf32, #tpu.memory_space<vmem>>, vector<16xf32>,
    tpu.vector_store %arg6[%swap3A_314], %add3A_313 {strides = array<i32>} : memref<128xf32, #tpu.memory_space<vmem>>, vector<16xf32>,
    %broadcast_in_dim3A_316 = arith.constant 63 : i32
    %broadcast_in_dim3A_317 = vector.broadcast %broadcast_in_dim3A_316 : i32 to vector<16xi32>
    %gather3A_318 = tpu.vector_load_idx %arg6[%broadcast_in_dim3A_317] : memref<128xf32, #tpu.memory_space<vmem>>[vector<16xi32>], vector<16xf32>,
    %get3A_319 = arith.constant 64 : index
    %get3A_320 = tpu.vector_load %arg5[%get3A_319] {strides = array<i32>} : memref<128xf32, #tpu.memory_space<vmem>>, vector<16xf32>,
    %exp3A_321 = math.exp %get3A_320 : vector<16xf32>
    %add3A_322 = arith.constant 9.99999997E-7 : f32
    %add3A_323 = vector.broadcast %add3A_322 : f32 to vector<16xf32>
    %add3A_324 = arith.addf %exp3A_321, %add3A_323 : vector<16xf32>
    %swap3A_325 = arith.constant 64 : index
    %swap3A_326 = tpu.vector_load %arg6[%swap3A_325] {strides = array<i32>} : memref<128xf32, #tpu.memory_space<vmem>>, vector<16xf32>,
    tpu.vector_store %arg6[%swap3A_325], %add3A_324 {strides = array<i32>} : memref<128xf32, #tpu.memory_space<vmem>>, vector<16xf32>,
    %sub3A_327 = arith.constant 1 : i32
    %sub3A_328 = vector.broadcast %sub3A_327 : i32 to vector<16xi32>
    %sub3A_329 = arith.subi %iota3A, %sub3A_328 : vector<16xi32>
    %max3A_330 = arith.constant 0 : i32
    %max3A_331 = vector.broadcast %max3A_330 : i32 to vector<16xi32>
    %max3A_332 = arith.maxsi %sub3A_329, %max3A_331 : vector<16xi32>
    %add3A_333 = arith.constant 64 : i32
    %add3A_334 = vector.broadcast %add3A_333 : i32 to vector<16xi32>
    %add3A_335 = arith.addi %max3A_332, %add3A_334 : vector<16xi32>
    %gather3A_336 = tpu.vector_load_idx %arg6[%add3A_335] : memref<128xf32, #tpu.memory_space<vmem>>[vector<16xi32>], vector<16xf32>,
    %ge3A_337 = arith.constant 1 : i32
    %ge3A_338 = vector.broadcast %ge3A_337 : i32 to vector<16xi32>
    %ge3A_339 = arith.cmpi sge, %iota3A, %ge3A_338 : vector<16xi32>
    %select_n3A_340 = arith.select %ge3A_339, %gather3A_336, %broadcast_in_dim3A_3 : vector<16xi1>, vector<16xf32>
    %add3A_341 = arith.addf %add3A_324, %select_n3A_340 : vector<16xf32>
    %swap3A_342 = arith.constant 64 : index
    %swap3A_343 = tpu.vector_load %arg6[%swap3A_342] {strides = array<i32>} : memref<128xf32, #tpu.memory_space<vmem>>, vector<16xf32>,
    tpu.vector_store %arg6[%swap3A_342], %add3A_341 {strides = array<i32>} : memref<128xf32, #tpu.memory_space<vmem>>, vector<16xf32>,
    %sub3A_344 = arith.constant 2 : i32
    %sub3A_345 = vector.broadcast %sub3A_344 : i32 to vector<16xi32>
    %sub3A_346 = arith.subi %iota3A, %sub3A_345 : vector<16xi32>
    %max3A_347 = arith.constant 0 : i32
    %max3A_348 = vector.broadcast %max3A_347 : i32 to vector<16xi32>
    %max3A_349 = arith.maxsi %sub3A_346, %max3A_348 : vector<16xi32>
    %add3A_350 = arith.constant 64 : i32
    %add3A_351 = vector.broadcast %add3A_350 : i32 to vector<16xi32>
    %add3A_352 = arith.addi %max3A_349, %add3A_351 : vector<16xi32>
    %gather3A_353 = tpu.vector_load_idx %arg6[%add3A_352] : memref<128xf32, #tpu.memory_space<vmem>>[vector<16xi32>], vector<16xf32>,
    %ge3A_354 = arith.constant 2 : i32
    %ge3A_355 = vector.broadcast %ge3A_354 : i32 to vector<16xi32>
    %ge3A_356 = arith.cmpi sge, %iota3A, %ge3A_355 : vector<16xi32>
    %select_n3A_357 = arith.select %ge3A_356, %gather3A_353, %broadcast_in_dim3A_3 : vector<16xi1>, vector<16xf32>
    %add3A_358 = arith.addf %add3A_341, %select_n3A_357 : vector<16xf32>
    %swap3A_359 = arith.constant 64 : index
    %swap3A_360 = tpu.vector_load %arg6[%swap3A_359] {strides = array<i32>} : memref<128xf32, #tpu.memory_space<vmem>>, vector<16xf32>,
    tpu.vector_store %arg6[%swap3A_359], %add3A_358 {strides = array<i32>} : memref<128xf32, #tpu.memory_space<vmem>>, vector<16xf32>,
    %sub3A_361 = arith.constant 4 : i32
    %sub3A_362 = vector.broadcast %sub3A_361 : i32 to vector<16xi32>
    %sub3A_363 = arith.subi %iota3A, %sub3A_362 : vector<16xi32>
    %max3A_364 = arith.constant 0 : i32
    %max3A_365 = vector.broadcast %max3A_364 : i32 to vector<16xi32>
    %max3A_366 = arith.maxsi %sub3A_363, %max3A_365 : vector<16xi32>
    %add3A_367 = arith.constant 64 : i32
    %add3A_368 = vector.broadcast %add3A_367 : i32 to vector<16xi32>
    %add3A_369 = arith.addi %max3A_366, %add3A_368 : vector<16xi32>
    %gather3A_370 = tpu.vector_load_idx %arg6[%add3A_369] : memref<128xf32, #tpu.memory_space<vmem>>[vector<16xi32>], vector<16xf32>,
    %ge3A_371 = arith.constant 4 : i32
    %ge3A_372 = vector.broadcast %ge3A_371 : i32 to vector<16xi32>
    %ge3A_373 = arith.cmpi sge, %iota3A, %ge3A_372 : vector<16xi32>
    %select_n3A_374 = arith.select %ge3A_373, %gather3A_370, %broadcast_in_dim3A_3 : vector<16xi1>, vector<16xf32>
    %add3A_375 = arith.addf %add3A_358, %select_n3A_374 : vector<16xf32>
    %swap3A_376 = arith.constant 64 : index
    %swap3A_377 = tpu.vector_load %arg6[%swap3A_376] {strides = array<i32>} : memref<128xf32, #tpu.memory_space<vmem>>, vector<16xf32>,
    tpu.vector_store %arg6[%swap3A_376], %add3A_375 {strides = array<i32>} : memref<128xf32, #tpu.memory_space<vmem>>, vector<16xf32>,
    %sub3A_378 = arith.constant 8 : i32
    %sub3A_379 = vector.broadcast %sub3A_378 : i32 to vector<16xi32>
    %sub3A_380 = arith.subi %iota3A, %sub3A_379 : vector<16xi32>
    %max3A_381 = arith.constant 0 : i32
    %max3A_382 = vector.broadcast %max3A_381 : i32 to vector<16xi32>
    %max3A_383 = arith.maxsi %sub3A_380, %max3A_382 : vector<16xi32>
    %add3A_384 = arith.constant 64 : i32
    %add3A_385 = vector.broadcast %add3A_384 : i32 to vector<16xi32>
    %add3A_386 = arith.addi %max3A_383, %add3A_385 : vector<16xi32>
    %gather3A_387 = tpu.vector_load_idx %arg6[%add3A_386] : memref<128xf32, #tpu.memory_space<vmem>>[vector<16xi32>], vector<16xf32>,
    %ge3A_388 = arith.constant 8 : i32
    %ge3A_389 = vector.broadcast %ge3A_388 : i32 to vector<16xi32>
    %ge3A_390 = arith.cmpi sge, %iota3A, %ge3A_389 : vector<16xi32>
    %select_n3A_391 = arith.select %ge3A_390, %gather3A_387, %broadcast_in_dim3A_3 : vector<16xi1>, vector<16xf32>
    %add3A_392 = arith.addf %add3A_375, %select_n3A_391 : vector<16xf32>
    %add3A_393 = arith.addf %add3A_392, %gather3A_318 : vector<16xf32>
    %swap3A_394 = arith.constant 64 : index
    %swap3A_395 = tpu.vector_load %arg6[%swap3A_394] {strides = array<i32>} : memref<128xf32, #tpu.memory_space<vmem>>, vector<16xf32>,
    tpu.vector_store %arg6[%swap3A_394], %add3A_393 {strides = array<i32>} : memref<128xf32, #tpu.memory_space<vmem>>, vector<16xf32>,
    %broadcast_in_dim3A_396 = arith.constant 79 : i32
    %broadcast_in_dim3A_397 = vector.broadcast %broadcast_in_dim3A_396 : i32 to vector<16xi32>
    %gather3A_398 = tpu.vector_load_idx %arg6[%broadcast_in_dim3A_397] : memref<128xf32, #tpu.memory_space<vmem>>[vector<16xi32>], vector<16xf32>,
    %get3A_399 = arith.constant 80 : index
    %get3A_400 = tpu.vector_load %arg5[%get3A_399] {strides = array<i32>} : memref<128xf32, #tpu.memory_space<vmem>>, vector<16xf32>,
    %exp3A_401 = math.exp %get3A_400 : vector<16xf32>
    %add3A_402 = arith.constant 9.99999997E-7 : f32
    %add3A_403 = vector.broadcast %add3A_402 : f32 to vector<16xf32>
    %add3A_404 = arith.addf %exp3A_401, %add3A_403 : vector<16xf32>
    %swap3A_405 = arith.constant 80 : index
    %swap3A_406 = tpu.vector_load %arg6[%swap3A_405] {strides = array<i32>} : memref<128xf32, #tpu.memory_space<vmem>>, vector<16xf32>,
    tpu.vector_store %arg6[%swap3A_405], %add3A_404 {strides = array<i32>} : memref<128xf32, #tpu.memory_space<vmem>>, vector<16xf32>,
    %sub3A_407 = arith.constant 1 : i32
    %sub3A_408 = vector.broadcast %sub3A_407 : i32 to vector<16xi32>
    %sub3A_409 = arith.subi %iota3A, %sub3A_408 : vector<16xi32>
    %max3A_410 = arith.constant 0 : i32
    %max3A_411 = vector.broadcast %max3A_410 : i32 to vector<16xi32>
    %max3A_412 = arith.maxsi %sub3A_409, %max3A_411 : vector<16xi32>
    %add3A_413 = arith.constant 80 : i32
    %add3A_414 = vector.broadcast %add3A_413 : i32 to vector<16xi32>
    %add3A_415 = arith.addi %max3A_412, %add3A_414 : vector<16xi32>
    %gather3A_416 = tpu.vector_load_idx %arg6[%add3A_415] : memref<128xf32, #tpu.memory_space<vmem>>[vector<16xi32>], vector<16xf32>,
    %ge3A_417 = arith.constant 1 : i32
    %ge3A_418 = vector.broadcast %ge3A_417 : i32 to vector<16xi32>
    %ge3A_419 = arith.cmpi sge, %iota3A, %ge3A_418 : vector<16xi32>
    %select_n3A_420 = arith.select %ge3A_419, %gather3A_416, %broadcast_in_dim3A_3 : vector<16xi1>, vector<16xf32>
    %add3A_421 = arith.addf %add3A_404, %select_n3A_420 : vector<16xf32>
    %swap3A_422 = arith.constant 80 : index
    %swap3A_423 = tpu.vector_load %arg6[%swap3A_422] {strides = array<i32>} : memref<128xf32, #tpu.memory_space<vmem>>, vector<16xf32>,
    tpu.vector_store %arg6[%swap3A_422], %add3A_421 {strides = array<i32>} : memref<128xf32, #tpu.memory_space<vmem>>, vector<16xf32>,
    %sub3A_424 = arith.constant 2 : i32
    %sub3A_425 = vector.broadcast %sub3A_424 : i32 to vector<16xi32>
    %sub3A_426 = arith.subi %iota3A, %sub3A_425 : vector<16xi32>
    %max3A_427 = arith.constant 0 : i32
    %max3A_428 = vector.broadcast %max3A_427 : i32 to vector<16xi32>
    %max3A_429 = arith.maxsi %sub3A_426, %max3A_428 : vector<16xi32>
    %add3A_430 = arith.constant 80 : i32
    %add3A_431 = vector.broadcast %add3A_430 : i32 to vector<16xi32>
    %add3A_432 = arith.addi %max3A_429, %add3A_431 : vector<16xi32>
    %gather3A_433 = tpu.vector_load_idx %arg6[%add3A_432] : memref<128xf32, #tpu.memory_space<vmem>>[vector<16xi32>], vector<16xf32>,
    %ge3A_434 = arith.constant 2 : i32
    %ge3A_435 = vector.broadcast %ge3A_434 : i32 to vector<16xi32>
    %ge3A_436 = arith.cmpi sge, %iota3A, %ge3A_435 : vector<16xi32>
    %select_n3A_437 = arith.select %ge3A_436, %gather3A_433, %broadcast_in_dim3A_3 : vector<16xi1>, vector<16xf32>
    %add3A_438 = arith.addf %add3A_421, %select_n3A_437 : vector<16xf32>
    %swap3A_439 = arith.constant 80 : index
    %swap3A_440 = tpu.vector_load %arg6[%swap3A_439] {strides = array<i32>} : memref<128xf32, #tpu.memory_space<vmem>>, vector<16xf32>,
    tpu.vector_store %arg6[%swap3A_439], %add3A_438 {strides = array<i32>} : memref<128xf32, #tpu.memory_space<vmem>>, vector<16xf32>,
    %sub3A_441 = arith.constant 4 : i32
    %sub3A_442 = vector.broadcast %sub3A_441 : i32 to vector<16xi32>
    %sub3A_443 = arith.subi %iota3A, %sub3A_442 : vector<16xi32>
    %max3A_444 = arith.constant 0 : i32
    %max3A_445 = vector.broadcast %max3A_444 : i32 to vector<16xi32>
    %max3A_446 = arith.maxsi %sub3A_443, %max3A_445 : vector<16xi32>
    %add3A_447 = arith.constant 80 : i32
    %add3A_448 = vector.broadcast %add3A_447 : i32 to vector<16xi32>
    %add3A_449 = arith.addi %max3A_446, %add3A_448 : vector<16xi32>
    %gather3A_450 = tpu.vector_load_idx %arg6[%add3A_449] : memref<128xf32, #tpu.memory_space<vmem>>[vector<16xi32>], vector<16xf32>,
    %ge3A_451 = arith.constant 4 : i32
    %ge3A_452 = vector.broadcast %ge3A_451 : i32 to vector<16xi32>
    %ge3A_453 = arith.cmpi sge, %iota3A, %ge3A_452 : vector<16xi32>
    %select_n3A_454 = arith.select %ge3A_453, %gather3A_450, %broadcast_in_dim3A_3 : vector<16xi1>, vector<16xf32>
    %add3A_455 = arith.addf %add3A_438, %select_n3A_454 : vector<16xf32>
    %swap3A_456 = arith.constant 80 : index
    %swap3A_457 = tpu.vector_load %arg6[%swap3A_456] {strides = array<i32>} : memref<128xf32, #tpu.memory_space<vmem>>, vector<16xf32>,
    tpu.vector_store %arg6[%swap3A_456], %add3A_455 {strides = array<i32>} : memref<128xf32, #tpu.memory_space<vmem>>, vector<16xf32>,
    %sub3A_458 = arith.constant 8 : i32
    %sub3A_459 = vector.broadcast %sub3A_458 : i32 to vector<16xi32>
    %sub3A_460 = arith.subi %iota3A, %sub3A_459 : vector<16xi32>
    %max3A_461 = arith.constant 0 : i32
    %max3A_462 = vector.broadcast %max3A_461 : i32 to vector<16xi32>
    %max3A_463 = arith.maxsi %sub3A_460, %max3A_462 : vector<16xi32>
    %add3A_464 = arith.constant 80 : i32
    %add3A_465 = vector.broadcast %add3A_464 : i32 to vector<16xi32>
    %add3A_466 = arith.addi %max3A_463, %add3A_465 : vector<16xi32>
    %gather3A_467 = tpu.vector_load_idx %arg6[%add3A_466] : memref<128xf32, #tpu.memory_space<vmem>>[vector<16xi32>], vector<16xf32>,
    %ge3A_468 = arith.constant 8 : i32
    %ge3A_469 = vector.broadcast %ge3A_468 : i32 to vector<16xi32>
    %ge3A_470 = arith.cmpi sge, %iota3A, %ge3A_469 : vector<16xi32>
    %select_n3A_471 = arith.select %ge3A_470, %gather3A_467, %broadcast_in_dim3A_3 : vector<16xi1>, vector<16xf32>
    %add3A_472 = arith.addf %add3A_455, %select_n3A_471 : vector<16xf32>
    %add3A_473 = arith.addf %add3A_472, %gather3A_398 : vector<16xf32>
    %swap3A_474 = arith.constant 80 : index
    %swap3A_475 = tpu.vector_load %arg6[%swap3A_474] {strides = array<i32>} : memref<128xf32, #tpu.memory_space<vmem>>, vector<16xf32>,
    tpu.vector_store %arg6[%swap3A_474], %add3A_473 {strides = array<i32>} : memref<128xf32, #tpu.memory_space<vmem>>, vector<16xf32>,
    %broadcast_in_dim3A_476 = arith.constant 95 : i32
    %broadcast_in_dim3A_477 = vector.broadcast %broadcast_in_dim3A_476 : i32 to vector<16xi32>
    %gather3A_478 = tpu.vector_load_idx %arg6[%broadcast_in_dim3A_477] : memref<128xf32, #tpu.memory_space<vmem>>[vector<16xi32>], vector<16xf32>,
    %get3A_479 = arith.constant 96 : index
    %get3A_480 = tpu.vector_load %arg5[%get3A_479] {strides = array<i32>} : memref<128xf32, #tpu.memory_space<vmem>>, vector<16xf32>,
    %exp3A_481 = math.exp %get3A_480 : vector<16xf32>
    %add3A_482 = arith.constant 9.99999997E-7 : f32
    %add3A_483 = vector.broadcast %add3A_482 : f32 to vector<16xf32>
    %add3A_484 = arith.addf %exp3A_481, %add3A_483 : vector<16xf32>
    %swap3A_485 = arith.constant 96 : index
    %swap3A_486 = tpu.vector_load %arg6[%swap3A_485] {strides = array<i32>} : memref<128xf32, #tpu.memory_space<vmem>>, vector<16xf32>,
    tpu.vector_store %arg6[%swap3A_485], %add3A_484 {strides = array<i32>} : memref<128xf32, #tpu.memory_space<vmem>>, vector<16xf32>,
    %sub3A_487 = arith.constant 1 : i32
    %sub3A_488 = vector.broadcast %sub3A_487 : i32 to vector<16xi32>
    %sub3A_489 = arith.subi %iota3A, %sub3A_488 : vector<16xi32>
    %max3A_490 = arith.constant 0 : i32
    %max3A_491 = vector.broadcast %max3A_490 : i32 to vector<16xi32>
    %max3A_492 = arith.maxsi %sub3A_489, %max3A_491 : vector<16xi32>
    %add3A_493 = arith.constant 96 : i32
    %add3A_494 = vector.broadcast %add3A_493 : i32 to vector<16xi32>
    %add3A_495 = arith.addi %max3A_492, %add3A_494 : vector<16xi32>
    %gather3A_496 = tpu.vector_load_idx %arg6[%add3A_495] : memref<128xf32, #tpu.memory_space<vmem>>[vector<16xi32>], vector<16xf32>,
    %ge3A_497 = arith.constant 1 : i32
    %ge3A_498 = vector.broadcast %ge3A_497 : i32 to vector<16xi32>
    %ge3A_499 = arith.cmpi sge, %iota3A, %ge3A_498 : vector<16xi32>
    %select_n3A_500 = arith.select %ge3A_499, %gather3A_496, %broadcast_in_dim3A_3 : vector<16xi1>, vector<16xf32>
    %add3A_501 = arith.addf %add3A_484, %select_n3A_500 : vector<16xf32>
    %swap3A_502 = arith.constant 96 : index
    %swap3A_503 = tpu.vector_load %arg6[%swap3A_502] {strides = array<i32>} : memref<128xf32, #tpu.memory_space<vmem>>, vector<16xf32>,
    tpu.vector_store %arg6[%swap3A_502], %add3A_501 {strides = array<i32>} : memref<128xf32, #tpu.memory_space<vmem>>, vector<16xf32>,
    %sub3A_504 = arith.constant 2 : i32
    %sub3A_505 = vector.broadcast %sub3A_504 : i32 to vector<16xi32>
    %sub3A_506 = arith.subi %iota3A, %sub3A_505 : vector<16xi32>
    %max3A_507 = arith.constant 0 : i32
    %max3A_508 = vector.broadcast %max3A_507 : i32 to vector<16xi32>
    %max3A_509 = arith.maxsi %sub3A_506, %max3A_508 : vector<16xi32>
    %add3A_510 = arith.constant 96 : i32
    %add3A_511 = vector.broadcast %add3A_510 : i32 to vector<16xi32>
    %add3A_512 = arith.addi %max3A_509, %add3A_511 : vector<16xi32>
    %gather3A_513 = tpu.vector_load_idx %arg6[%add3A_512] : memref<128xf32, #tpu.memory_space<vmem>>[vector<16xi32>], vector<16xf32>,
    %ge3A_514 = arith.constant 2 : i32
    %ge3A_515 = vector.broadcast %ge3A_514 : i32 to vector<16xi32>
    %ge3A_516 = arith.cmpi sge, %iota3A, %ge3A_515 : vector<16xi32>
    %select_n3A_517 = arith.select %ge3A_516, %gather3A_513, %broadcast_in_dim3A_3 : vector<16xi1>, vector<16xf32>
    %add3A_518 = arith.addf %add3A_501, %select_n3A_517 : vector<16xf32>
    %swap3A_519 = arith.constant 96 : index
    %swap3A_520 = tpu.vector_load %arg6[%swap3A_519] {strides = array<i32>} : memref<128xf32, #tpu.memory_space<vmem>>, vector<16xf32>,
    tpu.vector_store %arg6[%swap3A_519], %add3A_518 {strides = array<i32>} : memref<128xf32, #tpu.memory_space<vmem>>, vector<16xf32>,
    %sub3A_521 = arith.constant 4 : i32
    %sub3A_522 = vector.broadcast %sub3A_521 : i32 to vector<16xi32>
    %sub3A_523 = arith.subi %iota3A, %sub3A_522 : vector<16xi32>
    %max3A_524 = arith.constant 0 : i32
    %max3A_525 = vector.broadcast %max3A_524 : i32 to vector<16xi32>
    %max3A_526 = arith.maxsi %sub3A_523, %max3A_525 : vector<16xi32>
    %add3A_527 = arith.constant 96 : i32
    %add3A_528 = vector.broadcast %add3A_527 : i32 to vector<16xi32>
    %add3A_529 = arith.addi %max3A_526, %add3A_528 : vector<16xi32>
    %gather3A_530 = tpu.vector_load_idx %arg6[%add3A_529] : memref<128xf32, #tpu.memory_space<vmem>>[vector<16xi32>], vector<16xf32>,
    %ge3A_531 = arith.constant 4 : i32
    %ge3A_532 = vector.broadcast %ge3A_531 : i32 to vector<16xi32>
    %ge3A_533 = arith.cmpi sge, %iota3A, %ge3A_532 : vector<16xi32>
    %select_n3A_534 = arith.select %ge3A_533, %gather3A_530, %broadcast_in_dim3A_3 : vector<16xi1>, vector<16xf32>
    %add3A_535 = arith.addf %add3A_518, %select_n3A_534 : vector<16xf32>
    %swap3A_536 = arith.constant 96 : index
    %swap3A_537 = tpu.vector_load %arg6[%swap3A_536] {strides = array<i32>} : memref<128xf32, #tpu.memory_space<vmem>>, vector<16xf32>,
    tpu.vector_store %arg6[%swap3A_536], %add3A_535 {strides = array<i32>} : memref<128xf32, #tpu.memory_space<vmem>>, vector<16xf32>,
    %sub3A_538 = arith.constant 8 : i32
    %sub3A_539 = vector.broadcast %sub3A_538 : i32 to vector<16xi32>
    %sub3A_540 = arith.subi %iota3A, %sub3A_539 : vector<16xi32>
    %max3A_541 = arith.constant 0 : i32
    %max3A_542 = vector.broadcast %max3A_541 : i32 to vector<16xi32>
    %max3A_543 = arith.maxsi %sub3A_540, %max3A_542 : vector<16xi32>
    %add3A_544 = arith.constant 96 : i32
    %add3A_545 = vector.broadcast %add3A_544 : i32 to vector<16xi32>
    %add3A_546 = arith.addi %max3A_543, %add3A_545 : vector<16xi32>
    %gather3A_547 = tpu.vector_load_idx %arg6[%add3A_546] : memref<128xf32, #tpu.memory_space<vmem>>[vector<16xi32>], vector<16xf32>,
    %ge3A_548 = arith.constant 8 : i32
    %ge3A_549 = vector.broadcast %ge3A_548 : i32 to vector<16xi32>
    %ge3A_550 = arith.cmpi sge, %iota3A, %ge3A_549 : vector<16xi32>
    %select_n3A_551 = arith.select %ge3A_550, %gather3A_547, %broadcast_in_dim3A_3 : vector<16xi1>, vector<16xf32>
    %add3A_552 = arith.addf %add3A_535, %select_n3A_551 : vector<16xf32>
    %add3A_553 = arith.addf %add3A_552, %gather3A_478 : vector<16xf32>
    %swap3A_554 = arith.constant 96 : index
    %swap3A_555 = tpu.vector_load %arg6[%swap3A_554] {strides = array<i32>} : memref<128xf32, #tpu.memory_space<vmem>>, vector<16xf32>,
    tpu.vector_store %arg6[%swap3A_554], %add3A_553 {strides = array<i32>} : memref<128xf32, #tpu.memory_space<vmem>>, vector<16xf32>,
    %broadcast_in_dim3A_556 = arith.constant 111 : i32
    %broadcast_in_dim3A_557 = vector.broadcast %broadcast_in_dim3A_556 : i32 to vector<16xi32>
    %gather3A_558 = tpu.vector_load_idx %arg6[%broadcast_in_dim3A_557] : memref<128xf32, #tpu.memory_space<vmem>>[vector<16xi32>], vector<16xf32>,
    %get3A_559 = arith.constant 112 : index
    %get3A_560 = tpu.vector_load %arg5[%get3A_559] {strides = array<i32>} : memref<128xf32, #tpu.memory_space<vmem>>, vector<16xf32>,
    %exp3A_561 = math.exp %get3A_560 : vector<16xf32>
    %add3A_562 = arith.constant 9.99999997E-7 : f32
    %add3A_563 = vector.broadcast %add3A_562 : f32 to vector<16xf32>
    %add3A_564 = arith.addf %exp3A_561, %add3A_563 : vector<16xf32>
    %swap3A_565 = arith.constant 112 : index
    %swap3A_566 = tpu.vector_load %arg6[%swap3A_565] {strides = array<i32>} : memref<128xf32, #tpu.memory_space<vmem>>, vector<16xf32>,
    tpu.vector_store %arg6[%swap3A_565], %add3A_564 {strides = array<i32>} : memref<128xf32, #tpu.memory_space<vmem>>, vector<16xf32>,
    %sub3A_567 = arith.constant 1 : i32
    %sub3A_568 = vector.broadcast %sub3A_567 : i32 to vector<16xi32>
    %sub3A_569 = arith.subi %iota3A, %sub3A_568 : vector<16xi32>
    %max3A_570 = arith.constant 0 : i32
    %max3A_571 = vector.broadcast %max3A_570 : i32 to vector<16xi32>
    %max3A_572 = arith.maxsi %sub3A_569, %max3A_571 : vector<16xi32>
    %add3A_573 = arith.constant 112 : i32
    %add3A_574 = vector.broadcast %add3A_573 : i32 to vector<16xi32>
    %add3A_575 = arith.addi %max3A_572, %add3A_574 : vector<16xi32>
    %gather3A_576 = tpu.vector_load_idx %arg6[%add3A_575] : memref<128xf32, #tpu.memory_space<vmem>>[vector<16xi32>], vector<16xf32>,
    %ge3A_577 = arith.constant 1 : i32
    %ge3A_578 = vector.broadcast %ge3A_577 : i32 to vector<16xi32>
    %ge3A_579 = arith.cmpi sge, %iota3A, %ge3A_578 : vector<16xi32>
    %select_n3A_580 = arith.select %ge3A_579, %gather3A_576, %broadcast_in_dim3A_3 : vector<16xi1>, vector<16xf32>
    %add3A_581 = arith.addf %add3A_564, %select_n3A_580 : vector<16xf32>
    %swap3A_582 = arith.constant 112 : index
    %swap3A_583 = tpu.vector_load %arg6[%swap3A_582] {strides = array<i32>} : memref<128xf32, #tpu.memory_space<vmem>>, vector<16xf32>,
    tpu.vector_store %arg6[%swap3A_582], %add3A_581 {strides = array<i32>} : memref<128xf32, #tpu.memory_space<vmem>>, vector<16xf32>,
    %sub3A_584 = arith.constant 2 : i32
    %sub3A_585 = vector.broadcast %sub3A_584 : i32 to vector<16xi32>
    %sub3A_586 = arith.subi %iota3A, %sub3A_585 : vector<16xi32>
    %max3A_587 = arith.constant 0 : i32
    %max3A_588 = vector.broadcast %max3A_587 : i32 to vector<16xi32>
    %max3A_589 = arith.maxsi %sub3A_586, %max3A_588 : vector<16xi32>
    %add3A_590 = arith.constant 112 : i32
    %add3A_591 = vector.broadcast %add3A_590 : i32 to vector<16xi32>
    %add3A_592 = arith.addi %max3A_589, %add3A_591 : vector<16xi32>
    %gather3A_593 = tpu.vector_load_idx %arg6[%add3A_592] : memref<128xf32, #tpu.memory_space<vmem>>[vector<16xi32>], vector<16xf32>,
    %ge3A_594 = arith.constant 2 : i32
    %ge3A_595 = vector.broadcast %ge3A_594 : i32 to vector<16xi32>
    %ge3A_596 = arith.cmpi sge, %iota3A, %ge3A_595 : vector<16xi32>
    %select_n3A_597 = arith.select %ge3A_596, %gather3A_593, %broadcast_in_dim3A_3 : vector<16xi1>, vector<16xf32>
    %add3A_598 = arith.addf %add3A_581, %select_n3A_597 : vector<16xf32>
    %swap3A_599 = arith.constant 112 : index
    %swap3A_600 = tpu.vector_load %arg6[%swap3A_599] {strides = array<i32>} : memref<128xf32, #tpu.memory_space<vmem>>, vector<16xf32>,
    tpu.vector_store %arg6[%swap3A_599], %add3A_598 {strides = array<i32>} : memref<128xf32, #tpu.memory_space<vmem>>, vector<16xf32>,
    %sub3A_601 = arith.constant 4 : i32
    %sub3A_602 = vector.broadcast %sub3A_601 : i32 to vector<16xi32>
    %sub3A_603 = arith.subi %iota3A, %sub3A_602 : vector<16xi32>
    %max3A_604 = arith.constant 0 : i32
    %max3A_605 = vector.broadcast %max3A_604 : i32 to vector<16xi32>
    %max3A_606 = arith.maxsi %sub3A_603, %max3A_605 : vector<16xi32>
    %add3A_607 = arith.constant 112 : i32
    %add3A_608 = vector.broadcast %add3A_607 : i32 to vector<16xi32>
    %add3A_609 = arith.addi %max3A_606, %add3A_608 : vector<16xi32>
    %gather3A_610 = tpu.vector_load_idx %arg6[%add3A_609] : memref<128xf32, #tpu.memory_space<vmem>>[vector<16xi32>], vector<16xf32>,
    %ge3A_611 = arith.constant 4 : i32
    %ge3A_612 = vector.broadcast %ge3A_611 : i32 to vector<16xi32>
    %ge3A_613 = arith.cmpi sge, %iota3A, %ge3A_612 : vector<16xi32>
    %select_n3A_614 = arith.select %ge3A_613, %gather3A_610, %broadcast_in_dim3A_3 : vector<16xi1>, vector<16xf32>
    %add3A_615 = arith.addf %add3A_598, %select_n3A_614 : vector<16xf32>
    %swap3A_616 = arith.constant 112 : index
    %swap3A_617 = tpu.vector_load %arg6[%swap3A_616] {strides = array<i32>} : memref<128xf32, #tpu.memory_space<vmem>>, vector<16xf32>,
    tpu.vector_store %arg6[%swap3A_616], %add3A_615 {strides = array<i32>} : memref<128xf32, #tpu.memory_space<vmem>>, vector<16xf32>,
    %sub3A_618 = arith.constant 8 : i32
    %sub3A_619 = vector.broadcast %sub3A_618 : i32 to vector<16xi32>
    %sub3A_620 = arith.subi %iota3A, %sub3A_619 : vector<16xi32>
    %max3A_621 = arith.constant 0 : i32
    %max3A_622 = vector.broadcast %max3A_621 : i32 to vector<16xi32>
    %max3A_623 = arith.maxsi %sub3A_620, %max3A_622 : vector<16xi32>
    %add3A_624 = arith.constant 112 : i32
    %add3A_625 = vector.broadcast %add3A_624 : i32 to vector<16xi32>
    %add3A_626 = arith.addi %max3A_623, %add3A_625 : vector<16xi32>
    %gather3A_627 = tpu.vector_load_idx %arg6[%add3A_626] : memref<128xf32, #tpu.memory_space<vmem>>[vector<16xi32>], vector<16xf32>,
    %ge3A_628 = arith.constant 8 : i32
    %ge3A_629 = vector.broadcast %ge3A_628 : i32 to vector<16xi32>
    %ge3A_630 = arith.cmpi sge, %iota3A, %ge3A_629 : vector<16xi32>
    %select_n3A_631 = arith.select %ge3A_630, %gather3A_627, %broadcast_in_dim3A_3 : vector<16xi1>, vector<16xf32>
    %add3A_632 = arith.addf %add3A_615, %select_n3A_631 : vector<16xf32>
    %add3A_633 = arith.addf %add3A_632, %gather3A_558 : vector<16xf32>
    %swap3A_634 = arith.constant 112 : index
    %swap3A_635 = tpu.vector_load %arg6[%swap3A_634] {strides = array<i32>} : memref<128xf32, #tpu.memory_space<vmem>>, vector<16xf32>,
    tpu.vector_store %arg6[%swap3A_634], %add3A_633 {strides = array<i32>} : memref<128xf32, #tpu.memory_space<vmem>>, vector<16xf32>,
    %broadcast_in_dim3A_636 = arith.constant 127 : i32
    %broadcast_in_dim3A_637 = vector.broadcast %broadcast_in_dim3A_636 : i32 to vector<16xi32>
    %gather3A_638 = tpu.vector_load_idx %arg6[%broadcast_in_dim3A_637] : memref<128xf32, #tpu.memory_space<vmem>>[vector<16xi32>], vector<16xf32>,
    %add3A_639 = arith.constant 0 : i32
    %add3A_640 = vector.broadcast %add3A_639 : i32 to vector<16xi32>
    %add3A_641 = arith.addi %iota3A, %add3A_640 : vector<16xi32>
    %gather3A_642 = tpu.vector_load_idx %arg6[%add3A_641] : memref<128xf32, #tpu.memory_space<vmem>>[vector<16xi32>], vector<16xf32>,
    %add3A_643 = arith.constant 1 : i32
    %add3A_644 = vector.broadcast %add3A_643 : i32 to vector<16xi32>
    %add3A_645 = arith.addi %add3A_641, %add3A_644 : vector<16xi32>
    %min3A = arith.constant 127 : i32
    %min3A_646 = vector.broadcast %min3A : i32 to vector<16xi32>
    %min3A_647 = arith.minsi %add3A_645, %min3A_646 : vector<16xi32>
    %gather3A_648 = tpu.vector_load_idx %arg6[%min3A_647] : memref<128xf32, #tpu.memory_space<vmem>>[vector<16xi32>], vector<16xf32>,
    %sub3A_649 = arith.subf %gather3A_648, %gather3A_642 : vector<16xf32>
    %swap3A_650 = arith.constant 0 : index
    %swap3A_651 = tpu.vector_load %arg7[%swap3A_650] {strides = array<i32>} : memref<128xf32, #tpu.memory_space<vmem>>, vector<16xf32>,
    tpu.vector_store %arg7[%swap3A_650], %sub3A_649 {strides = array<i32>} : memref<128xf32, #tpu.memory_space<vmem>>, vector<16xf32>,
    %add3A_652 = arith.constant 16 : i32
    %add3A_653 = vector.broadcast %add3A_652 : i32 to vector<16xi32>
    %add3A_654 = arith.addi %iota3A, %add3A_653 : vector<16xi32>
    %gather3A_655 = tpu.vector_load_idx %arg6[%add3A_654] : memref<128xf32, #tpu.memory_space<vmem>>[vector<16xi32>], vector<16xf32>,
    %add3A_656 = arith.constant 1 : i32
    %add3A_657 = vector.broadcast %add3A_656 : i32 to vector<16xi32>
    %add3A_658 = arith.addi %add3A_654, %add3A_657 : vector<16xi32>
    %min3A_659 = arith.constant 127 : i32
    %min3A_660 = vector.broadcast %min3A_659 : i32 to vector<16xi32>
    %min3A_661 = arith.minsi %add3A_658, %min3A_660 : vector<16xi32>
    %gather3A_662 = tpu.vector_load_idx %arg6[%min3A_661] : memref<128xf32, #tpu.memory_space<vmem>>[vector<16xi32>], vector<16xf32>,
    %sub3A_663 = arith.subf %gather3A_662, %gather3A_655 : vector<16xf32>
    %swap3A_664 = arith.constant 16 : index
    %swap3A_665 = tpu.vector_load %arg7[%swap3A_664] {strides = array<i32>} : memref<128xf32, #tpu.memory_space<vmem>>, vector<16xf32>,
    tpu.vector_store %arg7[%swap3A_664], %sub3A_663 {strides = array<i32>} : memref<128xf32, #tpu.memory_space<vmem>>, vector<16xf32>,
    %add3A_666 = arith.constant 32 : i32
    %add3A_667 = vector.broadcast %add3A_666 : i32 to vector<16xi32>
    %add3A_668 = arith.addi %iota3A, %add3A_667 : vector<16xi32>
    %gather3A_669 = tpu.vector_load_idx %arg6[%add3A_668] : memref<128xf32, #tpu.memory_space<vmem>>[vector<16xi32>], vector<16xf32>,
    %add3A_670 = arith.constant 1 : i32
    %add3A_671 = vector.broadcast %add3A_670 : i32 to vector<16xi32>
    %add3A_672 = arith.addi %add3A_668, %add3A_671 : vector<16xi32>
    %min3A_673 = arith.constant 127 : i32
    %min3A_674 = vector.broadcast %min3A_673 : i32 to vector<16xi32>
    %min3A_675 = arith.minsi %add3A_672, %min3A_674 : vector<16xi32>
    %gather3A_676 = tpu.vector_load_idx %arg6[%min3A_675] : memref<128xf32, #tpu.memory_space<vmem>>[vector<16xi32>], vector<16xf32>,
    %sub3A_677 = arith.subf %gather3A_676, %gather3A_669 : vector<16xf32>
    %swap3A_678 = arith.constant 32 : index
    %swap3A_679 = tpu.vector_load %arg7[%swap3A_678] {strides = array<i32>} : memref<128xf32, #tpu.memory_space<vmem>>, vector<16xf32>,
    tpu.vector_store %arg7[%swap3A_678], %sub3A_677 {strides = array<i32>} : memref<128xf32, #tpu.memory_space<vmem>>, vector<16xf32>,
    %add3A_680 = arith.constant 48 : i32
    %add3A_681 = vector.broadcast %add3A_680 : i32 to vector<16xi32>
    %add3A_682 = arith.addi %iota3A, %add3A_681 : vector<16xi32>
    %gather3A_683 = tpu.vector_load_idx %arg6[%add3A_682] : memref<128xf32, #tpu.memory_space<vmem>>[vector<16xi32>], vector<16xf32>,
    %add3A_684 = arith.constant 1 : i32
    %add3A_685 = vector.broadcast %add3A_684 : i32 to vector<16xi32>
    %add3A_686 = arith.addi %add3A_682, %add3A_685 : vector<16xi32>
    %min3A_687 = arith.constant 127 : i32
    %min3A_688 = vector.broadcast %min3A_687 : i32 to vector<16xi32>
    %min3A_689 = arith.minsi %add3A_686, %min3A_688 : vector<16xi32>
    %gather3A_690 = tpu.vector_load_idx %arg6[%min3A_689] : memref<128xf32, #tpu.memory_space<vmem>>[vector<16xi32>], vector<16xf32>,
    %sub3A_691 = arith.subf %gather3A_690, %gather3A_683 : vector<16xf32>
    %swap3A_692 = arith.constant 48 : index
    %swap3A_693 = tpu.vector_load %arg7[%swap3A_692] {strides = array<i32>} : memref<128xf32, #tpu.memory_space<vmem>>, vector<16xf32>,
    tpu.vector_store %arg7[%swap3A_692], %sub3A_691 {strides = array<i32>} : memref<128xf32, #tpu.memory_space<vmem>>, vector<16xf32>,
    %add3A_694 = arith.constant 64 : i32
    %add3A_695 = vector.broadcast %add3A_694 : i32 to vector<16xi32>
    %add3A_696 = arith.addi %iota3A, %add3A_695 : vector<16xi32>
    %gather3A_697 = tpu.vector_load_idx %arg6[%add3A_696] : memref<128xf32, #tpu.memory_space<vmem>>[vector<16xi32>], vector<16xf32>,
    %add3A_698 = arith.constant 1 : i32
    %add3A_699 = vector.broadcast %add3A_698 : i32 to vector<16xi32>
    %add3A_700 = arith.addi %add3A_696, %add3A_699 : vector<16xi32>
    %min3A_701 = arith.constant 127 : i32
    %min3A_702 = vector.broadcast %min3A_701 : i32 to vector<16xi32>
    %min3A_703 = arith.minsi %add3A_700, %min3A_702 : vector<16xi32>
    %gather3A_704 = tpu.vector_load_idx %arg6[%min3A_703] : memref<128xf32, #tpu.memory_space<vmem>>[vector<16xi32>], vector<16xf32>,
    %sub3A_705 = arith.subf %gather3A_704, %gather3A_697 : vector<16xf32>
    %swap3A_706 = arith.constant 64 : index
    %swap3A_707 = tpu.vector_load %arg7[%swap3A_706] {strides = array<i32>} : memref<128xf32, #tpu.memory_space<vmem>>, vector<16xf32>,
    tpu.vector_store %arg7[%swap3A_706], %sub3A_705 {strides = array<i32>} : memref<128xf32, #tpu.memory_space<vmem>>, vector<16xf32>,
    %add3A_708 = arith.constant 80 : i32
    %add3A_709 = vector.broadcast %add3A_708 : i32 to vector<16xi32>
    %add3A_710 = arith.addi %iota3A, %add3A_709 : vector<16xi32>
    %gather3A_711 = tpu.vector_load_idx %arg6[%add3A_710] : memref<128xf32, #tpu.memory_space<vmem>>[vector<16xi32>], vector<16xf32>,
    %add3A_712 = arith.constant 1 : i32
    %add3A_713 = vector.broadcast %add3A_712 : i32 to vector<16xi32>
    %add3A_714 = arith.addi %add3A_710, %add3A_713 : vector<16xi32>
    %min3A_715 = arith.constant 127 : i32
    %min3A_716 = vector.broadcast %min3A_715 : i32 to vector<16xi32>
    %min3A_717 = arith.minsi %add3A_714, %min3A_716 : vector<16xi32>
    %gather3A_718 = tpu.vector_load_idx %arg6[%min3A_717] : memref<128xf32, #tpu.memory_space<vmem>>[vector<16xi32>], vector<16xf32>,
    %sub3A_719 = arith.subf %gather3A_718, %gather3A_711 : vector<16xf32>
    %swap3A_720 = arith.constant 80 : index
    %swap3A_721 = tpu.vector_load %arg7[%swap3A_720] {strides = array<i32>} : memref<128xf32, #tpu.memory_space<vmem>>, vector<16xf32>,
    tpu.vector_store %arg7[%swap3A_720], %sub3A_719 {strides = array<i32>} : memref<128xf32, #tpu.memory_space<vmem>>, vector<16xf32>,
    %add3A_722 = arith.constant 96 : i32
    %add3A_723 = vector.broadcast %add3A_722 : i32 to vector<16xi32>
    %add3A_724 = arith.addi %iota3A, %add3A_723 : vector<16xi32>
    %gather3A_725 = tpu.vector_load_idx %arg6[%add3A_724] : memref<128xf32, #tpu.memory_space<vmem>>[vector<16xi32>], vector<16xf32>,
    %add3A_726 = arith.constant 1 : i32
    %add3A_727 = vector.broadcast %add3A_726 : i32 to vector<16xi32>
    %add3A_728 = arith.addi %add3A_724, %add3A_727 : vector<16xi32>
    %min3A_729 = arith.constant 127 : i32
    %min3A_730 = vector.broadcast %min3A_729 : i32 to vector<16xi32>
    %min3A_731 = arith.minsi %add3A_728, %min3A_730 : vector<16xi32>
    %gather3A_732 = tpu.vector_load_idx %arg6[%min3A_731] : memref<128xf32, #tpu.memory_space<vmem>>[vector<16xi32>], vector<16xf32>,
    %sub3A_733 = arith.subf %gather3A_732, %gather3A_725 : vector<16xf32>
    %swap3A_734 = arith.constant 96 : index
    %swap3A_735 = tpu.vector_load %arg7[%swap3A_734] {strides = array<i32>} : memref<128xf32, #tpu.memory_space<vmem>>, vector<16xf32>,
    tpu.vector_store %arg7[%swap3A_734], %sub3A_733 {strides = array<i32>} : memref<128xf32, #tpu.memory_space<vmem>>, vector<16xf32>,
    %add3A_736 = arith.constant 112 : i32
    %add3A_737 = vector.broadcast %add3A_736 : i32 to vector<16xi32>
    %add3A_738 = arith.addi %iota3A, %add3A_737 : vector<16xi32>
    %gather3A_739 = tpu.vector_load_idx %arg6[%add3A_738] : memref<128xf32, #tpu.memory_space<vmem>>[vector<16xi32>], vector<16xf32>,
    %add3A_740 = arith.constant 1 : i32
    %add3A_741 = vector.broadcast %add3A_740 : i32 to vector<16xi32>
    %add3A_742 = arith.addi %add3A_738, %add3A_741 : vector<16xi32>
    %min3A_743 = arith.constant 127 : i32
    %min3A_744 = vector.broadcast %min3A_743 : i32 to vector<16xi32>
    %min3A_745 = arith.minsi %add3A_742, %min3A_744 : vector<16xi32>
    %gather3A_746 = tpu.vector_load_idx %arg6[%min3A_745] : memref<128xf32, #tpu.memory_space<vmem>>[vector<16xi32>], vector<16xf32>,
    %sub3A_747 = arith.subf %gather3A_746, %gather3A_739 : vector<16xf32>
    %swap3A_748 = arith.constant 112 : index
    %swap3A_749 = tpu.vector_load %arg7[%swap3A_748] {strides = array<i32>} : memref<128xf32, #tpu.memory_space<vmem>>, vector<16xf32>,
    tpu.vector_store %arg7[%swap3A_748], %sub3A_747 {strides = array<i32>} : memref<128xf32, #tpu.memory_space<vmem>>, vector<16xf32>,
    %add3A_750 = arith.constant 0 : i32
    %add3A_751 = arith.addi %mul3A_2, %add3A_750 : i32
    %dma_start3A = arith.constant 0 : i32
    %dma_start3A_752 = tpu.memref_slice %arg2[%add3A_751, %dma_start3A] : memref<2048x4096xf32, #tpu.memory_space<hbm>> -> memref<8x2048xf32, #tpu.memory_space<hbm>>
    %dma_start3A_753 = arith.constant 0 : i32
    %dma_start3A_754 = tpu.memref_slice %arg2[%add3A_751, %dma_start3A_753] : memref<2048x4096xf32, #tpu.memory_space<hbm>> -> memref<8x2048xf32, #tpu.memory_space<hbm>>
    tpu.enqueue_dma source(%dma_start3A_754 : memref<8x2048xf32, #tpu.memory_space<hbm>>) target(%arg8 : memref<8x2048xf32, #tpu.memory_space<vmem>>) target_semaphore(%arg12 : memref<!tpu.dma_semaphore, #tpu.memory_space<semaphore_mem>>)
    %add3A_755 = arith.constant 0 : i32
    %add3A_756 = arith.addi %mul3A_2, %add3A_755 : i32
    %dma_start3A_757 = arith.constant 2048 : i32
    %dma_start3A_758 = tpu.memref_slice %arg2[%add3A_756, %dma_start3A_757] : memref<2048x4096xf32, #tpu.memory_space<hbm>> -> memref<8x2048xf32, #tpu.memory_space<hbm>>
    %dma_start3A_759 = arith.constant 2048 : i32
    %dma_start3A_760 = tpu.memref_slice %arg2[%add3A_756, %dma_start3A_759] : memref<2048x4096xf32, #tpu.memory_space<hbm>> -> memref<8x2048xf32, #tpu.memory_space<hbm>>
    tpu.enqueue_dma source(%dma_start3A_760 : memref<8x2048xf32, #tpu.memory_space<hbm>>) target(%arg9 : memref<8x2048xf32, #tpu.memory_space<vmem>>) target_semaphore(%arg13 : memref<!tpu.dma_semaphore, #tpu.memory_space<semaphore_mem>>)
    %scan3A = arith.constant 0 : i32
    %scan3A_761 = arith.constant 8 : i32
    %scan3A_762 = arith.addi %scan3A, %scan3A_761 : i32
    %scan3A_763 = arith.constant 1 : i32
    scf.for %scan3A_776 = %scan3A to %scan3A_762 step %scan3A_763  : i32 {
      %mul3A_777 = arith.constant 8 : i32
      %mul3A_778 = arith.muli %scan3A_776, %mul3A_777 : i32
      %add3A_779 = arith.addi %mul3A_2, %mul3A_778 : i32
      %dma_wait3A_780 = arith.constant 0 : i32
      %dma_wait3A_781 = tpu.memref_slice %arg2[%add3A_779, %dma_wait3A_780] : memref<2048x4096xf32, #tpu.memory_space<hbm>> -> memref<8x2048xf32, #tpu.memory_space<hbm>>
      %dma_wait3A_782 = arith.constant 0 : i32
      %dma_wait3A_783 = tpu.memref_slice %arg2[%add3A_779, %dma_wait3A_782] : memref<2048x4096xf32, #tpu.memory_space<hbm>> -> memref<8x2048xf32, #tpu.memory_space<hbm>>
      tpu.wait_dma2 semaphore(%arg12 : memref<!tpu.dma_semaphore, #tpu.memory_space<semaphore_mem>>) src(%dma_wait3A_783 : memref<8x2048xf32, #tpu.memory_space<hbm>>) dst(%arg8 : memref<8x2048xf32, #tpu.memory_space<vmem>>)
      %gt3A = arith.constant 0 : i32
      %gt3A_784 = arith.cmpi sgt, %scan3A_776, %gt3A : i32
      %convert_element_type3A = arith.extui %gt3A_784 : i1 to i32
      %cond3A = arith.constant 0 : i32
      %cond3A_785 = arith.cmpi ne, %convert_element_type3A, %cond3A : i32
      scf.if %cond3A_785 {
        %mul3A_872 = arith.constant 8 : i32
        %mul3A_873 = arith.muli %scan3A_776, %mul3A_872 : i32
        %add3A_874 = arith.addi %mul3A_2, %mul3A_873 : i32
        %dma_wait3A_875 = arith.constant 0 : i32
        %dma_wait3A_876 = tpu.memref_slice %arg4[%add3A_874, %dma_wait3A_875] : memref<2048x4096xf32, #tpu.memory_space<hbm>> -> memref<8x2048xf32, #tpu.memory_space<hbm>>
        %dma_wait3A_877 = arith.constant 0 : i32
        %dma_wait3A_878 = tpu.memref_slice %arg4[%add3A_874, %dma_wait3A_877] : memref<2048x4096xf32, #tpu.memory_space<hbm>> -> memref<8x2048xf32, #tpu.memory_space<hbm>>
        tpu.wait_dma2 semaphore(%arg14 : memref<!tpu.dma_semaphore, #tpu.memory_space<semaphore_mem>>) src(%arg10 : memref<8x2048xf32, #tpu.memory_space<vmem>>) dst(%dma_wait3A_878 : memref<8x2048xf32, #tpu.memory_space<hbm>>)
      } else {
      }
      %parallel_loop3A = arith.constant 0 : i32
      %parallel_loop3A_786 = arith.constant 2048 : i32
      %parallel_loop3A_787 = arith.constant 16 : i32
      scf.for %parallel_loop3A_872 = %parallel_loop3A to %parallel_loop3A_786 step %parallel_loop3A_787  : i32 {
        %parallel_loop3A_873 = arith.constant 0 : i32
        %parallel_loop3A_874 = arith.index_cast %parallel_loop3A_873 : i32 to index
        %parallel_loop3A_875 = arith.index_cast %parallel_loop3A_872 : i32 to index
        %parallel_loop3A_876 = tpu.vector_load %arg8[%parallel_loop3A_874, %parallel_loop3A_875] {strides = array<i32>} : memref<8x2048xf32, #tpu.memory_space<vmem>>, vector<16xf32>,
        %parallel_loop3A_877 = arith.constant -3.000000e+00 : f32
        %parallel_loop3A_878 = vector.broadcast %parallel_loop3A_877 : f32 to vector<16xf32>
        %parallel_loop3A_879 = arith.subf %parallel_loop3A_876, %parallel_loop3A_878 : vector<16xf32>
        %parallel_loop3A_880 = arith.constant 21.166666 : f32
        %parallel_loop3A_881 = vector.broadcast %parallel_loop3A_880 : f32 to vector<16xf32>
        %parallel_loop3A_882 = arith.mulf %parallel_loop3A_879, %parallel_loop3A_881 : vector<16xf32>
        %parallel_loop3A_883 = arith.constant 0.000000e+00 : f32
        %parallel_loop3A_884 = vector.broadcast %parallel_loop3A_883 : f32 to vector<16xf32>
        %parallel_loop3A_885 = arith.maximumf %parallel_loop3A_882, %parallel_loop3A_884 : vector<16xf32>
        %parallel_loop3A_886 = arith.constant 1.260000e+02 : f32
        %parallel_loop3A_887 = vector.broadcast %parallel_loop3A_886 : f32 to vector<16xf32>
        %parallel_loop3A_888 = arith.minimumf %parallel_loop3A_885, %parallel_loop3A_887 : vector<16xf32>
        %parallel_loop3A_889 = arith.fptosi %parallel_loop3A_888 : vector<16xf32> to vector<16xi32>
        %parallel_loop3A_890 = arith.sitofp %parallel_loop3A_889 : vector<16xi32> to vector<16xf32>
        %parallel_loop3A_891 = arith.subf %parallel_loop3A_882, %parallel_loop3A_890 : vector<16xf32>
        %parallel_loop3A_892 = tpu.vector_load_idx %arg6[%parallel_loop3A_889] : memref<128xf32, #tpu.memory_space<vmem>>[vector<16xi32>], vector<16xf32>,
        %parallel_loop3A_893 = tpu.vector_load_idx %arg7[%parallel_loop3A_889] : memref<128xf32, #tpu.memory_space<vmem>>[vector<16xi32>], vector<16xf32>,
        %parallel_loop3A_894 = arith.mulf %parallel_loop3A_891, %parallel_loop3A_893 : vector<16xf32>
        %parallel_loop3A_895 = arith.addf %parallel_loop3A_892, %parallel_loop3A_894 : vector<16xf32>
        %parallel_loop3A_896 = arith.constant 0 : i32
        %parallel_loop3A_897 = arith.index_cast %parallel_loop3A_896 : i32 to index
        %parallel_loop3A_898 = arith.index_cast %parallel_loop3A_872 : i32 to index
        %parallel_loop3A_899 = tpu.vector_load %arg10[%parallel_loop3A_897, %parallel_loop3A_898] {strides = array<i32>} : memref<8x2048xf32, #tpu.memory_space<vmem>>, vector<16xf32>,
        tpu.vector_store %arg10[%parallel_loop3A_897, %parallel_loop3A_898], %parallel_loop3A_895 {strides = array<i32>} : memref<8x2048xf32, #tpu.memory_space<vmem>>, vector<16xf32>,
      } {sc.loop_unroll_factor = 4 : i64, sc.parallel_access}
      %parallel_loop3A_788 = arith.constant 0 : i32
      %parallel_loop3A_789 = arith.constant 2048 : i32
      %parallel_loop3A_790 = arith.constant 16 : i32
      scf.for %parallel_loop3A_872 = %parallel_loop3A_788 to %parallel_loop3A_789 step %parallel_loop3A_790  : i32 {
        %parallel_loop3A_873 = arith.constant 1 : i32
        %parallel_loop3A_874 = arith.index_cast %parallel_loop3A_873 : i32 to index
        %parallel_loop3A_875 = arith.index_cast %parallel_loop3A_872 : i32 to index
        %parallel_loop3A_876 = tpu.vector_load %arg8[%parallel_loop3A_874, %parallel_loop3A_875] {strides = array<i32>} : memref<8x2048xf32, #tpu.memory_space<vmem>>, vector<16xf32>,
        %parallel_loop3A_877 = arith.constant -3.000000e+00 : f32
        %parallel_loop3A_878 = vector.broadcast %parallel_loop3A_877 : f32 to vector<16xf32>
        %parallel_loop3A_879 = arith.subf %parallel_loop3A_876, %parallel_loop3A_878 : vector<16xf32>
        %parallel_loop3A_880 = arith.constant 21.166666 : f32
        %parallel_loop3A_881 = vector.broadcast %parallel_loop3A_880 : f32 to vector<16xf32>
        %parallel_loop3A_882 = arith.mulf %parallel_loop3A_879, %parallel_loop3A_881 : vector<16xf32>
        %parallel_loop3A_883 = arith.constant 0.000000e+00 : f32
        %parallel_loop3A_884 = vector.broadcast %parallel_loop3A_883 : f32 to vector<16xf32>
        %parallel_loop3A_885 = arith.maximumf %parallel_loop3A_882, %parallel_loop3A_884 : vector<16xf32>
        %parallel_loop3A_886 = arith.constant 1.260000e+02 : f32
        %parallel_loop3A_887 = vector.broadcast %parallel_loop3A_886 : f32 to vector<16xf32>
        %parallel_loop3A_888 = arith.minimumf %parallel_loop3A_885, %parallel_loop3A_887 : vector<16xf32>
        %parallel_loop3A_889 = arith.fptosi %parallel_loop3A_888 : vector<16xf32> to vector<16xi32>
        %parallel_loop3A_890 = arith.sitofp %parallel_loop3A_889 : vector<16xi32> to vector<16xf32>
        %parallel_loop3A_891 = arith.subf %parallel_loop3A_882, %parallel_loop3A_890 : vector<16xf32>
        %parallel_loop3A_892 = tpu.vector_load_idx %arg6[%parallel_loop3A_889] : memref<128xf32, #tpu.memory_space<vmem>>[vector<16xi32>], vector<16xf32>,
        %parallel_loop3A_893 = tpu.vector_load_idx %arg7[%parallel_loop3A_889] : memref<128xf32, #tpu.memory_space<vmem>>[vector<16xi32>], vector<16xf32>,
        %parallel_loop3A_894 = arith.mulf %parallel_loop3A_891, %parallel_loop3A_893 : vector<16xf32>
        %parallel_loop3A_895 = arith.addf %parallel_loop3A_892, %parallel_loop3A_894 : vector<16xf32>
        %parallel_loop3A_896 = arith.constant 1 : i32
        %parallel_loop3A_897 = arith.index_cast %parallel_loop3A_896 : i32 to index
        %parallel_loop3A_898 = arith.index_cast %parallel_loop3A_872 : i32 to index
        %parallel_loop3A_899 = tpu.vector_load %arg10[%parallel_loop3A_897, %parallel_loop3A_898] {strides = array<i32>} : memref<8x2048xf32, #tpu.memory_space<vmem>>, vector<16xf32>,
        tpu.vector_store %arg10[%parallel_loop3A_897, %parallel_loop3A_898], %parallel_loop3A_895 {strides = array<i32>} : memref<8x2048xf32, #tpu.memory_space<vmem>>, vector<16xf32>,
      } {sc.loop_unroll_factor = 4 : i64, sc.parallel_access}
      %parallel_loop3A_791 = arith.constant 0 : i32
      %parallel_loop3A_792 = arith.constant 2048 : i32
      %parallel_loop3A_793 = arith.constant 16 : i32
      scf.for %parallel_loop3A_872 = %parallel_loop3A_791 to %parallel_loop3A_792 step %parallel_loop3A_793  : i32 {
        %parallel_loop3A_873 = arith.constant 2 : i32
        %parallel_loop3A_874 = arith.index_cast %parallel_loop3A_873 : i32 to index
        %parallel_loop3A_875 = arith.index_cast %parallel_loop3A_872 : i32 to index
        %parallel_loop3A_876 = tpu.vector_load %arg8[%parallel_loop3A_874, %parallel_loop3A_875] {strides = array<i32>} : memref<8x2048xf32, #tpu.memory_space<vmem>>, vector<16xf32>,
        %parallel_loop3A_877 = arith.constant -3.000000e+00 : f32
        %parallel_loop3A_878 = vector.broadcast %parallel_loop3A_877 : f32 to vector<16xf32>
        %parallel_loop3A_879 = arith.subf %parallel_loop3A_876, %parallel_loop3A_878 : vector<16xf32>
        %parallel_loop3A_880 = arith.constant 21.166666 : f32
        %parallel_loop3A_881 = vector.broadcast %parallel_loop3A_880 : f32 to vector<16xf32>
        %parallel_loop3A_882 = arith.mulf %parallel_loop3A_879, %parallel_loop3A_881 : vector<16xf32>
        %parallel_loop3A_883 = arith.constant 0.000000e+00 : f32
        %parallel_loop3A_884 = vector.broadcast %parallel_loop3A_883 : f32 to vector<16xf32>
        %parallel_loop3A_885 = arith.maximumf %parallel_loop3A_882, %parallel_loop3A_884 : vector<16xf32>
        %parallel_loop3A_886 = arith.constant 1.260000e+02 : f32
        %parallel_loop3A_887 = vector.broadcast %parallel_loop3A_886 : f32 to vector<16xf32>
        %parallel_loop3A_888 = arith.minimumf %parallel_loop3A_885, %parallel_loop3A_887 : vector<16xf32>
        %parallel_loop3A_889 = arith.fptosi %parallel_loop3A_888 : vector<16xf32> to vector<16xi32>
        %parallel_loop3A_890 = arith.sitofp %parallel_loop3A_889 : vector<16xi32> to vector<16xf32>
        %parallel_loop3A_891 = arith.subf %parallel_loop3A_882, %parallel_loop3A_890 : vector<16xf32>
        %parallel_loop3A_892 = tpu.vector_load_idx %arg6[%parallel_loop3A_889] : memref<128xf32, #tpu.memory_space<vmem>>[vector<16xi32>], vector<16xf32>,
        %parallel_loop3A_893 = tpu.vector_load_idx %arg7[%parallel_loop3A_889] : memref<128xf32, #tpu.memory_space<vmem>>[vector<16xi32>], vector<16xf32>,
        %parallel_loop3A_894 = arith.mulf %parallel_loop3A_891, %parallel_loop3A_893 : vector<16xf32>
        %parallel_loop3A_895 = arith.addf %parallel_loop3A_892, %parallel_loop3A_894 : vector<16xf32>
        %parallel_loop3A_896 = arith.constant 2 : i32
        %parallel_loop3A_897 = arith.index_cast %parallel_loop3A_896 : i32 to index
        %parallel_loop3A_898 = arith.index_cast %parallel_loop3A_872 : i32 to index
        %parallel_loop3A_899 = tpu.vector_load %arg10[%parallel_loop3A_897, %parallel_loop3A_898] {strides = array<i32>} : memref<8x2048xf32, #tpu.memory_space<vmem>>, vector<16xf32>,
        tpu.vector_store %arg10[%parallel_loop3A_897, %parallel_loop3A_898], %parallel_loop3A_895 {strides = array<i32>} : memref<8x2048xf32, #tpu.memory_space<vmem>>, vector<16xf32>,
      } {sc.loop_unroll_factor = 4 : i64, sc.parallel_access}
      %parallel_loop3A_794 = arith.constant 0 : i32
      %parallel_loop3A_795 = arith.constant 2048 : i32
      %parallel_loop3A_796 = arith.constant 16 : i32
      scf.for %parallel_loop3A_872 = %parallel_loop3A_794 to %parallel_loop3A_795 step %parallel_loop3A_796  : i32 {
        %parallel_loop3A_873 = arith.constant 3 : i32
        %parallel_loop3A_874 = arith.index_cast %parallel_loop3A_873 : i32 to index
        %parallel_loop3A_875 = arith.index_cast %parallel_loop3A_872 : i32 to index
        %parallel_loop3A_876 = tpu.vector_load %arg8[%parallel_loop3A_874, %parallel_loop3A_875] {strides = array<i32>} : memref<8x2048xf32, #tpu.memory_space<vmem>>, vector<16xf32>,
        %parallel_loop3A_877 = arith.constant -3.000000e+00 : f32
        %parallel_loop3A_878 = vector.broadcast %parallel_loop3A_877 : f32 to vector<16xf32>
        %parallel_loop3A_879 = arith.subf %parallel_loop3A_876, %parallel_loop3A_878 : vector<16xf32>
        %parallel_loop3A_880 = arith.constant 21.166666 : f32
        %parallel_loop3A_881 = vector.broadcast %parallel_loop3A_880 : f32 to vector<16xf32>
        %parallel_loop3A_882 = arith.mulf %parallel_loop3A_879, %parallel_loop3A_881 : vector<16xf32>
        %parallel_loop3A_883 = arith.constant 0.000000e+00 : f32
        %parallel_loop3A_884 = vector.broadcast %parallel_loop3A_883 : f32 to vector<16xf32>
        %parallel_loop3A_885 = arith.maximumf %parallel_loop3A_882, %parallel_loop3A_884 : vector<16xf32>
        %parallel_loop3A_886 = arith.constant 1.260000e+02 : f32
        %parallel_loop3A_887 = vector.broadcast %parallel_loop3A_886 : f32 to vector<16xf32>
        %parallel_loop3A_888 = arith.minimumf %parallel_loop3A_885, %parallel_loop3A_887 : vector<16xf32>
        %parallel_loop3A_889 = arith.fptosi %parallel_loop3A_888 : vector<16xf32> to vector<16xi32>
        %parallel_loop3A_890 = arith.sitofp %parallel_loop3A_889 : vector<16xi32> to vector<16xf32>
        %parallel_loop3A_891 = arith.subf %parallel_loop3A_882, %parallel_loop3A_890 : vector<16xf32>
        %parallel_loop3A_892 = tpu.vector_load_idx %arg6[%parallel_loop3A_889] : memref<128xf32, #tpu.memory_space<vmem>>[vector<16xi32>], vector<16xf32>,
        %parallel_loop3A_893 = tpu.vector_load_idx %arg7[%parallel_loop3A_889] : memref<128xf32, #tpu.memory_space<vmem>>[vector<16xi32>], vector<16xf32>,
        %parallel_loop3A_894 = arith.mulf %parallel_loop3A_891, %parallel_loop3A_893 : vector<16xf32>
        %parallel_loop3A_895 = arith.addf %parallel_loop3A_892, %parallel_loop3A_894 : vector<16xf32>
        %parallel_loop3A_896 = arith.constant 3 : i32
        %parallel_loop3A_897 = arith.index_cast %parallel_loop3A_896 : i32 to index
        %parallel_loop3A_898 = arith.index_cast %parallel_loop3A_872 : i32 to index
        %parallel_loop3A_899 = tpu.vector_load %arg10[%parallel_loop3A_897, %parallel_loop3A_898] {strides = array<i32>} : memref<8x2048xf32, #tpu.memory_space<vmem>>, vector<16xf32>,
        tpu.vector_store %arg10[%parallel_loop3A_897, %parallel_loop3A_898], %parallel_loop3A_895 {strides = array<i32>} : memref<8x2048xf32, #tpu.memory_space<vmem>>, vector<16xf32>,
      } {sc.loop_unroll_factor = 4 : i64, sc.parallel_access}
      %parallel_loop3A_797 = arith.constant 0 : i32
      %parallel_loop3A_798 = arith.constant 2048 : i32
      %parallel_loop3A_799 = arith.constant 16 : i32
      scf.for %parallel_loop3A_872 = %parallel_loop3A_797 to %parallel_loop3A_798 step %parallel_loop3A_799  : i32 {
        %parallel_loop3A_873 = arith.constant 4 : i32
        %parallel_loop3A_874 = arith.index_cast %parallel_loop3A_873 : i32 to index
        %parallel_loop3A_875 = arith.index_cast %parallel_loop3A_872 : i32 to index
        %parallel_loop3A_876 = tpu.vector_load %arg8[%parallel_loop3A_874, %parallel_loop3A_875] {strides = array<i32>} : memref<8x2048xf32, #tpu.memory_space<vmem>>, vector<16xf32>,
        %parallel_loop3A_877 = arith.constant -3.000000e+00 : f32
        %parallel_loop3A_878 = vector.broadcast %parallel_loop3A_877 : f32 to vector<16xf32>
        %parallel_loop3A_879 = arith.subf %parallel_loop3A_876, %parallel_loop3A_878 : vector<16xf32>
        %parallel_loop3A_880 = arith.constant 21.166666 : f32
        %parallel_loop3A_881 = vector.broadcast %parallel_loop3A_880 : f32 to vector<16xf32>
        %parallel_loop3A_882 = arith.mulf %parallel_loop3A_879, %parallel_loop3A_881 : vector<16xf32>
        %parallel_loop3A_883 = arith.constant 0.000000e+00 : f32
        %parallel_loop3A_884 = vector.broadcast %parallel_loop3A_883 : f32 to vector<16xf32>
        %parallel_loop3A_885 = arith.maximumf %parallel_loop3A_882, %parallel_loop3A_884 : vector<16xf32>
        %parallel_loop3A_886 = arith.constant 1.260000e+02 : f32
        %parallel_loop3A_887 = vector.broadcast %parallel_loop3A_886 : f32 to vector<16xf32>
        %parallel_loop3A_888 = arith.minimumf %parallel_loop3A_885, %parallel_loop3A_887 : vector<16xf32>
        %parallel_loop3A_889 = arith.fptosi %parallel_loop3A_888 : vector<16xf32> to vector<16xi32>
        %parallel_loop3A_890 = arith.sitofp %parallel_loop3A_889 : vector<16xi32> to vector<16xf32>
        %parallel_loop3A_891 = arith.subf %parallel_loop3A_882, %parallel_loop3A_890 : vector<16xf32>
        %parallel_loop3A_892 = tpu.vector_load_idx %arg6[%parallel_loop3A_889] : memref<128xf32, #tpu.memory_space<vmem>>[vector<16xi32>], vector<16xf32>,
        %parallel_loop3A_893 = tpu.vector_load_idx %arg7[%parallel_loop3A_889] : memref<128xf32, #tpu.memory_space<vmem>>[vector<16xi32>], vector<16xf32>,
        %parallel_loop3A_894 = arith.mulf %parallel_loop3A_891, %parallel_loop3A_893 : vector<16xf32>
        %parallel_loop3A_895 = arith.addf %parallel_loop3A_892, %parallel_loop3A_894 : vector<16xf32>
        %parallel_loop3A_896 = arith.constant 4 : i32
        %parallel_loop3A_897 = arith.index_cast %parallel_loop3A_896 : i32 to index
        %parallel_loop3A_898 = arith.index_cast %parallel_loop3A_872 : i32 to index
        %parallel_loop3A_899 = tpu.vector_load %arg10[%parallel_loop3A_897, %parallel_loop3A_898] {strides = array<i32>} : memref<8x2048xf32, #tpu.memory_space<vmem>>, vector<16xf32>,
        tpu.vector_store %arg10[%parallel_loop3A_897, %parallel_loop3A_898], %parallel_loop3A_895 {strides = array<i32>} : memref<8x2048xf32, #tpu.memory_space<vmem>>, vector<16xf32>,
      } {sc.loop_unroll_factor = 4 : i64, sc.parallel_access}
      %parallel_loop3A_800 = arith.constant 0 : i32
      %parallel_loop3A_801 = arith.constant 2048 : i32
      %parallel_loop3A_802 = arith.constant 16 : i32
      scf.for %parallel_loop3A_872 = %parallel_loop3A_800 to %parallel_loop3A_801 step %parallel_loop3A_802  : i32 {
        %parallel_loop3A_873 = arith.constant 5 : i32
        %parallel_loop3A_874 = arith.index_cast %parallel_loop3A_873 : i32 to index
        %parallel_loop3A_875 = arith.index_cast %parallel_loop3A_872 : i32 to index
        %parallel_loop3A_876 = tpu.vector_load %arg8[%parallel_loop3A_874, %parallel_loop3A_875] {strides = array<i32>} : memref<8x2048xf32, #tpu.memory_space<vmem>>, vector<16xf32>,
        %parallel_loop3A_877 = arith.constant -3.000000e+00 : f32
        %parallel_loop3A_878 = vector.broadcast %parallel_loop3A_877 : f32 to vector<16xf32>
        %parallel_loop3A_879 = arith.subf %parallel_loop3A_876, %parallel_loop3A_878 : vector<16xf32>
        %parallel_loop3A_880 = arith.constant 21.166666 : f32
        %parallel_loop3A_881 = vector.broadcast %parallel_loop3A_880 : f32 to vector<16xf32>
        %parallel_loop3A_882 = arith.mulf %parallel_loop3A_879, %parallel_loop3A_881 : vector<16xf32>
        %parallel_loop3A_883 = arith.constant 0.000000e+00 : f32
        %parallel_loop3A_884 = vector.broadcast %parallel_loop3A_883 : f32 to vector<16xf32>
        %parallel_loop3A_885 = arith.maximumf %parallel_loop3A_882, %parallel_loop3A_884 : vector<16xf32>
        %parallel_loop3A_886 = arith.constant 1.260000e+02 : f32
        %parallel_loop3A_887 = vector.broadcast %parallel_loop3A_886 : f32 to vector<16xf32>
        %parallel_loop3A_888 = arith.minimumf %parallel_loop3A_885, %parallel_loop3A_887 : vector<16xf32>
        %parallel_loop3A_889 = arith.fptosi %parallel_loop3A_888 : vector<16xf32> to vector<16xi32>
        %parallel_loop3A_890 = arith.sitofp %parallel_loop3A_889 : vector<16xi32> to vector<16xf32>
        %parallel_loop3A_891 = arith.subf %parallel_loop3A_882, %parallel_loop3A_890 : vector<16xf32>
        %parallel_loop3A_892 = tpu.vector_load_idx %arg6[%parallel_loop3A_889] : memref<128xf32, #tpu.memory_space<vmem>>[vector<16xi32>], vector<16xf32>,
        %parallel_loop3A_893 = tpu.vector_load_idx %arg7[%parallel_loop3A_889] : memref<128xf32, #tpu.memory_space<vmem>>[vector<16xi32>], vector<16xf32>,
        %parallel_loop3A_894 = arith.mulf %parallel_loop3A_891, %parallel_loop3A_893 : vector<16xf32>
        %parallel_loop3A_895 = arith.addf %parallel_loop3A_892, %parallel_loop3A_894 : vector<16xf32>
        %parallel_loop3A_896 = arith.constant 5 : i32
        %parallel_loop3A_897 = arith.index_cast %parallel_loop3A_896 : i32 to index
        %parallel_loop3A_898 = arith.index_cast %parallel_loop3A_872 : i32 to index
        %parallel_loop3A_899 = tpu.vector_load %arg10[%parallel_loop3A_897, %parallel_loop3A_898] {strides = array<i32>} : memref<8x2048xf32, #tpu.memory_space<vmem>>, vector<16xf32>,
        tpu.vector_store %arg10[%parallel_loop3A_897, %parallel_loop3A_898], %parallel_loop3A_895 {strides = array<i32>} : memref<8x2048xf32, #tpu.memory_space<vmem>>, vector<16xf32>,
      } {sc.loop_unroll_factor = 4 : i64, sc.parallel_access}
      %parallel_loop3A_803 = arith.constant 0 : i32
      %parallel_loop3A_804 = arith.constant 2048 : i32
      %parallel_loop3A_805 = arith.constant 16 : i32
      scf.for %parallel_loop3A_872 = %parallel_loop3A_803 to %parallel_loop3A_804 step %parallel_loop3A_805  : i32 {
        %parallel_loop3A_873 = arith.constant 6 : i32
        %parallel_loop3A_874 = arith.index_cast %parallel_loop3A_873 : i32 to index
        %parallel_loop3A_875 = arith.index_cast %parallel_loop3A_872 : i32 to index
        %parallel_loop3A_876 = tpu.vector_load %arg8[%parallel_loop3A_874, %parallel_loop3A_875] {strides = array<i32>} : memref<8x2048xf32, #tpu.memory_space<vmem>>, vector<16xf32>,
        %parallel_loop3A_877 = arith.constant -3.000000e+00 : f32
        %parallel_loop3A_878 = vector.broadcast %parallel_loop3A_877 : f32 to vector<16xf32>
        %parallel_loop3A_879 = arith.subf %parallel_loop3A_876, %parallel_loop3A_878 : vector<16xf32>
        %parallel_loop3A_880 = arith.constant 21.166666 : f32
        %parallel_loop3A_881 = vector.broadcast %parallel_loop3A_880 : f32 to vector<16xf32>
        %parallel_loop3A_882 = arith.mulf %parallel_loop3A_879, %parallel_loop3A_881 : vector<16xf32>
        %parallel_loop3A_883 = arith.constant 0.000000e+00 : f32
        %parallel_loop3A_884 = vector.broadcast %parallel_loop3A_883 : f32 to vector<16xf32>
        %parallel_loop3A_885 = arith.maximumf %parallel_loop3A_882, %parallel_loop3A_884 : vector<16xf32>
        %parallel_loop3A_886 = arith.constant 1.260000e+02 : f32
        %parallel_loop3A_887 = vector.broadcast %parallel_loop3A_886 : f32 to vector<16xf32>
        %parallel_loop3A_888 = arith.minimumf %parallel_loop3A_885, %parallel_loop3A_887 : vector<16xf32>
        %parallel_loop3A_889 = arith.fptosi %parallel_loop3A_888 : vector<16xf32> to vector<16xi32>
        %parallel_loop3A_890 = arith.sitofp %parallel_loop3A_889 : vector<16xi32> to vector<16xf32>
        %parallel_loop3A_891 = arith.subf %parallel_loop3A_882, %parallel_loop3A_890 : vector<16xf32>
        %parallel_loop3A_892 = tpu.vector_load_idx %arg6[%parallel_loop3A_889] : memref<128xf32, #tpu.memory_space<vmem>>[vector<16xi32>], vector<16xf32>,
        %parallel_loop3A_893 = tpu.vector_load_idx %arg7[%parallel_loop3A_889] : memref<128xf32, #tpu.memory_space<vmem>>[vector<16xi32>], vector<16xf32>,
        %parallel_loop3A_894 = arith.mulf %parallel_loop3A_891, %parallel_loop3A_893 : vector<16xf32>
        %parallel_loop3A_895 = arith.addf %parallel_loop3A_892, %parallel_loop3A_894 : vector<16xf32>
        %parallel_loop3A_896 = arith.constant 6 : i32
        %parallel_loop3A_897 = arith.index_cast %parallel_loop3A_896 : i32 to index
        %parallel_loop3A_898 = arith.index_cast %parallel_loop3A_872 : i32 to index
        %parallel_loop3A_899 = tpu.vector_load %arg10[%parallel_loop3A_897, %parallel_loop3A_898] {strides = array<i32>} : memref<8x2048xf32, #tpu.memory_space<vmem>>, vector<16xf32>,
        tpu.vector_store %arg10[%parallel_loop3A_897, %parallel_loop3A_898], %parallel_loop3A_895 {strides = array<i32>} : memref<8x2048xf32, #tpu.memory_space<vmem>>, vector<16xf32>,
      } {sc.loop_unroll_factor = 4 : i64, sc.parallel_access}
      %parallel_loop3A_806 = arith.constant 0 : i32
      %parallel_loop3A_807 = arith.constant 2048 : i32
      %parallel_loop3A_808 = arith.constant 16 : i32
      scf.for %parallel_loop3A_872 = %parallel_loop3A_806 to %parallel_loop3A_807 step %parallel_loop3A_808  : i32 {
        %parallel_loop3A_873 = arith.constant 7 : i32
        %parallel_loop3A_874 = arith.index_cast %parallel_loop3A_873 : i32 to index
        %parallel_loop3A_875 = arith.index_cast %parallel_loop3A_872 : i32 to index
        %parallel_loop3A_876 = tpu.vector_load %arg8[%parallel_loop3A_874, %parallel_loop3A_875] {strides = array<i32>} : memref<8x2048xf32, #tpu.memory_space<vmem>>, vector<16xf32>,
        %parallel_loop3A_877 = arith.constant -3.000000e+00 : f32
        %parallel_loop3A_878 = vector.broadcast %parallel_loop3A_877 : f32 to vector<16xf32>
        %parallel_loop3A_879 = arith.subf %parallel_loop3A_876, %parallel_loop3A_878 : vector<16xf32>
        %parallel_loop3A_880 = arith.constant 21.166666 : f32
        %parallel_loop3A_881 = vector.broadcast %parallel_loop3A_880 : f32 to vector<16xf32>
        %parallel_loop3A_882 = arith.mulf %parallel_loop3A_879, %parallel_loop3A_881 : vector<16xf32>
        %parallel_loop3A_883 = arith.constant 0.000000e+00 : f32
        %parallel_loop3A_884 = vector.broadcast %parallel_loop3A_883 : f32 to vector<16xf32>
        %parallel_loop3A_885 = arith.maximumf %parallel_loop3A_882, %parallel_loop3A_884 : vector<16xf32>
        %parallel_loop3A_886 = arith.constant 1.260000e+02 : f32
        %parallel_loop3A_887 = vector.broadcast %parallel_loop3A_886 : f32 to vector<16xf32>
        %parallel_loop3A_888 = arith.minimumf %parallel_loop3A_885, %parallel_loop3A_887 : vector<16xf32>
        %parallel_loop3A_889 = arith.fptosi %parallel_loop3A_888 : vector<16xf32> to vector<16xi32>
        %parallel_loop3A_890 = arith.sitofp %parallel_loop3A_889 : vector<16xi32> to vector<16xf32>
        %parallel_loop3A_891 = arith.subf %parallel_loop3A_882, %parallel_loop3A_890 : vector<16xf32>
        %parallel_loop3A_892 = tpu.vector_load_idx %arg6[%parallel_loop3A_889] : memref<128xf32, #tpu.memory_space<vmem>>[vector<16xi32>], vector<16xf32>,
        %parallel_loop3A_893 = tpu.vector_load_idx %arg7[%parallel_loop3A_889] : memref<128xf32, #tpu.memory_space<vmem>>[vector<16xi32>], vector<16xf32>,
        %parallel_loop3A_894 = arith.mulf %parallel_loop3A_891, %parallel_loop3A_893 : vector<16xf32>
        %parallel_loop3A_895 = arith.addf %parallel_loop3A_892, %parallel_loop3A_894 : vector<16xf32>
        %parallel_loop3A_896 = arith.constant 7 : i32
        %parallel_loop3A_897 = arith.index_cast %parallel_loop3A_896 : i32 to index
        %parallel_loop3A_898 = arith.index_cast %parallel_loop3A_872 : i32 to index
        %parallel_loop3A_899 = tpu.vector_load %arg10[%parallel_loop3A_897, %parallel_loop3A_898] {strides = array<i32>} : memref<8x2048xf32, #tpu.memory_space<vmem>>, vector<16xf32>,
        tpu.vector_store %arg10[%parallel_loop3A_897, %parallel_loop3A_898], %parallel_loop3A_895 {strides = array<i32>} : memref<8x2048xf32, #tpu.memory_space<vmem>>, vector<16xf32>,
      } {sc.loop_unroll_factor = 4 : i64, sc.parallel_access}
      %mul3A_809 = arith.constant 8 : i32
      %mul3A_810 = arith.muli %scan3A_776, %mul3A_809 : i32
      %add3A_811 = arith.addi %mul3A_2, %mul3A_810 : i32
      %dma_start3A_812 = arith.constant 0 : i32
      %dma_start3A_813 = tpu.memref_slice %arg4[%add3A_811, %dma_start3A_812] : memref<2048x4096xf32, #tpu.memory_space<hbm>> -> memref<8x2048xf32, #tpu.memory_space<hbm>>
      %dma_start3A_814 = arith.constant 0 : i32
      %dma_start3A_815 = tpu.memref_slice %arg4[%add3A_811, %dma_start3A_814] : memref<2048x4096xf32, #tpu.memory_space<hbm>> -> memref<8x2048xf32, #tpu.memory_space<hbm>>
      tpu.enqueue_dma source(%arg10 : memref<8x2048xf32, #tpu.memory_space<vmem>>) target(%dma_start3A_815 : memref<8x2048xf32, #tpu.memory_space<hbm>>) target_semaphore(%arg14 : memref<!tpu.dma_semaphore, #tpu.memory_space<semaphore_mem>>)
      %add3A_816 = arith.constant 1 : i32
      %add3A_817 = arith.addi %scan3A_776, %add3A_816 : i32
      %lt3A = arith.constant 8 : i32
      %lt3A_818 = arith.cmpi slt, %add3A_817, %lt3A : i32
      %convert_element_type3A_819 = arith.extui %lt3A_818 : i1 to i32
      %cond3A_820 = arith.constant 0 : i32
      %cond3A_821 = arith.cmpi ne, %convert_element_type3A_819, %cond3A_820 : i32
      scf.if %cond3A_821 {
        %add3A_872 = arith.constant 1 : i32
        %add3A_873 = arith.addi %scan3A_776, %add3A_872 : i32
        %mul3A_874 = arith.constant 8 : i32
        %mul3A_875 = arith.muli %add3A_873, %mul3A_874 : i32
        %add3A_876 = arith.addi %mul3A_2, %mul3A_875 : i32
        %dma_start3A_877 = arith.constant 0 : i32
        %dma_start3A_878 = tpu.memref_slice %arg2[%add3A_876, %dma_start3A_877] : memref<2048x4096xf32, #tpu.memory_space<hbm>> -> memref<8x2048xf32, #tpu.memory_space<hbm>>
        %dma_start3A_879 = arith.constant 0 : i32
        %dma_start3A_880 = tpu.memref_slice %arg2[%add3A_876, %dma_start3A_879] : memref<2048x4096xf32, #tpu.memory_space<hbm>> -> memref<8x2048xf32, #tpu.memory_space<hbm>>
        tpu.enqueue_dma source(%dma_start3A_880 : memref<8x2048xf32, #tpu.memory_space<hbm>>) target(%arg8 : memref<8x2048xf32, #tpu.memory_space<vmem>>) target_semaphore(%arg12 : memref<!tpu.dma_semaphore, #tpu.memory_space<semaphore_mem>>)
      } else {
      }
      %mul3A_822 = arith.constant 8 : i32
      %mul3A_823 = arith.muli %scan3A_776, %mul3A_822 : i32
      %add3A_824 = arith.addi %mul3A_2, %mul3A_823 : i32
      %dma_wait3A_825 = arith.constant 2048 : i32
      %dma_wait3A_826 = tpu.memref_slice %arg2[%add3A_824, %dma_wait3A_825] : memref<2048x4096xf32, #tpu.memory_space<hbm>> -> memref<8x2048xf32, #tpu.memory_space<hbm>>
      %dma_wait3A_827 = arith.constant 2048 : i32
      %dma_wait3A_828 = tpu.memref_slice %arg2[%add3A_824, %dma_wait3A_827] : memref<2048x4096xf32, #tpu.memory_space<hbm>> -> memref<8x2048xf32, #tpu.memory_space<hbm>>
      tpu.wait_dma2 semaphore(%arg13 : memref<!tpu.dma_semaphore, #tpu.memory_space<semaphore_mem>>) src(%dma_wait3A_828 : memref<8x2048xf32, #tpu.memory_space<hbm>>) dst(%arg9 : memref<8x2048xf32, #tpu.memory_space<vmem>>)
      %gt3A_829 = arith.constant 0 : i32
      %gt3A_830 = arith.cmpi sgt, %scan3A_776, %gt3A_829 : i32
      %convert_element_type3A_831 = arith.extui %gt3A_830 : i1 to i32
      %cond3A_832 = arith.constant 0 : i32
      %cond3A_833 = arith.cmpi ne, %convert_element_type3A_831, %cond3A_832 : i32
      scf.if %cond3A_833 {
        %mul3A_872 = arith.constant 8 : i32
        %mul3A_873 = arith.muli %scan3A_776, %mul3A_872 : i32
        %add3A_874 = arith.addi %mul3A_2, %mul3A_873 : i32
        %dma_wait3A_875 = arith.constant 2048 : i32
        %dma_wait3A_876 = tpu.memref_slice %arg4[%add3A_874, %dma_wait3A_875] : memref<2048x4096xf32, #tpu.memory_space<hbm>> -> memref<8x2048xf32, #tpu.memory_space<hbm>>
        %dma_wait3A_877 = arith.constant 2048 : i32
        %dma_wait3A_878 = tpu.memref_slice %arg4[%add3A_874, %dma_wait3A_877] : memref<2048x4096xf32, #tpu.memory_space<hbm>> -> memref<8x2048xf32, #tpu.memory_space<hbm>>
        tpu.wait_dma2 semaphore(%arg15 : memref<!tpu.dma_semaphore, #tpu.memory_space<semaphore_mem>>) src(%arg11 : memref<8x2048xf32, #tpu.memory_space<vmem>>) dst(%dma_wait3A_878 : memref<8x2048xf32, #tpu.memory_space<hbm>>)
      } else {
      }
      %parallel_loop3A_834 = arith.constant 0 : i32
      %parallel_loop3A_835 = arith.constant 2048 : i32
      %parallel_loop3A_836 = arith.constant 16 : i32
      scf.for %parallel_loop3A_872 = %parallel_loop3A_834 to %parallel_loop3A_835 step %parallel_loop3A_836  : i32 {
        %parallel_loop3A_873 = arith.constant 0 : i32
        %parallel_loop3A_874 = arith.index_cast %parallel_loop3A_873 : i32 to index
        %parallel_loop3A_875 = arith.index_cast %parallel_loop3A_872 : i32 to index
        %parallel_loop3A_876 = tpu.vector_load %arg9[%parallel_loop3A_874, %parallel_loop3A_875] {strides = array<i32>} : memref<8x2048xf32, #tpu.memory_space<vmem>>, vector<16xf32>,
        %parallel_loop3A_877 = arith.constant -3.000000e+00 : f32
        %parallel_loop3A_878 = vector.broadcast %parallel_loop3A_877 : f32 to vector<16xf32>
        %parallel_loop3A_879 = arith.subf %parallel_loop3A_876, %parallel_loop3A_878 : vector<16xf32>
        %parallel_loop3A_880 = arith.constant 21.166666 : f32
        %parallel_loop3A_881 = vector.broadcast %parallel_loop3A_880 : f32 to vector<16xf32>
        %parallel_loop3A_882 = arith.mulf %parallel_loop3A_879, %parallel_loop3A_881 : vector<16xf32>
        %parallel_loop3A_883 = arith.constant 0.000000e+00 : f32
        %parallel_loop3A_884 = vector.broadcast %parallel_loop3A_883 : f32 to vector<16xf32>
        %parallel_loop3A_885 = arith.maximumf %parallel_loop3A_882, %parallel_loop3A_884 : vector<16xf32>
        %parallel_loop3A_886 = arith.constant 1.260000e+02 : f32
        %parallel_loop3A_887 = vector.broadcast %parallel_loop3A_886 : f32 to vector<16xf32>
        %parallel_loop3A_888 = arith.minimumf %parallel_loop3A_885, %parallel_loop3A_887 : vector<16xf32>
        %parallel_loop3A_889 = arith.fptosi %parallel_loop3A_888 : vector<16xf32> to vector<16xi32>
        %parallel_loop3A_890 = arith.sitofp %parallel_loop3A_889 : vector<16xi32> to vector<16xf32>
        %parallel_loop3A_891 = arith.subf %parallel_loop3A_882, %parallel_loop3A_890 : vector<16xf32>
        %parallel_loop3A_892 = tpu.vector_load_idx %arg6[%parallel_loop3A_889] : memref<128xf32, #tpu.memory_space<vmem>>[vector<16xi32>], vector<16xf32>,
        %parallel_loop3A_893 = tpu.vector_load_idx %arg7[%parallel_loop3A_889] : memref<128xf32, #tpu.memory_space<vmem>>[vector<16xi32>], vector<16xf32>,
        %parallel_loop3A_894 = arith.mulf %parallel_loop3A_891, %parallel_loop3A_893 : vector<16xf32>
        %parallel_loop3A_895 = arith.addf %parallel_loop3A_892, %parallel_loop3A_894 : vector<16xf32>
        %parallel_loop3A_896 = arith.constant 0 : i32
        %parallel_loop3A_897 = arith.index_cast %parallel_loop3A_896 : i32 to index
        %parallel_loop3A_898 = arith.index_cast %parallel_loop3A_872 : i32 to index
        %parallel_loop3A_899 = tpu.vector_load %arg11[%parallel_loop3A_897, %parallel_loop3A_898] {strides = array<i32>} : memref<8x2048xf32, #tpu.memory_space<vmem>>, vector<16xf32>,
        tpu.vector_store %arg11[%parallel_loop3A_897, %parallel_loop3A_898], %parallel_loop3A_895 {strides = array<i32>} : memref<8x2048xf32, #tpu.memory_space<vmem>>, vector<16xf32>,
      } {sc.loop_unroll_factor = 4 : i64, sc.parallel_access}
      %parallel_loop3A_837 = arith.constant 0 : i32
      %parallel_loop3A_838 = arith.constant 2048 : i32
      %parallel_loop3A_839 = arith.constant 16 : i32
      scf.for %parallel_loop3A_872 = %parallel_loop3A_837 to %parallel_loop3A_838 step %parallel_loop3A_839  : i32 {
        %parallel_loop3A_873 = arith.constant 1 : i32
        %parallel_loop3A_874 = arith.index_cast %parallel_loop3A_873 : i32 to index
        %parallel_loop3A_875 = arith.index_cast %parallel_loop3A_872 : i32 to index
        %parallel_loop3A_876 = tpu.vector_load %arg9[%parallel_loop3A_874, %parallel_loop3A_875] {strides = array<i32>} : memref<8x2048xf32, #tpu.memory_space<vmem>>, vector<16xf32>,
        %parallel_loop3A_877 = arith.constant -3.000000e+00 : f32
        %parallel_loop3A_878 = vector.broadcast %parallel_loop3A_877 : f32 to vector<16xf32>
        %parallel_loop3A_879 = arith.subf %parallel_loop3A_876, %parallel_loop3A_878 : vector<16xf32>
        %parallel_loop3A_880 = arith.constant 21.166666 : f32
        %parallel_loop3A_881 = vector.broadcast %parallel_loop3A_880 : f32 to vector<16xf32>
        %parallel_loop3A_882 = arith.mulf %parallel_loop3A_879, %parallel_loop3A_881 : vector<16xf32>
        %parallel_loop3A_883 = arith.constant 0.000000e+00 : f32
        %parallel_loop3A_884 = vector.broadcast %parallel_loop3A_883 : f32 to vector<16xf32>
        %parallel_loop3A_885 = arith.maximumf %parallel_loop3A_882, %parallel_loop3A_884 : vector<16xf32>
        %parallel_loop3A_886 = arith.constant 1.260000e+02 : f32
        %parallel_loop3A_887 = vector.broadcast %parallel_loop3A_886 : f32 to vector<16xf32>
        %parallel_loop3A_888 = arith.minimumf %parallel_loop3A_885, %parallel_loop3A_887 : vector<16xf32>
        %parallel_loop3A_889 = arith.fptosi %parallel_loop3A_888 : vector<16xf32> to vector<16xi32>
        %parallel_loop3A_890 = arith.sitofp %parallel_loop3A_889 : vector<16xi32> to vector<16xf32>
        %parallel_loop3A_891 = arith.subf %parallel_loop3A_882, %parallel_loop3A_890 : vector<16xf32>
        %parallel_loop3A_892 = tpu.vector_load_idx %arg6[%parallel_loop3A_889] : memref<128xf32, #tpu.memory_space<vmem>>[vector<16xi32>], vector<16xf32>,
        %parallel_loop3A_893 = tpu.vector_load_idx %arg7[%parallel_loop3A_889] : memref<128xf32, #tpu.memory_space<vmem>>[vector<16xi32>], vector<16xf32>,
        %parallel_loop3A_894 = arith.mulf %parallel_loop3A_891, %parallel_loop3A_893 : vector<16xf32>
        %parallel_loop3A_895 = arith.addf %parallel_loop3A_892, %parallel_loop3A_894 : vector<16xf32>
        %parallel_loop3A_896 = arith.constant 1 : i32
        %parallel_loop3A_897 = arith.index_cast %parallel_loop3A_896 : i32 to index
        %parallel_loop3A_898 = arith.index_cast %parallel_loop3A_872 : i32 to index
        %parallel_loop3A_899 = tpu.vector_load %arg11[%parallel_loop3A_897, %parallel_loop3A_898] {strides = array<i32>} : memref<8x2048xf32, #tpu.memory_space<vmem>>, vector<16xf32>,
        tpu.vector_store %arg11[%parallel_loop3A_897, %parallel_loop3A_898], %parallel_loop3A_895 {strides = array<i32>} : memref<8x2048xf32, #tpu.memory_space<vmem>>, vector<16xf32>,
      } {sc.loop_unroll_factor = 4 : i64, sc.parallel_access}
      %parallel_loop3A_840 = arith.constant 0 : i32
      %parallel_loop3A_841 = arith.constant 2048 : i32
      %parallel_loop3A_842 = arith.constant 16 : i32
      scf.for %parallel_loop3A_872 = %parallel_loop3A_840 to %parallel_loop3A_841 step %parallel_loop3A_842  : i32 {
        %parallel_loop3A_873 = arith.constant 2 : i32
        %parallel_loop3A_874 = arith.index_cast %parallel_loop3A_873 : i32 to index
        %parallel_loop3A_875 = arith.index_cast %parallel_loop3A_872 : i32 to index
        %parallel_loop3A_876 = tpu.vector_load %arg9[%parallel_loop3A_874, %parallel_loop3A_875] {strides = array<i32>} : memref<8x2048xf32, #tpu.memory_space<vmem>>, vector<16xf32>,
        %parallel_loop3A_877 = arith.constant -3.000000e+00 : f32
        %parallel_loop3A_878 = vector.broadcast %parallel_loop3A_877 : f32 to vector<16xf32>
        %parallel_loop3A_879 = arith.subf %parallel_loop3A_876, %parallel_loop3A_878 : vector<16xf32>
        %parallel_loop3A_880 = arith.constant 21.166666 : f32
        %parallel_loop3A_881 = vector.broadcast %parallel_loop3A_880 : f32 to vector<16xf32>
        %parallel_loop3A_882 = arith.mulf %parallel_loop3A_879, %parallel_loop3A_881 : vector<16xf32>
        %parallel_loop3A_883 = arith.constant 0.000000e+00 : f32
        %parallel_loop3A_884 = vector.broadcast %parallel_loop3A_883 : f32 to vector<16xf32>
        %parallel_loop3A_885 = arith.maximumf %parallel_loop3A_882, %parallel_loop3A_884 : vector<16xf32>
        %parallel_loop3A_886 = arith.constant 1.260000e+02 : f32
        %parallel_loop3A_887 = vector.broadcast %parallel_loop3A_886 : f32 to vector<16xf32>
        %parallel_loop3A_888 = arith.minimumf %parallel_loop3A_885, %parallel_loop3A_887 : vector<16xf32>
        %parallel_loop3A_889 = arith.fptosi %parallel_loop3A_888 : vector<16xf32> to vector<16xi32>
        %parallel_loop3A_890 = arith.sitofp %parallel_loop3A_889 : vector<16xi32> to vector<16xf32>
        %parallel_loop3A_891 = arith.subf %parallel_loop3A_882, %parallel_loop3A_890 : vector<16xf32>
        %parallel_loop3A_892 = tpu.vector_load_idx %arg6[%parallel_loop3A_889] : memref<128xf32, #tpu.memory_space<vmem>>[vector<16xi32>], vector<16xf32>,
        %parallel_loop3A_893 = tpu.vector_load_idx %arg7[%parallel_loop3A_889] : memref<128xf32, #tpu.memory_space<vmem>>[vector<16xi32>], vector<16xf32>,
        %parallel_loop3A_894 = arith.mulf %parallel_loop3A_891, %parallel_loop3A_893 : vector<16xf32>
        %parallel_loop3A_895 = arith.addf %parallel_loop3A_892, %parallel_loop3A_894 : vector<16xf32>
        %parallel_loop3A_896 = arith.constant 2 : i32
        %parallel_loop3A_897 = arith.index_cast %parallel_loop3A_896 : i32 to index
        %parallel_loop3A_898 = arith.index_cast %parallel_loop3A_872 : i32 to index
        %parallel_loop3A_899 = tpu.vector_load %arg11[%parallel_loop3A_897, %parallel_loop3A_898] {strides = array<i32>} : memref<8x2048xf32, #tpu.memory_space<vmem>>, vector<16xf32>,
        tpu.vector_store %arg11[%parallel_loop3A_897, %parallel_loop3A_898], %parallel_loop3A_895 {strides = array<i32>} : memref<8x2048xf32, #tpu.memory_space<vmem>>, vector<16xf32>,
      } {sc.loop_unroll_factor = 4 : i64, sc.parallel_access}
      %parallel_loop3A_843 = arith.constant 0 : i32
      %parallel_loop3A_844 = arith.constant 2048 : i32
      %parallel_loop3A_845 = arith.constant 16 : i32
      scf.for %parallel_loop3A_872 = %parallel_loop3A_843 to %parallel_loop3A_844 step %parallel_loop3A_845  : i32 {
        %parallel_loop3A_873 = arith.constant 3 : i32
        %parallel_loop3A_874 = arith.index_cast %parallel_loop3A_873 : i32 to index
        %parallel_loop3A_875 = arith.index_cast %parallel_loop3A_872 : i32 to index
        %parallel_loop3A_876 = tpu.vector_load %arg9[%parallel_loop3A_874, %parallel_loop3A_875] {strides = array<i32>} : memref<8x2048xf32, #tpu.memory_space<vmem>>, vector<16xf32>,
        %parallel_loop3A_877 = arith.constant -3.000000e+00 : f32
        %parallel_loop3A_878 = vector.broadcast %parallel_loop3A_877 : f32 to vector<16xf32>
        %parallel_loop3A_879 = arith.subf %parallel_loop3A_876, %parallel_loop3A_878 : vector<16xf32>
        %parallel_loop3A_880 = arith.constant 21.166666 : f32
        %parallel_loop3A_881 = vector.broadcast %parallel_loop3A_880 : f32 to vector<16xf32>
        %parallel_loop3A_882 = arith.mulf %parallel_loop3A_879, %parallel_loop3A_881 : vector<16xf32>
        %parallel_loop3A_883 = arith.constant 0.000000e+00 : f32
        %parallel_loop3A_884 = vector.broadcast %parallel_loop3A_883 : f32 to vector<16xf32>
        %parallel_loop3A_885 = arith.maximumf %parallel_loop3A_882, %parallel_loop3A_884 : vector<16xf32>
        %parallel_loop3A_886 = arith.constant 1.260000e+02 : f32
        %parallel_loop3A_887 = vector.broadcast %parallel_loop3A_886 : f32 to vector<16xf32>
        %parallel_loop3A_888 = arith.minimumf %parallel_loop3A_885, %parallel_loop3A_887 : vector<16xf32>
        %parallel_loop3A_889 = arith.fptosi %parallel_loop3A_888 : vector<16xf32> to vector<16xi32>
        %parallel_loop3A_890 = arith.sitofp %parallel_loop3A_889 : vector<16xi32> to vector<16xf32>
        %parallel_loop3A_891 = arith.subf %parallel_loop3A_882, %parallel_loop3A_890 : vector<16xf32>
        %parallel_loop3A_892 = tpu.vector_load_idx %arg6[%parallel_loop3A_889] : memref<128xf32, #tpu.memory_space<vmem>>[vector<16xi32>], vector<16xf32>,
        %parallel_loop3A_893 = tpu.vector_load_idx %arg7[%parallel_loop3A_889] : memref<128xf32, #tpu.memory_space<vmem>>[vector<16xi32>], vector<16xf32>,
        %parallel_loop3A_894 = arith.mulf %parallel_loop3A_891, %parallel_loop3A_893 : vector<16xf32>
        %parallel_loop3A_895 = arith.addf %parallel_loop3A_892, %parallel_loop3A_894 : vector<16xf32>
        %parallel_loop3A_896 = arith.constant 3 : i32
        %parallel_loop3A_897 = arith.index_cast %parallel_loop3A_896 : i32 to index
        %parallel_loop3A_898 = arith.index_cast %parallel_loop3A_872 : i32 to index
        %parallel_loop3A_899 = tpu.vector_load %arg11[%parallel_loop3A_897, %parallel_loop3A_898] {strides = array<i32>} : memref<8x2048xf32, #tpu.memory_space<vmem>>, vector<16xf32>,
        tpu.vector_store %arg11[%parallel_loop3A_897, %parallel_loop3A_898], %parallel_loop3A_895 {strides = array<i32>} : memref<8x2048xf32, #tpu.memory_space<vmem>>, vector<16xf32>,
      } {sc.loop_unroll_factor = 4 : i64, sc.parallel_access}
      %parallel_loop3A_846 = arith.constant 0 : i32
      %parallel_loop3A_847 = arith.constant 2048 : i32
      %parallel_loop3A_848 = arith.constant 16 : i32
      scf.for %parallel_loop3A_872 = %parallel_loop3A_846 to %parallel_loop3A_847 step %parallel_loop3A_848  : i32 {
        %parallel_loop3A_873 = arith.constant 4 : i32
        %parallel_loop3A_874 = arith.index_cast %parallel_loop3A_873 : i32 to index
        %parallel_loop3A_875 = arith.index_cast %parallel_loop3A_872 : i32 to index
        %parallel_loop3A_876 = tpu.vector_load %arg9[%parallel_loop3A_874, %parallel_loop3A_875] {strides = array<i32>} : memref<8x2048xf32, #tpu.memory_space<vmem>>, vector<16xf32>,
        %parallel_loop3A_877 = arith.constant -3.000000e+00 : f32
        %parallel_loop3A_878 = vector.broadcast %parallel_loop3A_877 : f32 to vector<16xf32>
        %parallel_loop3A_879 = arith.subf %parallel_loop3A_876, %parallel_loop3A_878 : vector<16xf32>
        %parallel_loop3A_880 = arith.constant 21.166666 : f32
        %parallel_loop3A_881 = vector.broadcast %parallel_loop3A_880 : f32 to vector<16xf32>
        %parallel_loop3A_882 = arith.mulf %parallel_loop3A_879, %parallel_loop3A_881 : vector<16xf32>
        %parallel_loop3A_883 = arith.constant 0.000000e+00 : f32
        %parallel_loop3A_884 = vector.broadcast %parallel_loop3A_883 : f32 to vector<16xf32>
        %parallel_loop3A_885 = arith.maximumf %parallel_loop3A_882, %parallel_loop3A_884 : vector<16xf32>
        %parallel_loop3A_886 = arith.constant 1.260000e+02 : f32
        %parallel_loop3A_887 = vector.broadcast %parallel_loop3A_886 : f32 to vector<16xf32>
        %parallel_loop3A_888 = arith.minimumf %parallel_loop3A_885, %parallel_loop3A_887 : vector<16xf32>
        %parallel_loop3A_889 = arith.fptosi %parallel_loop3A_888 : vector<16xf32> to vector<16xi32>
        %parallel_loop3A_890 = arith.sitofp %parallel_loop3A_889 : vector<16xi32> to vector<16xf32>
        %parallel_loop3A_891 = arith.subf %parallel_loop3A_882, %parallel_loop3A_890 : vector<16xf32>
        %parallel_loop3A_892 = tpu.vector_load_idx %arg6[%parallel_loop3A_889] : memref<128xf32, #tpu.memory_space<vmem>>[vector<16xi32>], vector<16xf32>,
        %parallel_loop3A_893 = tpu.vector_load_idx %arg7[%parallel_loop3A_889] : memref<128xf32, #tpu.memory_space<vmem>>[vector<16xi32>], vector<16xf32>,
        %parallel_loop3A_894 = arith.mulf %parallel_loop3A_891, %parallel_loop3A_893 : vector<16xf32>
        %parallel_loop3A_895 = arith.addf %parallel_loop3A_892, %parallel_loop3A_894 : vector<16xf32>
        %parallel_loop3A_896 = arith.constant 4 : i32
        %parallel_loop3A_897 = arith.index_cast %parallel_loop3A_896 : i32 to index
        %parallel_loop3A_898 = arith.index_cast %parallel_loop3A_872 : i32 to index
        %parallel_loop3A_899 = tpu.vector_load %arg11[%parallel_loop3A_897, %parallel_loop3A_898] {strides = array<i32>} : memref<8x2048xf32, #tpu.memory_space<vmem>>, vector<16xf32>,
        tpu.vector_store %arg11[%parallel_loop3A_897, %parallel_loop3A_898], %parallel_loop3A_895 {strides = array<i32>} : memref<8x2048xf32, #tpu.memory_space<vmem>>, vector<16xf32>,
      } {sc.loop_unroll_factor = 4 : i64, sc.parallel_access}
      %parallel_loop3A_849 = arith.constant 0 : i32
      %parallel_loop3A_850 = arith.constant 2048 : i32
      %parallel_loop3A_851 = arith.constant 16 : i32
      scf.for %parallel_loop3A_872 = %parallel_loop3A_849 to %parallel_loop3A_850 step %parallel_loop3A_851  : i32 {
        %parallel_loop3A_873 = arith.constant 5 : i32
        %parallel_loop3A_874 = arith.index_cast %parallel_loop3A_873 : i32 to index
        %parallel_loop3A_875 = arith.index_cast %parallel_loop3A_872 : i32 to index
        %parallel_loop3A_876 = tpu.vector_load %arg9[%parallel_loop3A_874, %parallel_loop3A_875] {strides = array<i32>} : memref<8x2048xf32, #tpu.memory_space<vmem>>, vector<16xf32>,
        %parallel_loop3A_877 = arith.constant -3.000000e+00 : f32
        %parallel_loop3A_878 = vector.broadcast %parallel_loop3A_877 : f32 to vector<16xf32>
        %parallel_loop3A_879 = arith.subf %parallel_loop3A_876, %parallel_loop3A_878 : vector<16xf32>
        %parallel_loop3A_880 = arith.constant 21.166666 : f32
        %parallel_loop3A_881 = vector.broadcast %parallel_loop3A_880 : f32 to vector<16xf32>
        %parallel_loop3A_882 = arith.mulf %parallel_loop3A_879, %parallel_loop3A_881 : vector<16xf32>
        %parallel_loop3A_883 = arith.constant 0.000000e+00 : f32
        %parallel_loop3A_884 = vector.broadcast %parallel_loop3A_883 : f32 to vector<16xf32>
        %parallel_loop3A_885 = arith.maximumf %parallel_loop3A_882, %parallel_loop3A_884 : vector<16xf32>
        %parallel_loop3A_886 = arith.constant 1.260000e+02 : f32
        %parallel_loop3A_887 = vector.broadcast %parallel_loop3A_886 : f32 to vector<16xf32>
        %parallel_loop3A_888 = arith.minimumf %parallel_loop3A_885, %parallel_loop3A_887 : vector<16xf32>
        %parallel_loop3A_889 = arith.fptosi %parallel_loop3A_888 : vector<16xf32> to vector<16xi32>
        %parallel_loop3A_890 = arith.sitofp %parallel_loop3A_889 : vector<16xi32> to vector<16xf32>
        %parallel_loop3A_891 = arith.subf %parallel_loop3A_882, %parallel_loop3A_890 : vector<16xf32>
        %parallel_loop3A_892 = tpu.vector_load_idx %arg6[%parallel_loop3A_889] : memref<128xf32, #tpu.memory_space<vmem>>[vector<16xi32>], vector<16xf32>,
        %parallel_loop3A_893 = tpu.vector_load_idx %arg7[%parallel_loop3A_889] : memref<128xf32, #tpu.memory_space<vmem>>[vector<16xi32>], vector<16xf32>,
        %parallel_loop3A_894 = arith.mulf %parallel_loop3A_891, %parallel_loop3A_893 : vector<16xf32>
        %parallel_loop3A_895 = arith.addf %parallel_loop3A_892, %parallel_loop3A_894 : vector<16xf32>
        %parallel_loop3A_896 = arith.constant 5 : i32
        %parallel_loop3A_897 = arith.index_cast %parallel_loop3A_896 : i32 to index
        %parallel_loop3A_898 = arith.index_cast %parallel_loop3A_872 : i32 to index
        %parallel_loop3A_899 = tpu.vector_load %arg11[%parallel_loop3A_897, %parallel_loop3A_898] {strides = array<i32>} : memref<8x2048xf32, #tpu.memory_space<vmem>>, vector<16xf32>,
        tpu.vector_store %arg11[%parallel_loop3A_897, %parallel_loop3A_898], %parallel_loop3A_895 {strides = array<i32>} : memref<8x2048xf32, #tpu.memory_space<vmem>>, vector<16xf32>,
      } {sc.loop_unroll_factor = 4 : i64, sc.parallel_access}
      %parallel_loop3A_852 = arith.constant 0 : i32
      %parallel_loop3A_853 = arith.constant 2048 : i32
      %parallel_loop3A_854 = arith.constant 16 : i32
      scf.for %parallel_loop3A_872 = %parallel_loop3A_852 to %parallel_loop3A_853 step %parallel_loop3A_854  : i32 {
        %parallel_loop3A_873 = arith.constant 6 : i32
        %parallel_loop3A_874 = arith.index_cast %parallel_loop3A_873 : i32 to index
        %parallel_loop3A_875 = arith.index_cast %parallel_loop3A_872 : i32 to index
        %parallel_loop3A_876 = tpu.vector_load %arg9[%parallel_loop3A_874, %parallel_loop3A_875] {strides = array<i32>} : memref<8x2048xf32, #tpu.memory_space<vmem>>, vector<16xf32>,
        %parallel_loop3A_877 = arith.constant -3.000000e+00 : f32
        %parallel_loop3A_878 = vector.broadcast %parallel_loop3A_877 : f32 to vector<16xf32>
        %parallel_loop3A_879 = arith.subf %parallel_loop3A_876, %parallel_loop3A_878 : vector<16xf32>
        %parallel_loop3A_880 = arith.constant 21.166666 : f32
        %parallel_loop3A_881 = vector.broadcast %parallel_loop3A_880 : f32 to vector<16xf32>
        %parallel_loop3A_882 = arith.mulf %parallel_loop3A_879, %parallel_loop3A_881 : vector<16xf32>
        %parallel_loop3A_883 = arith.constant 0.000000e+00 : f32
        %parallel_loop3A_884 = vector.broadcast %parallel_loop3A_883 : f32 to vector<16xf32>
        %parallel_loop3A_885 = arith.maximumf %parallel_loop3A_882, %parallel_loop3A_884 : vector<16xf32>
        %parallel_loop3A_886 = arith.constant 1.260000e+02 : f32
        %parallel_loop3A_887 = vector.broadcast %parallel_loop3A_886 : f32 to vector<16xf32>
        %parallel_loop3A_888 = arith.minimumf %parallel_loop3A_885, %parallel_loop3A_887 : vector<16xf32>
        %parallel_loop3A_889 = arith.fptosi %parallel_loop3A_888 : vector<16xf32> to vector<16xi32>
        %parallel_loop3A_890 = arith.sitofp %parallel_loop3A_889 : vector<16xi32> to vector<16xf32>
        %parallel_loop3A_891 = arith.subf %parallel_loop3A_882, %parallel_loop3A_890 : vector<16xf32>
        %parallel_loop3A_892 = tpu.vector_load_idx %arg6[%parallel_loop3A_889] : memref<128xf32, #tpu.memory_space<vmem>>[vector<16xi32>], vector<16xf32>,
        %parallel_loop3A_893 = tpu.vector_load_idx %arg7[%parallel_loop3A_889] : memref<128xf32, #tpu.memory_space<vmem>>[vector<16xi32>], vector<16xf32>,
        %parallel_loop3A_894 = arith.mulf %parallel_loop3A_891, %parallel_loop3A_893 : vector<16xf32>
        %parallel_loop3A_895 = arith.addf %parallel_loop3A_892, %parallel_loop3A_894 : vector<16xf32>
        %parallel_loop3A_896 = arith.constant 6 : i32
        %parallel_loop3A_897 = arith.index_cast %parallel_loop3A_896 : i32 to index
        %parallel_loop3A_898 = arith.index_cast %parallel_loop3A_872 : i32 to index
        %parallel_loop3A_899 = tpu.vector_load %arg11[%parallel_loop3A_897, %parallel_loop3A_898] {strides = array<i32>} : memref<8x2048xf32, #tpu.memory_space<vmem>>, vector<16xf32>,
        tpu.vector_store %arg11[%parallel_loop3A_897, %parallel_loop3A_898], %parallel_loop3A_895 {strides = array<i32>} : memref<8x2048xf32, #tpu.memory_space<vmem>>, vector<16xf32>,
      } {sc.loop_unroll_factor = 4 : i64, sc.parallel_access}
      %parallel_loop3A_855 = arith.constant 0 : i32
      %parallel_loop3A_856 = arith.constant 2048 : i32
      %parallel_loop3A_857 = arith.constant 16 : i32
      scf.for %parallel_loop3A_872 = %parallel_loop3A_855 to %parallel_loop3A_856 step %parallel_loop3A_857  : i32 {
        %parallel_loop3A_873 = arith.constant 7 : i32
        %parallel_loop3A_874 = arith.index_cast %parallel_loop3A_873 : i32 to index
        %parallel_loop3A_875 = arith.index_cast %parallel_loop3A_872 : i32 to index
        %parallel_loop3A_876 = tpu.vector_load %arg9[%parallel_loop3A_874, %parallel_loop3A_875] {strides = array<i32>} : memref<8x2048xf32, #tpu.memory_space<vmem>>, vector<16xf32>,
        %parallel_loop3A_877 = arith.constant -3.000000e+00 : f32
        %parallel_loop3A_878 = vector.broadcast %parallel_loop3A_877 : f32 to vector<16xf32>
        %parallel_loop3A_879 = arith.subf %parallel_loop3A_876, %parallel_loop3A_878 : vector<16xf32>
        %parallel_loop3A_880 = arith.constant 21.166666 : f32
        %parallel_loop3A_881 = vector.broadcast %parallel_loop3A_880 : f32 to vector<16xf32>
        %parallel_loop3A_882 = arith.mulf %parallel_loop3A_879, %parallel_loop3A_881 : vector<16xf32>
        %parallel_loop3A_883 = arith.constant 0.000000e+00 : f32
        %parallel_loop3A_884 = vector.broadcast %parallel_loop3A_883 : f32 to vector<16xf32>
        %parallel_loop3A_885 = arith.maximumf %parallel_loop3A_882, %parallel_loop3A_884 : vector<16xf32>
        %parallel_loop3A_886 = arith.constant 1.260000e+02 : f32
        %parallel_loop3A_887 = vector.broadcast %parallel_loop3A_886 : f32 to vector<16xf32>
        %parallel_loop3A_888 = arith.minimumf %parallel_loop3A_885, %parallel_loop3A_887 : vector<16xf32>
        %parallel_loop3A_889 = arith.fptosi %parallel_loop3A_888 : vector<16xf32> to vector<16xi32>
        %parallel_loop3A_890 = arith.sitofp %parallel_loop3A_889 : vector<16xi32> to vector<16xf32>
        %parallel_loop3A_891 = arith.subf %parallel_loop3A_882, %parallel_loop3A_890 : vector<16xf32>
        %parallel_loop3A_892 = tpu.vector_load_idx %arg6[%parallel_loop3A_889] : memref<128xf32, #tpu.memory_space<vmem>>[vector<16xi32>], vector<16xf32>,
        %parallel_loop3A_893 = tpu.vector_load_idx %arg7[%parallel_loop3A_889] : memref<128xf32, #tpu.memory_space<vmem>>[vector<16xi32>], vector<16xf32>,
        %parallel_loop3A_894 = arith.mulf %parallel_loop3A_891, %parallel_loop3A_893 : vector<16xf32>
        %parallel_loop3A_895 = arith.addf %parallel_loop3A_892, %parallel_loop3A_894 : vector<16xf32>
        %parallel_loop3A_896 = arith.constant 7 : i32
        %parallel_loop3A_897 = arith.index_cast %parallel_loop3A_896 : i32 to index
        %parallel_loop3A_898 = arith.index_cast %parallel_loop3A_872 : i32 to index
        %parallel_loop3A_899 = tpu.vector_load %arg11[%parallel_loop3A_897, %parallel_loop3A_898] {strides = array<i32>} : memref<8x2048xf32, #tpu.memory_space<vmem>>, vector<16xf32>,
        tpu.vector_store %arg11[%parallel_loop3A_897, %parallel_loop3A_898], %parallel_loop3A_895 {strides = array<i32>} : memref<8x2048xf32, #tpu.memory_space<vmem>>, vector<16xf32>,
      } {sc.loop_unroll_factor = 4 : i64, sc.parallel_access}
      %mul3A_858 = arith.constant 8 : i32
      %mul3A_859 = arith.muli %scan3A_776, %mul3A_858 : i32
      %add3A_860 = arith.addi %mul3A_2, %mul3A_859 : i32
      %dma_start3A_861 = arith.constant 2048 : i32
      %dma_start3A_862 = tpu.memref_slice %arg4[%add3A_860, %dma_start3A_861] : memref<2048x4096xf32, #tpu.memory_space<hbm>> -> memref<8x2048xf32, #tpu.memory_space<hbm>>
      %dma_start3A_863 = arith.constant 2048 : i32
      %dma_start3A_864 = tpu.memref_slice %arg4[%add3A_860, %dma_start3A_863] : memref<2048x4096xf32, #tpu.memory_space<hbm>> -> memref<8x2048xf32, #tpu.memory_space<hbm>>
      tpu.enqueue_dma source(%arg11 : memref<8x2048xf32, #tpu.memory_space<vmem>>) target(%dma_start3A_864 : memref<8x2048xf32, #tpu.memory_space<hbm>>) target_semaphore(%arg15 : memref<!tpu.dma_semaphore, #tpu.memory_space<semaphore_mem>>)
      %add3A_865 = arith.constant 1 : i32
      %add3A_866 = arith.addi %scan3A_776, %add3A_865 : i32
      %lt3A_867 = arith.constant 8 : i32
      %lt3A_868 = arith.cmpi slt, %add3A_866, %lt3A_867 : i32
      %convert_element_type3A_869 = arith.extui %lt3A_868 : i1 to i32
      %cond3A_870 = arith.constant 0 : i32
      %cond3A_871 = arith.cmpi ne, %convert_element_type3A_869, %cond3A_870 : i32
      scf.if %cond3A_871 {
        %add3A_872 = arith.constant 1 : i32
        %add3A_873 = arith.addi %scan3A_776, %add3A_872 : i32
        %mul3A_874 = arith.constant 8 : i32
        %mul3A_875 = arith.muli %add3A_873, %mul3A_874 : i32
        %add3A_876 = arith.addi %mul3A_2, %mul3A_875 : i32
        %dma_start3A_877 = arith.constant 2048 : i32
        %dma_start3A_878 = tpu.memref_slice %arg2[%add3A_876, %dma_start3A_877] : memref<2048x4096xf32, #tpu.memory_space<hbm>> -> memref<8x2048xf32, #tpu.memory_space<hbm>>
        %dma_start3A_879 = arith.constant 2048 : i32
        %dma_start3A_880 = tpu.memref_slice %arg2[%add3A_876, %dma_start3A_879] : memref<2048x4096xf32, #tpu.memory_space<hbm>> -> memref<8x2048xf32, #tpu.memory_space<hbm>>
        tpu.enqueue_dma source(%dma_start3A_880 : memref<8x2048xf32, #tpu.memory_space<hbm>>) target(%arg9 : memref<8x2048xf32, #tpu.memory_space<vmem>>) target_semaphore(%arg13 : memref<!tpu.dma_semaphore, #tpu.memory_space<semaphore_mem>>)
      } else {
      }
    }
    %scan3A_764 = arith.constant 8 : i32
    %add3A_765 = arith.constant 56 : i32
    %add3A_766 = arith.addi %mul3A_2, %add3A_765 : i32
    %dma_wait3A = arith.constant 0 : i32
    %dma_wait3A_767 = tpu.memref_slice %arg4[%add3A_766, %dma_wait3A] : memref<2048x4096xf32, #tpu.memory_space<hbm>> -> memref<8x2048xf32, #tpu.memory_space<hbm>>
    %dma_wait3A_768 = arith.constant 0 : i32
    %dma_wait3A_769 = tpu.memref_slice %arg4[%add3A_766, %dma_wait3A_768] : memref<2048x4096xf32, #tpu.memory_space<hbm>> -> memref<8x2048xf32, #tpu.memory_space<hbm>>
    tpu.wait_dma2 semaphore(%arg14 : memref<!tpu.dma_semaphore, #tpu.memory_space<semaphore_mem>>) src(%arg10 : memref<8x2048xf32, #tpu.memory_space<vmem>>) dst(%dma_wait3A_769 : memref<8x2048xf32, #tpu.memory_space<hbm>>)
    %add3A_770 = arith.constant 56 : i32
    %add3A_771 = arith.addi %mul3A_2, %add3A_770 : i32
    %dma_wait3A_772 = arith.constant 2048 : i32
    %dma_wait3A_773 = tpu.memref_slice %arg4[%add3A_771, %dma_wait3A_772] : memref<2048x4096xf32, #tpu.memory_space<hbm>> -> memref<8x2048xf32, #tpu.memory_space<hbm>>
    %dma_wait3A_774 = arith.constant 2048 : i32
    %dma_wait3A_775 = tpu.memref_slice %arg4[%add3A_771, %dma_wait3A_774] : memref<2048x4096xf32, #tpu.memory_space<hbm>> -> memref<8x2048xf32, #tpu.memory_space<hbm>>
    tpu.wait_dma2 semaphore(%arg15 : memref<!tpu.dma_semaphore, #tpu.memory_space<semaphore_mem>>) src(%arg11 : memref<8x2048xf32, #tpu.memory_space<vmem>>) dst(%dma_wait3A_775 : memref<8x2048xf32, #tpu.memory_space<hbm>>)
    return
  }
}

</mosaic_0001>

<sc_bundles>
// kernel: kernel.3.cloned.1.call-start
scs
__scs_entry_jumppad:
0x0: {  	(pc) =	sbr.rel $0x88, $3  }
0x1: {  	(tag) =	ssettag $0x0;
	lr =	simm.s32 $0x1  }
0x2: {  	[smem:$0x3F9F] =	sst lr;
	_ =	strace $0xD0000000  }
0x3: {  	_ = 	snop  }
0x4: {  	_ = 	snop  }
0x5: {  	_ = 	snop  }
0x6: {  	_ = 	snop  }
0x7: {  	_ = 	snop  }
__scs_overlays_trampoline_lowered:
0x8: {  	[smem:$0x3FAE] =	sst s0  }
0x9: {  	[smem:$0x3FAF] =	sst s1  }
0xa: {  	[smem:$0x3FB0] =	sst s2  }
0xb: {  	[smem:$0x3FB1] =	sst s3  }
0xc: {  	[smem:$0x3FB2] =	sst s4  }
0xd: {  	[smem:$0x3FB3] =	sst s5  }
0xe: {  	[smem:$0x3FB4] =	sst s6  }
0xf: {  	[smem:$0x3FB5] =	sst s7  }
0x10: {  	[smem:$0x3FB6] =	sst s8  }
0x11: {  	[smem:$0x3FB7] =	sst s9;
	s0 =	simm.s32 @!p0 $0x0  }
0x12: {  	s1 =	sld [smem:$0x3F9D];
	s0 =	simm.s32 @p0 $0x1  }
0x13: {  	[smem:$0x3FB8] =	sst s0;
	s0 =	simm.s32 @!p1 $0x0  }
0x14: {  	s2 =	sld [smem:$0x3F9C];
	s0 =	simm.s32 @p1 $0x1  }
0x15: {  	[smem:$0x3FB9] =	sst s0;
	s0 =	simm.s32 @!p2 $0x0  }
0x16: {  	s3 =	sld [smem:$0x3FDB];
	s0 =	simm.s32 @p2 $0x1  }
0x17: {  	s4 =	simm.s32 $0x1BF5;
	[smem:$0x3FBB] =	sst s0  }
0x18: {  	s0 =	sld [smem:$0x3F9E];
	_ =	swait.ge [sflag:s4], $0x0  }
0x19: {  	s7 =	sld [smem:$0x3F9F]  }
0x1a: {  	s8 =	sadd.s32 $0xFFFFE003, lr  }
0x1b: {  	s9 =	sadd.s32 $0xFFFFFEF7, lr;
	s5 =	simm.s32 $0xFFFFFFFF;
	p2 =	slt.u32 s8, $0xFFFFF086  }
0x1c: {  	p1 =	slt.u32 s9, $0xF7A;
	s5 =	simm.s32 @!p2 $0x0  }
0x1d: {  	s5 =	simm.s32 @p1 $0x1;
	p0 =	seq.s32 s7, s2  }
0x1e: {  	s7 =	smul.u32 @!p0 $0xF7A, s2;
	p2 =	seq.s32 @!p0 s5, $0x0  }
0x1f: {  	s9 =	smul.u32 $0xF7A, s1;
	s8 =	simm.s32 @!p0 $0x1BF5;
	p2 =	por !p2, p0  }
0x20: {  	[sflag:s8] =	ssyncset.s32 @!p0 $0xFFFFF086;
	s6 =	sadd.s32 @!p0 s3, s7;
	s7 =	simm.s32 @!p0 $0x108  }
0x21: {  	s3 =	sadd.s32 s3, s9;
	s6 =	sadd.s32 @!p0 $0x88, s6;
	s7 =	simm.s32 @p2 $0x1082  }
0x22: {  	[simem:s7], [sflag:s8] =	dma.local @!p0 [hbm:s6], $0xF7A  }
0x23: {  	s9 =	sor.u32 $0xD0000000, s2;
	s6 =	simm.s32 $0x108;
	_ =	swait.ge @!p0 [sflag:s8], $0x0  }
0x24: {  	s3 =	sadd.s32 $0x88, s3;
	s6 =	simm.s32 @!p1 $0x1082;
	[sflag:s4] =	ssyncset.s32 $0xFFFFF086  }
0x25: {  	[simem:s6], [sflag:s4] =	dma.local [hbm:s3], $0xF7A  }
0x26: {  	[smem:$0x3F9F] =	sst s1;
	(tag) =	ssettag s2;
	_ =	strace s9  }
0x27: {  	s1 =	sld [smem:$0x3FAF]  }
0x28: {  	s2 =	sld [smem:$0x3FB0]  }
0x29: {  	s4 =	sld [smem:$0x3FB2]  }
0x2a: {  	p0 =	seq.s32 s5, $0x0;
	s5 =	sld [smem:$0x3FB3]  }
0x2b: {  	s6 =	sld [smem:$0x3FB4]  }
0x2c: {  	s7 =	sld [smem:$0x3FB5]  }
0x2d: {  	s3 =	simm.s32 $0x108;
	s8 =	sld [smem:$0x3FB6]  }
0x2e: {  	s3 =	simm.s32 @!p0 $0x1082;
	s9 =	sld [smem:$0x3FB7]  }
0x2f: {  	lr =	sadd.s32 s0, s3;
	s0 =	sld [smem:$0x3FAE]  }
0x30: {  	s3 =	sld [smem:$0x3FB1]  }
0x31: {  	[smem:$0x3FBA] =	sst s10  }
0x32: {  	s10 =	sld [smem:$0x3FB8];
	_ =	sdelay $0x3  }
0x33: {  	p0 =	seq.s32 s10, $0x1;
	s10 =	sld [smem:$0x3FBA];
	_ =	sdelay $0x3  }
0x34: {  	[smem:$0x3FBA] =	sst s10  }
0x35: {  	s10 =	sld [smem:$0x3FB9];
	_ =	sdelay $0x3  }
0x36: {  	p1 =	seq.s32 s10, $0x1;
	s10 =	sld [smem:$0x3FBA];
	_ =	sdelay $0x3  }
0x37: {  	[smem:$0x3FBA] =	sst s10  }
0x38: {  	s10 =	sld [smem:$0x3FBB]  }
0x39: {  	_ = 	snop;
	(pc) =	sbr.ind lr, $3  }
0x3a: {  	_ = 	snop  }
0x3b: {  	_ = 	snop  }
0x3c: {  	p2 =	seq.s32 s10, $0x1;
	s10 =	sld [smem:$0x3FBA]  }
0x3d: {  	_ =	shalt  }
0x3e: {  	_ =	shalt  }
0x3f: {  	_ =	shalt  }
0x40: {  	_ =	shalt  }
0x41: {  	_ =	shalt  }
0x42: {  	_ =	shalt  }
0x43: {  	_ =	shalt  }
0x44: {  	_ =	shalt  }
0x45: {  	_ =	shalt  }
0x46: {  	_ =	shalt  }
0x47: {  	_ =	shalt  }
0x48: {  	_ =	shalt  }
0x49: {  	_ =	shalt  }
0x4a: {  	_ =	shalt  }
0x4b: {  	_ =	shalt  }
0x4c: {  	_ =	shalt  }
0x4d: {  	_ =	shalt  }
0x4e: {  	_ =	shalt  }
0x4f: {  	_ =	shalt  }
0x50: {  	_ =	shalt  }
0x51: {  	_ =	shalt  }
0x52: {  	_ =	shalt  }
0x53: {  	_ =	shalt  }
0x54: {  	_ =	shalt  }
0x55: {  	_ =	shalt  }
0x56: {  	_ =	shalt  }
0x57: {  	_ =	shalt  }
0x58: {  	_ =	shalt  }
0x59: {  	_ =	shalt  }
0x5a: {  	_ =	shalt  }
0x5b: {  	_ =	shalt  }
0x5c: {  	_ =	shalt  }
0x5d: {  	_ =	shalt  }
0x5e: {  	_ =	shalt  }
0x5f: {  	_ =	shalt  }
0x60: {  	_ =	shalt  }
0x61: {  	_ =	shalt  }
0x62: {  	_ =	shalt  }
0x63: {  	_ =	shalt  }
0x64: {  	_ =	shalt  }
0x65: {  	_ =	shalt  }
0x66: {  	_ =	shalt  }
0x67: {  	_ =	shalt  }
0x68: {  	_ =	shalt  }
0x69: {  	_ =	shalt  }
0x6a: {  	_ =	shalt  }
0x6b: {  	_ =	shalt  }
0x6c: {  	_ =	shalt  }
0x6d: {  	_ =	shalt  }
0x6e: {  	_ =	shalt  }
0x6f: {  	_ =	shalt  }
0x70: {  	_ =	shalt  }
0x71: {  	_ =	shalt  }
0x72: {  	_ =	shalt  }
0x73: {  	_ =	shalt  }
0x74: {  	_ =	shalt  }
0x75: {  	_ =	shalt  }
0x76: {  	_ =	shalt  }
0x77: {  	_ =	shalt  }
0x78: {  	_ =	shalt  }
0x79: {  	_ =	shalt  }
0x7a: {  	_ =	shalt  }
0x7b: {  	_ =	shalt  }
0x7c: {  	_ =	shalt  }
0x7d: {  	_ =	shalt  }
0x7e: {  	_ =	shalt  }
0x7f: {  	_ =	shalt  }
0x80: {  	_ =	shalt  }
0x81: {  	_ =	shalt  }
0x82: {  	_ =	shalt  }
0x83: {  	_ =	shalt  }
0x84: {  	_ =	shalt  }
0x85: {  	_ =	shalt  }
0x86: {  	_ =	shalt  }
0x87: {  	_ =	shalt  }
.Lfunc_end0:
.L_simem_size_0:
called_computation_lowered:
.L_overlay_start_0:
0x88: {  	s2 =	sld [smem:$0x3FD9]  }
0x89: {  	s3 =	sld [smem:$0x3FFE];
	_ =	sdelay $0x1  }
0x8a: {  	s1 =	srdreg.scid  }
0x8b: {  	s0 =	sand.u32 $0x1, s1  }
0x8c: {  	s18 =	sshll.u32 s0, $0xA;
	s2 =	sadd.s32 s3, s2  }
0x8d: {  	s2 =	sadd.s32 s2, s18  }
0x8e: {  	[smem:$0x3FC6] =	sst s2  }
0x8f: {  	_ = 	snop  }
0x90: {  	s2 =	sld [smem:$0x3FC9]  }
0x91: {  	s19 =	sld [smem:$0x3FC8]  }
0x92: {  	s4 =	sld [smem:$0x3FD0];
	(tm) =	ssettm $0x1  }
0x93: {  	s5 =	sld [smem:$0x3FFB];
	_ =	sdelay $0x3  }
0x94: {  	_ =	strace s5  }
0x95: {  	s5 =	sld [smem:$0x3FFC];
	_ =	sdelay $0x3  }
0x96: {  	_ =	strace s5  }
0x97: {  	s5 =	sld [smem:$0x3FFD];
	_ =	sdelay $0x3  }
0x98: {  	_ =	strace s5  }
0x99: {  	_ =	strace $0x8FFFFFFF  }
0x9a: {  	s20 =	sld [smem:$0x3FDB];
	_ =	sdelay $0x1  }
0x9b: {  	s6 =	simm.s32 $_scs_section_size  }
0x9c: {  	s7 =	simm.s32 $_size__tile_overlayer_lowered;
	s8 =	simm.s32 $_tile_overlayer_lowered  }
0x9d: {  	s23 =	simm.s32 $0x1BFF;
	s22 =	sshll.u32 s8, $0x1;
	s5 =	sadd.s32 s6, s20  }
0x9e: {  	s9 =	simm.s32 $0x0;
	s21 =	sshll.u32 s7, $0x1;
	s7 =	sadd.s32 s22, s5  }
0x9f: {  	[timem:s9], [sflag:s23] =	dma.local [hbm:s7], s21  }
0xa0: {  	_ =	swait.ge [sflag:s23], s21  }
0xa1: {  	s6 =	ssub.s32 $0x0, s21;
	[sflag:s23] =	ssyncset.done $0x0  }
0xa2: {  	[sflag:s23] =	ssyncadd.s32 s6;
	_ =	sdelay $0x1  }
0xa3: {  	s24 =	simm.s32 $0x1B8B  }
0xa4: {  	_ =	swait.ge [sflag:s24], $0x1  }
0xa5: {  	[sflag:s24] =	ssyncset.done $0x0  }
0xa6: {  	s25 =	simm.s32 $0x1B8E;
	[sflag:s24] =	ssyncadd.s32 $0xFFFFFFFF  }
0xa7: {  	s26 =	simm.s32 $execute0_lowered;
	[smem:$0x3FD2] =	sst s25  }
0xa8: {  	s6 =	sshll.u32 s26, $0x1;
	_ =	strace $0x80000046;
	[dreg:$0x1] =	wrdreg $0xFFFFFFFF  }
0xa9: {  	s28 =	simm.s32 $_size_execute0_lowered;
	s5 =	sadd.s32 s5, s6;
	[dreg:$0x0] =	wrdreg $0x0  }
0xaa: {  	s6 =	sshll.u32 s28, $0x1;
	[dreg:$0x2] =	wrdreg s5  }
0xab: {  	[dreg:$0x3] =	wrdreg s6  }
0xac: {  	[dreg:$0x4] =	wrdreg $0xC0  }
0xad: {  	_ =	task [dreg:s9], $0x5FFFF  }
0xae: {  	[dreg:$0x1] =	wrdreg $0xFFFFFFFF  }
0xaf: {  	[dreg:$0x0] =	wrdreg $0x60  }
0xb0: {  	[dreg:$0x2] =	wrdreg s2  }
0xb1: {  	[dreg:$0x3] =	wrdreg s19  }
0xb2: {  	[dreg:$0x4] =	wrdreg s4  }
0xb3: {  	[dreg:$0x5] =	wrdreg $0x9  }
0xb4: {  	_ =	task.clear_ibuf [dreg:s9], $0x6FFFF;
	_ =	strace $0x90000046  }
0xb5: {  	s29 =	simm.s32 $0x9;
	_ =	strace $0x80000048  }
0xb6: {  	_ =	swait.ge [sflag:s29], $0x1  }
0xb7: {  	[sflag:s29] =	ssyncadd.s32 $0xFFFFFFFF  }
0xb8: {  	_ =	strace $0x90000048  }
0xb9: {  	_ =	sfence  }
0xba: {  	s30 =	sld [smem:$0x0];
	_ =	sdelay $0x2  }
0xbb: {  	s31 =	sshll.u32 s1, $0xD;
	s1 =	sshrl.u32 s1, $0x2  }
0xbc: {  	s3 =	sand.u32 $0x4000, s31;
	s1 =	sadd.s32 s1, s30  }
0xbd: {  	s0 =	sor.u32 s3, s0;
	s1 =	sshll.u32 s1, $0x11  }
0xbe: {  	s0 =	sor.u32 s1, s0  }
0xbf: {  	s0 =	sadd.s32 $0x8F2B, s0  }
0xc0: {  	[sflag:s0] =	ssyncadd.remote.s32 $0x1  }
0xc1: {  	_ =	sfence.sel $0xFFFF  }
0xc2: {  	[dreg:$0x0] =	wrdreg $0xFFFFFFFF;
	(pc) =	sbr.abs _section_cstart, $3  }
0xc3: {  	[dreg:$0x1] =	wrdreg $0xFFFFFFFF  }
0xc4: {  	_ =	task.clear_ibuf [dreg:s9], $0x2FFFF;
	_ =	strace $0x9FFFFFFF  }
0xc5: {  	(tm) =	ssettm $0x7FFFFFFF  }
tec
execute0_lowered:
.L_overlay_start_1:
0x0: {  	(tag) =	ssettag $0x1  }
0x1: {  	v0 =	vimm.s32 $0xEDCBA987;
	v1 =	vimm.s32 $0x65432100;
	v2 =	vimm.s32 $0xDCBA9876  }
0x2: {  	v3 =	vimm.s32 $0x54321000;
	vm0 =	vmmov $0x1;
	v4 =	vimm.s32 $0x32100000  }
0x3: {  	vm1 =	vmmov $0x3;
	v9 =	vimm.s32 $0x7060504;
	vm2 =	vmmov $0xf  }
0x4: {  	v10 =	vimm.s32 $0x1E1D1C1B;
	vm3 =	vcmask $0x3F30;
	vm4 =	vcmask $0x1F10  }
0x5: {  	v11 =	vimm.s32 $0x19181716;
	v12 =	vimm.s32 $0x1D1C1B1A;
	v6 =	vimm.s32 $0x11101010  }
0x6: {  	v7 =	vimm.s32 $0x15141312;
	v14 =	vimm.s32 $0x17161518;
	vm7 =	vcmask $0x2314  }
0x7: {  	v15 =	vimm.s32 $0x1B1A1900;
	vm6 =	vcmask $0x3324;
	vm5 =	vcmask $0x3F34  }
0x8: {  	v33 =	vimm.s32 $0x2E2D2C2B;
	v34 =	vimm.s32 $0x22212020;
	v35 =	vimm.s32 $0x26252423  }
0x9: {  	v36 =	vimm.s32 $0x2D2C2B2A;
	v37 =	vimm.s32 $0x21202020;
	v0 =	vunpack.c.l.s4.s8 v0  }
0xa: {  	v38 =	vimm.s32 $0x25242322;
	v39 =	vimm.s32 $0x23222124;
	v1 =	vunpack.c.l.s4.s8 v1  }
0xb: {  	v8 =	vimm.s32 $0x27262528;
	v41 =	vimm.s32 $0x2B2A2900;
	v0 =	vunpack.c.0.s8.s32 v0  }
0xc: {  	v43 =	vimm.s32 $0x32313030;
	v44 =	vimm.s32 $0x36353433;
	v1 =	vunpack.c.0.s8.s32 v1  }
0xd: {  	v46 =	vimm.s32 $0x3D3C3B3A;
	v47 =	vimm.s32 $0x31303030;
	v0 =	vand.u32 $0xF, v0  }
0xe: {  	v48 =	vimm.s32 $0x35343332;
	v49 =	vimm.s32 $0x33323134;
	v0 =	vcombine.low v1, v0  }
0xf: {  	v50 =	vimm.s32 $0x37363538;
	v52 =	vimm.s32 $0x3B3A3900;
	v2 =	vunpack.c.l.s4.s8 v2  }
0x10: {  	v54 =	vimm.s32 $0x42414040;
	v55 =	vimm.s32 $0x46454443;
	[tilespmem:$0x1FF20] =	vst v0;
	v0 =	vunpack.c.l.s4.s8 v3  }
0x11: {  	v57 =	vimm.s32 $0x4D4C4B4A;
	v58 =	vimm.s32 $0x41404040;
	v2 =	vunpack.c.0.s8.s32 v2  }
0x12: {  	v59 =	vimm.s32 $0x45444342;
	v1 =	vimm.s32 $0xBA987654;
	v0 =	vunpack.c.0.s8.s32 v0  }
0x13: {  	v2 =	vand.u32 $0xF, v2;
	v5 =	vunpack.c.l.s4.s8 v1;
	v3 =	vimm.s32 $0xE40000  }
0x14: {  	v4 =	vunpack.c.l.s4.s8 v4;
	v3 =	vunpack.c.l.s2.s4 v3;
	v0 =	vcombine.low v0, v2  }
0x15: {  	v60 =	vimm.s32 $0x43424144;
	v61 =	vimm.s32 $0x47464548;
	v5 =	vunpack.c.0.s8.s32 v5  }
0x16: {  	v63 =	vimm.s32 $0x4B4A4900;
	v3 =	vunpack.c.l.s4.s8 v3;
	[tilespmem:$0x1FF30] =	vst v0;
	v0 =	vunpack.c.0.s8.s32 v4  }
0x17: {  	v13 =	vunpack.c.0.s8.s32 v7;
	v7 =	vunpack.c.0.s8.s32 v39;
	v2 =	vand.u32 $0xF, v5  }
0x18: {  	v40 =	vunpack.c.0.s8.s32 v8;
	v3 =	vunpack.c.0.s8.s32 v3;
	v0 =	vcombine.low v0, v2  }
0x19: {  	v8 =	vunpack.c.0.s8.s32 v41;
	v51 =	vunpack.c.0.s8.s32 v50;
	v62 =	vunpack.c.0.s8.s32 v61  }
0x1a: {  	v2 =	vand.u32 $0x3, v3;
	v3 =	vimm.s32 $0x1A191817;
	[tilespmem:$0x1FF40] =	vst v0;
	v0 =	vunpack.c.0.s8.s32 v9  }
0x1b: {  	v42 =	vnsel vm7, $0x20, v7;
	v4 =	vunpack.c.0.s8.s32 v10;
	v3 =	vunpack.c.0.s8.s32 v3  }
0x1c: {  	v45 =	vnsel vm6, $0x20, v7;
	v7 =	vunpack.c.0.s8.s32 v49;
	v0 =	vsel vm3, v0, v2  }
0x1d: {  	v2 =	vimm.s32 $0x12111010;
	[tilespmem:$0x1FF50] =	vst v0;
	v0 =	vsel vm4, v4, v3;
	v3 =	vimm.s32 $0x16151413  }
0x1e: {  	v49 =	vimm.s32 $0x6B6A6900;
	v2 =	vunpack.c.0.s8.s32 v2;
	v3 =	vunpack.c.0.s8.s32 v3  }
0x1f: {  	v41 =	vimm.s32 $0x66656463;
	v61 =	vimm.s32 $0x77767500;
	v50 =	vunpack.c.0.s8.s32 v49  }
0x20: {  	v53 =	vnsel vm7, $0x30, v7;
	v5 =	vunpack.c.0.s8.s32 v12;
	v2 =	vsel vm4, v3, v2  }
0x21: {  	v4 =	vunpack.c.0.s8.s32 v11;
	v3 =	vunpack.c.0.s8.s32 v6;
	v0 =	vcombine.low v2, v0  }
0x22: {  	v56 =	vnsel vm6, $0x30, v7;
	v7 =	vunpack.c.0.s8.s32 v60;
	v2 =	vimm.s32 $0x13121114  }
0x23: {  	v3 =	vsel vm4, v13, v3;
	v2 =	vunpack.c.0.s8.s32 v2;
	[tilespmem:$0x1FF60] =	vst v0;
	v0 =	vsel vm4, v5, v4  }
0x24: {  	v60 =	vimm.s32 $0x7B7A7900;
	v4 =	vunpack.c.0.s8.s32 v14;
	v0 =	vcombine.low v3, v0  }
0x25: {  	v1 =	vlaneseq.u32;
	v5 =	vunpack.c.0.s8.s32 v15;
	v32 =	vnsel vm7, $0x10, v2  }
0x26: {  	v49 =	vor.u32 $0x50, v1;
	v12 =	vnsel vm7, $0x40, v7;
	[tilespmem:$0x1FF70] =	vst v0;
	v0 =	vsel vm6, v4, v32  }
0x27: {  	vm3 =	vmmov $0xff;
	v6 =	vunpack.c.0.s8.s32 v35;
	v0 =	vsel vm5, v5, v0  }
0x28: {  	v35 =	vimm.s32 $0x53525154;
	v15 =	vnsel vm6, $0x40, v7;
	[tilespmem:$0x1FF80] =	vst v0;
	v0 =	vimm.s32 $0x17161500  }
0x29: {  	v3 =	vimm.s32 $0x2A292827;
	v5 =	vunpack.c.0.s8.s32 v34;
	v0 =	vunpack.c.0.s8.s32 v0  }
0x2a: {  	v2 =	vnsel vm6, $0x10, v2;
	v3 =	vunpack.c.0.s8.s32 v3;
	v4 =	vunpack.c.0.s8.s32 v33  }
0x2b: {  	v7 =	vunpack.c.0.s8.s32 v35;
	v0 =	vsel vm5, v0, v2;
	v2 =	vsel vm4, v6, v5  }
0x2c: {  	v5 =	vunpack.c.0.s8.s32 v37;
	[tilespmem:$0x1FF90] =	vst v0;
	v0 =	vsel vm4, v4, v3;
	v3 =	vimm.s32 $0x29282726  }
0x2d: {  	v6 =	vunpack.c.0.s8.s32 v38;
	v4 =	vunpack.c.0.s8.s32 v36;
	v3 =	vunpack.c.0.s8.s32 v3  }
0x2e: {  	v13 =	vimm.s32 $0x52515050;
	v14 =	vimm.s32 $0x56555453;
	v0 =	vcombine.low v2, v0  }
0x2f: {  	v39 =	vnsel vm7, $0x50, v7;
	v5 =	vsel vm4, v6, v5;
	v3 =	vsel vm4, v4, v3  }
0x30: {  	v32 =	vimm.s32 $0x5D5C5B5A;
	v33 =	vimm.s32 $0x51505050;
	[tilespmem:$0x1FFA0] =	vst v0;
	v0 =	vcombine.low v5, v3  }
0x31: {  	v34 =	vimm.s32 $0x55545352;
	v38 =	vimm.s32 $0x5B5A5900;
	v36 =	vimm.s32 $0x57565558  }
0x32: {  	v2 =	vimm.s32 $0x3A393837;
	v6 =	vunpack.c.0.s8.s32 v48;
	[tilespmem:$0x1FFB0] =	vst v0;
	v0 =	vsel vm6, v40, v42  }
0x33: {  	v37 =	vunpack.c.0.s8.s32 v36;
	v2 =	vunpack.c.0.s8.s32 v2;
	v0 =	vsel vm5, v8, v0  }
0x34: {  	v4 =	vunpack.c.0.s8.s32 v43;
	v43 =	vimm.s32 $0x6D6C6B6A;
	[tilespmem:$0x1FFC0] =	vst v0;
	v0 =	vimm.s32 $0x27262500  }
0x35: {  	v3 =	vimm.s32 $0x3E3D3C3B;
	v5 =	vunpack.c.0.s8.s32 v44;
	v0 =	vunpack.c.0.s8.s32 v0  }
0x36: {  	v44 =	vimm.s32 $0x61606060;
	v3 =	vunpack.c.0.s8.s32 v3;
	v40 =	vimm.s32 $0x62616060  }
0x37: {  	v42 =	vnsel vm6, $0x50, v7;
	v8 =	vunpack.c.0.s8.s32 v52;
	v0 =	vsel vm5, v0, v45  }
0x38: {  	v52 =	vimm.s32 $0x7A797877;
	v45 =	vimm.s32 $0x65646362;
	[tilespmem:$0x1FFD0] =	vst v0;
	v0 =	vsel vm4, v3, v2  }
0x39: {  	v2 =	vsel vm4, v5, v4;
	v3 =	vimm.s32 $0x39383736;
	v4 =	vunpack.c.0.s8.s32 v46  }
0x3a: {  	v5 =	vunpack.c.0.s8.s32 v47;
	v46 =	vimm.s32 $0x63626164;
	v47 =	vimm.s32 $0x67666568  }
0x3b: {  	v3 =	vunpack.c.0.s8.s32 v3;
	v0 =	vcombine.low v2, v0;
	v2 =	vimm.s32 $0x4A494847  }
0x3c: {  	v7 =	vunpack.c.0.s8.s32 v46;
	v46 =	vadd.s32 $0x31, v1;
	v5 =	vsel vm4, v6, v5  }
0x3d: {  	v2 =	vunpack.c.0.s8.s32 v2;
	v6 =	vunpack.c.0.s8.s32 v59;
	v3 =	vsel vm4, v4, v3  }
0x3e: {  	v59 =	vimm.s32 $0x77767578;
	[tilespmem:$0x1FFE0] =	vst v0;
	v4 =	vunpack.c.0.s8.s32 v54;
	v0 =	vcombine.low v5, v3  }
0x3f: {  	v48 =	vnsel vm7, $0x60, v7;
	v7 =	vnsel vm6, $0x60, v7;
	v54 =	vimm.s32 $0x79787776  }
0x40: {  	v3 =	vimm.s32 $0x4E4D4C4B;
	v5 =	vunpack.c.0.s8.s32 v55;
	[tilespmem:$0x1FFF0] =	vst v0;
	v0 =	vsel vm6, v51, v53  }
0x41: {  	v55 =	vimm.s32 $0x7D7C7B7A;
	v18 =	vsel vm5, v8, v0;
	v0 =	vimm.s32 $0x37363500  }
0x42: {  	v3 =	vunpack.c.0.s8.s32 v3;
	v51 =	vimm.s32 $0x67666500;
	v0 =	vunpack.c.0.s8.s32 v0  }
0x43: {  	v53 =	vimm.s32 $0x7E7D7C7B;
	v8 =	vunpack.c.0.s8.s32 v63;
	v63 =	vimm.s32 $0x78777675  }
0x44: {  	v19 =	vsel vm5, v0, v56;
	v0 =	vsel vm4, v3, v2;
	v2 =	vsel vm4, v5, v4  }
0x45: {  	v3 =	vimm.s32 $0x49484746;
	v4 =	vunpack.c.0.s8.s32 v57;
	v5 =	vunpack.c.0.s8.s32 v58  }
0x46: {  	v56 =	vimm.s32 $0x71707070;
	v57 =	vimm.s32 $0x75747372;
	v3 =	vunpack.c.0.s8.s32 v3  }
0x47: {  	v21 =	vcombine.low v2, v0;
	v0 =	vsel vm6, v62, v12;
	v2 =	vimm.s32 $0x5A595857  }
0x48: {  	v58 =	vunpack.c.0.s8.s32 v57;
	v5 =	vsel vm4, v6, v5;
	v23 =	vsel vm5, v8, v0  }
0x49: {  	v0 =	vimm.s32 $0x47464500;
	v2 =	vunpack.c.0.s8.s32 v2;
	v3 =	vsel vm4, v4, v3  }
0x4a: {  	v0 =	vunpack.c.0.s8.s32 v0;
	v22 =	vcombine.low v5, v3;
	v3 =	vimm.s32 $0x5E5D5C5B  }
0x4b: {  	v4 =	vunpack.c.0.s8.s32 v13;
	v5 =	vunpack.c.0.s8.s32 v14;
	v3 =	vunpack.c.0.s8.s32 v3  }
0x4c: {  	v6 =	vunpack.c.0.s8.s32 v34;
	v8 =	vunpack.c.0.s8.s32 v38;
	v24 =	vsel vm5, v0, v15  }
0x4d: {  	v0 =	vsel vm4, v3, v2;
	v2 =	vsel vm4, v5, v4;
	v3 =	vimm.s32 $0x59585756  }
0x4e: {  	v4 =	vunpack.c.0.s8.s32 v32;
	v5 =	vunpack.c.0.s8.s32 v33;
	v3 =	vunpack.c.0.s8.s32 v3  }
0x4f: {  	v26 =	vcombine.low v2, v0;
	v0 =	vsel vm6, v37, v39;
	v2 =	vimm.s32 $0x6A696867  }
0x50: {  	v5 =	vsel vm4, v6, v5;
	v28 =	vsel vm5, v8, v0;
	v0 =	vimm.s32 $0x57565500  }
0x51: {  	v2 =	vunpack.c.0.s8.s32 v2;
	v6 =	vunpack.c.0.s8.s32 v45;
	v3 =	vsel vm4, v4, v3  }
0x52: {  	v0 =	vunpack.c.0.s8.s32 v0;
	v27 =	vcombine.low v5, v3;
	v3 =	vimm.s32 $0x6E6D6C6B  }
0x53: {  	v4 =	vunpack.c.0.s8.s32 v40;
	v5 =	vunpack.c.0.s8.s32 v41;
	v3 =	vunpack.c.0.s8.s32 v3  }
0x54: {  	v8 =	vunpack.c.0.s8.s32 v53;
	v45 =	vor.u32 $0x30, v1;
	v53 =	vor.u32 $0x70, v1  }
0x55: {  	v29 =	vsel vm5, v0, v42;
	v0 =	vsel vm4, v3, v2;
	v2 =	vsel vm4, v5, v4  }
0x56: {  	v3 =	vimm.s32 $0x69686766;
	v4 =	vunpack.c.0.s8.s32 v43;
	v5 =	vunpack.c.0.s8.s32 v44  }
0x57: {  	v3 =	vunpack.c.0.s8.s32 v3;
	v31 =	vcombine.low v2, v0;
	v2 =	vunpack.c.0.s8.s32 v47  }
0x58: {  	v40 =	vadd.s32 $0x1, v1;
	v41 =	vor.u32 $0x10, v1;
	v42 =	vadd.s32 $0x11, v1  }
0x59: {  	v0 =	vsel vm4, v4, v3;
	v3 =	vsel vm4, v6, v5;
	v2 =	vsel vm6, v2, v48  }
0x5a: {  	v5 =	vunpack.c.0.s8.s32 v51;
	v6 =	vunpack.c.0.s8.s32 v52;
	v32 =	vcombine.low v3, v0  }
0x5b: {  	v33 =	vsel vm5, v50, v2;
	v2 =	vimm.s32 $0x72717070;
	v3 =	vimm.s32 $0x76757473  }
0x5c: {  	v43 =	vor.u32 $0x20, v1;
	v2 =	vunpack.c.0.s8.s32 v2;
	v3 =	vunpack.c.0.s8.s32 v3  }
0x5d: {  	s5 =	rddreg [dreg:$0x0];
	v4 =	vunpack.c.0.s8.s32 v54;
	v34 =	vsel vm5, v5, v7;
	v0 =	vsel vm4, v8, v6  }
0x5e: {  	s6 =	rddreg [dreg:$0x2];
	v5 =	vunpack.c.0.s8.s32 v55;
	v2 =	vsel vm4, v3, v2;
	v3 =	vunpack.c.0.s8.s32 v56  }
0x5f: {  	s4 =	simm.s32 $0x0;
	s0 =	srdreg.scid;
	s2 =	stileid.u32;
	v6 =	vunpack.c.0.s8.s32 v61;
	v36 =	vcombine.low v2, v0;
	v2 =	vimm.s32 $0x73727174  }
0x60: {  	s13 =	simm.s32 $0x80;
	s16 =	simm.s32 $0x1;
	s17 =	simm.s32 $0x100;
	v0 =	vsel vm4, v5, v4;
	v3 =	vsel vm4, v58, v3;
	v2 =	vunpack.c.0.s8.s32 v2  }
0x61: {  	s19 =	simm.s32 $0x2;
	s20 =	simm.s32 $0x4;
	s0 =	sand.u32 $0x1, s0;
	v4 =	vunpack.c.0.s8.s32 v59;
	v5 =	vunpack.c.0.s8.s32 v60;
	v37 =	vcombine.low v3, v0  }
0x62: {  	s2 =	sshll.u32 s2, $0x7;
	s1 =	ssub.s32 $0x2, s0;
	s0 =	sshll.u32 s0, $0x6;
	v3 =	vimm.s32 $0x74737271;
	v62 =	vnsel vm7, $0x70, v2;
	v2 =	vnsel vm6, $0x70, v2  }
0x63: {  	[smem:$0x7FF] =	sst s4;
	s7 =	sadd.s32 $0x800, s5;
	s0 =	sor.u32 s0, s2;
	v3 =	vunpack.c.0.s8.s32 v3;
	v0 =	vsel vm6, v4, v62;
	v39 =	vsel vm5, v6, v2  }
.Ltmp0:
0x64: {  	s3 =	sshrl.u32 s1, $0x1;
	s2 =	sshll.u32 s0, $0x9;
	v2 =	vimm.s32 $0x7F7F7E7D;
	v38 =	vsel vm5, v5, v0;
	v0 =	vimm.s32 $0x7C7B7A79;
	(pc) =	sbr.rel .LBB2_1-.Ltmp0, $4  }
0x65: {  	s21 =	smov.u32 s6;
	s1 =	ssub.s32 s1, s3;
	s30 =	sadd.s32 s5, s2;
	v4 =	vunpack.c.0.s8.s32 v63;
	v2 =	vunpack.c.0.s8.s32 v2;
	v0 =	vunpack.c.0.s8.s32 v0  }
0x66: {  	s2 =	sadd.s32 s2, s7;
	_ =	strace $0x80000047;
	[dreg:$0x4] =	wrdreg s30;
	v44 =	vadd.s32 $0x21, v1;
	v47 =	vor.u32 $0x40, v1;
	v48 =	vadd.s32 $0x41, v1  }
0x67: {  	s8 =	sadd.s32 $0x800, s6;
	s31 =	smax.u32 s1, $0x1;
	[dreg:$0x5] =	wrdreg s2;
	v51 =	vor.u32 $0x60, v1;
	v0 =	vsel vm4, v2, v0;
	v2 =	vsel vm4, v4, v3  }
0x68: {  	s10 =	sshrl.u32 s0, $0x3;
	s1 =	simm.s32 $0x0;
	[dreg:$0x6] =	wrdreg s31;
	v52 =	vadd.s32 $0x61, v1;
	v50 =	vadd.s32 $0x51, v1;
	v54 =	vcombine.low v2, v0  }
.LBB2_111:
0x69: {  	s0 =	simm.s32 $0x3  }
0x6a: {  	_ =	swait.ge [sflag:s0], $0x4000  }
0x6b: {  	[sflag:s0] =	ssyncset.done $0x0  }
0x6c: {  	[sflag:s0] =	ssyncadd.s32 $0xFFFFC000  }
0x6d: {  	_ =	swait.ge [sflag:s20], $0x4000  }
0x6e: {  	s1 =	rddreg [dreg:$0x7]  }
0x6f: {  	s31 =	rddreg [dreg:$0x6];
	s1 =	sadd.s32 $0x1, s1  }
0x70: {  	p0 =	sne.s32 s1, s31  }
.Ltmp1:
0x71: {  	_ = 	snop;
	(pc) =	sbr.rel @!p0 .LBB2_112-.Ltmp1, $3  }
0x72: {  	_ =	sdelay $0x1  }
0x73: {  	[sflag:s20] =	ssyncset.done $0x0  }
0x74: {  	[sflag:s20] =	ssyncadd.s32 $0xFFFFC000  }
.LBB2_1:
0x75: {  	[dreg:$0x7] =	wrdreg s1  }
0x76: {  	s0 =	rddreg [dreg:$0x1];
	s26 =	simm.s32 $0x5  }
0x77: {  	[tilespmem:s4], [sflag:$0x5] =	stream.linear.gather [hbm4b:s0+s4], $0x80, $0x38;
	[tilespmem:$0x10180] =	vst v63  }
0x78: {  	_ =	swait.ge [sflag:s26], $0x80  }
0x79: {  	[sflag:s26] =	ssyncset.done $0x0  }
0x7a: {  	[sflag:s26] =	ssyncadd.s32 $0xFFFFFF80  }
0x7b: {  	v0 =	vld [tilespmem:$0x0];
	_ =	sdelay $0x4  }
0x7c: {  	v2 =	vmul.f32 $1.442695020e+00, v0;
	_ =	sdelay $0x1  }
0x7d: {  	(erf) = vpow2.f32 v2;
	_ =	sdelay $0x8  }
0x7e: {  	v2 =	vpop (erf)  }
0x7f: {  	v2 =	vadd.f32 $9.999999970e-07, v2;
	_ =	sdelay $0x1  }
0x80: {  	v0 =	vsel vm0, v0, v2;
	v2 =	vld [tilespmem:$0x1FF20];
	_ =	sdelay $0x6  }
0x81: {  	[tilespmem:$0x80] =	vst v0  }
0x82: {  	v2 =	vld.idx.msk [tilespmem:v2+s13+$0x0], $0xffff;
	_ =	sdelay $0x3  }
0x83: {  	vm4 =	veq.s32 v1, $0x0  }
0x84: {  	v2 =	vsel vm4, $0x0, v2  }
0x85: {  	v0 =	vadd.f32 v0, v2;
	v2 =	vld [tilespmem:$0x1FF30];
	_ =	sdelay $0x6  }
0x86: {  	[tilespmem:$0x80] =	vst v0  }
0x87: {  	v2 =	vld.idx.msk [tilespmem:v2+s13+$0x0], $0xffff;
	_ =	sdelay $0x4  }
0x88: {  	v2 =	vsel vm1, $0x0, v2  }
0x89: {  	v0 =	vadd.f32 v2, v0;
	v2 =	vld [tilespmem:$0x1FF40];
	_ =	sdelay $0x6  }
0x8a: {  	[tilespmem:$0x80] =	vst v0  }
0x8b: {  	v2 =	vld.idx.msk [tilespmem:v2+s13+$0x0], $0xffff  }
0x8c: {  	v3 =	vld [tilespmem:$0x10];
	_ =	sdelay $0x3  }
0x8d: {  	v2 =	vsel vm2, $0x0, v2  }
0x8e: {  	v0 =	vadd.f32 v2, v0;
	v2 =	vmul.f32 $1.442695020e+00, v3;
	v3 =	vld [tilespmem:$0x1FF50];
	_ =	sdelay $0x6  }
0x8f: {  	[tilespmem:$0x80] =	vst v0  }
0x90: {  	(erf) = vpow2.f32 v2;
	v3 =	vld.idx.msk [tilespmem:v3+s13+$0x0], $0xffff;
	_ =	sdelay $0x4  }
0x91: {  	v2 =	vsel vm3, $0x0, v3  }
0x92: {  	v0 =	vadd.f32 v2, v0;
	_ =	sdelay $0x1  }
0x93: {  	v3 =	vld [tilespmem:$0x1FF60];
	v0 =	vadd.f32 $0.0e+00, v0  }
0x94: {  	v2 =	vpop (erf)  }
0x95: {  	[tilespmem:$0x80] =	vst v0;
	v0 =	vadd.f32 $9.999999970e-07, v2;
	v2 =	vimm.s32 $0xF;
	_ =	sdelay $0x4  }
0x96: {  	v2 =	vld.idx.msk [tilespmem:v2+s13+$0x0], $0xffff;
	[tilespmem:$0x90] =	vst v0  }
0x97: {  	v3 =	vld.idx.msk [tilespmem:v3+s13+$0x0], $0xffff;
	_ =	sdelay $0x4  }
0x98: {  	v3 =	vsel vm4, $0x0, v3  }
0x99: {  	v0 =	vadd.f32 v3, v0;
	v3 =	vld [tilespmem:$0x1FF70];
	_ =	sdelay $0x6  }
0x9a: {  	[tilespmem:$0x90] =	vst v0  }
0x9b: {  	v3 =	vld.idx.msk [tilespmem:v3+s13+$0x0], $0xffff;
	_ =	sdelay $0x4  }
0x9c: {  	v3 =	vsel vm1, $0x0, v3  }
0x9d: {  	v0 =	vadd.f32 v3, v0;
	v3 =	vld [tilespmem:$0x1FF80];
	_ =	sdelay $0x6  }
0x9e: {  	[tilespmem:$0x90] =	vst v0  }
0x9f: {  	v3 =	vld.idx.msk [tilespmem:v3+s13+$0x0], $0xffff  }
0xa0: {  	v35 =	vld [tilespmem:$0x1FF90]  }
0xa1: {  	v4 =	vld [tilespmem:$0x20];
	_ =	sdelay $0x2  }
0xa2: {  	v3 =	vsel vm2, $0x0, v3  }
0xa3: {  	v0 =	vadd.f32 v3, v0  }
0xa4: {  	v3 =	vmul.f32 $1.442695020e+00, v4  }
0xa5: {  	[tilespmem:$0x90] =	vst v0  }
0xa6: {  	(erf) = vpow2.f32 v3;
	v4 =	vld.idx.msk [tilespmem:v35+s13+$0x0], $0xffff;
	_ =	sdelay $0x4  }
0xa7: {  	v3 =	vsel vm3, $0x0, v4  }
0xa8: {  	v0 =	vadd.f32 v3, v0;
	_ =	sdelay $0x1  }
0xa9: {  	v3 =	vld [tilespmem:$0x1FFA0];
	v0 =	vadd.f32 v0, v2  }
0xaa: {  	v2 =	vpop (erf)  }
0xab: {  	[tilespmem:$0x90] =	vst v0;
	v0 =	vadd.f32 $9.999999970e-07, v2;
	v2 =	vimm.s32 $0x1F;
	_ =	sdelay $0x4  }
0xac: {  	v2 =	vld.idx.msk [tilespmem:v2+s13+$0x0], $0xffff;
	[tilespmem:$0xA0] =	vst v0  }
0xad: {  	v3 =	vld.idx.msk [tilespmem:v3+s13+$0x0], $0xffff;
	_ =	sdelay $0x4  }
0xae: {  	v3 =	vsel vm4, $0x0, v3  }
0xaf: {  	v0 =	vadd.f32 v3, v0;
	v3 =	vld [tilespmem:$0x1FFB0];
	_ =	sdelay $0x6  }
0xb0: {  	[tilespmem:$0xA0] =	vst v0  }
0xb1: {  	v3 =	vld.idx.msk [tilespmem:v3+s13+$0x0], $0xffff;
	_ =	sdelay $0x4  }
0xb2: {  	v3 =	vsel vm1, $0x0, v3  }
0xb3: {  	v0 =	vadd.f32 v3, v0;
	v3 =	vld [tilespmem:$0x1FFC0];
	_ =	sdelay $0x6  }
0xb4: {  	[tilespmem:$0xA0] =	vst v0  }
0xb5: {  	v3 =	vld.idx.msk [tilespmem:v3+s13+$0x0], $0xffff  }
0xb6: {  	v56 =	vld [tilespmem:$0x1FFD0]  }
0xb7: {  	v55 =	vld [tilespmem:$0x30];
	_ =	sdelay $0x2  }
0xb8: {  	v3 =	vsel vm2, $0x0, v3  }
0xb9: {  	v0 =	vadd.f32 v3, v0  }
0xba: {  	v3 =	vmul.f32 $1.442695020e+00, v55  }
0xbb: {  	[tilespmem:$0xA0] =	vst v0  }
0xbc: {  	(erf) = vpow2.f32 v3;
	v4 =	vld.idx.msk [tilespmem:v56+s13+$0x0], $0xffff;
	_ =	sdelay $0x4  }
0xbd: {  	v3 =	vsel vm3, $0x0, v4  }
0xbe: {  	v0 =	vadd.f32 v3, v0;
	_ =	sdelay $0x1  }
0xbf: {  	v3 =	vld [tilespmem:$0x1FFE0];
	v0 =	vadd.f32 v0, v2  }
0xc0: {  	v2 =	vpop (erf)  }
0xc1: {  	[tilespmem:$0xA0] =	vst v0;
	v0 =	vadd.f32 $9.999999970e-07, v2;
	v2 =	vimm.s32 $0x2F;
	_ =	sdelay $0x4  }
0xc2: {  	v2 =	vld.idx.msk [tilespmem:v2+s13+$0x0], $0xffff;
	[tilespmem:$0xB0] =	vst v0  }
0xc3: {  	v3 =	vld.idx.msk [tilespmem:v3+s13+$0x0], $0xffff;
	_ =	sdelay $0x4  }
0xc4: {  	v3 =	vsel vm4, $0x0, v3  }
0xc5: {  	v0 =	vadd.f32 v3, v0;
	v3 =	vld [tilespmem:$0x1FFF0];
	_ =	sdelay $0x6  }
0xc6: {  	[tilespmem:$0xB0] =	vst v0  }
0xc7: {  	v3 =	vld.idx.msk [tilespmem:v3+s13+$0x0], $0xffff;
	_ =	sdelay $0x4  }
0xc8: {  	v3 =	vsel vm1, $0x0, v3  }
0xc9: {  	v0 =	vadd.f32 v3, v0;
	_ =	sdelay $0x1  }
0xca: {  	[tilespmem:$0xB0] =	vst v0  }
0xcb: {  	v3 =	vld.idx.msk [tilespmem:v18+s13+$0x0], $0xffff;
	_ =	sdelay $0x1  }
0xcc: {  	v57 =	vld [tilespmem:$0x40];
	_ =	sdelay $0x2  }
0xcd: {  	v3 =	vsel vm2, $0x0, v3  }
0xce: {  	v0 =	vadd.f32 v3, v0  }
0xcf: {  	v3 =	vmul.f32 $1.442695020e+00, v57  }
0xd0: {  	[tilespmem:$0xB0] =	vst v0  }
0xd1: {  	(erf) = vpow2.f32 v3;
	v58 =	vld.idx.msk [tilespmem:v19+s13+$0x0], $0xffff;
	_ =	sdelay $0x4  }
0xd2: {  	v3 =	vsel vm3, $0x0, v58  }
0xd3: {  	v0 =	vadd.f32 v3, v0;
	_ =	sdelay $0x1  }
0xd4: {  	v0 =	vadd.f32 v0, v2  }
0xd5: {  	v2 =	vpop (erf)  }
0xd6: {  	[tilespmem:$0xB0] =	vst v0;
	v0 =	vadd.f32 $9.999999970e-07, v2;
	v2 =	vimm.s32 $0x3F;
	_ =	sdelay $0x4  }
0xd7: {  	v2 =	vld.idx.msk [tilespmem:v2+s13+$0x0], $0xffff;
	[tilespmem:$0xC0] =	vst v0  }
0xd8: {  	v3 =	vld.idx.msk [tilespmem:v21+s13+$0x0], $0xffff;
	_ =	sdelay $0x4  }
0xd9: {  	v3 =	vsel vm4, $0x0, v3  }
0xda: {  	v0 =	vadd.f32 v3, v0;
	_ =	sdelay $0x1  }
0xdb: {  	[tilespmem:$0xC0] =	vst v0  }
0xdc: {  	v3 =	vld.idx.msk [tilespmem:v22+s13+$0x0], $0xffff;
	_ =	sdelay $0x4  }
0xdd: {  	v3 =	vsel vm1, $0x0, v3  }
0xde: {  	v0 =	vadd.f32 v3, v0;
	_ =	sdelay $0x1  }
0xdf: {  	[tilespmem:$0xC0] =	vst v0  }
0xe0: {  	v3 =	vld.idx.msk [tilespmem:v23+s13+$0x0], $0xffff;
	_ =	sdelay $0x1  }
0xe1: {  	v59 =	vld [tilespmem:$0x50];
	_ =	sdelay $0x2  }
0xe2: {  	v3 =	vsel vm2, $0x0, v3  }
0xe3: {  	v0 =	vadd.f32 v3, v0  }
0xe4: {  	v3 =	vmul.f32 $1.442695020e+00, v59  }
0xe5: {  	[tilespmem:$0xC0] =	vst v0  }
0xe6: {  	(erf) = vpow2.f32 v3;
	v60 =	vld.idx.msk [tilespmem:v24+s13+$0x0], $0xffff;
	_ =	sdelay $0x4  }
0xe7: {  	v3 =	vsel vm3, $0x0, v60  }
0xe8: {  	v0 =	vadd.f32 v3, v0;
	_ =	sdelay $0x1  }
0xe9: {  	v0 =	vadd.f32 v0, v2  }
0xea: {  	v2 =	vpop (erf)  }
0xeb: {  	[tilespmem:$0xC0] =	vst v0;
	v0 =	vadd.f32 $9.999999970e-07, v2;
	v2 =	vimm.s32 $0x4F;
	_ =	sdelay $0x4  }
0xec: {  	v2 =	vld.idx.msk [tilespmem:v2+s13+$0x0], $0xffff;
	[tilespmem:$0xD0] =	vst v0  }
0xed: {  	v3 =	vld.idx.msk [tilespmem:v26+s13+$0x0], $0xffff;
	_ =	sdelay $0x4  }
0xee: {  	v3 =	vsel vm4, $0x0, v3  }
0xef: {  	v0 =	vadd.f32 v3, v0;
	_ =	sdelay $0x1  }
0xf0: {  	[tilespmem:$0xD0] =	vst v0  }
0xf1: {  	v3 =	vld.idx.msk [tilespmem:v27+s13+$0x0], $0xffff;
	_ =	sdelay $0x4  }
0xf2: {  	v3 =	vsel vm1, $0x0, v3  }
0xf3: {  	v0 =	vadd.f32 v3, v0;
	_ =	sdelay $0x1  }
0xf4: {  	[tilespmem:$0xD0] =	vst v0  }
0xf5: {  	v3 =	vld.idx.msk [tilespmem:v28+s13+$0x0], $0xffff;
	_ =	sdelay $0x1  }
0xf6: {  	v61 =	vld [tilespmem:$0x60];
	_ =	sdelay $0x2  }
0xf7: {  	v3 =	vsel vm2, $0x0, v3  }
0xf8: {  	v0 =	vadd.f32 v3, v0  }
0xf9: {  	v3 =	vmul.f32 $1.442695020e+00, v61  }
0xfa: {  	[tilespmem:$0xD0] =	vst v0  }
0xfb: {  	(erf) = vpow2.f32 v3;
	v62 =	vld.idx.msk [tilespmem:v29+s13+$0x0], $0xffff;
	_ =	sdelay $0x4  }
0xfc: {  	v3 =	vsel vm3, $0x0, v62  }
0xfd: {  	v0 =	vadd.f32 v3, v0;
	_ =	sdelay $0x1  }
0xfe: {  	v0 =	vadd.f32 v0, v2  }
0xff: {  	v2 =	vpop (erf)  }
0x100: {  	[tilespmem:$0xD0] =	vst v0;
	v0 =	vadd.f32 $9.999999970e-07, v2;
	v2 =	vimm.s32 $0x5F;
	_ =	sdelay $0x4  }
0x101: {  	v2 =	vld.idx.msk [tilespmem:v2+s13+$0x0], $0xffff;
	[tilespmem:$0xE0] =	vst v0  }
0x102: {  	v3 =	vld.idx.msk [tilespmem:v31+s13+$0x0], $0xffff;
	_ =	sdelay $0x4  }
0x103: {  	v3 =	vsel vm4, $0x0, v3  }
0x104: {  	v0 =	vadd.f32 v3, v0;
	_ =	sdelay $0x1  }
0x105: {  	[tilespmem:$0xE0] =	vst v0  }
0x106: {  	v3 =	vld.idx.msk [tilespmem:v32+s13+$0x0], $0xffff;
	_ =	sdelay $0x4  }
0x107: {  	v3 =	vsel vm1, $0x0, v3  }
0x108: {  	v0 =	vadd.f32 v3, v0;
	_ =	sdelay $0x1  }
0x109: {  	[tilespmem:$0xE0] =	vst v0  }
0x10a: {  	v3 =	vld.idx.msk [tilespmem:v33+s13+$0x0], $0xffff;
	_ =	sdelay $0x1  }
0x10b: {  	v63 =	vld [tilespmem:$0x70];
	_ =	sdelay $0x2  }
0x10c: {  	v3 =	vsel vm2, $0x0, v3  }
0x10d: {  	v0 =	vadd.f32 v3, v0  }
0x10e: {  	v3 =	vmul.f32 $1.442695020e+00, v63  }
0x10f: {  	[tilespmem:$0xE0] =	vst v0  }
0x110: {  	(erf) = vpow2.f32 v3;
	v3 =	vld.idx.msk [tilespmem:v34+s13+$0x0], $0xffff;
	_ =	sdelay $0x4  }
0x111: {  	v3 =	vsel vm3, $0x0, v3  }
0x112: {  	v0 =	vadd.f32 v3, v0;
	_ =	sdelay $0x1  }
0x113: {  	v0 =	vadd.f32 v0, v2  }
0x114: {  	v2 =	vpop (erf)  }
0x115: {  	[tilespmem:$0xE0] =	vst v0;
	v0 =	vadd.f32 $9.999999970e-07, v2;
	v2 =	vimm.s32 $0x6F;
	_ =	sdelay $0x4  }
0x116: {  	v2 =	vld.idx.msk [tilespmem:v2+s13+$0x0], $0xffff;
	[tilespmem:$0xF0] =	vst v0  }
0x117: {  	v3 =	vld.idx.msk [tilespmem:v36+s13+$0x0], $0xffff;
	_ =	sdelay $0x4  }
0x118: {  	v3 =	vsel vm4, $0x0, v3  }
0x119: {  	v0 =	vadd.f32 v3, v0;
	_ =	sdelay $0x1  }
0x11a: {  	[tilespmem:$0xF0] =	vst v0  }
0x11b: {  	v3 =	vld.idx.msk [tilespmem:v37+s13+$0x0], $0xffff;
	_ =	sdelay $0x4  }
0x11c: {  	v3 =	vsel vm1, $0x0, v3  }
0x11d: {  	v0 =	vadd.f32 v3, v0;
	_ =	sdelay $0x1  }
0x11e: {  	[tilespmem:$0xF0] =	vst v0  }
0x11f: {  	v3 =	vld.idx.msk [tilespmem:v38+s13+$0x0], $0xffff;
	_ =	sdelay $0x4  }
0x120: {  	v3 =	vsel vm2, $0x0, v3  }
0x121: {  	v0 =	vadd.f32 v3, v0;
	_ =	sdelay $0x1  }
0x122: {  	[tilespmem:$0xF0] =	vst v0  }
0x123: {  	v3 =	vld.idx.msk [tilespmem:v39+s13+$0x0], $0xffff;
	_ =	sdelay $0x4  }
0x124: {  	v3 =	vsel vm3, $0x0, v3  }
0x125: {  	v0 =	vadd.f32 v3, v0;
	_ =	sdelay $0x1  }
0x126: {  	v0 =	vadd.f32 v0, v2;
	_ =	sdelay $0x1  }
0x127: {  	[tilespmem:$0xF0] =	vst v0  }
0x128: {  	v0 =	vld.idx.msk [tilespmem:v1+s13+$0x0], $0xffff  }
0x129: {  	v2 =	vld.idx.msk [tilespmem:v40+s13+$0x0], $0xffff;
	_ =	sdelay $0x4  }
0x12a: {  	v0 =	vsub.f32 v2, v0;
	_ =	sdelay $0x1  }
0x12b: {  	[tilespmem:$0x100] =	vst v0  }
0x12c: {  	v0 =	vld.idx.msk [tilespmem:v41+s13+$0x0], $0xffff  }
0x12d: {  	v2 =	vld.idx.msk [tilespmem:v42+s13+$0x0], $0xffff;
	_ =	sdelay $0x4  }
0x12e: {  	v0 =	vsub.f32 v2, v0;
	_ =	sdelay $0x1  }
0x12f: {  	[tilespmem:$0x110] =	vst v0  }
0x130: {  	v0 =	vld.idx.msk [tilespmem:v43+s13+$0x0], $0xffff  }
0x131: {  	v2 =	vld.idx.msk [tilespmem:v44+s13+$0x0], $0xffff;
	_ =	sdelay $0x4  }
0x132: {  	v0 =	vsub.f32 v2, v0;
	_ =	sdelay $0x1  }
0x133: {  	[tilespmem:$0x120] =	vst v0  }
0x134: {  	v0 =	vld.idx.msk [tilespmem:v45+s13+$0x0], $0xffff  }
0x135: {  	v2 =	vld.idx.msk [tilespmem:v46+s13+$0x0], $0xffff;
	_ =	sdelay $0x4  }
0x136: {  	v0 =	vsub.f32 v2, v0;
	_ =	sdelay $0x1  }
0x137: {  	[tilespmem:$0x130] =	vst v0  }
0x138: {  	v0 =	vld.idx.msk [tilespmem:v47+s13+$0x0], $0xffff  }
0x139: {  	v2 =	vld.idx.msk [tilespmem:v48+s13+$0x0], $0xffff;
	_ =	sdelay $0x4  }
0x13a: {  	v0 =	vsub.f32 v2, v0;
	_ =	sdelay $0x1  }
0x13b: {  	[tilespmem:$0x140] =	vst v0  }
0x13c: {  	v0 =	vld.idx.msk [tilespmem:v49+s13+$0x0], $0xffff  }
0x13d: {  	v2 =	vld.idx.msk [tilespmem:v50+s13+$0x0], $0xffff;
	_ =	sdelay $0x4  }
0x13e: {  	v0 =	vsub.f32 v2, v0;
	_ =	sdelay $0x1  }
0x13f: {  	[tilespmem:$0x150] =	vst v0  }
0x140: {  	v0 =	vld.idx.msk [tilespmem:v51+s13+$0x0], $0xffff  }
0x141: {  	v2 =	vld.idx.msk [tilespmem:v52+s13+$0x0], $0xffff;
	_ =	sdelay $0x4  }
0x142: {  	v0 =	vsub.f32 v2, v0;
	_ =	sdelay $0x1  }
0x143: {  	[tilespmem:$0x160] =	vst v0  }
0x144: {  	v0 =	vld.idx.msk [tilespmem:v53+s13+$0x0], $0xffff  }
0x145: {  	v2 =	vld.idx.msk [tilespmem:v54+s13+$0x0], $0xffff;
	_ =	sdelay $0x4  }
0x146: {  	v0 =	vsub.f32 v2, v0;
	_ =	sdelay $0x1  }
0x147: {  	s29 =	simm.s32 $0x180;
	s28 =	rddreg [dreg:$0x4];
	[tilespmem:$0x170] =	vst v0  }
0x148: {  	[tilespmem:s29], [sflag:$0x1] =	stream.linear.gather [hbm4b:s28+s4], $0x4000, $0x38;
	[tilespmem:$0x10180] =	vst v63  }
0x149: {  	s31 =	simm.s32 $0x4180;
	s25 =	simm.s32 $0x0;
	s30 =	rddreg [dreg:$0x5]  }
0x14a: {  	[tilespmem:s31], [sflag:$0x2] =	stream.linear.gather [hbm4b:s30+s4], $0x4000, $0x38;
	[tilespmem:$0x10180] =	vst v63  }
.LBB2_2:
0x14b: {  	_ =	swait.ge [sflag:s16], $0x4000  }
0x14c: {  	p0 =	seq.s32 s25, $0x0;
	s1 =	simm.s32 $0x0;
	[sflag:s16] =	ssyncset.done $0x0  }
0x14d: {  	s2 =	simm.s32 $0x0;
	s0 =	simm.s32 @!p0 $0x3;
	[sflag:s16] =	ssyncadd.s32 $0xFFFFC000  }
0x14e: {  	s2 =	sand.u32 $0x40, s2;
	s3 =	simm.s32 @!p0 $0x0;
	_ =	swait.ge @!p0 [sflag:s0], $0x4000  }
0x14f: {  	s1 =	sand.u32 $0x3C00, s1;
	s3 =	simm.s32 @p0 $0x1;
	[sflag:s0] =	ssyncset.done @!p0 $0x0  }
0x150: {  	s26 =	sor.u32 s2, s1;
	[smem:$0x7FD] =	sst s3;
	[sflag:s0] =	ssyncadd.s32 @!p0 $0xFFFFC000  }
0x151: {  	v0 =	vld [tilespmem:s26+$0x1B0];
	_ =	sdelay $0x2  }
0x152: {  	s28 =	simm.s32 $0x40;
	s29 =	simm.s32 $0x200;
	v2 =	vld [tilespmem:s26+$0x180]  }
0x153: {  	s1 =	sand.u32 $0x3C00, s29;
	s0 =	sand.u32 $0x40, s28;
	v3 =	vld [tilespmem:s26+$0x190]  }
0x154: {  	s24 =	smov.u32 s25;
	v4 =	vld [tilespmem:s26+$0x1A0];
	s25 =	sor.u32 s0, s1;
	v0 =	vadd.f32 $3.000000000e+00, v0  }
0x155: {  	v7 =	vld [tilespmem:s25+$0x1B0]  }
0x156: {  	v9 =	vld [tilespmem:s25+$0x180];
	v0 =	vmul.f32 $2.116666600e+01, v0  }
0x157: {  	v2 =	vadd.f32 $3.000000000e+00, v2  }
0x158: {  	v3 =	vadd.f32 $3.000000000e+00, v3;
	v5 =	vmax.f32 v0, $0.0e+00  }
0x159: {  	v15 =	vld [tilespmem:s25+$0x1A0];
	v4 =	vadd.f32 $3.000000000e+00, v4;
	v2 =	vmul.f32 $2.116666600e+01, v2;
	v5 =	vmin.f32 v5, $1.260000000e+02  }
0x15a: {  	v7 =	vadd.f32 $3.000000000e+00, v7;
	v3 =	vmul.f32 $2.116666600e+01, v3;
	v5 =	vtrunc.f32 v5  }
0x15b: {  	v9 =	vadd.f32 $3.000000000e+00, v9;
	v6 =	vmax.f32 v2, $0.0e+00;
	v5 =	vcvt.f32.s32 v5  }
0x15c: {  	v4 =	vmul.f32 $2.116666600e+01, v4;
	v8 =	vmax.f32 v3, $0.0e+00;
	v6 =	vmin.f32 v6, $1.260000000e+02  }
0x15d: {  	v11 =	vld [tilespmem:s25+$0x190];
	v56 =	vmul.f32 $2.116666600e+01, v7;
	v8 =	vmin.f32 v8, $1.260000000e+02;
	v6 =	vtrunc.f32 v6  }
0x15e: {  	v7 =	vadd.f32 $3.000000000e+00, v15;
	v8 =	vtrunc.f32 v8;
	v6 =	vcvt.f32.s32 v6  }
0x15f: {  	v58 =	vmul.f32 $2.116666600e+01, v9;
	v10 =	vmax.f32 v4, $0.0e+00;
	v8 =	vcvt.f32.s32 v8  }
0x160: {  	s5 =	simm.s32 $0x400;
	s2 =	simm.s32 $0x80;
	v10 =	vmin.f32 v10, $1.260000000e+02;
	v60 =	vmul.f32 $2.116666600e+01, v7  }
0x161: {  	s31 =	sand.u32 $0x3C00, s5;
	s30 =	sand.u32 $0x40, s2;
	v9 =	vmax.f32 v58, $0.0e+00;
	v10 =	vtrunc.f32 v10;
	v20 =	vcvt.s32.f32 v6;
	v25 =	vld.idx.msk [tilespmem:v5+s17+$0x0], $0xffff  }
0x162: {  	s1 =	sor.u32 s30, s31;
	v9 =	vmin.f32 v9, $1.260000000e+02;
	v35 =	vcvt.s32.f32 v5;
	v55 =	vld.idx.msk [tilespmem:v5+s13+$0x0], $0xffff;
	v5 =	vadd.f32 $3.000000000e+00, v11  }
0x163: {  	v10 =	vcvt.f32.s32 v10;
	v9 =	vtrunc.f32 v9;
	v2 =	vsub.f32 v2, v20;
	v20 =	vld [tilespmem:s1+$0x180]  }
0x164: {  	v62 =	vcvt.f32.s32 v9;
	v57 =	vld.idx.msk [tilespmem:v6+s17+$0x0], $0xffff;
	v59 =	vmul.f32 $2.116666600e+01, v5;
	v5 =	vmax.f32 v56, $0.0e+00  }
0x165: {  	v30 =	vcvt.s32.f32 v8;
	v0 =	vsub.f32 v0, v35;
	v35 =	vld.idx.msk [tilespmem:v8+s17+$0x0], $0xffff;
	v5 =	vmin.f32 v5, $1.260000000e+02  }
0x166: {  	v15 =	vcvt.s32.f32 v10;
	v11 =	vtrunc.f32 v5;
	v5 =	vld.idx.msk [tilespmem:v8+s13+$0x0], $0xffff  }
0x167: {  	v7 =	vmul.f32 v0, v25;
	v0 =	vld.idx.msk [tilespmem:v6+s13+$0x0], $0xffff;
	v25 =	vmax.f32 v60, $0.0e+00;
	v8 =	vcvt.f32.s32 v11  }
0x168: {  	v6 =	vmax.f32 v59, $0.0e+00;
	v11 =	vmin.f32 v25, $1.260000000e+02;
	v25 =	vld [tilespmem:s1+$0x1B0]  }
0x169: {  	v12 =	vcvt.s32.f32 v62;
	v4 =	vsub.f32 v4, v15;
	v15 =	vld [tilespmem:s1+$0x1A0];
	v6 =	vmin.f32 v6, $1.260000000e+02  }
0x16a: {  	v63 =	vld [tilespmem:s1+$0x190];
	v3 =	vsub.f32 v3, v30;
	v30 =	vmul.f32 v2, v57;
	v6 =	vtrunc.f32 v6  }
0x16b: {  	v61 =	vld.idx.msk [tilespmem:v10+s17+$0x0], $0xffff;
	v20 =	vadd.f32 $3.000000000e+00, v20;
	v9 =	vtrunc.f32 v11;
	v11 =	vcvt.f32.s32 v6  }
0x16c: {  	v13 =	vadd.f32 v7, v55;
	v55 =	vmul.f32 v3, v35;
	v35 =	vld.idx.msk [tilespmem:v62+s17+$0x0], $0xffff;
	v9 =	vcvt.f32.s32 v9  }
0x16d: {  	v7 =	vsub.f32 v58, v12;
	v2 =	vcvt.s32.f32 v11;
	v12 =	vld.idx.msk [tilespmem:v8+s17+$0x0], $0xffff;
	v25 =	vadd.f32 $3.000000000e+00, v25  }
0x16e: {  	v15 =	vadd.f32 $3.000000000e+00, v15;
	v57 =	vcvt.s32.f32 v8;
	v6 =	vld.idx.msk [tilespmem:v10+s13+$0x0], $0xffff;
	v10 =	vcvt.s32.f32 v9  }
0x16f: {  	v58 =	vld.idx.msk [tilespmem:v8+s13+$0x0], $0xffff;
	v2 =	vsub.f32 v59, v2;
	v59 =	vadd.f32 $3.000000000e+00, v63;
	v25 =	vmul.f32 $2.116666600e+01, v25  }
0x170: {  	v15 =	vmul.f32 $2.116666600e+01, v15;
	v8 =	vmul.f32 $2.116666600e+01, v20;
	v63 =	vsub.f32 v56, v57;
	v56 =	vld.idx.msk [tilespmem:v62+s13+$0x0], $0xffff  }
0x171: {  	v3 =	vsub.f32 v60, v10;
	v20 =	vld.idx.msk [tilespmem:v11+s17+$0x0], $0xffff;
	v10 =	vmul.f32 $2.116666600e+01, v59;
	v60 =	vmax.f32 v25, $0.0e+00  }
0x172: {  	s9 =	smov.u32 s26;
	s6 =	smov.u32 s25;
	[tilespmem:s26+$0x81B0] =	vst v13;
	v57 =	vmul.f32 v4, v61;
	v4 =	vld.idx.msk [tilespmem:v9+s17+$0x0], $0xffff;
	v60 =	vmin.f32 v60, $1.260000000e+02;
	v59 =	vmul.f32 v63, v12  }
.LBB2_3:
0x173: {  	s2 =	sadd.s32 $0x40, s2;
	v12 =	vmax.f32 v8, $0.0e+00;
	v13 =	vmax.f32 v10, $0.0e+00;
	v60 =	vtrunc.f32 v60;
	s5 =	sadd.s32 $0x200, s5;
	v61 =	vld.idx.msk [tilespmem:v11+s13+$0x0], $0xffff  }
0x174: {  	s0 =	sand.u32 $0x40, s2;
	s3 =	sand.u32 $0x3C00, s5;
	p0 =	slt.u32 s2, $0x7C0;
	v11 =	vmax.f32 v15, $0.0e+00;
	v60 =	vcvt.f32.s32 v60;
	v62 =	vld.idx.msk [tilespmem:v9+s13+$0x0], $0xffff;
	v9 =	vadd.f32 v59, v58  }
0x175: {  	v12 =	vmin.f32 v12, $1.260000000e+02;
	v13 =	vmin.f32 v13, $1.260000000e+02;
	s0 =	sor.u32 s0, s3;
	v11 =	vmin.f32 v11, $1.260000000e+02  }
0x176: {  	v14 =	vadd.f32 v30, v0;
	v12 =	vtrunc.f32 v12;
	v13 =	vtrunc.f32 v13;
	v58 =	vld [tilespmem:s0+$0x1B0];
	[tilespmem:s6+$0x81B0] =	vst v9  }
0x177: {  	v16 =	vadd.f32 v55, v5;
	v12 =	vcvt.f32.s32 v12;
	v9 =	vtrunc.f32 v11;
	v59 =	vld [tilespmem:s0+$0x180]  }
0x178: {  	v11 =	vcvt.f32.s32 v13;
	v9 =	vcvt.f32.s32 v9;
	v0 =	vmovc v56;
	v63 =	vld [tilespmem:s0+$0x190];
	[tilespmem:s9+$0x8180] =	vst v14;
	v14 =	vadd.f32 v57, v6  }
0x179: {  	v30 =	vmul.f32 v7, v35;
	v55 =	vcvt.s32.f32 v12;
	v5 =	vmov v61;
	v13 =	vld [tilespmem:s0+$0x1A0];
	[tilespmem:s9+$0x8190] =	vst v16  }
0x17a: {  	v35 =	vcvt.s32.f32 v11;
	v56 =	vcvt.s32.f32 v9;
	v6 =	vmov v62;
	v61 =	vld.idx.msk [tilespmem:v60+s17+$0x0], $0xffff;
	[tilespmem:s9+$0x81A0] =	vst v14;
	s9 =	smov.u32 s6;
	s6 =	smov.u32 s1;
	s1 =	smov.u32 s0  }
0x17b: {  	v7 =	vsub.f32 v8, v55;
	v55 =	vmul.f32 v2, v20;
	v57 =	vadd.f32 $3.000000000e+00, v58  }
.Ltmp2:
0x17c: {  	v2 =	vsub.f32 v10, v35;
	v10 =	vcvt.s32.f32 v60;
	v8 =	vadd.f32 $3.000000000e+00, v59;
	v58 =	vld.idx.msk [tilespmem:v60+s13+$0x0], $0xffff;
	(pc) =	sbr.rel @p0 .LBB2_3-.Ltmp2, $4  }
0x17d: {  	v15 =	vsub.f32 v15, v56;
	v59 =	vadd.f32 $3.000000000e+00, v63;
	v60 =	vmul.f32 $2.116666600e+01, v57;
	v35 =	vld.idx.msk [tilespmem:v12+s17+$0x0], $0xffff  }
0x17e: {  	v62 =	vsub.f32 v25, v10;
	v8 =	vmul.f32 $2.116666600e+01, v8;
	v13 =	vadd.f32 $3.000000000e+00, v13;
	v20 =	vld.idx.msk [tilespmem:v11+s17+$0x0], $0xffff  }
0x17f: {  	v57 =	vmul.f32 v3, v4;
	v3 =	vmovc v15;
	v10 =	vmul.f32 $2.116666600e+01, v59;
	v56 =	vmax.f32 v60, $0.0e+00;
	v4 =	vld.idx.msk [tilespmem:v9+s17+$0x0], $0xffff;
	v25 =	vmovc v60  }
0x180: {  	v59 =	vmul.f32 v62, v61;
	v15 =	vmul.f32 $2.116666600e+01, v13;
	v60 =	vmin.f32 v56, $1.260000000e+02;
	v56 =	vld.idx.msk [tilespmem:v12+s13+$0x0], $0xffff  }
0x181: {  	v12 =	vtrunc.f32 v60;
	v13 =	vmax.f32 v8, $0.0e+00  }
0x182: {  	v60 =	vmax.f32 v10, $0.0e+00;
	v12 =	vcvt.f32.s32 v12;
	v13 =	vmin.f32 v13, $1.260000000e+02  }
0x183: {  	v60 =	vmin.f32 v60, $1.260000000e+02;
	v13 =	vtrunc.f32 v13  }
0x184: {  	v61 =	vmax.f32 v15, $0.0e+00;
	v60 =	vtrunc.f32 v60;
	v13 =	vcvt.f32.s32 v13  }
0x185: {  	v61 =	vmin.f32 v61, $1.260000000e+02;
	v60 =	vcvt.f32.s32 v60  }
0x186: {  	v11 =	vld.idx.msk [tilespmem:v11+s13+$0x0], $0xffff;
	v61 =	vtrunc.f32 v61  }
0x187: {  	v9 =	vld.idx.msk [tilespmem:v9+s13+$0x0], $0xffff;
	v61 =	vcvt.f32.s32 v61  }
0x188: {  	v0 =	vadd.f32 v30, v0;
	v62 =	vld.idx.msk [tilespmem:v12+s17+$0x0], $0xffff  }
0x189: {  	v63 =	vcvt.s32.f32 v12;
	v12 =	vld.idx.msk [tilespmem:v12+s13+$0x0], $0xffff  }
0x18a: {  	v5 =	vadd.f32 v55, v5;
	[tilespmem:s9+$0x8180] =	vst v0;
	v0 =	vadd.f32 v57, v6;
	v30 =	vld.idx.msk [tilespmem:v13+s17+$0x0], $0xffff  }
0x18b: {  	v7 =	vmul.f32 v7, v35;
	v2 =	vmul.f32 v2, v20;
	v25 =	vsub.f32 v25, v63;
	v55 =	vld.idx.msk [tilespmem:v60+s17+$0x0], $0xffff  }
0x18c: {  	v3 =	vmul.f32 v3, v4;
	[tilespmem:s9+$0x81A0] =	vst v0;
	v6 =	vcvt.s32.f32 v13;
	v0 =	vld.idx.msk [tilespmem:v13+s13+$0x0], $0xffff  }
0x18d: {  	v58 =	vadd.f32 v59, v58;
	[tilespmem:s9+$0x8190] =	vst v5;
	v5 =	vld.idx.msk [tilespmem:v61+s17+$0x0], $0xffff;
	v25 =	vmul.f32 v25, v62;
	v62 =	vcvt.s32.f32 v60  }
0x18e: {  	v7 =	vadd.f32 v7, v56;
	v63 =	vcvt.s32.f32 v61;
	v6 =	vsub.f32 v8, v6;
	v8 =	vld.idx.msk [tilespmem:v60+s13+$0x0], $0xffff  }
0x18f: {  	[tilespmem:s6+$0x81B0] =	vst v58;
	v2 =	vadd.f32 v2, v11;
	v4 =	vld.idx.msk [tilespmem:v61+s13+$0x0], $0xffff;
	v10 =	vsub.f32 v10, v62  }
0x190: {  	v3 =	vadd.f32 v3, v9;
	[tilespmem:s6+$0x8180] =	vst v7;
	v13 =	vsub.f32 v15, v63;
	v6 =	vmul.f32 v6, v30  }
0x191: {  	[tilespmem:s6+$0x8190] =	vst v2;
	v12 =	vadd.f32 v25, v12;
	v7 =	vmul.f32 v10, v55  }
0x192: {  	[tilespmem:s6+$0x81A0] =	vst v3;
	v2 =	vmul.f32 v13, v5;
	v0 =	vadd.f32 v6, v0  }
0x193: {  	[tilespmem:s1+$0x81B0] =	vst v12;
	v3 =	vadd.f32 v7, v8  }
0x194: {  	[tilespmem:s1+$0x8180] =	vst v0;
	v0 =	vadd.f32 v2, v4  }
0x195: {  	[tilespmem:s1+$0x8190] =	vst v3  }
0x196: {  	[tilespmem:s1+$0x81A0] =	vst v0  }
0x197: {  	v0 =	vld [tilespmem:s26+$0x230]  }
0x198: {  	v2 =	vld [tilespmem:s26+$0x200]  }
0x199: {  	v3 =	vld [tilespmem:s26+$0x210];
	_ =	sdelay $0x1  }
0x19a: {  	v4 =	vld [tilespmem:s26+$0x220]  }
0x19b: {  	v0 =	vadd.f32 $3.000000000e+00, v0  }
0x19c: {  	v2 =	vadd.f32 $3.000000000e+00, v2  }
0x19d: {  	v3 =	vadd.f32 $3.000000000e+00, v3;
	v0 =	vmul.f32 $2.116666600e+01, v0  }
0x19e: {  	v7 =	vld [tilespmem:s25+$0x230];
	v6 =	vmul.f32 $2.116666600e+01, v2  }
0x19f: {  	v9 =	vld [tilespmem:s25+$0x200];
	v2 =	vadd.f32 $3.000000000e+00, v4;
	v3 =	vmul.f32 $2.116666600e+01, v3;
	v5 =	vmax.f32 v0, $0.0e+00  }
0x1a0: {  	v11 =	vld [tilespmem:s25+$0x210];
	v4 =	vmin.f32 v5, $1.260000000e+02  }
0x1a1: {  	v12 =	vld [tilespmem:s25+$0x220];
	v8 =	vmax.f32 v3, $0.0e+00;
	v5 =	vmul.f32 $2.116666600e+01, v2;
	v4 =	vtrunc.f32 v4  }
0x1a2: {  	v2 =	vmax.f32 v6, $0.0e+00;
	v8 =	vmin.f32 v8, $1.260000000e+02;
	v4 =	vcvt.f32.s32 v4  }
0x1a3: {  	v2 =	vmin.f32 v2, $1.260000000e+02;
	v8 =	vtrunc.f32 v8  }
0x1a4: {  	v7 =	vadd.f32 $3.000000000e+00, v7;
	v2 =	vtrunc.f32 v2;
	v8 =	vcvt.f32.s32 v8  }
0x1a5: {  	v9 =	vadd.f32 $3.000000000e+00, v9;
	v2 =	vcvt.f32.s32 v2  }
0x1a6: {  	s2 =	simm.s32 $0x80;
	s5 =	simm.s32 $0x400;
	v11 =	vadd.f32 $3.000000000e+00, v11;
	v56 =	vmul.f32 $2.116666600e+01, v7;
	v7 =	vadd.f32 $3.000000000e+00, v12  }
0x1a7: {  	s0 =	sand.u32 $0x40, s2;
	s31 =	sand.u32 $0x3C00, s5;
	v9 =	vmul.f32 $2.116666600e+01, v9;
	v13 =	vcvt.s32.f32 v2  }
0x1a8: {  	s1 =	sor.u32 s0, s31;
	v57 =	vmul.f32 $2.116666600e+01, v11;
	v11 =	vmax.f32 v56, $0.0e+00;
	v59 =	vmul.f32 $2.116666600e+01, v7;
	v15 =	vld.idx.msk [tilespmem:v4+s17+$0x0], $0xffff  }
0x1a9: {  	v10 =	vmax.f32 v5, $0.0e+00;
	v25 =	vcvt.s32.f32 v4;
	v6 =	vsub.f32 v6, v13;
	v13 =	vld [tilespmem:s1+$0x200]  }
0x1aa: {  	v7 =	vmin.f32 v11, $1.260000000e+02;
	v11 =	vmax.f32 v9, $0.0e+00;
	v10 =	vmin.f32 v10, $1.260000000e+02;
	v55 =	vld.idx.msk [tilespmem:v8+s17+$0x0], $0xffff  }
0x1ab: {  	v10 =	vtrunc.f32 v10;
	v20 =	vcvt.s32.f32 v8;
	v0 =	vsub.f32 v0, v25;
	v4 =	vld.idx.msk [tilespmem:v4+s13+$0x0], $0xffff  }
0x1ac: {  	v7 =	vtrunc.f32 v7;
	v30 =	vmax.f32 v59, $0.0e+00;
	v10 =	vcvt.f32.s32 v10;
	v35 =	vld.idx.msk [tilespmem:v2+s17+$0x0], $0xffff  }
0x1ad: {  	v25 =	vmax.f32 v57, $0.0e+00;
	v3 =	vsub.f32 v3, v20;
	v15 =	vmul.f32 v0, v15;
	v0 =	vld.idx.msk [tilespmem:v2+s13+$0x0], $0xffff  }
0x1ae: {  	v12 =	vcvt.s32.f32 v10;
	v2 =	vld.idx.msk [tilespmem:v8+s13+$0x0], $0xffff;
	v8 =	vcvt.f32.s32 v7;
	v7 =	vmin.f32 v11, $1.260000000e+02  }
0x1af: {  	v58 =	vld [tilespmem:s1+$0x230];
	v11 =	vmin.f32 v25, $1.260000000e+02;
	v55 =	vmul.f32 v3, v55;
	v7 =	vtrunc.f32 v7  }
0x1b0: {  	v20 =	vld [tilespmem:s1+$0x210];
	v25 =	vmin.f32 v30, $1.260000000e+02;
	v11 =	vtrunc.f32 v11;
	v61 =	vcvt.f32.s32 v7  }
0x1b1: {  	v62 =	vld [tilespmem:s1+$0x220];
	v12 =	vsub.f32 v5, v12;
	v7 =	vtrunc.f32 v25;
	v11 =	vcvt.f32.s32 v11  }
0x1b2: {  	v60 =	vld.idx.msk [tilespmem:v10+s17+$0x0], $0xffff;
	v13 =	vadd.f32 $3.000000000e+00, v13;
	v30 =	vcvt.f32.s32 v7;
	v5 =	vcvt.s32.f32 v61  }
0x1b3: {  	v25 =	vmul.f32 v6, v35;
	v6 =	vld.idx.msk [tilespmem:v10+s13+$0x0], $0xffff;
	v15 =	vadd.f32 v15, v4;
	v4 =	vcvt.s32.f32 v11  }
0x1b4: {  	v35 =	vadd.f32 $3.000000000e+00, v58;
	v10 =	vcvt.s32.f32 v30;
	v63 =	vld.idx.msk [tilespmem:v8+s17+$0x0], $0xffff;
	v7 =	vsub.f32 v9, v5  }
0x1b5: {  	v3 =	vsub.f32 v57, v4;
	v4 =	vcvt.s32.f32 v8;
	v58 =	vld.idx.msk [tilespmem:v8+s13+$0x0], $0xffff;
	v57 =	vadd.f32 $3.000000000e+00, v20  }
0x1b6: {  	v9 =	vmul.f32 $2.116666600e+01, v35;
	v8 =	vmul.f32 $2.116666600e+01, v13;
	v13 =	vadd.f32 $3.000000000e+00, v62;
	v35 =	vld.idx.msk [tilespmem:v61+s17+$0x0], $0xffff  }
0x1b7: {  	v5 =	vsub.f32 v59, v10;
	v20 =	vld.idx.msk [tilespmem:v11+s17+$0x0], $0xffff;
	v59 =	vsub.f32 v56, v4  }
0x1b8: {  	v10 =	vmul.f32 $2.116666600e+01, v57;
	v62 =	vmax.f32 v9, $0.0e+00;
	v57 =	vmul.f32 v12, v60;
	v56 =	vld.idx.msk [tilespmem:v61+s13+$0x0], $0xffff  }
0x1b9: {  	[tilespmem:s26+$0x8230] =	vst v15;
	v15 =	vmul.f32 $2.116666600e+01, v13;
	v4 =	vld.idx.msk [tilespmem:v30+s17+$0x0], $0xffff;
	v60 =	vmin.f32 v62, $1.260000000e+02;
	v59 =	vmul.f32 v59, v63  }
.LBB2_5:
0x1ba: {  	s2 =	sadd.s32 $0x40, s2;
	v12 =	vmax.f32 v8, $0.0e+00;
	v13 =	vmax.f32 v10, $0.0e+00;
	v60 =	vtrunc.f32 v60;
	s5 =	sadd.s32 $0x200, s5;
	v61 =	vld.idx.msk [tilespmem:v11+s13+$0x0], $0xffff  }
0x1bb: {  	s0 =	sand.u32 $0x40, s2;
	s3 =	sand.u32 $0x3C00, s5;
	p0 =	slt.u32 s2, $0x7C0;
	v11 =	vmax.f32 v15, $0.0e+00;
	v60 =	vcvt.f32.s32 v60;
	v62 =	vld.idx.msk [tilespmem:v30+s13+$0x0], $0xffff;
	v30 =	vadd.f32 v59, v58  }
0x1bc: {  	v12 =	vmin.f32 v12, $1.260000000e+02;
	v13 =	vmin.f32 v13, $1.260000000e+02;
	s0 =	sor.u32 s0, s3;
	v11 =	vmin.f32 v11, $1.260000000e+02  }
0x1bd: {  	v14 =	vadd.f32 v25, v0;
	v12 =	vtrunc.f32 v12;
	v13 =	vtrunc.f32 v13;
	v58 =	vld [tilespmem:s0+$0x230];
	[tilespmem:s25+$0x8230] =	vst v30  }
0x1be: {  	v16 =	vadd.f32 v55, v2;
	v12 =	vcvt.f32.s32 v12;
	v25 =	vtrunc.f32 v11;
	v59 =	vld [tilespmem:s0+$0x200]  }
0x1bf: {  	v11 =	vcvt.f32.s32 v13;
	v30 =	vcvt.f32.s32 v25;
	v0 =	vmovc v56;
	v63 =	vld [tilespmem:s0+$0x210];
	[tilespmem:s26+$0x8200] =	vst v14;
	v14 =	vadd.f32 v57, v6  }
0x1c0: {  	v25 =	vmul.f32 v7, v35;
	v55 =	vcvt.s32.f32 v12;
	v2 =	vmov v61;
	v13 =	vld [tilespmem:s0+$0x220];
	[tilespmem:s26+$0x8210] =	vst v16  }
0x1c1: {  	v35 =	vcvt.s32.f32 v11;
	v56 =	vcvt.s32.f32 v30;
	v6 =	vmov v62;
	v61 =	vld.idx.msk [tilespmem:v60+s17+$0x0], $0xffff;
	[tilespmem:s26+$0x8220] =	vst v14;
	s26 =	smov.u32 s25;
	s25 =	smov.u32 s1;
	s1 =	smov.u32 s0  }
0x1c2: {  	v7 =	vsub.f32 v8, v55;
	v55 =	vmul.f32 v3, v20;
	v57 =	vadd.f32 $3.000000000e+00, v58  }
.Ltmp3:
0x1c3: {  	v3 =	vsub.f32 v10, v35;
	v10 =	vcvt.s32.f32 v60;
	v8 =	vadd.f32 $3.000000000e+00, v59;
	v58 =	vld.idx.msk [tilespmem:v60+s13+$0x0], $0xffff;
	(pc) =	sbr.rel @p0 .LBB2_5-.Ltmp3, $4  }
0x1c4: {  	v15 =	vsub.f32 v15, v56;
	v59 =	vadd.f32 $3.000000000e+00, v63;
	v60 =	vmul.f32 $2.116666600e+01, v57;
	v35 =	vld.idx.msk [tilespmem:v12+s17+$0x0], $0xffff  }
0x1c5: {  	v62 =	vsub.f32 v9, v10;
	v8 =	vmul.f32 $2.116666600e+01, v8;
	v13 =	vadd.f32 $3.000000000e+00, v13;
	v20 =	vld.idx.msk [tilespmem:v11+s17+$0x0], $0xffff  }
0x1c6: {  	v57 =	vmul.f32 v5, v4;
	v5 =	vmovc v15;
	v10 =	vmul.f32 $2.116666600e+01, v59;
	v56 =	vmax.f32 v60, $0.0e+00;
	v4 =	vld.idx.msk [tilespmem:v30+s17+$0x0], $0xffff;
	v9 =	vmovc v60  }
0x1c7: {  	v59 =	vmul.f32 v62, v61;
	v15 =	vmul.f32 $2.116666600e+01, v13;
	v60 =	vmin.f32 v56, $1.260000000e+02;
	v56 =	vld.idx.msk [tilespmem:v12+s13+$0x0], $0xffff  }
0x1c8: {  	v12 =	vtrunc.f32 v60;
	v13 =	vmax.f32 v8, $0.0e+00  }
0x1c9: {  	v60 =	vmax.f32 v10, $0.0e+00;
	v12 =	vcvt.f32.s32 v12;
	v13 =	vmin.f32 v13, $1.260000000e+02  }
0x1ca: {  	v60 =	vmin.f32 v60, $1.260000000e+02;
	v13 =	vtrunc.f32 v13  }
0x1cb: {  	v61 =	vmax.f32 v15, $0.0e+00;
	v60 =	vtrunc.f32 v60;
	v13 =	vcvt.f32.s32 v13  }
0x1cc: {  	v61 =	vmin.f32 v61, $1.260000000e+02;
	v60 =	vcvt.f32.s32 v60  }
0x1cd: {  	v11 =	vld.idx.msk [tilespmem:v11+s13+$0x0], $0xffff;
	v61 =	vtrunc.f32 v61  }
0x1ce: {  	v30 =	vld.idx.msk [tilespmem:v30+s13+$0x0], $0xffff;
	v61 =	vcvt.f32.s32 v61  }
0x1cf: {  	v0 =	vadd.f32 v25, v0;
	v62 =	vld.idx.msk [tilespmem:v12+s17+$0x0], $0xffff  }
0x1d0: {  	v63 =	vcvt.s32.f32 v12;
	v12 =	vld.idx.msk [tilespmem:v12+s13+$0x0], $0xffff  }
0x1d1: {  	[tilespmem:s26+$0x8200] =	vst v0;
	v0 =	vadd.f32 v57, v6;
	v25 =	vld.idx.msk [tilespmem:v13+s17+$0x0], $0xffff  }
0x1d2: {  	v2 =	vadd.f32 v55, v2;
	v58 =	vadd.f32 v59, v58;
	v7 =	vmul.f32 v7, v35;
	v55 =	vld.idx.msk [tilespmem:v60+s17+$0x0], $0xffff  }
0x1d3: {  	v3 =	vmul.f32 v3, v20;
	[tilespmem:s26+$0x8220] =	vst v0;
	v9 =	vsub.f32 v9, v63;
	v6 =	vcvt.s32.f32 v13;
	v0 =	vld.idx.msk [tilespmem:v13+s13+$0x0], $0xffff  }
0x1d4: {  	[tilespmem:s26+$0x8210] =	vst v2;
	v4 =	vmul.f32 v5, v4;
	v7 =	vadd.f32 v7, v56;
	v14 =	vcvt.s32.f32 v60;
	v2 =	vld.idx.msk [tilespmem:v61+s17+$0x0], $0xffff  }
0x1d5: {  	v6 =	vsub.f32 v8, v6;
	v8 =	vld.idx.msk [tilespmem:v60+s13+$0x0], $0xffff;
	v9 =	vmul.f32 v9, v62;
	v62 =	vcvt.s32.f32 v61  }
0x1d6: {  	[tilespmem:s25+$0x8230] =	vst v58;
	v3 =	vadd.f32 v3, v11;
	v10 =	vsub.f32 v10, v14;
	v5 =	vld.idx.msk [tilespmem:v61+s13+$0x0], $0xffff  }
0x1d7: {  	v4 =	vadd.f32 v4, v30;
	[tilespmem:s25+$0x8200] =	vst v7;
	v63 =	vsub.f32 v15, v62;
	v6 =	vmul.f32 v6, v25  }
0x1d8: {  	[tilespmem:s25+$0x8210] =	vst v3;
	v9 =	vadd.f32 v9, v12;
	v7 =	vmul.f32 v10, v55  }
0x1d9: {  	[tilespmem:s25+$0x8220] =	vst v4;
	v2 =	vmul.f32 v63, v2;
	v0 =	vadd.f32 v6, v0  }
0x1da: {  	[tilespmem:s1+$0x8230] =	vst v9;
	v3 =	vadd.f32 v7, v8  }
0x1db: {  	s0 =	simm.s32 $0x0;
	s2 =	simm.s32 $0x0;
	[tilespmem:s1+$0x8200] =	vst v0;
	v0 =	vadd.f32 v2, v5  }
0x1dc: {  	s2 =	sand.u32 $0x40, s2;
	s0 =	sand.u32 $0x3C00, s0;
	[tilespmem:s1+$0x8210] =	vst v3  }
0x1dd: {  	s25 =	sor.u32 s2, s0;
	[tilespmem:s1+$0x8220] =	vst v0  }
0x1de: {  	v0 =	vld [tilespmem:s25+$0x2B0]  }
0x1df: {  	v2 =	vld [tilespmem:s25+$0x280]  }
0x1e0: {  	v3 =	vld [tilespmem:s25+$0x290]  }
0x1e1: {  	v4 =	vld [tilespmem:s25+$0x2A0];
	_ =	sdelay $0x1  }
0x1e2: {  	p2 =	por $0x1, $0x1;
	v0 =	vadd.f32 $3.000000000e+00, v0  }
.Ltmp4:
0x1e3: {  	_ = 	snop;
	(pc) =	sbr.rel @!p2 .LBB2_7-.Ltmp4, $4  }
0x1e4: {  	v2 =	vadd.f32 $3.000000000e+00, v2;
	v5 =	vmul.f32 $2.116666600e+01, v0  }
0x1e5: {  	v0 =	vadd.f32 $3.000000000e+00, v3;
	v3 =	vadd.f32 $3.000000000e+00, v4  }
0x1e6: {  	v57 =	vmul.f32 $2.116666600e+01, v2;
	v2 =	vmax.f32 v5, $0.0e+00  }
0x1e7: {  	p3 =	por $0x0, $0x0;
	p1 =	por $0x0, $0x0;
	v56 =	vmul.f32 $2.116666600e+01, v0;
	v55 =	vmul.f32 $2.116666600e+01, v3;
	v9 =	vmin.f32 v2, $1.260000000e+02  }
0x1e8: {  	s0 =	simm.s32 $0x40;
	s1 =	simm.s32 $0x200  }
0x1e9: {  	v0 =	vmax.f32 v57, $0.0e+00;
	v2 =	vtrunc.f32 v9;
	s0 =	sand.u32 $0x40, s0;
	s1 =	sand.u32 $0x3C00, s1  }
0x1ea: {  	v2 =	vcvt.f32.s32 v2;
	v0 =	vmin.f32 v0, $1.260000000e+02;
	s26 =	sor.u32 s0, s1  }
0x1eb: {  	v3 =	vmax.f32 v56, $0.0e+00;
	v4 =	vmax.f32 v55, $0.0e+00;
	v0 =	vtrunc.f32 v0;
	v6 =	vld [tilespmem:s26+$0x2B0]  }
0x1ec: {  	v3 =	vmin.f32 v3, $1.260000000e+02;
	v4 =	vmin.f32 v4, $1.260000000e+02;
	v7 =	vld [tilespmem:s26+$0x280];
	v8 =	vcvt.f32.s32 v0  }
0x1ed: {  	v3 =	vtrunc.f32 v3;
	v0 =	vtrunc.f32 v4;
	v4 =	vld [tilespmem:s26+$0x290]  }
0x1ee: {  	v9 =	vld [tilespmem:s26+$0x2A0];
	v25 =	vcvt.s32.f32 v2;
	v30 =	vcvt.f32.s32 v3  }
0x1ef: {  	v20 =	vcvt.f32.s32 v0;
	v0 =	vcvt.s32.f32 v8  }
0x1f0: {  	p0 =	por $0x1, $0x1;
	v5 =	vsub.f32 v5, v25;
	v3 =	vcvt.s32.f32 v30;
	v13 =	vld.idx.msk [tilespmem:v2+s17+$0x0], $0xffff;
	v6 =	vadd.f32 $3.000000000e+00, v6  }
.Ltmp5:
0x1f1: {  	v12 =	vcvt.s32.f32 v20;
	v10 =	vsub.f32 v57, v0;
	v0 =	vld.idx.msk [tilespmem:v2+s13+$0x0], $0xffff;
	v7 =	vadd.f32 $3.000000000e+00, v7;
	(pc) =	sbr.rel @!p0 .LBB2_9-.Ltmp5, $4  }
0x1f2: {  	v58 =	vsub.f32 v56, v3;
	v2 =	vadd.f32 $3.000000000e+00, v4;
	v59 =	vld.idx.msk [tilespmem:v8+s17+$0x0], $0xffff;
	v11 =	vmul.f32 $2.116666600e+01, v6  }
0x1f3: {  	v3 =	vsub.f32 v55, v12;
	v25 =	vld.idx.msk [tilespmem:v8+s13+$0x0], $0xffff;
	v6 =	vadd.f32 $3.000000000e+00, v9  }
0x1f4: {  	v15 =	vld.idx.msk [tilespmem:v30+s17+$0x0], $0xffff;
	v57 =	vmul.f32 $2.116666600e+01, v7;
	v56 =	vmul.f32 $2.116666600e+01, v2;
	v2 =	vmax.f32 v11, $0.0e+00  }
0x1f5: {  	p3 =	por $0x1, $0x1;
	v4 =	vld.idx.msk [tilespmem:v20+s17+$0x0], $0xffff;
	v55 =	vmul.f32 $2.116666600e+01, v6;
	v6 =	vmul.f32 v5, v13;
	v9 =	vmin.f32 v2, $1.260000000e+02  }
0x1f6: {  	_ =	sdelay $0x2  }
0x1f7: {  	s2 =	simm.s32 $0x80;
	v2 =	vmax.f32 v57, $0.0e+00;
	s5 =	simm.s32 $0x400  }
0x1f8: {  	v5 =	vmax.f32 v56, $0.0e+00;
	v7 =	vtrunc.f32 v9;
	v60 =	vld.idx.msk [tilespmem:v30+s13+$0x0], $0xffff;
	s0 =	sand.u32 $0x40, s2;
	s1 =	sand.u32 $0x3C00, s5;
	v8 =	vmax.f32 v55, $0.0e+00  }
0x1f9: {  	v35 =	vld.idx.msk [tilespmem:v20+s13+$0x0], $0xffff;
	v7 =	vcvt.f32.s32 v7;
	v2 =	vmin.f32 v2, $1.260000000e+02;
	v5 =	vmin.f32 v5, $1.260000000e+02;
	s6 =	sor.u32 s0, s1  }
0x1fa: {  	v8 =	vmin.f32 v8, $1.260000000e+02;
	v2 =	vtrunc.f32 v2;
	v5 =	vtrunc.f32 v5;
	v9 =	vld [tilespmem:s6+$0x2B0]  }
0x1fb: {  	v12 =	vld [tilespmem:s6+$0x280];
	v13 =	vcvt.f32.s32 v2;
	v2 =	vtrunc.f32 v8  }
0x1fc: {  	v8 =	vld [tilespmem:s6+$0x290];
	v30 =	vcvt.f32.s32 v5;
	v20 =	vcvt.f32.s32 v2  }
0x1fd: {  	v61 =	vmul.f32 v10, v59;
	v62 =	vld [tilespmem:s6+$0x2A0];
	v2 =	vcvt.s32.f32 v13  }
0x1fe: {  	v6 =	vadd.f32 v6, v0;
	v0 =	vcvt.s32.f32 v30;
	v63 =	vcvt.s32.f32 v20  }
0x1ff: {  	p0 =	por $0x1, $0x1;
	v10 =	vsub.f32 v57, v2;
	v14 =	vld.idx.msk [tilespmem:v7+s17+$0x0], $0xffff;
	v2 =	vmul.f32 v58, v15;
	v5 =	vadd.f32 $3.000000000e+00, v9  }
.Ltmp6:
0x200: {  	v58 =	vsub.f32 v56, v0;
	v0 =	vld.idx.msk [tilespmem:v7+s13+$0x0], $0xffff;
	v9 =	vadd.f32 $3.000000000e+00, v12;
	v12 =	vcvt.s32.f32 v7;
	(pc) =	sbr.rel @!p0 .LBB2_11-.Ltmp6, $4  }
0x201: {  	v8 =	vadd.f32 $3.000000000e+00, v8;
	v7 =	vsub.f32 v55, v63;
	v59 =	vld.idx.msk [tilespmem:v13+s17+$0x0], $0xffff;
	v5 =	vmul.f32 $2.116666600e+01, v5  }
0x202: {  	v15 =	vld.idx.msk [tilespmem:v30+s17+$0x0], $0xffff;
	v57 =	vmul.f32 $2.116666600e+01, v9;
	v9 =	vadd.f32 $3.000000000e+00, v62;
	v11 =	vsub.f32 v11, v12  }
0x203: {  	v56 =	vmul.f32 $2.116666600e+01, v8;
	v8 =	vmul.f32 v3, v4;
	v4 =	vld.idx.msk [tilespmem:v20+s17+$0x0], $0xffff;
	v12 =	vmax.f32 v5, $0.0e+00  }
0x204: {  	p4 =	por $0x1, $0x1;
	s1 =	smov.u32 s25;
	[tilespmem:s25+$0x82B0] =	vst v6;
	v3 =	vld.idx.msk [tilespmem:v13+s13+$0x0], $0xffff;
	v55 =	vmul.f32 $2.116666600e+01, v9;
	v6 =	vmul.f32 v11, v14;
	v9 =	vmin.f32 v12, $1.260000000e+02  }
.LBB2_12:
0x205: {  	s2 =	sadd.s32 $0x40, s2;
	v11 =	vmax.f32 v57, $0.0e+00;
	v12 =	vmax.f32 v56, $0.0e+00;
	v9 =	vtrunc.f32 v9;
	s5 =	sadd.s32 $0x200, s5;
	v13 =	vld.idx.msk [tilespmem:v30+s13+$0x0], $0xffff  }
0x206: {  	s0 =	sand.u32 $0x40, s2;
	s3 =	sand.u32 $0x3C00, s5;
	p0 =	slt.u32 s2, $0x7C0;
	v14 =	vmax.f32 v55, $0.0e+00;
	v9 =	vcvt.f32.s32 v9;
	v62 =	vld.idx.msk [tilespmem:v20+s13+$0x0], $0xffff;
	v0 =	vadd.f32 v6, v0  }
0x207: {  	v6 =	vmin.f32 v11, $1.260000000e+02;
	v11 =	vmin.f32 v12, $1.260000000e+02;
	s0 =	sor.u32 s0, s3;
	v12 =	vmin.f32 v14, $1.260000000e+02  }
0x208: {  	v6 =	vtrunc.f32 v6;
	v11 =	vtrunc.f32 v11;
	v14 =	vld [tilespmem:s0+$0x2B0];
	[tilespmem:s26+$0x82B0] =	vst v0;
	v0 =	vadd.f32 v61, v25  }
0x209: {  	v2 =	vadd.f32 v2, v60;
	v6 =	vcvt.f32.s32 v6;
	v12 =	vtrunc.f32 v12;
	v63 =	vld [tilespmem:s0+$0x280]  }
0x20a: {  	v30 =	vcvt.f32.s32 v11;
	v20 =	vcvt.f32.s32 v12;
	v25 =	vmovc v3;
	v16 =	vld [tilespmem:s0+$0x290];
	[tilespmem:s1+$0x8280] =	vst v0;
	v0 =	vadd.f32 v8, v35  }
0x20b: {  	v61 =	vmul.f32 v10, v59;
	v8 =	vcvt.s32.f32 v6;
	v60 =	vmov v13;
	v3 =	vld [tilespmem:s0+$0x2A0];
	[tilespmem:s1+$0x8290] =	vst v2  }
0x20c: {  	v11 =	vcvt.s32.f32 v30;
	v12 =	vcvt.s32.f32 v20;
	v35 =	vmov v62;
	v13 =	vld.idx.msk [tilespmem:v9+s17+$0x0], $0xffff;
	[tilespmem:s1+$0x82A0] =	vst v0;
	s1 =	smov.u32 s26;
	s26 =	smov.u32 s6;
	s6 =	smov.u32 s0  }
0x20d: {  	v2 =	vmul.f32 v58, v15;
	v10 =	vsub.f32 v57, v8;
	v14 =	vadd.f32 $3.000000000e+00, v14  }
.Ltmp7:
0x20e: {  	v58 =	vsub.f32 v56, v11;
	v11 =	vcvt.s32.f32 v9;
	v8 =	vadd.f32 $3.000000000e+00, v63;
	v0 =	vld.idx.msk [tilespmem:v9+s13+$0x0], $0xffff;
	(pc) =	sbr.rel @p0 .LBB2_12-.Ltmp7, $4  }
0x20f: {  	v12 =	vsub.f32 v55, v12;
	v9 =	vadd.f32 $3.000000000e+00, v16;
	v14 =	vmul.f32 $2.116666600e+01, v14;
	v59 =	vld.idx.msk [tilespmem:v6+s17+$0x0], $0xffff  }
0x210: {  	v11 =	vsub.f32 v5, v11;
	v57 =	vmul.f32 $2.116666600e+01, v8;
	v3 =	vadd.f32 $3.000000000e+00, v3;
	v15 =	vld.idx.msk [tilespmem:v30+s17+$0x0], $0xffff  }
0x211: {  	v8 =	vmul.f32 v7, v4;
	v7 =	vmovc v12;
	v56 =	vmul.f32 $2.116666600e+01, v9;
	v9 =	vmax.f32 v14, $0.0e+00;
	v4 =	vld.idx.msk [tilespmem:v20+s17+$0x0], $0xffff;
	v5 =	vmovc v14  }
0x212: {  	v55 =	vmul.f32 $2.116666600e+01, v3;
	v9 =	vmin.f32 v9, $1.260000000e+02;
	v3 =	vld.idx.msk [tilespmem:v6+s13+$0x0], $0xffff;
	v6 =	vmul.f32 v11, v13  }
0x213: {  	_ =	sdelay $0x3  }
0x214: {  	s0 =	smov.u32 s26;
	v62 =	vmov v25;
	s26 =	smov.u32 s6;
	v25 =	vmov v3;
	v3 =	vmov v7  }
.LBB2_14:
0x215: {  	v7 =	vtrunc.f32 v9;
	v9 =	vmax.f32 v57, $0.0e+00  }
0x216: {  	v11 =	vmax.f32 v56, $0.0e+00;
	v7 =	vcvt.f32.s32 v7;
	v9 =	vmin.f32 v9, $1.260000000e+02  }
0x217: {  	v12 =	vmax.f32 v55, $0.0e+00;
	v11 =	vmin.f32 v11, $1.260000000e+02;
	v9 =	vtrunc.f32 v9  }
0x218: {  	v12 =	vmin.f32 v12, $1.260000000e+02;
	v11 =	vtrunc.f32 v11;
	v9 =	vcvt.f32.s32 v9  }
0x219: {  	v0 =	vadd.f32 @p3 v6, v0;
	v12 =	vtrunc.f32 v12;
	v11 =	vcvt.f32.s32 v11  }
0x21a: {  	v13 =	vld.idx.msk @p3 [tilespmem:v30+s13+$0x0], $0xffff;
	v6 =	vcvt.f32.s32 v12;
	v12 =	vadd.f32 @p4 v61, v62  }
0x21b: {  	v14 =	vld.idx.msk @p3 [tilespmem:v20+s13+$0x0], $0xffff;
	[tilespmem:s0+$0x82B0] =	vst @p3 v0;
	v0 =	vadd.f32 @p4 v2, v60  }
0x21c: {  	v16 =	vld.idx.msk [tilespmem:v7+s17+$0x0], $0xffff  }
0x21d: {  	v2 =	vcvt.s32.f32 v7;
	[tilespmem:s1+$0x8290] =	vst @p4 v0;
	v20 =	vcvt.s32.f32 v9;
	v7 =	vld.idx.msk [tilespmem:v7+s13+$0x0], $0xffff  }
0x21e: {  	v8 =	vadd.f32 @p4 v8, v35;
	[tilespmem:s1+$0x8280] =	vst @p4 v12;
	v0 =	vcvt.s32.f32 v11;
	v12 =	vmov @p3 v25;
	v25 =	vld.idx.msk [tilespmem:v9+s17+$0x0], $0xffff  }
0x21f: {  	v10 =	vmul.f32 @p3 v10, v59;
	v2 =	vsub.f32 v5, v2;
	v63 =	vsub.f32 v57, v20;
	v20 =	vld.idx.msk [tilespmem:v11+s17+$0x0], $0xffff  }
0x220: {  	v15 =	vmul.f32 @p3 v58, v15;
	v62 =	vcvt.s32.f32 v6;
	v0 =	vsub.f32 v56, v0;
	v30 =	vld.idx.msk [tilespmem:v6+s17+$0x0], $0xffff  }
0x221: {  	v3 =	vmul.f32 @p3 v3, v4;
	v4 =	vld.idx.msk [tilespmem:v9+s13+$0x0], $0xffff;
	v2 =	vmul.f32 v2, v16  }
0x222: {  	[tilespmem:s1+$0x82A0] =	vst @p4 v8;
	v5 =	vmov @p3 v13;
	v13 =	vsub.f32 v55, v62;
	v9 =	vpsel p3, v12, v0;
	v11 =	vld.idx.msk [tilespmem:v11+s13+$0x0], $0xffff  }
0x223: {  	v8 =	vmovc @p3 v14;
	v10 =	vpsel p3, v10, v0;
	v5 =	vpsel p3, v5, v0;
	v2 =	vadd.f32 v2, v7  }
0x224: {  	v8 =	vpsel p3, v8, v0;
	v6 =	vld.idx.msk [tilespmem:v6+s13+$0x0], $0xffff;
	v9 =	vadd.f32 @p3 v10, v9;
	v7 =	vpsel p3, v15, v0  }
0x225: {  	s0 =	smov.u32 @p3 s0;
	v3 =	vpsel p3, v3, v0;
	v0 =	vmul.f32 v0, v20;
	[tilespmem:s26+$0x82B0] =	vst v2;
	v2 =	vadd.f32 @p3 v7, v5  }
0x226: {  	v3 =	vadd.f32 @p3 v3, v8;
	[tilespmem:s0+$0x8280] =	vst @p3 v9;
	v5 =	vmul.f32 v63, v25  }
0x227: {  	v0 =	vadd.f32 v0, v11;
	[tilespmem:s0+$0x8290] =	vst @p3 v2;
	v2 =	vmul.f32 v13, v30  }
0x228: {  	[tilespmem:s0+$0x82A0] =	vst @p3 v3;
	v4 =	vadd.f32 v5, v4  }
0x229: {  	[tilespmem:s26+$0x8290] =	vst v0;
	v2 =	vadd.f32 v2, v6  }
0x22a: {  	[tilespmem:s26+$0x8280] =	vst v4  }
0x22b: {  	[tilespmem:s26+$0x82A0] =	vst v2  }
0x22c: {  	v0 =	vld [tilespmem:s25+$0x330]  }
0x22d: {  	v2 =	vld [tilespmem:s25+$0x300]  }
0x22e: {  	v3 =	vld [tilespmem:s25+$0x310]  }
0x22f: {  	v4 =	vld [tilespmem:s25+$0x320];
	_ =	sdelay $0x1  }
0x230: {  	v0 =	vadd.f32 $3.000000000e+00, v0  }
.Ltmp8:
0x231: {  	_ = 	snop;
	(pc) =	sbr.rel @!p2 .LBB2_15-.Ltmp8, $4  }
0x232: {  	v2 =	vadd.f32 $3.000000000e+00, v2;
	v5 =	vmul.f32 $2.116666600e+01, v0  }
0x233: {  	v0 =	vadd.f32 $3.000000000e+00, v3;
	v3 =	vadd.f32 $3.000000000e+00, v4  }
0x234: {  	v57 =	vmul.f32 $2.116666600e+01, v2;
	v2 =	vmax.f32 v5, $0.0e+00  }
0x235: {  	v56 =	vmul.f32 $2.116666600e+01, v0;
	v55 =	vmul.f32 $2.116666600e+01, v3;
	v9 =	vmin.f32 v2, $1.260000000e+02  }
0x236: {  	s0 =	simm.s32 $0x40;
	s1 =	simm.s32 $0x200  }
0x237: {  	v0 =	vmax.f32 v57, $0.0e+00;
	v2 =	vtrunc.f32 v9;
	s0 =	sand.u32 $0x40, s0;
	s1 =	sand.u32 $0x3C00, s1  }
0x238: {  	v2 =	vcvt.f32.s32 v2;
	v0 =	vmin.f32 v0, $1.260000000e+02;
	s1 =	sor.u32 s0, s1  }
0x239: {  	v3 =	vmax.f32 v56, $0.0e+00;
	v4 =	vmax.f32 v55, $0.0e+00;
	v0 =	vtrunc.f32 v0;
	v6 =	vld [tilespmem:s1+$0x330]  }
0x23a: {  	v3 =	vmin.f32 v3, $1.260000000e+02;
	v4 =	vmin.f32 v4, $1.260000000e+02;
	v7 =	vld [tilespmem:s1+$0x300];
	v8 =	vcvt.f32.s32 v0  }
0x23b: {  	v3 =	vtrunc.f32 v3;
	v0 =	vtrunc.f32 v4;
	v4 =	vld [tilespmem:s1+$0x310]  }
0x23c: {  	v9 =	vld [tilespmem:s1+$0x320];
	v14 =	vcvt.s32.f32 v2;
	v30 =	vcvt.f32.s32 v3  }
0x23d: {  	v20 =	vcvt.f32.s32 v0;
	v0 =	vcvt.s32.f32 v8  }
0x23e: {  	p0 =	por $0x1, $0x1;
	v5 =	vsub.f32 v5, v14;
	v3 =	vcvt.s32.f32 v30;
	v13 =	vld.idx.msk [tilespmem:v2+s17+$0x0], $0xffff;
	v6 =	vadd.f32 $3.000000000e+00, v6  }
.Ltmp9:
0x23f: {  	v12 =	vcvt.s32.f32 v20;
	v10 =	vsub.f32 v57, v0;
	v0 =	vld.idx.msk [tilespmem:v2+s13+$0x0], $0xffff;
	v7 =	vadd.f32 $3.000000000e+00, v7;
	(pc) =	sbr.rel @!p0 .LBB2_17-.Ltmp9, $4  }
0x240: {  	v58 =	vsub.f32 v56, v3;
	v2 =	vadd.f32 $3.000000000e+00, v4;
	v59 =	vld.idx.msk [tilespmem:v8+s17+$0x0], $0xffff;
	v11 =	vmul.f32 $2.116666600e+01, v6  }
0x241: {  	v3 =	vsub.f32 v55, v12;
	v25 =	vld.idx.msk [tilespmem:v8+s13+$0x0], $0xffff;
	v6 =	vadd.f32 $3.000000000e+00, v9  }
0x242: {  	v15 =	vld.idx.msk [tilespmem:v30+s17+$0x0], $0xffff;
	v57 =	vmul.f32 $2.116666600e+01, v7;
	v56 =	vmul.f32 $2.116666600e+01, v2;
	v2 =	vmax.f32 v11, $0.0e+00  }
0x243: {  	p2 =	por $0x1, $0x1;
	v4 =	vld.idx.msk [tilespmem:v20+s17+$0x0], $0xffff;
	v55 =	vmul.f32 $2.116666600e+01, v6;
	v7 =	vmul.f32 v5, v13;
	v9 =	vmin.f32 v2, $1.260000000e+02  }
0x244: {  	_ =	sdelay $0x2  }
0x245: {  	s2 =	simm.s32 $0x80;
	v2 =	vmax.f32 v57, $0.0e+00;
	s6 =	simm.s32 $0x400  }
0x246: {  	v5 =	vmax.f32 v56, $0.0e+00;
	v6 =	vtrunc.f32 v9;
	v60 =	vld.idx.msk [tilespmem:v30+s13+$0x0], $0xffff;
	s0 =	sand.u32 $0x40, s2;
	s3 =	sand.u32 $0x3C00, s6;
	v8 =	vmax.f32 v55, $0.0e+00  }
0x247: {  	v35 =	vld.idx.msk [tilespmem:v20+s13+$0x0], $0xffff;
	v6 =	vcvt.f32.s32 v6;
	v2 =	vmin.f32 v2, $1.260000000e+02;
	v5 =	vmin.f32 v5, $1.260000000e+02;
	s5 =	sor.u32 s0, s3  }
0x248: {  	v8 =	vmin.f32 v8, $1.260000000e+02;
	v2 =	vtrunc.f32 v2;
	v5 =	vtrunc.f32 v5;
	v9 =	vld [tilespmem:s5+$0x330]  }
0x249: {  	v12 =	vld [tilespmem:s5+$0x300];
	v13 =	vcvt.f32.s32 v2;
	v2 =	vtrunc.f32 v8  }
0x24a: {  	v8 =	vld [tilespmem:s5+$0x310];
	v30 =	vcvt.f32.s32 v5;
	v20 =	vcvt.f32.s32 v2  }
0x24b: {  	v61 =	vmul.f32 v10, v59;
	v14 =	vld [tilespmem:s5+$0x320];
	v2 =	vcvt.s32.f32 v13  }
0x24c: {  	v7 =	vadd.f32 v7, v0;
	v0 =	vcvt.s32.f32 v30;
	v16 =	vcvt.s32.f32 v20  }
0x24d: {  	p0 =	por $0x1, $0x1;
	v10 =	vsub.f32 v57, v2;
	v62 =	vld.idx.msk [tilespmem:v6+s17+$0x0], $0xffff;
	v2 =	vmul.f32 v58, v15;
	v5 =	vadd.f32 $3.000000000e+00, v9  }
.Ltmp10:
0x24e: {  	v58 =	vsub.f32 v56, v0;
	v0 =	vld.idx.msk [tilespmem:v6+s13+$0x0], $0xffff;
	v9 =	vadd.f32 $3.000000000e+00, v12;
	v12 =	vcvt.s32.f32 v6;
	(pc) =	sbr.rel @!p0 .LBB2_19-.Ltmp10, $4  }
0x24f: {  	v8 =	vadd.f32 $3.000000000e+00, v8;
	v6 =	vsub.f32 v55, v16;
	v59 =	vld.idx.msk [tilespmem:v13+s17+$0x0], $0xffff;
	v5 =	vmul.f32 $2.116666600e+01, v5  }
0x250: {  	v15 =	vld.idx.msk [tilespmem:v30+s17+$0x0], $0xffff;
	v57 =	vmul.f32 $2.116666600e+01, v9;
	v9 =	vadd.f32 $3.000000000e+00, v14;
	v11 =	vsub.f32 v11, v12  }
0x251: {  	v56 =	vmul.f32 $2.116666600e+01, v8;
	v8 =	vmul.f32 v3, v4;
	v4 =	vld.idx.msk [tilespmem:v20+s17+$0x0], $0xffff;
	v12 =	vmax.f32 v5, $0.0e+00  }
0x252: {  	p1 =	por $0x1, $0x1;
	[tilespmem:s25+$0x8330] =	vst v7;
	v3 =	vld.idx.msk [tilespmem:v13+s13+$0x0], $0xffff;
	v55 =	vmul.f32 $2.116666600e+01, v9;
	v7 =	vmul.f32 v11, v62;
	v9 =	vmin.f32 v12, $1.260000000e+02  }
.LBB2_20:
0x253: {  	s2 =	sadd.s32 $0x40, s2;
	v11 =	vmax.f32 v57, $0.0e+00;
	v12 =	vmax.f32 v56, $0.0e+00;
	v9 =	vtrunc.f32 v9;
	s6 =	sadd.s32 $0x200, s6;
	v13 =	vld.idx.msk [tilespmem:v30+s13+$0x0], $0xffff  }
0x254: {  	s0 =	sand.u32 $0x40, s2;
	s3 =	sand.u32 $0x3C00, s6;
	p0 =	slt.u32 s2, $0x7C0;
	v14 =	vmax.f32 v55, $0.0e+00;
	v9 =	vcvt.f32.s32 v9;
	v16 =	vld.idx.msk [tilespmem:v20+s13+$0x0], $0xffff;
	v0 =	vadd.f32 v7, v0  }
0x255: {  	v7 =	vmin.f32 v11, $1.260000000e+02;
	v11 =	vmin.f32 v12, $1.260000000e+02;
	s0 =	sor.u32 s0, s3;
	v12 =	vmin.f32 v14, $1.260000000e+02  }
0x256: {  	v7 =	vtrunc.f32 v7;
	v11 =	vtrunc.f32 v11;
	v14 =	vld [tilespmem:s0+$0x330];
	[tilespmem:s1+$0x8330] =	vst v0;
	v0 =	vadd.f32 v61, v25  }
0x257: {  	v2 =	vadd.f32 v2, v60;
	v7 =	vcvt.f32.s32 v7;
	v12 =	vtrunc.f32 v12;
	v62 =	vld [tilespmem:s0+$0x300]  }
0x258: {  	v30 =	vcvt.f32.s32 v11;
	v20 =	vcvt.f32.s32 v12;
	v25 =	vmovc v3;
	v63 =	vld [tilespmem:s0+$0x310];
	[tilespmem:s25+$0x8300] =	vst v0;
	v0 =	vadd.f32 v8, v35  }
0x259: {  	v61 =	vmul.f32 v10, v59;
	v8 =	vcvt.s32.f32 v7;
	v60 =	vmov v13;
	v3 =	vld [tilespmem:s0+$0x320];
	[tilespmem:s25+$0x8310] =	vst v2  }
0x25a: {  	v11 =	vcvt.s32.f32 v30;
	v12 =	vcvt.s32.f32 v20;
	v35 =	vmov v16;
	v13 =	vld.idx.msk [tilespmem:v9+s17+$0x0], $0xffff;
	[tilespmem:s25+$0x8320] =	vst v0;
	s25 =	smov.u32 s1;
	s1 =	smov.u32 s5;
	s5 =	smov.u32 s0  }
0x25b: {  	v2 =	vmul.f32 v58, v15;
	v10 =	vsub.f32 v57, v8;
	v14 =	vadd.f32 $3.000000000e+00, v14  }
.Ltmp11:
0x25c: {  	v58 =	vsub.f32 v56, v11;
	v11 =	vcvt.s32.f32 v9;
	v8 =	vadd.f32 $3.000000000e+00, v62;
	v0 =	vld.idx.msk [tilespmem:v9+s13+$0x0], $0xffff;
	(pc) =	sbr.rel @p0 .LBB2_20-.Ltmp11, $4  }
0x25d: {  	v12 =	vsub.f32 v55, v12;
	v9 =	vadd.f32 $3.000000000e+00, v63;
	v14 =	vmul.f32 $2.116666600e+01, v14;
	v59 =	vld.idx.msk [tilespmem:v7+s17+$0x0], $0xffff  }
0x25e: {  	v11 =	vsub.f32 v5, v11;
	v57 =	vmul.f32 $2.116666600e+01, v8;
	v3 =	vadd.f32 $3.000000000e+00, v3;
	v15 =	vld.idx.msk [tilespmem:v30+s17+$0x0], $0xffff  }
0x25f: {  	v8 =	vmul.f32 v6, v4;
	v6 =	vmovc v12;
	v56 =	vmul.f32 $2.116666600e+01, v9;
	v9 =	vmax.f32 v14, $0.0e+00;
	v4 =	vld.idx.msk [tilespmem:v20+s17+$0x0], $0xffff;
	v5 =	vmovc v14  }
0x260: {  	v55 =	vmul.f32 $2.116666600e+01, v3;
	v9 =	vmin.f32 v9, $1.260000000e+02;
	v3 =	vld.idx.msk [tilespmem:v7+s13+$0x0], $0xffff;
	v7 =	vmul.f32 v11, v13  }
0x261: {  	_ =	sdelay $0x3  }
0x262: {  	v62 =	vmov v25;
	s2 =	smov.u32 s25;
	s0 =	smov.u32 s1;
	s25 =	smov.u32 s5;
	v25 =	vmov v3;
	v3 =	vmov v6  }
.LBB2_22:
0x263: {  	v6 =	vtrunc.f32 v9;
	v9 =	vmax.f32 v57, $0.0e+00  }
0x264: {  	v11 =	vmax.f32 v56, $0.0e+00;
	v6 =	vcvt.f32.s32 v6;
	v9 =	vmin.f32 v9, $1.260000000e+02  }
0x265: {  	v12 =	vmax.f32 v55, $0.0e+00;
	v11 =	vmin.f32 v11, $1.260000000e+02;
	v9 =	vtrunc.f32 v9  }
0x266: {  	v12 =	vmin.f32 v12, $1.260000000e+02;
	v11 =	vtrunc.f32 v11;
	v9 =	vcvt.f32.s32 v9  }
0x267: {  	v0 =	vadd.f32 @p2 v7, v0;
	v12 =	vtrunc.f32 v12;
	v11 =	vcvt.f32.s32 v11  }
0x268: {  	v13 =	vld.idx.msk @p2 [tilespmem:v30+s13+$0x0], $0xffff;
	v7 =	vcvt.f32.s32 v12;
	v12 =	vadd.f32 @p1 v61, v62  }
0x269: {  	v14 =	vld.idx.msk @p2 [tilespmem:v20+s13+$0x0], $0xffff;
	[tilespmem:s0+$0x8330] =	vst @p2 v0;
	v0 =	vadd.f32 @p1 v2, v60  }
0x26a: {  	v16 =	vld.idx.msk [tilespmem:v6+s17+$0x0], $0xffff  }
0x26b: {  	v2 =	vcvt.s32.f32 v6;
	[tilespmem:s2+$0x8310] =	vst @p1 v0;
	v20 =	vcvt.s32.f32 v9;
	v6 =	vld.idx.msk [tilespmem:v6+s13+$0x0], $0xffff  }
0x26c: {  	v8 =	vadd.f32 @p1 v8, v35;
	[tilespmem:s2+$0x8300] =	vst @p1 v12;
	v0 =	vcvt.s32.f32 v11;
	v12 =	vmov @p2 v25;
	v25 =	vld.idx.msk [tilespmem:v9+s17+$0x0], $0xffff  }
0x26d: {  	v10 =	vmul.f32 @p2 v10, v59;
	v2 =	vsub.f32 v5, v2;
	v63 =	vsub.f32 v57, v20;
	v20 =	vld.idx.msk [tilespmem:v11+s17+$0x0], $0xffff  }
0x26e: {  	v15 =	vmul.f32 @p2 v58, v15;
	v62 =	vcvt.s32.f32 v7;
	v0 =	vsub.f32 v56, v0;
	v30 =	vld.idx.msk [tilespmem:v7+s17+$0x0], $0xffff  }
0x26f: {  	v3 =	vmul.f32 @p2 v3, v4;
	v4 =	vld.idx.msk [tilespmem:v9+s13+$0x0], $0xffff;
	v2 =	vmul.f32 v2, v16  }
0x270: {  	[tilespmem:s2+$0x8320] =	vst @p1 v8;
	v5 =	vmov @p2 v13;
	v13 =	vsub.f32 v55, v62;
	v9 =	vpsel p2, v12, v0;
	v11 =	vld.idx.msk [tilespmem:v11+s13+$0x0], $0xffff  }
0x271: {  	v8 =	vmovc @p2 v14;
	v10 =	vpsel p2, v10, v0;
	v5 =	vpsel p2, v5, v0;
	v2 =	vadd.f32 v2, v6  }
0x272: {  	v8 =	vpsel p2, v8, v0;
	v7 =	vld.idx.msk [tilespmem:v7+s13+$0x0], $0xffff;
	v9 =	vadd.f32 @p2 v10, v9;
	v6 =	vpsel p2, v15, v0  }
0x273: {  	s0 =	smov.u32 @p2 s0;
	v3 =	vpsel p2, v3, v0;
	v0 =	vmul.f32 v0, v20;
	[tilespmem:s25+$0x8330] =	vst v2;
	v2 =	vadd.f32 @p2 v6, v5  }
0x274: {  	v3 =	vadd.f32 @p2 v3, v8;
	[tilespmem:s0+$0x8300] =	vst @p2 v9;
	v5 =	vmul.f32 v63, v25  }
0x275: {  	s1 =	simm.s32 $0x1;
	p1 =	por $0x0, $0x0;
	v0 =	vadd.f32 v0, v11;
	[tilespmem:s0+$0x8310] =	vst @p2 v2;
	v2 =	vmul.f32 v13, v30  }
0x276: {  	s1 =	simm.s32 @!p1 $0x0;
	[tilespmem:s0+$0x8320] =	vst @p2 v3;
	v4 =	vadd.f32 v5, v4  }
0x277: {  	s31 =	sshll.u32 s1, $0x6;
	[tilespmem:s25+$0x8310] =	vst v0;
	v2 =	vadd.f32 v2, v7  }
0x278: {  	s26 =	sadd.s32 $0x0, s31;
	[tilespmem:s25+$0x8300] =	vst v4  }
0x279: {  	s30 =	sor.u32 $0x230, s26;
	[tilespmem:s25+$0x8320] =	vst v2  }
0x27a: {  	s25 =	sor.u32 $0x200, s26;
	v0 =	vld [tilespmem:s30+$0x180]  }
0x27b: {  	s28 =	sor.u32 $0x210, s26;
	v2 =	vld [tilespmem:s25+$0x180]  }
0x27c: {  	s11 =	sor.u32 $0x220, s26;
	v3 =	vld [tilespmem:s28+$0x180]  }
0x27d: {  	v4 =	vld [tilespmem:s11+$0x180]  }
0x27e: {  	p3 =	por $0x1, $0x1  }
.Ltmp12:
0x27f: {  	v0 =	vadd.f32 $3.000000000e+00, v0;
	(pc) =	sbr.rel @!p3 .LBB2_23-.Ltmp12, $4  }
0x280: {  	_ = 	snop  }
0x281: {  	v2 =	vadd.f32 $3.000000000e+00, v2;
	v3 =	vadd.f32 $3.000000000e+00, v3;
	v58 =	vmul.f32 $2.116666600e+01, v0  }
0x282: {  	v7 =	vadd.f32 $3.000000000e+00, v4  }
0x283: {  	p2 =	por !p1, !p1;
	v55 =	vmul.f32 $2.116666600e+01, v2;
	v56 =	vmul.f32 $2.116666600e+01, v3;
	v11 =	vmax.f32 v58, $0.0e+00  }
0x284: {  	s0 =	simm.s32 $0x1  }
0x285: {  	v0 =	vmin.f32 v11, $1.260000000e+02;
	s0 =	simm.s32 @!p2 $0x0  }
0x286: {  	v2 =	vmul.f32 $2.116666600e+01, v7;
	v0 =	vtrunc.f32 v0;
	s0 =	sshll.u32 s0, $0x6  }
0x287: {  	v3 =	vmax.f32 v55, $0.0e+00;
	v4 =	vmax.f32 v56, $0.0e+00;
	v0 =	vcvt.f32.s32 v0;
	s0 =	sadd.s32 $0x200, s0  }
0x288: {  	v3 =	vmin.f32 v3, $1.260000000e+02;
	v5 =	vmax.f32 v2, $0.0e+00;
	v4 =	vmin.f32 v4, $1.260000000e+02;
	s15 =	sor.u32 $0x230, s0  }
0x289: {  	v3 =	vtrunc.f32 v3;
	v7 =	vmin.f32 v5, $1.260000000e+02;
	v4 =	vtrunc.f32 v4;
	s1 =	sor.u32 $0x200, s0;
	v6 =	vld [tilespmem:s15+$0x180]  }
0x28a: {  	s5 =	sor.u32 $0x210, s0;
	v5 =	vcvt.f32.s32 v3;
	v3 =	vtrunc.f32 v7;
	v8 =	vld [tilespmem:s1+$0x180]  }
0x28b: {  	s2 =	sor.u32 $0x220, s0;
	v62 =	vcvt.f32.s32 v4;
	v7 =	vld [tilespmem:s5+$0x180];
	v61 =	vcvt.f32.s32 v3  }
0x28c: {  	v9 =	vld [tilespmem:s2+$0x180];
	v3 =	vcvt.s32.f32 v5  }
0x28d: {  	p5 =	por $0x1, $0x1;
	v4 =	vcvt.s32.f32 v62;
	v11 =	vcvt.s32.f32 v61  }
.Ltmp13:
0x28e: {  	v35 =	vld.idx.msk [tilespmem:v0+s17+$0x0], $0xffff;
	v59 =	vsub.f32 v55, v3;
	v6 =	vadd.f32 $3.000000000e+00, v6;
	(pc) =	sbr.rel @!p5 .LBB2_25-.Ltmp13, $4  }
0x28f: {  	v57 =	vsub.f32 v56, v4;
	v25 =	vld.idx.msk [tilespmem:v0+s13+$0x0], $0xffff;
	v0 =	vcvt.s32.f32 v0;
	v4 =	vsub.f32 v2, v11  }
0x290: {  	v8 =	vadd.f32 $3.000000000e+00, v8;
	v12 =	vadd.f32 $3.000000000e+00, v7;
	v10 =	vld.idx.msk [tilespmem:v5+s17+$0x0], $0xffff;
	v3 =	vmul.f32 $2.116666600e+01, v6  }
0x291: {  	v7 =	vadd.f32 $3.000000000e+00, v9;
	v60 =	vld.idx.msk [tilespmem:v62+s17+$0x0], $0xffff;
	v9 =	vsub.f32 v58, v0  }
0x292: {  	p0 =	por !p2, !p2;
	p4 =	por $0x1, $0x1;
	v55 =	vmul.f32 $2.116666600e+01, v8;
	v56 =	vmul.f32 $2.116666600e+01, v12;
	v8 =	vld.idx.msk [tilespmem:v61+s17+$0x0], $0xffff;
	v11 =	vmax.f32 v3, $0.0e+00  }
0x293: {  	_ =	sdelay $0x1  }
0x294: {  	s0 =	simm.s32 $0x1  }
0x295: {  	v2 =	vmul.f32 $2.116666600e+01, v7;
	s0 =	simm.s32 @!p0 $0x0  }
0x296: {  	v0 =	vmin.f32 v11, $1.260000000e+02;
	v63 =	vld.idx.msk [tilespmem:v5+s13+$0x0], $0xffff;
	v6 =	vmul.f32 v9, v35;
	v5 =	vmax.f32 v55, $0.0e+00;
	s0 =	sshll.u32 s0, $0x6  }
0x297: {  	v15 =	vld.idx.msk [tilespmem:v62+s13+$0x0], $0xffff;
	v7 =	vmax.f32 v56, $0.0e+00;
	v0 =	vtrunc.f32 v0;
	v9 =	vmax.f32 v2, $0.0e+00;
	s0 =	sadd.s32 $0x400, s0  }
0x298: {  	v20 =	vld.idx.msk [tilespmem:v61+s13+$0x0], $0xffff;
	v11 =	vcvt.f32.s32 v0;
	v0 =	vmin.f32 v5, $1.260000000e+02;
	v5 =	vmin.f32 v7, $1.260000000e+02;
	s9 =	sor.u32 $0x230, s0  }
0x299: {  	v30 =	vmul.f32 v59, v10;
	v7 =	vmin.f32 v9, $1.260000000e+02;
	v0 =	vtrunc.f32 v0;
	s6 =	sor.u32 $0x200, s0;
	v9 =	vld [tilespmem:s9+$0x180]  }
0x29a: {  	v12 =	vtrunc.f32 v5;
	s31 =	sor.u32 $0x210, s0;
	v5 =	vcvt.f32.s32 v0;
	v13 =	vld [tilespmem:s6+$0x180]  }
0x29b: {  	v6 =	vadd.f32 v6, v25;
	v0 =	vtrunc.f32 v7;
	s29 =	sor.u32 $0x220, s0;
	v62 =	vcvt.f32.s32 v12;
	v7 =	vld [tilespmem:s31+$0x180]  }
0x29c: {  	v16 =	vcvt.s32.f32 v11;
	v61 =	vcvt.f32.s32 v0;
	v12 =	vld [tilespmem:s29+$0x180]  }
0x29d: {  	p3 =	por $0x1, $0x1;
	[tilespmem:s30+$0x8180] =	vst v6;
	v6 =	vmul.f32 v4, v8;
	v0 =	vcvt.s32.f32 v5  }
.Ltmp14:
0x29e: {  	v10 =	vcvt.s32.f32 v62;
	v14 =	vcvt.s32.f32 v61;
	v35 =	vld.idx.msk [tilespmem:v11+s17+$0x0], $0xffff;
	v9 =	vadd.f32 $3.000000000e+00, v9;
	(pc) =	sbr.rel @!p3 .LBB2_27-.Ltmp14, $4  }
0x29f: {  	v59 =	vsub.f32 v55, v0;
	v0 =	vmul.f32 v57, v60;
	v25 =	vld.idx.msk [tilespmem:v11+s13+$0x0], $0xffff;
	v13 =	vadd.f32 $3.000000000e+00, v13  }
0x2a0: {  	v57 =	vsub.f32 v56, v10;
	v11 =	vadd.f32 $3.000000000e+00, v7;
	v10 =	vld.idx.msk [tilespmem:v5+s17+$0x0], $0xffff;
	v58 =	vmul.f32 $2.116666600e+01, v9  }
0x2a1: {  	s12 =	simm.s32 $0x80;
	v2 =	vsub.f32 v2, v14;
	v7 =	vadd.f32 $3.000000000e+00, v12;
	v60 =	vld.idx.msk [tilespmem:v62+s17+$0x0], $0xffff;
	v55 =	vmul.f32 $2.116666600e+01, v13  }
0x2a2: {  	s22 =	simm.s32 $0x400;
	p6 =	por !p0, !p0;
	p5 =	por $0x1, $0x1;
	v9 =	vsub.f32 v3, v16;
	v56 =	vmul.f32 $2.116666600e+01, v11;
	v3 =	vld.idx.msk [tilespmem:v61+s17+$0x0], $0xffff;
	v11 =	vmax.f32 v58, $0.0e+00  }
.LBB2_28:
0x2a3: {  	s0 =	simm.s32 $0x1  }
0x2a4: {  	s12 =	sadd.s32 $0x40, s12;
	v4 =	vmul.f32 $2.116666600e+01, v7;
	v7 =	vmin.f32 v11, $1.260000000e+02;
	v8 =	vld.idx.msk [tilespmem:v5+s13+$0x0], $0xffff;
	v5 =	vmul.f32 v9, v35;
	s0 =	simm.s32 @!p6 $0x0  }
0x2a5: {  	v9 =	vmax.f32 v55, $0.0e+00;
	s22 =	sadd.s32 $0x200, s22;
	p0 =	slt.u32 s12, $0x7C0;
	v11 =	vmax.f32 v56, $0.0e+00;
	v7 =	vtrunc.f32 v7;
	s0 =	sshll.u32 s0, $0x6;
	v12 =	vld.idx.msk [tilespmem:v62+s13+$0x0], $0xffff  }
0x2a6: {  	v13 =	vmax.f32 v4, $0.0e+00;
	v7 =	vcvt.f32.s32 v7;
	v5 =	vadd.f32 v5, v25;
	s0 =	sadd.s32 s0, s22;
	v14 =	vld.idx.msk [tilespmem:v61+s13+$0x0], $0xffff  }
0x2a7: {  	v9 =	vmin.f32 v9, $1.260000000e+02;
	v11 =	vmin.f32 v11, $1.260000000e+02;
	v13 =	vmin.f32 v13, $1.260000000e+02;
	s3 =	sor.u32 $0x200, s0;
	s14 =	sor.u32 $0x210, s0;
	s18 =	sor.u32 $0x230, s0  }
0x2a8: {  	v9 =	vtrunc.f32 v9;
	v25 =	vadd.f32 v30, v63;
	v11 =	vtrunc.f32 v11;
	s0 =	sor.u32 $0x220, s0;
	v16 =	vld [tilespmem:s18+$0x180];
	[tilespmem:s15+$0x8180] =	vst v5;
	s15 =	smov.u32 s9;
	s9 =	smov.u32 s18  }
0x2a9: {  	v0 =	vadd.f32 v0, v15;
	v5 =	vcvt.f32.s32 v9;
	v9 =	vtrunc.f32 v13;
	v17 =	vld [tilespmem:s3+$0x180]  }
0x2aa: {  	v6 =	vadd.f32 v6, v20;
	v62 =	vcvt.f32.s32 v11;
	v63 =	vmovc v8;
	v61 =	vcvt.f32.s32 v9;
	v13 =	vld [tilespmem:s14+$0x180];
	[tilespmem:s25+$0x8180] =	vst v25;
	s25 =	smov.u32 s1;
	s1 =	smov.u32 s6;
	s6 =	smov.u32 s3  }
0x2ab: {  	v30 =	vmul.f32 v59, v10;
	v9 =	vcvt.s32.f32 v5;
	v15 =	vmov v12;
	v8 =	vld [tilespmem:s0+$0x180];
	[tilespmem:s28+$0x8180] =	vst v0;
	s28 =	smov.u32 s5;
	s5 =	smov.u32 s31;
	s31 =	smov.u32 s14  }
0x2ac: {  	v10 =	vcvt.s32.f32 v62;
	v11 =	vcvt.s32.f32 v61;
	v20 =	vmov v14;
	v35 =	vld.idx.msk [tilespmem:v7+s17+$0x0], $0xffff;
	[tilespmem:s11+$0x8180] =	vst v6;
	s11 =	smov.u32 s2;
	s2 =	smov.u32 s29;
	s29 =	smov.u32 s0  }
.Ltmp15:
0x2ad: {  	v0 =	vmul.f32 v57, v60;
	v59 =	vsub.f32 v55, v9;
	v6 =	vadd.f32 $3.000000000e+00, v16;
	(pc) =	sbr.rel @p0 .LBB2_28-.Ltmp15, $4  }
0x2ae: {  	v12 =	vcvt.s32.f32 v7;
	v57 =	vsub.f32 v56, v10;
	v9 =	vadd.f32 $3.000000000e+00, v17;
	v25 =	vld.idx.msk [tilespmem:v7+s13+$0x0], $0xffff  }
0x2af: {  	v4 =	vsub.f32 v4, v11;
	v13 =	vadd.f32 $3.000000000e+00, v13;
	v14 =	vmul.f32 $2.116666600e+01, v6;
	v10 =	vld.idx.msk [tilespmem:v5+s17+$0x0], $0xffff  }
0x2b0: {  	v55 =	vmul.f32 $2.116666600e+01, v9;
	v7 =	vadd.f32 $3.000000000e+00, v8;
	v60 =	vld.idx.msk [tilespmem:v62+s17+$0x0], $0xffff;
	v9 =	vsub.f32 v58, v12  }
0x2b1: {  	p6 =	por !p6, !p6;
	v6 =	vmul.f32 v2, v3;
	v2 =	vmovc v4;
	v56 =	vmul.f32 $2.116666600e+01, v13;
	v11 =	vmax.f32 v14, $0.0e+00;
	v3 =	vld.idx.msk [tilespmem:v61+s17+$0x0], $0xffff;
	v58 =	vmovc v14  }
0x2b2: {  	_ = 	snop  }
0x2b3: {  	s22 =	smov.u32 s25;
	s14 =	smov.u32 s28;
	s23 =	smov.u32 s11  }
0x2b4: {  	s12 =	smov.u32 s15;
	s30 =	smov.u32 s9;
	s0 =	smov.u32 s1  }
0x2b5: {  	s25 =	smov.u32 s6;
	s6 =	smov.u32 s5;
	s28 =	smov.u32 s31  }
0x2b6: {  	s9 =	smov.u32 s2;
	s11 =	smov.u32 s29;
	v4 =	vmov v2;
	p3 =	por $0x1, $0x1;
	v8 =	vmov v3  }
.LBB2_30:
0x2b7: {  	v2 =	vmin.f32 v11, $1.260000000e+02  }
0x2b8: {  	v2 =	vtrunc.f32 v2  }
0x2b9: {  	v3 =	vmul.f32 $2.116666600e+01, v7;
	v7 =	vmax.f32 v55, $0.0e+00;
	v2 =	vcvt.f32.s32 v2  }
0x2ba: {  	v11 =	vmax.f32 v56, $0.0e+00;
	v7 =	vmin.f32 v7, $1.260000000e+02  }
0x2bb: {  	v9 =	vmul.f32 @p4 v9, v35;
	v11 =	vmin.f32 v11, $1.260000000e+02;
	v7 =	vtrunc.f32 v7  }
0x2bc: {  	v12 =	vmax.f32 v3, $0.0e+00;
	v11 =	vtrunc.f32 v11;
	v7 =	vcvt.f32.s32 v7  }
0x2bd: {  	v5 =	vld.idx.msk @p4 [tilespmem:v5+s13+$0x0], $0xffff;
	v12 =	vmin.f32 v12, $1.260000000e+02;
	v11 =	vcvt.f32.s32 v11  }
0x2be: {  	v14 =	vld.idx.msk @p4 [tilespmem:v61+s13+$0x0], $0xffff;
	v9 =	vadd.f32 @p4 v9, v25;
	v12 =	vtrunc.f32 v12  }
0x2bf: {  	v0 =	vadd.f32 @p5 v0, v15;
	v12 =	vcvt.f32.s32 v12;
	v17 =	vld.idx.msk [tilespmem:v2+s17+$0x0], $0xffff  }
0x2c0: {  	v13 =	vld.idx.msk @p4 [tilespmem:v62+s13+$0x0], $0xffff;
	v16 =	vadd.f32 @p5 v30, v63;
	v6 =	vadd.f32 @p5 v6, v20;
	[tilespmem:s12+$0x8180] =	vst @p4 v9;
	v9 =	vcvt.s32.f32 v2  }
0x2c1: {  	v10 =	vmul.f32 @p4 v59, v10;
	[tilespmem:s14+$0x8180] =	vst @p5 v0;
	v0 =	vcvt.s32.f32 v11;
	v2 =	vld.idx.msk [tilespmem:v2+s13+$0x0], $0xffff  }
0x2c2: {  	v4 =	vmul.f32 @p4 v4, v8;
	[tilespmem:s22+$0x8180] =	vst @p5 v16;
	v9 =	vsub.f32 v58, v9;
	v16 =	vld.idx.msk [tilespmem:v7+s17+$0x0], $0xffff  }
0x2c3: {  	v61 =	vcvt.s32.f32 v7;
	v20 =	vcvt.s32.f32 v12;
	v0 =	vsub.f32 v56, v0;
	v63 =	vld.idx.msk [tilespmem:v11+s17+$0x0], $0xffff  }
0x2c4: {  	[tilespmem:s23+$0x8180] =	vst @p5 v6;
	v25 =	vmul.f32 @p4 v57, v60;
	v6 =	vmov @p4 v14;
	v11 =	vld.idx.msk [tilespmem:v11+s13+$0x0], $0xffff;
	v9 =	vmul.f32 v9, v17  }
0x2c5: {  	v62 =	vsub.f32 v55, v61;
	v3 =	vsub.f32 v3, v20;
	v5 =	vpsel p4, v5, v0;
	v30 =	vld.idx.msk [tilespmem:v12+s17+$0x0], $0xffff  }
0x2c6: {  	v7 =	vld.idx.msk [tilespmem:v7+s13+$0x0], $0xffff;
	v8 =	vpsel p4, v10, v0;
	v10 =	vpsel p4, v13, v0;
	v2 =	vadd.f32 v9, v2  }
0x2c7: {  	v6 =	vpsel p4, v6, v0;
	v5 =	vadd.f32 @p4 v8, v5;
	v12 =	vld.idx.msk [tilespmem:v12+s13+$0x0], $0xffff;
	v9 =	vpsel p4, v25, v0  }
0x2c8: {  	s1 =	smov.u32 @p4 s6;
	s0 =	smov.u32 @p4 s0;
	v4 =	vpsel p4, v4, v0;
	v0 =	vmul.f32 v0, v63;
	[tilespmem:s30+$0x8180] =	vst v2;
	v2 =	vadd.f32 @p4 v9, v10  }
0x2c9: {  	s2 =	smov.u32 @p4 s9;
	s1 =	smov.u32 @p4 s1;
	v4 =	vadd.f32 @p4 v4, v6;
	[tilespmem:s0+$0x8180] =	vst @p4 v5;
	v8 =	vmul.f32 v62, v16  }
0x2ca: {  	s0 =	smov.u32 @p4 s2;
	v0 =	vadd.f32 v0, v11;
	[tilespmem:s1+$0x8180] =	vst @p4 v2;
	v2 =	vmul.f32 v3, v30  }
0x2cb: {  	[tilespmem:s0+$0x8180] =	vst @p4 v4;
	v3 =	vadd.f32 v8, v7  }
0x2cc: {  	[tilespmem:s28+$0x8180] =	vst v0;
	v2 =	vadd.f32 v2, v12  }
0x2cd: {  	[tilespmem:s25+$0x8180] =	vst v3  }
0x2ce: {  	s2 =	sor.u32 $0x2B0, s26;
	[tilespmem:s11+$0x8180] =	vst v2  }
0x2cf: {  	s25 =	sor.u32 $0x280, s26;
	v0 =	vld [tilespmem:s2+$0x180]  }
0x2d0: {  	s28 =	sor.u32 $0x290, s26;
	v2 =	vld [tilespmem:s25+$0x180]  }
0x2d1: {  	s26 =	sor.u32 $0x2A0, s26;
	v3 =	vld [tilespmem:s28+$0x180]  }
0x2d2: {  	v4 =	vld [tilespmem:s26+$0x180];
	_ =	sdelay $0x1  }
.Ltmp16:
0x2d3: {  	v0 =	vadd.f32 $3.000000000e+00, v0;
	(pc) =	sbr.rel @!p3 .LBB2_31-.Ltmp16, $4  }
0x2d4: {  	_ = 	snop  }
0x2d5: {  	v2 =	vadd.f32 $3.000000000e+00, v2;
	v3 =	vadd.f32 $3.000000000e+00, v3;
	v58 =	vmul.f32 $2.116666600e+01, v0  }
0x2d6: {  	v7 =	vadd.f32 $3.000000000e+00, v4  }
0x2d7: {  	v55 =	vmul.f32 $2.116666600e+01, v2;
	v56 =	vmul.f32 $2.116666600e+01, v3;
	v11 =	vmax.f32 v58, $0.0e+00  }
0x2d8: {  	s0 =	simm.s32 $0x1  }
0x2d9: {  	s0 =	simm.s32 @!p2 $0x0  }
0x2da: {  	v0 =	vmin.f32 v11, $1.260000000e+02;
	s0 =	sshll.u32 s0, $0x6  }
0x2db: {  	v2 =	vmul.f32 $2.116666600e+01, v7;
	v3 =	vmax.f32 v55, $0.0e+00;
	v0 =	vtrunc.f32 v0;
	s0 =	sadd.s32 $0x200, s0  }
0x2dc: {  	v4 =	vmax.f32 v56, $0.0e+00;
	v0 =	vcvt.f32.s32 v0;
	v3 =	vmin.f32 v3, $1.260000000e+02;
	s6 =	sor.u32 $0x2B0, s0  }
0x2dd: {  	v5 =	vmax.f32 v2, $0.0e+00;
	v4 =	vmin.f32 v4, $1.260000000e+02;
	v3 =	vtrunc.f32 v3;
	s1 =	sor.u32 $0x280, s0;
	v6 =	vld [tilespmem:s6+$0x180]  }
0x2de: {  	v7 =	vmin.f32 v5, $1.260000000e+02;
	v4 =	vtrunc.f32 v4;
	s5 =	sor.u32 $0x290, s0;
	v5 =	vcvt.f32.s32 v3;
	v8 =	vld [tilespmem:s1+$0x180]  }
0x2df: {  	s29 =	sor.u32 $0x2A0, s0;
	v3 =	vtrunc.f32 v7;
	v62 =	vcvt.f32.s32 v4;
	v7 =	vld [tilespmem:s5+$0x180]  }
0x2e0: {  	v61 =	vcvt.f32.s32 v3;
	v3 =	vld [tilespmem:s29+$0x180];
	v4 =	vcvt.s32.f32 v5  }
0x2e1: {  	p3 =	por $0x1, $0x1;
	v9 =	vcvt.s32.f32 v62  }
.Ltmp17:
0x2e2: {  	v35 =	vld.idx.msk [tilespmem:v0+s17+$0x0], $0xffff;
	v59 =	vsub.f32 v55, v4;
	v4 =	vcvt.s32.f32 v61;
	v6 =	vadd.f32 $3.000000000e+00, v6;
	(pc) =	sbr.rel @!p3 .LBB2_33-.Ltmp17, $4  }
0x2e3: {  	v57 =	vsub.f32 v56, v9;
	v25 =	vld.idx.msk [tilespmem:v0+s13+$0x0], $0xffff;
	v0 =	vcvt.s32.f32 v0;
	v10 =	vadd.f32 $3.000000000e+00, v8  }
0x2e4: {  	v11 =	vadd.f32 $3.000000000e+00, v7;
	v63 =	vld.idx.msk [tilespmem:v5+s17+$0x0], $0xffff;
	v2 =	vsub.f32 v2, v4;
	v8 =	vmul.f32 $2.116666600e+01, v6  }
0x2e5: {  	v7 =	vadd.f32 $3.000000000e+00, v3;
	v60 =	vld.idx.msk [tilespmem:v62+s17+$0x0], $0xffff;
	v9 =	vsub.f32 v58, v0  }
0x2e6: {  	p0 =	por !p2, !p2;
	p2 =	por $0x1, $0x1;
	v3 =	vld.idx.msk [tilespmem:v61+s17+$0x0], $0xffff;
	v55 =	vmul.f32 $2.116666600e+01, v10;
	v56 =	vmul.f32 $2.116666600e+01, v11;
	v11 =	vmax.f32 v8, $0.0e+00  }
0x2e7: {  	_ =	sdelay $0x1  }
0x2e8: {  	s0 =	simm.s32 $0x1  }
0x2e9: {  	v4 =	vmul.f32 $2.116666600e+01, v7;
	s0 =	simm.s32 @!p0 $0x0  }
0x2ea: {  	v0 =	vmin.f32 v11, $1.260000000e+02;
	v10 =	vld.idx.msk [tilespmem:v5+s13+$0x0], $0xffff;
	v6 =	vmul.f32 v9, v35;
	v5 =	vmax.f32 v55, $0.0e+00;
	s0 =	sshll.u32 s0, $0x6  }
0x2eb: {  	v15 =	vld.idx.msk [tilespmem:v62+s13+$0x0], $0xffff;
	v7 =	vmax.f32 v56, $0.0e+00;
	v0 =	vtrunc.f32 v0;
	v9 =	vmax.f32 v4, $0.0e+00;
	s0 =	sadd.s32 $0x400, s0  }
0x2ec: {  	v20 =	vld.idx.msk [tilespmem:v61+s13+$0x0], $0xffff;
	v11 =	vcvt.f32.s32 v0;
	v0 =	vmin.f32 v5, $1.260000000e+02;
	v5 =	vmin.f32 v7, $1.260000000e+02;
	s9 =	sor.u32 $0x2B0, s0  }
0x2ed: {  	v30 =	vmul.f32 v59, v63;
	v7 =	vmin.f32 v9, $1.260000000e+02;
	v0 =	vtrunc.f32 v0;
	s15 =	sor.u32 $0x280, s0;
	v9 =	vld [tilespmem:s9+$0x180]  }
0x2ee: {  	v12 =	vtrunc.f32 v5;
	s11 =	sor.u32 $0x290, s0;
	v5 =	vcvt.f32.s32 v0;
	v13 =	vld [tilespmem:s15+$0x180]  }
0x2ef: {  	v6 =	vadd.f32 v6, v25;
	v0 =	vtrunc.f32 v7;
	s30 =	sor.u32 $0x2A0, s0;
	v62 =	vcvt.f32.s32 v12;
	v7 =	vld [tilespmem:s11+$0x180]  }
0x2f0: {  	v61 =	vcvt.f32.s32 v0;
	v12 =	vld [tilespmem:s30+$0x180];
	v0 =	vcvt.s32.f32 v5  }
0x2f1: {  	p4 =	por $0x1, $0x1;
	[tilespmem:s2+$0x8180] =	vst v6;
	v6 =	vmul.f32 v2, v3;
	v14 =	vcvt.s32.f32 v62  }
.Ltmp18:
0x2f2: {  	v16 =	vcvt.s32.f32 v61;
	v59 =	vsub.f32 v55, v0;
	v35 =	vld.idx.msk [tilespmem:v11+s17+$0x0], $0xffff;
	v9 =	vadd.f32 $3.000000000e+00, v9;
	(pc) =	sbr.rel @!p4 .LBB2_35-.Ltmp18, $4  }
0x2f3: {  	v0 =	vmul.f32 v57, v60;
	v57 =	vsub.f32 v56, v14;
	v25 =	vld.idx.msk [tilespmem:v11+s13+$0x0], $0xffff;
	v13 =	vadd.f32 $3.000000000e+00, v13  }
0x2f4: {  	v14 =	vcvt.s32.f32 v11;
	v11 =	vadd.f32 $3.000000000e+00, v7;
	v63 =	vld.idx.msk [tilespmem:v5+s17+$0x0], $0xffff;
	v58 =	vmul.f32 $2.116666600e+01, v9  }
0x2f5: {  	s12 =	simm.s32 $0x80;
	v4 =	vsub.f32 v4, v16;
	v7 =	vadd.f32 $3.000000000e+00, v12;
	v60 =	vld.idx.msk [tilespmem:v62+s17+$0x0], $0xffff;
	v55 =	vmul.f32 $2.116666600e+01, v13  }
0x2f6: {  	s22 =	simm.s32 $0x400;
	p3 =	por !p0, !p0;
	p1 =	por $0x1, $0x1;
	v9 =	vsub.f32 v8, v14;
	v56 =	vmul.f32 $2.116666600e+01, v11;
	v8 =	vld.idx.msk [tilespmem:v61+s17+$0x0], $0xffff;
	v11 =	vmax.f32 v58, $0.0e+00  }
.LBB2_36:
0x2f7: {  	s0 =	simm.s32 $0x1  }
0x2f8: {  	s12 =	sadd.s32 $0x40, s12;
	v2 =	vmul.f32 $2.116666600e+01, v7;
	v3 =	vmin.f32 v11, $1.260000000e+02;
	v7 =	vld.idx.msk [tilespmem:v5+s13+$0x0], $0xffff;
	v5 =	vmul.f32 v9, v35;
	s0 =	simm.s32 @!p3 $0x0  }
0x2f9: {  	v9 =	vmax.f32 v55, $0.0e+00;
	s22 =	sadd.s32 $0x200, s22;
	p0 =	slt.u32 s12, $0x7C0;
	v11 =	vmax.f32 v56, $0.0e+00;
	v3 =	vtrunc.f32 v3;
	s0 =	sshll.u32 s0, $0x6;
	v12 =	vld.idx.msk [tilespmem:v62+s13+$0x0], $0xffff  }
0x2fa: {  	v13 =	vmax.f32 v2, $0.0e+00;
	v3 =	vcvt.f32.s32 v3;
	v5 =	vadd.f32 v5, v25;
	s0 =	sadd.s32 s0, s22;
	v14 =	vld.idx.msk [tilespmem:v61+s13+$0x0], $0xffff  }
0x2fb: {  	v9 =	vmin.f32 v9, $1.260000000e+02;
	v11 =	vmin.f32 v11, $1.260000000e+02;
	v13 =	vmin.f32 v13, $1.260000000e+02;
	s2 =	sor.u32 $0x280, s0;
	s3 =	sor.u32 $0x290, s0;
	s14 =	sor.u32 $0x2B0, s0  }
0x2fc: {  	v9 =	vtrunc.f32 v9;
	v25 =	vadd.f32 v30, v10;
	v11 =	vtrunc.f32 v11;
	s0 =	sor.u32 $0x2A0, s0;
	v16 =	vld [tilespmem:s14+$0x180];
	[tilespmem:s6+$0x8180] =	vst v5  }
0x2fd: {  	v0 =	vadd.f32 v0, v15;
	v5 =	vcvt.f32.s32 v9;
	v9 =	vtrunc.f32 v13;
	s6 =	smov.u32 s9;
	s9 =	smov.u32 s14;
	v17 =	vld [tilespmem:s2+$0x180]  }
0x2fe: {  	v6 =	vadd.f32 v6, v20;
	v62 =	vcvt.f32.s32 v11;
	v10 =	vmovc v7;
	v61 =	vcvt.f32.s32 v9;
	v13 =	vld [tilespmem:s3+$0x180];
	[tilespmem:s25+$0x8180] =	vst v25;
	s25 =	smov.u32 s1;
	s1 =	smov.u32 s15;
	s15 =	smov.u32 s2  }
0x2ff: {  	v30 =	vmul.f32 v59, v63;
	v9 =	vcvt.s32.f32 v5;
	v15 =	vmov v12;
	v7 =	vld [tilespmem:s0+$0x180];
	[tilespmem:s28+$0x8180] =	vst v0;
	s28 =	smov.u32 s5;
	s5 =	smov.u32 s11;
	s11 =	smov.u32 s3  }
0x300: {  	v11 =	vcvt.s32.f32 v62;
	v12 =	vcvt.s32.f32 v61;
	v20 =	vmov v14;
	v35 =	vld.idx.msk [tilespmem:v3+s17+$0x0], $0xffff;
	[tilespmem:s26+$0x8180] =	vst v6;
	s26 =	smov.u32 s29;
	s29 =	smov.u32 s30;
	s30 =	smov.u32 s0  }
.Ltmp19:
0x301: {  	v0 =	vmul.f32 v57, v60;
	v59 =	vsub.f32 v55, v9;
	v6 =	vadd.f32 $3.000000000e+00, v16;
	(pc) =	sbr.rel @p0 .LBB2_36-.Ltmp19, $4  }
0x302: {  	v57 =	vsub.f32 v56, v11;
	v11 =	vcvt.s32.f32 v3;
	v9 =	vadd.f32 $3.000000000e+00, v17;
	v25 =	vld.idx.msk [tilespmem:v3+s13+$0x0], $0xffff  }
0x303: {  	v2 =	vsub.f32 v2, v12;
	v3 =	vadd.f32 $3.000000000e+00, v13;
	v13 =	vmul.f32 $2.116666600e+01, v6;
	v63 =	vld.idx.msk [tilespmem:v5+s17+$0x0], $0xffff  }
0x304: {  	v55 =	vmul.f32 $2.116666600e+01, v9;
	v7 =	vadd.f32 $3.000000000e+00, v7;
	v60 =	vld.idx.msk [tilespmem:v62+s17+$0x0], $0xffff;
	v9 =	vsub.f32 v58, v11  }
0x305: {  	p3 =	por !p3, !p3;
	v6 =	vmul.f32 v4, v8;
	v4 =	vmovc v2;
	v56 =	vmul.f32 $2.116666600e+01, v3;
	v11 =	vmax.f32 v13, $0.0e+00;
	v8 =	vld.idx.msk [tilespmem:v61+s17+$0x0], $0xffff;
	v58 =	vmovc v13  }
0x306: {  	_ = 	snop  }
0x307: {  	s14 =	smov.u32 s25;
	s3 =	smov.u32 s28  }
0x308: {  	s18 =	smov.u32 s26;
	s12 =	smov.u32 s6;
	s2 =	smov.u32 s9  }
0x309: {  	s0 =	smov.u32 s1;
	s25 =	smov.u32 s15;
	s9 =	smov.u32 s5  }
0x30a: {  	s28 =	smov.u32 s11;
	s11 =	smov.u32 s29;
	s26 =	smov.u32 s30;
	v2 =	vmov v4;
	v3 =	vmov v8  }
.LBB2_38:
0x30b: {  	v4 =	vmin.f32 v11, $1.260000000e+02  }
0x30c: {  	v4 =	vtrunc.f32 v4  }
0x30d: {  	v8 =	vmax.f32 v55, $0.0e+00;
	v4 =	vcvt.f32.s32 v4  }
0x30e: {  	v7 =	vmul.f32 $2.116666600e+01, v7;
	v11 =	vmax.f32 v56, $0.0e+00;
	v8 =	vmin.f32 v8, $1.260000000e+02  }
0x30f: {  	v9 =	vmul.f32 @p2 v9, v35;
	v11 =	vmin.f32 v11, $1.260000000e+02;
	v8 =	vtrunc.f32 v8  }
0x310: {  	v12 =	vmax.f32 v7, $0.0e+00;
	v11 =	vtrunc.f32 v11;
	v8 =	vcvt.f32.s32 v8  }
0x311: {  	v5 =	vld.idx.msk @p2 [tilespmem:v5+s13+$0x0], $0xffff;
	v12 =	vmin.f32 v12, $1.260000000e+02;
	v11 =	vcvt.f32.s32 v11  }
0x312: {  	v14 =	vld.idx.msk @p2 [tilespmem:v61+s13+$0x0], $0xffff;
	v9 =	vadd.f32 @p2 v9, v25;
	v12 =	vtrunc.f32 v12  }
0x313: {  	v0 =	vadd.f32 @p1 v0, v15;
	v12 =	vcvt.f32.s32 v12;
	v16 =	vld.idx.msk [tilespmem:v4+s17+$0x0], $0xffff  }
0x314: {  	v13 =	vld.idx.msk @p2 [tilespmem:v62+s13+$0x0], $0xffff;
	v6 =	vadd.f32 @p1 v6, v20;
	[tilespmem:s12+$0x8180] =	vst @p2 v9;
	v9 =	vcvt.s32.f32 v4  }
0x315: {  	v10 =	vadd.f32 @p1 v30, v10;
	[tilespmem:s3+$0x8180] =	vst @p1 v0;
	v0 =	vcvt.s32.f32 v11;
	v4 =	vld.idx.msk [tilespmem:v4+s13+$0x0], $0xffff  }
0x316: {  	v15 =	vmul.f32 @p2 v59, v63;
	v2 =	vmul.f32 @p2 v2, v3;
	v9 =	vsub.f32 v58, v9;
	v17 =	vld.idx.msk [tilespmem:v8+s17+$0x0], $0xffff  }
0x317: {  	[tilespmem:s14+$0x8180] =	vst @p1 v10;
	v10 =	vcvt.s32.f32 v8;
	v20 =	vcvt.s32.f32 v12;
	v0 =	vsub.f32 v56, v0;
	v63 =	vld.idx.msk [tilespmem:v11+s17+$0x0], $0xffff  }
0x318: {  	[tilespmem:s18+$0x8180] =	vst @p1 v6;
	v25 =	vmul.f32 @p2 v57, v60;
	v6 =	vmov @p2 v14;
	v11 =	vld.idx.msk [tilespmem:v11+s13+$0x0], $0xffff;
	v9 =	vmul.f32 v9, v16  }
0x319: {  	v10 =	vsub.f32 v55, v10;
	v7 =	vsub.f32 v7, v20;
	v3 =	vpsel p2, v5, v0;
	v30 =	vld.idx.msk [tilespmem:v12+s17+$0x0], $0xffff  }
0x31a: {  	v5 =	vld.idx.msk [tilespmem:v8+s13+$0x0], $0xffff;
	v8 =	vpsel p2, v15, v0;
	v13 =	vpsel p2, v13, v0;
	v4 =	vadd.f32 v9, v4  }
0x31b: {  	v6 =	vpsel p2, v6, v0;
	v3 =	vadd.f32 @p2 v8, v3;
	v12 =	vld.idx.msk [tilespmem:v12+s13+$0x0], $0xffff;
	v9 =	vpsel p2, v25, v0  }
0x31c: {  	s1 =	smov.u32 @p2 s9;
	s0 =	smov.u32 @p2 s0;
	v2 =	vpsel p2, v2, v0;
	v0 =	vmul.f32 v0, v63;
	[tilespmem:s2+$0x8180] =	vst v4;
	v4 =	vadd.f32 @p2 v9, v13  }
0x31d: {  	s1 =	smov.u32 @p2 s1;
	v2 =	vadd.f32 @p2 v2, v6;
	[tilespmem:s0+$0x8180] =	vst @p2 v3;
	v8 =	vmul.f32 v10, v17;
	s2 =	smov.u32 @p2 s11  }
0x31e: {  	p1 =	por $0x0, $0x0;
	v3 =	vmul.f32 v7, v30;
	v0 =	vadd.f32 v0, v11;
	s0 =	smov.u32 @p2 s2;
	[tilespmem:s1+$0x8180] =	vst @p2 v4;
	s1 =	simm.s32 $0x1  }
0x31f: {  	v4 =	vadd.f32 v8, v5;
	[tilespmem:s0+$0x8180] =	vst @p2 v2;
	s1 =	simm.s32 @!p1 $0x0  }
0x320: {  	v2 =	vadd.f32 v3, v12;
	[tilespmem:s28+$0x8180] =	vst v0;
	s31 =	sshll.u32 s1, $0x6  }
0x321: {  	[tilespmem:s25+$0x8180] =	vst v4;
	s25 =	sadd.s32 $0x0, s31  }
0x322: {  	[tilespmem:s26+$0x8180] =	vst v2;
	s30 =	sor.u32 $0x330, s25  }
0x323: {  	s26 =	sor.u32 $0x300, s25;
	v0 =	vld [tilespmem:s30+$0x180]  }
0x324: {  	s28 =	sor.u32 $0x310, s25;
	v2 =	vld [tilespmem:s26+$0x180]  }
0x325: {  	s29 =	sor.u32 $0x320, s25;
	v3 =	vld [tilespmem:s28+$0x180]  }
0x326: {  	v4 =	vld [tilespmem:s29+$0x180]  }
0x327: {  	p3 =	por $0x1, $0x1  }
.Ltmp20:
0x328: {  	v0 =	vadd.f32 $3.000000000e+00, v0;
	(pc) =	sbr.rel @!p3 .LBB2_39-.Ltmp20, $4  }
0x329: {  	_ = 	snop  }
0x32a: {  	v2 =	vadd.f32 $3.000000000e+00, v2;
	v3 =	vadd.f32 $3.000000000e+00, v3;
	v58 =	vmul.f32 $2.116666600e+01, v0  }
0x32b: {  	v7 =	vadd.f32 $3.000000000e+00, v4  }
0x32c: {  	p2 =	por !p1, !p1;
	v55 =	vmul.f32 $2.116666600e+01, v2;
	v56 =	vmul.f32 $2.116666600e+01, v3;
	v11 =	vmax.f32 v58, $0.0e+00  }
0x32d: {  	s0 =	simm.s32 $0x1  }
0x32e: {  	s0 =	simm.s32 @!p2 $0x0  }
0x32f: {  	v0 =	vmin.f32 v11, $1.260000000e+02;
	s0 =	sshll.u32 s0, $0x6  }
0x330: {  	v2 =	vmul.f32 $2.116666600e+01, v7;
	v3 =	vmax.f32 v55, $0.0e+00;
	v0 =	vtrunc.f32 v0;
	s0 =	sadd.s32 $0x200, s0  }
0x331: {  	v4 =	vmax.f32 v56, $0.0e+00;
	v0 =	vcvt.f32.s32 v0;
	v3 =	vmin.f32 v3, $1.260000000e+02;
	s15 =	sor.u32 $0x330, s0  }
0x332: {  	v5 =	vmax.f32 v2, $0.0e+00;
	v4 =	vmin.f32 v4, $1.260000000e+02;
	v3 =	vtrunc.f32 v3;
	s1 =	sor.u32 $0x300, s0;
	v6 =	vld [tilespmem:s15+$0x180]  }
0x333: {  	v7 =	vmin.f32 v5, $1.260000000e+02;
	v4 =	vtrunc.f32 v4;
	s5 =	sor.u32 $0x310, s0;
	v5 =	vcvt.f32.s32 v3;
	v8 =	vld [tilespmem:s1+$0x180]  }
0x334: {  	s2 =	sor.u32 $0x320, s0;
	v3 =	vtrunc.f32 v7;
	v62 =	vcvt.f32.s32 v4;
	v7 =	vld [tilespmem:s5+$0x180]  }
0x335: {  	v61 =	vcvt.f32.s32 v3;
	v3 =	vld [tilespmem:s2+$0x180];
	v4 =	vcvt.s32.f32 v5  }
0x336: {  	p5 =	por $0x1, $0x1;
	v9 =	vcvt.s32.f32 v62  }
.Ltmp21:
0x337: {  	v35 =	vld.idx.msk [tilespmem:v0+s17+$0x0], $0xffff;
	v59 =	vsub.f32 v55, v4;
	v4 =	vcvt.s32.f32 v61;
	v6 =	vadd.f32 $3.000000000e+00, v6;
	(pc) =	sbr.rel @!p5 .LBB2_41-.Ltmp21, $4  }
0x338: {  	v57 =	vsub.f32 v56, v9;
	v25 =	vld.idx.msk [tilespmem:v0+s13+$0x0], $0xffff;
	v0 =	vcvt.s32.f32 v0;
	v11 =	vadd.f32 $3.000000000e+00, v8  }
0x339: {  	v12 =	vadd.f32 $3.000000000e+00, v7;
	v10 =	vld.idx.msk [tilespmem:v5+s17+$0x0], $0xffff;
	v2 =	vsub.f32 v2, v4;
	v8 =	vmul.f32 $2.116666600e+01, v6  }
0x33a: {  	v7 =	vadd.f32 $3.000000000e+00, v3;
	v60 =	vld.idx.msk [tilespmem:v62+s17+$0x0], $0xffff;
	v9 =	vsub.f32 v58, v0  }
0x33b: {  	p0 =	por !p2, !p2;
	p4 =	por $0x1, $0x1;
	v3 =	vld.idx.msk [tilespmem:v61+s17+$0x0], $0xffff;
	v55 =	vmul.f32 $2.116666600e+01, v11;
	v56 =	vmul.f32 $2.116666600e+01, v12;
	v11 =	vmax.f32 v8, $0.0e+00  }
0x33c: {  	_ =	sdelay $0x1  }
0x33d: {  	s0 =	simm.s32 $0x1  }
0x33e: {  	v4 =	vmul.f32 $2.116666600e+01, v7;
	s0 =	simm.s32 @!p0 $0x0  }
0x33f: {  	v0 =	vmin.f32 v11, $1.260000000e+02;
	v63 =	vld.idx.msk [tilespmem:v5+s13+$0x0], $0xffff;
	v6 =	vmul.f32 v9, v35;
	v5 =	vmax.f32 v55, $0.0e+00;
	s0 =	sshll.u32 s0, $0x6  }
0x340: {  	v15 =	vld.idx.msk [tilespmem:v62+s13+$0x0], $0xffff;
	v7 =	vmax.f32 v56, $0.0e+00;
	v0 =	vtrunc.f32 v0;
	v9 =	vmax.f32 v4, $0.0e+00;
	s0 =	sadd.s32 $0x400, s0  }
0x341: {  	v20 =	vld.idx.msk [tilespmem:v61+s13+$0x0], $0xffff;
	v11 =	vcvt.f32.s32 v0;
	v0 =	vmin.f32 v5, $1.260000000e+02;
	v5 =	vmin.f32 v7, $1.260000000e+02;
	s9 =	sor.u32 $0x330, s0  }
0x342: {  	v30 =	vmul.f32 v59, v10;
	v7 =	vmin.f32 v9, $1.260000000e+02;
	v0 =	vtrunc.f32 v0;
	s6 =	sor.u32 $0x300, s0;
	v9 =	vld [tilespmem:s9+$0x180]  }
0x343: {  	v12 =	vtrunc.f32 v5;
	s11 =	sor.u32 $0x310, s0;
	v5 =	vcvt.f32.s32 v0;
	v13 =	vld [tilespmem:s6+$0x180]  }
0x344: {  	v6 =	vadd.f32 v6, v25;
	v0 =	vtrunc.f32 v7;
	s31 =	sor.u32 $0x320, s0;
	v62 =	vcvt.f32.s32 v12;
	v7 =	vld [tilespmem:s11+$0x180]  }
0x345: {  	v16 =	vcvt.s32.f32 v11;
	v61 =	vcvt.f32.s32 v0;
	v12 =	vld [tilespmem:s31+$0x180]  }
0x346: {  	p3 =	por $0x1, $0x1;
	[tilespmem:s30+$0x8180] =	vst v6;
	v6 =	vmul.f32 v2, v3;
	v0 =	vcvt.s32.f32 v5  }
.Ltmp22:
0x347: {  	v10 =	vcvt.s32.f32 v62;
	v14 =	vcvt.s32.f32 v61;
	v35 =	vld.idx.msk [tilespmem:v11+s17+$0x0], $0xffff;
	v9 =	vadd.f32 $3.000000000e+00, v9;
	(pc) =	sbr.rel @!p3 .LBB2_43-.Ltmp22, $4  }
0x348: {  	v59 =	vsub.f32 v55, v0;
	v0 =	vmul.f32 v57, v60;
	v25 =	vld.idx.msk [tilespmem:v11+s13+$0x0], $0xffff;
	v13 =	vadd.f32 $3.000000000e+00, v13  }
0x349: {  	v57 =	vsub.f32 v56, v10;
	v11 =	vadd.f32 $3.000000000e+00, v7;
	v10 =	vld.idx.msk [tilespmem:v5+s17+$0x0], $0xffff;
	v58 =	vmul.f32 $2.116666600e+01, v9  }
0x34a: {  	s12 =	simm.s32 $0x80;
	v4 =	vsub.f32 v4, v14;
	v7 =	vadd.f32 $3.000000000e+00, v12;
	v60 =	vld.idx.msk [tilespmem:v62+s17+$0x0], $0xffff;
	v55 =	vmul.f32 $2.116666600e+01, v13  }
0x34b: {  	s22 =	simm.s32 $0x400;
	p6 =	por !p0, !p0;
	p5 =	por $0x1, $0x1;
	v9 =	vsub.f32 v8, v16;
	v56 =	vmul.f32 $2.116666600e+01, v11;
	v8 =	vld.idx.msk [tilespmem:v61+s17+$0x0], $0xffff;
	v11 =	vmax.f32 v58, $0.0e+00  }
.LBB2_44:
0x34c: {  	s0 =	simm.s32 $0x1  }
0x34d: {  	s12 =	sadd.s32 $0x40, s12;
	v2 =	vmul.f32 $2.116666600e+01, v7;
	v3 =	vmin.f32 v11, $1.260000000e+02;
	v7 =	vld.idx.msk [tilespmem:v5+s13+$0x0], $0xffff;
	v5 =	vmul.f32 v9, v35;
	s0 =	simm.s32 @!p6 $0x0  }
0x34e: {  	v9 =	vmax.f32 v55, $0.0e+00;
	s22 =	sadd.s32 $0x200, s22;
	p0 =	slt.u32 s12, $0x7C0;
	v11 =	vmax.f32 v56, $0.0e+00;
	v3 =	vtrunc.f32 v3;
	s0 =	sshll.u32 s0, $0x6;
	v12 =	vld.idx.msk [tilespmem:v62+s13+$0x0], $0xffff  }
0x34f: {  	v13 =	vmax.f32 v2, $0.0e+00;
	v3 =	vcvt.f32.s32 v3;
	v5 =	vadd.f32 v5, v25;
	s0 =	sadd.s32 s0, s22;
	v14 =	vld.idx.msk [tilespmem:v61+s13+$0x0], $0xffff  }
0x350: {  	v9 =	vmin.f32 v9, $1.260000000e+02;
	v11 =	vmin.f32 v11, $1.260000000e+02;
	v13 =	vmin.f32 v13, $1.260000000e+02;
	s3 =	sor.u32 $0x300, s0;
	s14 =	sor.u32 $0x310, s0;
	s18 =	sor.u32 $0x330, s0  }
0x351: {  	v17 =	vadd.f32 v30, v63;
	v9 =	vtrunc.f32 v9;
	v11 =	vtrunc.f32 v11;
	s0 =	sor.u32 $0x320, s0;
	v16 =	vld [tilespmem:s18+$0x180];
	[tilespmem:s15+$0x8180] =	vst v5;
	s15 =	smov.u32 s9;
	s9 =	smov.u32 s18  }
0x352: {  	v0 =	vadd.f32 v0, v15;
	v5 =	vcvt.f32.s32 v9;
	v9 =	vtrunc.f32 v13;
	v25 =	vld [tilespmem:s3+$0x180]  }
0x353: {  	v6 =	vadd.f32 v6, v20;
	v62 =	vcvt.f32.s32 v11;
	v63 =	vmovc v7;
	v61 =	vcvt.f32.s32 v9;
	v13 =	vld [tilespmem:s14+$0x180];
	[tilespmem:s26+$0x8180] =	vst v17;
	s26 =	smov.u32 s1;
	s1 =	smov.u32 s6;
	s6 =	smov.u32 s3  }
0x354: {  	v30 =	vmul.f32 v59, v10;
	v9 =	vcvt.s32.f32 v5;
	v15 =	vmov v12;
	v7 =	vld [tilespmem:s0+$0x180];
	[tilespmem:s28+$0x8180] =	vst v0;
	s28 =	smov.u32 s5;
	s5 =	smov.u32 s11;
	s11 =	smov.u32 s14  }
0x355: {  	v10 =	vcvt.s32.f32 v62;
	v11 =	vcvt.s32.f32 v61;
	v20 =	vmov v14;
	v35 =	vld.idx.msk [tilespmem:v3+s17+$0x0], $0xffff;
	[tilespmem:s29+$0x8180] =	vst v6;
	s29 =	smov.u32 s2;
	s2 =	smov.u32 s31;
	s31 =	smov.u32 s0  }
.Ltmp23:
0x356: {  	v0 =	vmul.f32 v57, v60;
	v59 =	vsub.f32 v55, v9;
	v6 =	vadd.f32 $3.000000000e+00, v16;
	(pc) =	sbr.rel @p0 .LBB2_44-.Ltmp23, $4  }
0x357: {  	v12 =	vcvt.s32.f32 v3;
	v57 =	vsub.f32 v56, v10;
	v9 =	vadd.f32 $3.000000000e+00, v25;
	v25 =	vld.idx.msk [tilespmem:v3+s13+$0x0], $0xffff  }
0x358: {  	v2 =	vsub.f32 v2, v11;
	v3 =	vadd.f32 $3.000000000e+00, v13;
	v13 =	vmul.f32 $2.116666600e+01, v6;
	v10 =	vld.idx.msk [tilespmem:v5+s17+$0x0], $0xffff  }
0x359: {  	v55 =	vmul.f32 $2.116666600e+01, v9;
	v7 =	vadd.f32 $3.000000000e+00, v7;
	v60 =	vld.idx.msk [tilespmem:v62+s17+$0x0], $0xffff;
	v9 =	vsub.f32 v58, v12  }
0x35a: {  	p6 =	por !p6, !p6;
	v6 =	vmul.f32 v4, v8;
	v4 =	vmovc v2;
	v56 =	vmul.f32 $2.116666600e+01, v3;
	v11 =	vmax.f32 v13, $0.0e+00;
	v8 =	vld.idx.msk [tilespmem:v61+s17+$0x0], $0xffff;
	v58 =	vmovc v13  }
0x35b: {  	_ = 	snop  }
0x35c: {  	s22 =	smov.u32 s26;
	s14 =	smov.u32 s28;
	s23 =	smov.u32 s29  }
0x35d: {  	s12 =	smov.u32 s15;
	s30 =	smov.u32 s9;
	s0 =	smov.u32 s1  }
0x35e: {  	s26 =	smov.u32 s6;
	s6 =	smov.u32 s5;
	s28 =	smov.u32 s11  }
0x35f: {  	s9 =	smov.u32 s2;
	s29 =	smov.u32 s31;
	v2 =	vmov v4;
	p3 =	por $0x1, $0x1;
	v3 =	vmov v8  }
.LBB2_46:
0x360: {  	v4 =	vmin.f32 v11, $1.260000000e+02  }
0x361: {  	v7 =	vmul.f32 $2.116666600e+01, v7;
	v8 =	vmax.f32 v55, $0.0e+00;
	v4 =	vtrunc.f32 v4  }
0x362: {  	v11 =	vmax.f32 v56, $0.0e+00;
	v8 =	vmin.f32 v8, $1.260000000e+02;
	v4 =	vcvt.f32.s32 v4  }
0x363: {  	v11 =	vmin.f32 v11, $1.260000000e+02;
	v8 =	vtrunc.f32 v8  }
0x364: {  	v12 =	vmax.f32 v7, $0.0e+00;
	v11 =	vtrunc.f32 v11;
	v8 =	vcvt.f32.s32 v8  }
0x365: {  	v9 =	vmul.f32 @p4 v9, v35;
	v5 =	vld.idx.msk @p4 [tilespmem:v5+s13+$0x0], $0xffff;
	v12 =	vmin.f32 v12, $1.260000000e+02;
	v11 =	vcvt.f32.s32 v11  }
0x366: {  	v13 =	vld.idx.msk @p4 [tilespmem:v62+s13+$0x0], $0xffff;
	v0 =	vadd.f32 @p5 v0, v15;
	v12 =	vtrunc.f32 v12  }
0x367: {  	v14 =	vld.idx.msk @p4 [tilespmem:v61+s13+$0x0], $0xffff;
	v9 =	vadd.f32 @p4 v9, v25;
	v12 =	vcvt.f32.s32 v12  }
0x368: {  	v16 =	vadd.f32 @p5 v30, v63;
	[tilespmem:s14+$0x8180] =	vst @p5 v0;
	v0 =	vcvt.s32.f32 v11;
	v17 =	vld.idx.msk [tilespmem:v4+s17+$0x0], $0xffff  }
0x369: {  	v6 =	vadd.f32 @p5 v6, v20;
	[tilespmem:s12+$0x8180] =	vst @p4 v9;
	v9 =	vcvt.s32.f32 v4;
	v4 =	vld.idx.msk [tilespmem:v4+s13+$0x0], $0xffff  }
0x36a: {  	[tilespmem:s22+$0x8180] =	vst @p5 v16;
	v0 =	vsub.f32 v56, v0;
	v16 =	vld.idx.msk [tilespmem:v8+s17+$0x0], $0xffff  }
0x36b: {  	v10 =	vmul.f32 @p4 v59, v10;
	v2 =	vmul.f32 @p4 v2, v3;
	v63 =	vld.idx.msk [tilespmem:v11+s17+$0x0], $0xffff  }
0x36c: {  	v61 =	vcvt.s32.f32 v8;
	v9 =	vsub.f32 v58, v9;
	v3 =	vpsel p4, v5, v0;
	v5 =	vld.idx.msk [tilespmem:v8+s13+$0x0], $0xffff  }
0x36d: {  	[tilespmem:s23+$0x8180] =	vst @p5 v6;
	v25 =	vmul.f32 @p4 v57, v60;
	v6 =	vmov @p4 v14;
	v20 =	vcvt.s32.f32 v12;
	v30 =	vld.idx.msk [tilespmem:v12+s17+$0x0], $0xffff  }
0x36e: {  	v62 =	vsub.f32 v55, v61;
	v8 =	vpsel p4, v10, v0;
	v11 =	vld.idx.msk [tilespmem:v11+s13+$0x0], $0xffff;
	v9 =	vmul.f32 v9, v17  }
0x36f: {  	v7 =	vsub.f32 v7, v20;
	v10 =	vpsel p4, v13, v0;
	v3 =	vadd.f32 @p4 v8, v3;
	v12 =	vld.idx.msk [tilespmem:v12+s13+$0x0], $0xffff  }
0x370: {  	s0 =	smov.u32 @p4 s0;
	v6 =	vpsel p4, v6, v0;
	v2 =	vpsel p4, v2, v0;
	v4 =	vadd.f32 v9, v4  }
0x371: {  	s2 =	smov.u32 @p4 s9;
	v2 =	vadd.f32 @p4 v2, v6;
	[tilespmem:s0+$0x8180] =	vst @p4 v3;
	v9 =	vpsel p4, v25, v0;
	v0 =	vmul.f32 v0, v63  }
0x372: {  	s1 =	smov.u32 @p4 s6;
	s0 =	smov.u32 @p4 s2;
	v3 =	vmul.f32 v7, v30;
	[tilespmem:s30+$0x8180] =	vst v4;
	v4 =	vadd.f32 @p4 v9, v10  }
0x373: {  	s1 =	smov.u32 @p4 s1;
	[tilespmem:s0+$0x8180] =	vst @p4 v2;
	v8 =	vmul.f32 v62, v16;
	v0 =	vadd.f32 v0, v11  }
0x374: {  	v2 =	vadd.f32 v3, v12;
	[tilespmem:s1+$0x8180] =	vst @p4 v4  }
0x375: {  	v4 =	vadd.f32 v8, v5;
	[tilespmem:s28+$0x8180] =	vst v0  }
0x376: {  	[tilespmem:s29+$0x8180] =	vst v2  }
0x377: {  	s2 =	sor.u32 $0x3B0, s25;
	[tilespmem:s26+$0x8180] =	vst v4  }
0x378: {  	s26 =	sor.u32 $0x380, s25;
	v0 =	vld [tilespmem:s2+$0x180]  }
0x379: {  	s28 =	sor.u32 $0x390, s25;
	v2 =	vld [tilespmem:s26+$0x180]  }
0x37a: {  	s25 =	sor.u32 $0x3A0, s25;
	v3 =	vld [tilespmem:s28+$0x180]  }
0x37b: {  	v4 =	vld [tilespmem:s25+$0x180];
	_ =	sdelay $0x1  }
.Ltmp24:
0x37c: {  	v0 =	vadd.f32 $3.000000000e+00, v0;
	(pc) =	sbr.rel @!p3 .LBB2_47-.Ltmp24, $4  }
0x37d: {  	_ = 	snop  }
0x37e: {  	v2 =	vadd.f32 $3.000000000e+00, v2;
	v3 =	vadd.f32 $3.000000000e+00, v3;
	v58 =	vmul.f32 $2.116666600e+01, v0  }
0x37f: {  	v7 =	vadd.f32 $3.000000000e+00, v4  }
0x380: {  	v55 =	vmul.f32 $2.116666600e+01, v2;
	v56 =	vmul.f32 $2.116666600e+01, v3;
	v11 =	vmax.f32 v58, $0.0e+00  }
0x381: {  	s0 =	simm.s32 $0x1  }
0x382: {  	s0 =	simm.s32 @!p2 $0x0  }
0x383: {  	v0 =	vmin.f32 v11, $1.260000000e+02;
	s0 =	sshll.u32 s0, $0x6  }
0x384: {  	v2 =	vmul.f32 $2.116666600e+01, v7;
	v3 =	vmax.f32 v55, $0.0e+00;
	v0 =	vtrunc.f32 v0;
	s0 =	sadd.s32 $0x200, s0  }
0x385: {  	v4 =	vmax.f32 v56, $0.0e+00;
	v0 =	vcvt.f32.s32 v0;
	v3 =	vmin.f32 v3, $1.260000000e+02;
	s15 =	sor.u32 $0x3B0, s0  }
0x386: {  	v5 =	vmax.f32 v2, $0.0e+00;
	v4 =	vmin.f32 v4, $1.260000000e+02;
	v3 =	vtrunc.f32 v3;
	s1 =	sor.u32 $0x380, s0;
	v6 =	vld [tilespmem:s15+$0x180]  }
0x387: {  	v5 =	vmin.f32 v5, $1.260000000e+02;
	v4 =	vtrunc.f32 v4;
	s5 =	sor.u32 $0x390, s0;
	v10 =	vcvt.f32.s32 v3;
	v7 =	vld [tilespmem:s1+$0x180]  }
0x388: {  	v3 =	vtrunc.f32 v5;
	v62 =	vcvt.f32.s32 v4;
	v5 =	vld [tilespmem:s5+$0x180]  }
0x389: {  	s29 =	sor.u32 $0x3A0, s0;
	v61 =	vcvt.f32.s32 v3;
	v4 =	vcvt.s32.f32 v10  }
0x38a: {  	p3 =	por $0x1, $0x1;
	v3 =	vld [tilespmem:s29+$0x180]  }
.Ltmp25:
0x38b: {  	v8 =	vcvt.s32.f32 v62;
	v35 =	vld.idx.msk [tilespmem:v0+s17+$0x0], $0xffff;
	v59 =	vsub.f32 v55, v4;
	v6 =	vadd.f32 $3.000000000e+00, v6;
	(pc) =	sbr.rel @!p3 .LBB2_49-.Ltmp25, $4  }
0x38c: {  	v4 =	vcvt.s32.f32 v61;
	v25 =	vld.idx.msk [tilespmem:v0+s13+$0x0], $0xffff;
	v0 =	vcvt.s32.f32 v0;
	v7 =	vadd.f32 $3.000000000e+00, v7  }
0x38d: {  	v57 =	vsub.f32 v56, v8;
	v5 =	vadd.f32 $3.000000000e+00, v5;
	v63 =	vld.idx.msk [tilespmem:v10+s17+$0x0], $0xffff;
	v8 =	vmul.f32 $2.116666600e+01, v6  }
0x38e: {  	v2 =	vsub.f32 v2, v4;
	v60 =	vld.idx.msk [tilespmem:v62+s17+$0x0], $0xffff;
	v9 =	vsub.f32 v58, v0;
	v55 =	vmul.f32 $2.116666600e+01, v7  }
0x38f: {  	p0 =	por !p2, !p2;
	p2 =	por $0x1, $0x1;
	v7 =	vadd.f32 $3.000000000e+00, v3;
	v56 =	vmul.f32 $2.116666600e+01, v5;
	v3 =	vld.idx.msk [tilespmem:v61+s17+$0x0], $0xffff;
	v11 =	vmax.f32 v8, $0.0e+00  }
0x390: {  	_ =	sdelay $0x1  }
0x391: {  	s0 =	simm.s32 $0x1  }
0x392: {  	v0 =	vmin.f32 v11, $1.260000000e+02;
	v6 =	vmul.f32 v9, v35;
	s0 =	simm.s32 @!p0 $0x0  }
0x393: {  	v5 =	vld.idx.msk [tilespmem:v10+s13+$0x0], $0xffff;
	v4 =	vmul.f32 $2.116666600e+01, v7;
	v0 =	vtrunc.f32 v0;
	s0 =	sshll.u32 s0, $0x6  }
0x394: {  	v15 =	vld.idx.msk [tilespmem:v62+s13+$0x0], $0xffff;
	v7 =	vmax.f32 v55, $0.0e+00;
	v9 =	vmax.f32 v56, $0.0e+00;
	v11 =	vcvt.f32.s32 v0;
	s0 =	sadd.s32 $0x400, s0  }
0x395: {  	v20 =	vld.idx.msk [tilespmem:v61+s13+$0x0], $0xffff;
	v0 =	vmin.f32 v7, $1.260000000e+02;
	v7 =	vmin.f32 v9, $1.260000000e+02;
	v10 =	vmax.f32 v4, $0.0e+00;
	s9 =	sor.u32 $0x3B0, s0  }
0x396: {  	v0 =	vtrunc.f32 v0;
	v7 =	vtrunc.f32 v7;
	s6 =	sor.u32 $0x380, s0;
	v9 =	vmin.f32 v10, $1.260000000e+02;
	v12 =	vld [tilespmem:s9+$0x180]  }
0x397: {  	s11 =	sor.u32 $0x390, s0;
	v10 =	vcvt.f32.s32 v0;
	v13 =	vld [tilespmem:s6+$0x180];
	v0 =	vtrunc.f32 v9  }
0x398: {  	s30 =	sor.u32 $0x3A0, s0;
	v62 =	vcvt.f32.s32 v7;
	v9 =	vld [tilespmem:s11+$0x180];
	v61 =	vcvt.f32.s32 v0  }
0x399: {  	v30 =	vmul.f32 v59, v63;
	v7 =	vld [tilespmem:s30+$0x180];
	v0 =	vcvt.s32.f32 v10  }
0x39a: {  	p4 =	por $0x1, $0x1;
	v6 =	vadd.f32 v6, v25;
	v14 =	vcvt.s32.f32 v62;
	v16 =	vcvt.s32.f32 v61  }
.Ltmp26:
0x39b: {  	v59 =	vsub.f32 v55, v0;
	v35 =	vld.idx.msk [tilespmem:v11+s17+$0x0], $0xffff;
	v0 =	vmul.f32 v57, v60;
	v12 =	vadd.f32 $3.000000000e+00, v12;
	(pc) =	sbr.rel @!p4 .LBB2_51-.Ltmp26, $4  }
0x39c: {  	v57 =	vsub.f32 v56, v14;
	v14 =	vcvt.s32.f32 v11;
	v25 =	vld.idx.msk [tilespmem:v11+s13+$0x0], $0xffff;
	v13 =	vadd.f32 $3.000000000e+00, v13  }
0x39d: {  	v11 =	vadd.f32 $3.000000000e+00, v9;
	v63 =	vld.idx.msk [tilespmem:v10+s17+$0x0], $0xffff;
	v4 =	vsub.f32 v4, v16;
	v58 =	vmul.f32 $2.116666600e+01, v12  }
0x39e: {  	s12 =	simm.s32 $0x80;
	[tilespmem:s2+$0x8180] =	vst v6;
	v6 =	vmul.f32 v2, v3;
	v7 =	vadd.f32 $3.000000000e+00, v7;
	v60 =	vld.idx.msk [tilespmem:v62+s17+$0x0], $0xffff;
	v9 =	vsub.f32 v8, v14  }
0x39f: {  	s22 =	simm.s32 $0x400;
	p3 =	por !p0, !p0;
	p1 =	por $0x1, $0x1;
	v55 =	vmul.f32 $2.116666600e+01, v13;
	v56 =	vmul.f32 $2.116666600e+01, v11;
	v8 =	vld.idx.msk [tilespmem:v61+s17+$0x0], $0xffff;
	v11 =	vmax.f32 v58, $0.0e+00  }
.LBB2_52:
0x3a0: {  	s0 =	simm.s32 $0x1  }
0x3a1: {  	s12 =	sadd.s32 $0x40, s12;
	v2 =	vmul.f32 $2.116666600e+01, v7;
	v3 =	vmin.f32 v11, $1.260000000e+02;
	v7 =	vld.idx.msk [tilespmem:v10+s13+$0x0], $0xffff;
	v9 =	vmul.f32 v9, v35;
	s0 =	simm.s32 @!p3 $0x0  }
0x3a2: {  	v10 =	vmax.f32 v55, $0.0e+00;
	s22 =	sadd.s32 $0x200, s22;
	p0 =	slt.u32 s12, $0x7C0;
	v11 =	vmax.f32 v56, $0.0e+00;
	v3 =	vtrunc.f32 v3;
	s0 =	sshll.u32 s0, $0x6;
	v12 =	vld.idx.msk [tilespmem:v62+s13+$0x0], $0xffff  }
0x3a3: {  	v13 =	vmax.f32 v2, $0.0e+00;
	v3 =	vcvt.f32.s32 v3;
	v9 =	vadd.f32 v9, v25;
	s0 =	sadd.s32 s0, s22;
	v14 =	vld.idx.msk [tilespmem:v61+s13+$0x0], $0xffff  }
0x3a4: {  	v10 =	vmin.f32 v10, $1.260000000e+02;
	v11 =	vmin.f32 v11, $1.260000000e+02;
	v13 =	vmin.f32 v13, $1.260000000e+02;
	s2 =	sor.u32 $0x380, s0;
	s3 =	sor.u32 $0x390, s0;
	s14 =	sor.u32 $0x3B0, s0  }
0x3a5: {  	v10 =	vtrunc.f32 v10;
	v25 =	vadd.f32 v30, v5;
	v11 =	vtrunc.f32 v11;
	s0 =	sor.u32 $0x3A0, s0;
	v16 =	vld [tilespmem:s14+$0x180];
	[tilespmem:s15+$0x8180] =	vst v9;
	s15 =	smov.u32 s9;
	s9 =	smov.u32 s14  }
0x3a6: {  	v0 =	vadd.f32 v0, v15;
	v10 =	vcvt.f32.s32 v10;
	v13 =	vtrunc.f32 v13;
	v9 =	vld [tilespmem:s2+$0x180]  }
0x3a7: {  	v6 =	vadd.f32 v6, v20;
	v62 =	vcvt.f32.s32 v11;
	v61 =	vcvt.f32.s32 v13;
	v5 =	vmovc v7;
	v17 =	vld [tilespmem:s3+$0x180];
	[tilespmem:s26+$0x8180] =	vst v25;
	s26 =	smov.u32 s1;
	s1 =	smov.u32 s6;
	s6 =	smov.u32 s2  }
0x3a8: {  	v30 =	vmul.f32 v59, v63;
	v11 =	vcvt.s32.f32 v10;
	v15 =	vmov v12;
	v7 =	vld [tilespmem:s0+$0x180];
	[tilespmem:s28+$0x8180] =	vst v0;
	s28 =	smov.u32 s5;
	s5 =	smov.u32 s11;
	s11 =	smov.u32 s3  }
0x3a9: {  	v12 =	vcvt.s32.f32 v62;
	v13 =	vcvt.s32.f32 v61;
	v20 =	vmov v14;
	v35 =	vld.idx.msk [tilespmem:v3+s17+$0x0], $0xffff;
	[tilespmem:s25+$0x8180] =	vst v6;
	s25 =	smov.u32 s29;
	s29 =	smov.u32 s30;
	s30 =	smov.u32 s0  }
.Ltmp27:
0x3aa: {  	v59 =	vsub.f32 v55, v11;
	v0 =	vmul.f32 v57, v60;
	v6 =	vadd.f32 $3.000000000e+00, v16;
	(pc) =	sbr.rel @p0 .LBB2_52-.Ltmp27, $4  }
0x3ab: {  	v11 =	vcvt.s32.f32 v3;
	v57 =	vsub.f32 v56, v12;
	v9 =	vadd.f32 $3.000000000e+00, v9;
	v25 =	vld.idx.msk [tilespmem:v3+s13+$0x0], $0xffff  }
0x3ac: {  	v2 =	vsub.f32 v2, v13;
	v3 =	vadd.f32 $3.000000000e+00, v17;
	v12 =	vmul.f32 $2.116666600e+01, v6;
	v63 =	vld.idx.msk [tilespmem:v10+s17+$0x0], $0xffff  }
0x3ad: {  	v55 =	vmul.f32 $2.116666600e+01, v9;
	v7 =	vadd.f32 $3.000000000e+00, v7;
	v60 =	vld.idx.msk [tilespmem:v62+s17+$0x0], $0xffff;
	v9 =	vsub.f32 v58, v11  }
0x3ae: {  	p3 =	por !p3, !p3;
	v6 =	vmul.f32 v4, v8;
	v4 =	vmovc v2;
	v56 =	vmul.f32 $2.116666600e+01, v3;
	v11 =	vmax.f32 v12, $0.0e+00;
	v8 =	vld.idx.msk [tilespmem:v61+s17+$0x0], $0xffff;
	v58 =	vmovc v12  }
0x3af: {  	_ = 	snop  }
0x3b0: {  	s14 =	smov.u32 s26;
	s3 =	smov.u32 s28  }
0x3b1: {  	s18 =	smov.u32 s25;
	s12 =	smov.u32 s15;
	s2 =	smov.u32 s9  }
0x3b2: {  	s0 =	smov.u32 s1;
	s26 =	smov.u32 s6;
	s6 =	smov.u32 s5  }
0x3b3: {  	s28 =	smov.u32 s11;
	s9 =	smov.u32 s29;
	s25 =	smov.u32 s30;
	v2 =	vmov v4;
	v3 =	vmov v8  }
.LBB2_54:
0x3b4: {  	v4 =	vmin.f32 v11, $1.260000000e+02;
	v8 =	vmax.f32 v55, $0.0e+00  }
0x3b5: {  	v7 =	vmul.f32 $2.116666600e+01, v7;
	v4 =	vtrunc.f32 v4;
	v8 =	vmin.f32 v8, $1.260000000e+02  }
0x3b6: {  	v4 =	vcvt.f32.s32 v4;
	v8 =	vtrunc.f32 v8  }
0x3b7: {  	v9 =	vmul.f32 @p2 v9, v35;
	v35 =	vmax.f32 v56, $0.0e+00;
	v8 =	vcvt.f32.s32 v8  }
0x3b8: {  	v11 =	vmin.f32 v35, $1.260000000e+02;
	v12 =	vmax.f32 v7, $0.0e+00  }
0x3b9: {  	v10 =	vld.idx.msk @p2 [tilespmem:v10+s13+$0x0], $0xffff;
	v11 =	vtrunc.f32 v11;
	v12 =	vmin.f32 v12, $1.260000000e+02  }
0x3ba: {  	v13 =	vld.idx.msk @p2 [tilespmem:v62+s13+$0x0], $0xffff;
	v11 =	vcvt.f32.s32 v11;
	v12 =	vtrunc.f32 v12  }
0x3bb: {  	v14 =	vld.idx.msk @p2 [tilespmem:v61+s13+$0x0], $0xffff;
	v0 =	vadd.f32 @p1 v0, v15;
	v12 =	vcvt.f32.s32 v12  }
0x3bc: {  	v5 =	vadd.f32 @p1 v30, v5;
	v15 =	vmul.f32 @p2 v59, v63;
	v16 =	vld.idx.msk [tilespmem:v4+s17+$0x0], $0xffff  }
0x3bd: {  	v9 =	vadd.f32 @p2 v9, v25;
	[tilespmem:s3+$0x8180] =	vst @p1 v0;
	v62 =	vcvt.s32.f32 v4;
	v0 =	vcvt.s32.f32 v11;
	v17 =	vld.idx.msk [tilespmem:v8+s17+$0x0], $0xffff  }
0x3be: {  	v2 =	vmul.f32 @p2 v2, v3;
	[tilespmem:s14+$0x8180] =	vst @p1 v5;
	v5 =	vadd.f32 @p1 v6, v20;
	v35 =	vcvt.s32.f32 v8;
	v4 =	vld.idx.msk [tilespmem:v4+s13+$0x0], $0xffff  }
0x3bf: {  	[tilespmem:s12+$0x8180] =	vst @p2 v9;
	v9 =	vsub.f32 v58, v62;
	v0 =	vsub.f32 v56, v0;
	v61 =	vld.idx.msk [tilespmem:v8+s13+$0x0], $0xffff  }
0x3c0: {  	v25 =	vmul.f32 @p2 v57, v60;
	v6 =	vmovc @p2 v10;
	v20 =	vcvt.s32.f32 v12;
	v10 =	vsub.f32 v55, v35;
	v59 =	vld.idx.msk [tilespmem:v11+s17+$0x0], $0xffff  }
0x3c1: {  	v3 =	vpsel p2, v6, v0;
	v8 =	vpsel p2, v15, v0;
	v30 =	vld.idx.msk [tilespmem:v12+s17+$0x0], $0xffff;
	v9 =	vmul.f32 v9, v16  }
0x3c2: {  	[tilespmem:s18+$0x8180] =	vst @p1 v5;
	v5 =	vmov @p2 v14;
	v11 =	vld.idx.msk [tilespmem:v11+s13+$0x0], $0xffff;
	v3 =	vadd.f32 @p2 v8, v3;
	v62 =	vmul.f32 v10, v17  }
0x3c3: {  	s0 =	smov.u32 @p2 s0;
	v7 =	vsub.f32 v7, v20;
	v13 =	vpsel p2, v13, v0;
	v12 =	vld.idx.msk [tilespmem:v12+s13+$0x0], $0xffff;
	v4 =	vadd.f32 v9, v4  }
0x3c4: {  	v5 =	vpsel p2, v5, v0;
	[tilespmem:s0+$0x8180] =	vst @p2 v3;
	v9 =	vpsel p2, v25, v0;
	v63 =	vadd.f32 v62, v61  }
0x3c5: {  	s1 =	smov.u32 @p2 s6;
	v2 =	vpsel p2, v2, v0;
	v0 =	vmul.f32 v0, v59;
	[tilespmem:s2+$0x8180] =	vst v4;
	v4 =	vadd.f32 @p2 v9, v13  }
0x3c6: {  	p0 =	sne.s32 s24, $0x7;
	s1 =	smov.u32 @p2 s1;
	v2 =	vadd.f32 @p2 v2, v5;
	v3 =	vmul.f32 v7, v30;
	s2 =	smov.u32 @p2 s9;
	[tilespmem:s26+$0x8180] =	vst v63  }
.Ltmp28:
0x3c7: {  	v0 =	vadd.f32 v0, v11;
	s0 =	smov.u32 @p2 s2;
	[tilespmem:s1+$0x8180] =	vst @p2 v4;
	(pc) =	sbr.rel @p0 .LBB2_56-.Ltmp28, $4  }
0x3c8: {  	s30 =	sor.u32 s10, s24;
	[tilespmem:s0+$0x8180] =	vst @p2 v2;
	v2 =	vadd.f32 v3, v12  }
0x3c9: {  	s26 =	sshll.u32 s30, $0xC;
	[tilespmem:s28+$0x8180] =	vst v0  }
0x3ca: {  	s31 =	simm.s32 $0x8180;
	s0 =	sadd.s32 s21, s26;
	[tilespmem:s25+$0x8180] =	vst v2;
	s25 =	sadd.s32 $0x1, s24  }
0x3cb: {  	[hbm4b:s0+s4] =	stream.linear.scatter [tilespmem:s31], [sflag:$0x3], $0x4000, $0x38;
	[tilespmem:$0x10180] =	vst v63  }
.Ltmp29:
0x3cc: {  	(pc) =	sbr.rel .LBB2_57-.Ltmp29, $4  }
0x3cd: {  	_ = 	snop  }
0x3ce: {  	_ =	swait.ge [sflag:s19], $0x4000  }
0x3cf: {  	[sflag:s19] =	ssyncset.done $0x0  }
0x3d0: {  	[sflag:s19] =	ssyncadd.s32 $0xFFFFC000  }
.LBB2_56:
0x3d1: {  	s0 =	sadd.s32 s10, s25  }
0x3d2: {  	s1 =	rddreg [dreg:$0x0];
	s0 =	sshll.u32 s0, $0xC  }
0x3d3: {  	s30 =	simm.s32 $0x180;
	s0 =	sadd.s32 s1, s0  }
0x3d4: {  	[tilespmem:s30], [sflag:$0x1] =	stream.linear.gather [hbm4b:s0+s4], $0x4000, $0x38;
	[tilespmem:$0x10180] =	vst v63  }
0x3d5: {  	_ =	swait.ge [sflag:s19], $0x4000  }
0x3d6: {  	s31 =	sld [smem:$0x7FD];
	_ =	sdelay $0x2  }
0x3d7: {  	p0 =	seq.s32 s31, $0x1  }
.Ltmp30:
0x3d8: {  	_ = 	snop;
	(pc) =	sbr.rel @p0 .LBB2_58-.Ltmp30, $3  }
0x3d9: {  	_ =	sdelay $0x1  }
0x3da: {  	[sflag:s19] =	ssyncset.done $0x0  }
0x3db: {  	[sflag:s19] =	ssyncadd.s32 $0xFFFFC000  }
.LBB2_57:
0x3dc: {  	_ =	swait.ge [sflag:s20], $0x4000  }
0x3dd: {  	[sflag:s20] =	ssyncset.done $0x0  }
0x3de: {  	[sflag:s20] =	ssyncadd.s32 $0xFFFFC000  }
.LBB2_58:
0x3df: {  	s0 =	simm.s32 $0x0;
	s1 =	simm.s32 $0x0  }
0x3e0: {  	s1 =	sand.u32 $0x40, s1;
	s0 =	sand.u32 $0x3C00, s0  }
0x3e1: {  	s29 =	sor.u32 s1, s0  }
0x3e2: {  	v0 =	vld [tilespmem:s29+$0x41B0]  }
0x3e3: {  	v2 =	vld [tilespmem:s29+$0x4180];
	_ =	sdelay $0x2  }
0x3e4: {  	s22 =	simm.s32 $0x40;
	s23 =	simm.s32 $0x200;
	v3 =	vld [tilespmem:s29+$0x4190]  }
0x3e5: {  	s0 =	sand.u32 $0x40, s22;
	s1 =	sand.u32 $0x3C00, s23;
	v4 =	vld [tilespmem:s29+$0x41A0];
	v0 =	vadd.f32 $3.000000000e+00, v0  }
0x3e6: {  	s28 =	sor.u32 s0, s1;
	v2 =	vadd.f32 $3.000000000e+00, v2  }
0x3e7: {  	v7 =	vld [tilespmem:s28+$0x41B0];
	v0 =	vmul.f32 $2.116666600e+01, v0  }
0x3e8: {  	v9 =	vld [tilespmem:s28+$0x4180];
	v2 =	vmul.f32 $2.116666600e+01, v2  }
0x3e9: {  	v3 =	vadd.f32 $3.000000000e+00, v3;
	v5 =	vmax.f32 v0, $0.0e+00  }
0x3ea: {  	v12 =	vld [tilespmem:s28+$0x41A0];
	v4 =	vadd.f32 $3.000000000e+00, v4;
	v6 =	vmax.f32 v2, $0.0e+00;
	v5 =	vmin.f32 v5, $1.260000000e+02  }
0x3eb: {  	v3 =	vmul.f32 $2.116666600e+01, v3;
	v6 =	vmin.f32 v6, $1.260000000e+02;
	v5 =	vtrunc.f32 v5  }
0x3ec: {  	v7 =	vadd.f32 $3.000000000e+00, v7;
	v6 =	vtrunc.f32 v6;
	v5 =	vcvt.f32.s32 v5  }
0x3ed: {  	v9 =	vadd.f32 $3.000000000e+00, v9;
	v8 =	vmax.f32 v3, $0.0e+00;
	v6 =	vcvt.f32.s32 v6  }
0x3ee: {  	s2 =	simm.s32 $0x80;
	s5 =	simm.s32 $0x400;
	v11 =	vld [tilespmem:s28+$0x4190];
	v4 =	vmul.f32 $2.116666600e+01, v4;
	v56 =	vmul.f32 $2.116666600e+01, v7;
	v8 =	vmin.f32 v8, $1.260000000e+02  }
0x3ef: {  	s30 =	sand.u32 $0x40, s2;
	s31 =	sand.u32 $0x3C00, s5;
	v7 =	vadd.f32 $3.000000000e+00, v12;
	v8 =	vtrunc.f32 v8;
	v13 =	vcvt.s32.f32 v6  }
0x3f0: {  	s1 =	sor.u32 s30, s31;
	v25 =	vmul.f32 $2.116666600e+01, v9;
	v10 =	vmax.f32 v4, $0.0e+00;
	v8 =	vcvt.f32.s32 v8  }
0x3f1: {  	v10 =	vmin.f32 v10, $1.260000000e+02;
	v2 =	vsub.f32 v2, v13;
	v13 =	vld [tilespmem:s1+$0x4180]  }
0x3f2: {  	v57 =	vmul.f32 $2.116666600e+01, v7;
	v9 =	vmax.f32 v25, $0.0e+00;
	v15 =	vcvt.s32.f32 v8;
	v14 =	vld.idx.msk [tilespmem:v5+s17+$0x0], $0xffff  }
0x3f3: {  	v10 =	vtrunc.f32 v10;
	v16 =	vcvt.s32.f32 v5;
	v17 =	vld.idx.msk [tilespmem:v5+s13+$0x0], $0xffff;
	v5 =	vadd.f32 $3.000000000e+00, v11  }
0x3f4: {  	v9 =	vmin.f32 v9, $1.260000000e+02;
	v10 =	vcvt.f32.s32 v10;
	v3 =	vsub.f32 v3, v15;
	v15 =	vld [tilespmem:s1+$0x4190]  }
0x3f5: {  	v9 =	vtrunc.f32 v9;
	v20 =	vld.idx.msk [tilespmem:v6+s17+$0x0], $0xffff;
	v35 =	vmul.f32 $2.116666600e+01, v5;
	v5 =	vmax.f32 v56, $0.0e+00  }
0x3f6: {  	v61 =	vcvt.f32.s32 v9;
	v0 =	vsub.f32 v0, v16;
	v16 =	vld.idx.msk [tilespmem:v8+s17+$0x0], $0xffff;
	v5 =	vmin.f32 v5, $1.260000000e+02  }
0x3f7: {  	v12 =	vcvt.s32.f32 v10;
	v11 =	vtrunc.f32 v5;
	v5 =	vld.idx.msk [tilespmem:v8+s13+$0x0], $0xffff  }
0x3f8: {  	v7 =	vmul.f32 v0, v14;
	v0 =	vld.idx.msk [tilespmem:v6+s13+$0x0], $0xffff;
	v14 =	vmax.f32 v57, $0.0e+00;
	v8 =	vcvt.f32.s32 v11  }
0x3f9: {  	v6 =	vmax.f32 v35, $0.0e+00;
	v11 =	vmin.f32 v14, $1.260000000e+02;
	v14 =	vld [tilespmem:s1+$0x41B0]  }
0x3fa: {  	v55 =	vcvt.s32.f32 v61;
	v4 =	vsub.f32 v4, v12;
	v12 =	vld [tilespmem:s1+$0x41A0];
	v6 =	vmin.f32 v6, $1.260000000e+02  }
0x3fb: {  	v13 =	vadd.f32 $3.000000000e+00, v13;
	v30 =	vmul.f32 v2, v20;
	v6 =	vtrunc.f32 v6  }
0x3fc: {  	v59 =	vld.idx.msk [tilespmem:v10+s17+$0x0], $0xffff;
	v15 =	vadd.f32 $3.000000000e+00, v15;
	v9 =	vtrunc.f32 v11;
	v11 =	vcvt.f32.s32 v6  }
0x3fd: {  	v17 =	vadd.f32 v7, v17;
	v7 =	vsub.f32 v25, v55;
	v9 =	vcvt.f32.s32 v9;
	v6 =	vld.idx.msk [tilespmem:v10+s13+$0x0], $0xffff  }
0x3fe: {  	v55 =	vmul.f32 v3, v16;
	v16 =	vcvt.s32.f32 v8;
	v62 =	vld.idx.msk [tilespmem:v8+s17+$0x0], $0xffff;
	v14 =	vadd.f32 $3.000000000e+00, v14  }
0x3ff: {  	v12 =	vadd.f32 $3.000000000e+00, v12;
	v2 =	vcvt.s32.f32 v11;
	v10 =	vcvt.s32.f32 v9;
	v58 =	vld.idx.msk [tilespmem:v8+s13+$0x0], $0xffff  }
0x400: {  	v8 =	vmul.f32 $2.116666600e+01, v13;
	v13 =	vsub.f32 v56, v16;
	v56 =	vld.idx.msk [tilespmem:v61+s13+$0x0], $0xffff;
	v25 =	vmul.f32 $2.116666600e+01, v14  }
0x401: {  	v2 =	vsub.f32 v35, v2;
	v35 =	vld.idx.msk [tilespmem:v61+s17+$0x0], $0xffff;
	v3 =	vsub.f32 v57, v10  }
0x402: {  	v10 =	vmul.f32 $2.116666600e+01, v15;
	v57 =	vmul.f32 v4, v59;
	v20 =	vld.idx.msk [tilespmem:v11+s17+$0x0], $0xffff;
	v14 =	vmax.f32 v25, $0.0e+00  }
0x403: {  	s9 =	smov.u32 s29;
	s6 =	smov.u32 s28;
	[tilespmem:s29+$0xC1B0] =	vst v17;
	v15 =	vmul.f32 $2.116666600e+01, v12;
	v4 =	vld.idx.msk [tilespmem:v9+s17+$0x0], $0xffff;
	v60 =	vmin.f32 v14, $1.260000000e+02;
	v59 =	vmul.f32 v13, v62  }
.LBB2_59:
0x404: {  	s2 =	sadd.s32 $0x40, s2;
	v12 =	vmax.f32 v8, $0.0e+00;
	v13 =	vmax.f32 v10, $0.0e+00;
	v14 =	vtrunc.f32 v60;
	s5 =	sadd.s32 $0x200, s5;
	v16 =	vld.idx.msk [tilespmem:v11+s13+$0x0], $0xffff  }
0x405: {  	s0 =	sand.u32 $0x40, s2;
	s3 =	sand.u32 $0x3C00, s5;
	p0 =	slt.u32 s2, $0x7C0;
	v11 =	vmax.f32 v15, $0.0e+00;
	v14 =	vcvt.f32.s32 v14;
	v17 =	vld.idx.msk [tilespmem:v9+s13+$0x0], $0xffff;
	v9 =	vadd.f32 v59, v58  }
0x406: {  	v12 =	vmin.f32 v12, $1.260000000e+02;
	v13 =	vmin.f32 v13, $1.260000000e+02;
	s0 =	sor.u32 s0, s3;
	v11 =	vmin.f32 v11, $1.260000000e+02  }
0x407: {  	v30 =	vadd.f32 v30, v0;
	v12 =	vtrunc.f32 v12;
	v13 =	vtrunc.f32 v13;
	v58 =	vld [tilespmem:s0+$0x41B0];
	[tilespmem:s6+$0xC1B0] =	vst v9  }
0x408: {  	v61 =	vadd.f32 v55, v5;
	v12 =	vcvt.f32.s32 v12;
	v9 =	vtrunc.f32 v11;
	v59 =	vld [tilespmem:s0+$0x4180]  }
0x409: {  	v57 =	vadd.f32 v57, v6;
	v11 =	vcvt.f32.s32 v13;
	v9 =	vcvt.f32.s32 v9;
	v0 =	vmovc v56;
	v60 =	vld [tilespmem:s0+$0x4190];
	[tilespmem:s9+$0xC180] =	vst v30  }
0x40a: {  	v55 =	vcvt.s32.f32 v12;
	v30 =	vmul.f32 v7, v35;
	v5 =	vmov v16;
	v13 =	vld [tilespmem:s0+$0x41A0];
	[tilespmem:s9+$0xC190] =	vst v61  }
0x40b: {  	v16 =	vcvt.s32.f32 v11;
	v56 =	vcvt.s32.f32 v9;
	v6 =	vmov v17;
	v61 =	vld.idx.msk [tilespmem:v14+s17+$0x0], $0xffff;
	[tilespmem:s9+$0xC1A0] =	vst v57;
	s9 =	smov.u32 s6;
	s6 =	smov.u32 s1;
	s1 =	smov.u32 s0  }
0x40c: {  	v7 =	vsub.f32 v8, v55;
	v55 =	vmul.f32 v2, v20;
	v17 =	vadd.f32 $3.000000000e+00, v58  }
.Ltmp31:
0x40d: {  	v2 =	vsub.f32 v10, v16;
	v10 =	vcvt.s32.f32 v14;
	v8 =	vadd.f32 $3.000000000e+00, v59;
	v58 =	vld.idx.msk [tilespmem:v14+s13+$0x0], $0xffff;
	(pc) =	sbr.rel @p0 .LBB2_59-.Ltmp31, $4  }
0x40e: {  	v15 =	vsub.f32 v15, v56;
	v14 =	vadd.f32 $3.000000000e+00, v60;
	v16 =	vmul.f32 $2.116666600e+01, v17;
	v35 =	vld.idx.msk [tilespmem:v12+s17+$0x0], $0xffff  }
0x40f: {  	v17 =	vsub.f32 v25, v10;
	v8 =	vmul.f32 $2.116666600e+01, v8;
	v13 =	vadd.f32 $3.000000000e+00, v13;
	v20 =	vld.idx.msk [tilespmem:v11+s17+$0x0], $0xffff  }
0x410: {  	v57 =	vmul.f32 v3, v4;
	v3 =	vmovc v15;
	v10 =	vmul.f32 $2.116666600e+01, v14;
	v14 =	vmax.f32 v16, $0.0e+00;
	v4 =	vld.idx.msk [tilespmem:v9+s17+$0x0], $0xffff;
	v25 =	vmovc v16  }
0x411: {  	v59 =	vmul.f32 v17, v61;
	v15 =	vmul.f32 $2.116666600e+01, v13;
	v60 =	vmin.f32 v14, $1.260000000e+02;
	v56 =	vld.idx.msk [tilespmem:v12+s13+$0x0], $0xffff  }
0x412: {  	v12 =	vtrunc.f32 v60;
	v13 =	vmax.f32 v8, $0.0e+00  }
0x413: {  	v14 =	vmax.f32 v10, $0.0e+00;
	v12 =	vcvt.f32.s32 v12;
	v13 =	vmin.f32 v13, $1.260000000e+02  }
0x414: {  	v14 =	vmin.f32 v14, $1.260000000e+02;
	v13 =	vtrunc.f32 v13  }
0x415: {  	v16 =	vmax.f32 v15, $0.0e+00;
	v14 =	vtrunc.f32 v14;
	v13 =	vcvt.f32.s32 v13  }
0x416: {  	v16 =	vmin.f32 v16, $1.260000000e+02;
	v14 =	vcvt.f32.s32 v14  }
0x417: {  	v11 =	vld.idx.msk [tilespmem:v11+s13+$0x0], $0xffff;
	v16 =	vtrunc.f32 v16  }
0x418: {  	v9 =	vld.idx.msk [tilespmem:v9+s13+$0x0], $0xffff;
	v16 =	vcvt.f32.s32 v16  }
0x419: {  	v0 =	vadd.f32 v30, v0;
	v17 =	vld.idx.msk [tilespmem:v12+s17+$0x0], $0xffff  }
0x41a: {  	v61 =	vcvt.s32.f32 v12;
	v12 =	vld.idx.msk [tilespmem:v12+s13+$0x0], $0xffff  }
0x41b: {  	v5 =	vadd.f32 v55, v5;
	[tilespmem:s9+$0xC180] =	vst v0;
	v0 =	vadd.f32 v57, v6;
	v30 =	vld.idx.msk [tilespmem:v13+s17+$0x0], $0xffff  }
0x41c: {  	v7 =	vmul.f32 v7, v35;
	v2 =	vmul.f32 v2, v20;
	v25 =	vsub.f32 v25, v61;
	v62 =	vld.idx.msk [tilespmem:v14+s17+$0x0], $0xffff  }
0x41d: {  	v3 =	vmul.f32 v3, v4;
	[tilespmem:s9+$0xC1A0] =	vst v0;
	v6 =	vcvt.s32.f32 v13;
	v0 =	vld.idx.msk [tilespmem:v13+s13+$0x0], $0xffff  }
0x41e: {  	v58 =	vadd.f32 v59, v58;
	[tilespmem:s9+$0xC190] =	vst v5;
	v5 =	vld.idx.msk [tilespmem:v16+s17+$0x0], $0xffff;
	v17 =	vmul.f32 v25, v17;
	v25 =	vcvt.s32.f32 v14  }
0x41f: {  	v7 =	vadd.f32 v7, v56;
	v63 =	vcvt.s32.f32 v16;
	v6 =	vsub.f32 v8, v6;
	v8 =	vld.idx.msk [tilespmem:v14+s13+$0x0], $0xffff  }
0x420: {  	[tilespmem:s6+$0xC1B0] =	vst v58;
	v2 =	vadd.f32 v2, v11;
	v4 =	vld.idx.msk [tilespmem:v16+s13+$0x0], $0xffff;
	v10 =	vsub.f32 v10, v25  }
0x421: {  	v3 =	vadd.f32 v3, v9;
	[tilespmem:s6+$0xC180] =	vst v7;
	v13 =	vsub.f32 v15, v63;
	v6 =	vmul.f32 v6, v30  }
0x422: {  	[tilespmem:s6+$0xC190] =	vst v2;
	v12 =	vadd.f32 v17, v12;
	v7 =	vmul.f32 v10, v62  }
0x423: {  	[tilespmem:s6+$0xC1A0] =	vst v3;
	v2 =	vmul.f32 v13, v5;
	v0 =	vadd.f32 v6, v0  }
0x424: {  	[tilespmem:s1+$0xC1B0] =	vst v12;
	v3 =	vadd.f32 v7, v8  }
0x425: {  	[tilespmem:s1+$0xC180] =	vst v0;
	v0 =	vadd.f32 v2, v4  }
0x426: {  	[tilespmem:s1+$0xC190] =	vst v3  }
0x427: {  	[tilespmem:s1+$0xC1A0] =	vst v0  }
0x428: {  	v0 =	vld [tilespmem:s29+$0x4230]  }
0x429: {  	v3 =	vld [tilespmem:s29+$0x4210]  }
0x42a: {  	v2 =	vld [tilespmem:s29+$0x4200];
	_ =	sdelay $0x1  }
0x42b: {  	v4 =	vld [tilespmem:s29+$0x4220]  }
0x42c: {  	v0 =	vadd.f32 $3.000000000e+00, v0  }
0x42d: {  	v3 =	vadd.f32 $3.000000000e+00, v3  }
0x42e: {  	v2 =	vadd.f32 $3.000000000e+00, v2;
	v0 =	vmul.f32 $2.116666600e+01, v0  }
0x42f: {  	v3 =	vmul.f32 $2.116666600e+01, v3  }
0x430: {  	v6 =	vmul.f32 $2.116666600e+01, v2;
	v2 =	vadd.f32 $3.000000000e+00, v4;
	v5 =	vmax.f32 v0, $0.0e+00  }
0x431: {  	v7 =	vld [tilespmem:s28+$0x4230];
	v8 =	vmax.f32 v3, $0.0e+00;
	v4 =	vmin.f32 v5, $1.260000000e+02  }
0x432: {  	v9 =	vld [tilespmem:s28+$0x4200];
	v5 =	vmul.f32 $2.116666600e+01, v2;
	v8 =	vmin.f32 v8, $1.260000000e+02;
	v4 =	vtrunc.f32 v4  }
0x433: {  	v2 =	vmax.f32 v6, $0.0e+00;
	v8 =	vtrunc.f32 v8;
	v4 =	vcvt.f32.s32 v4  }
0x434: {  	v11 =	vld [tilespmem:s28+$0x4210];
	v2 =	vmin.f32 v2, $1.260000000e+02;
	v8 =	vcvt.f32.s32 v8  }
0x435: {  	s2 =	simm.s32 $0x80;
	s5 =	simm.s32 $0x400;
	v2 =	vtrunc.f32 v2  }
0x436: {  	s0 =	sand.u32 $0x40, s2;
	s31 =	sand.u32 $0x3C00, s5;
	v12 =	vld [tilespmem:s28+$0x4220];
	v2 =	vcvt.f32.s32 v2;
	v15 =	vcvt.s32.f32 v8  }
0x437: {  	s1 =	sor.u32 s0, s31;
	v7 =	vadd.f32 $3.000000000e+00, v7;
	v9 =	vadd.f32 $3.000000000e+00, v9  }
0x438: {  	v10 =	vmax.f32 v5, $0.0e+00;
	v13 =	vcvt.s32.f32 v2;
	v3 =	vsub.f32 v3, v15;
	v15 =	vld [tilespmem:s1+$0x4210]  }
0x439: {  	v11 =	vadd.f32 $3.000000000e+00, v11;
	v17 =	vmul.f32 $2.116666600e+01, v7;
	v10 =	vmin.f32 v10, $1.260000000e+02;
	v14 =	vld.idx.msk [tilespmem:v4+s17+$0x0], $0xffff  }
0x43a: {  	v10 =	vtrunc.f32 v10;
	v16 =	vcvt.s32.f32 v4;
	v6 =	vsub.f32 v6, v13;
	v13 =	vld [tilespmem:s1+$0x4200]  }
0x43b: {  	v7 =	vadd.f32 $3.000000000e+00, v12;
	v35 =	vmul.f32 $2.116666600e+01, v11;
	v10 =	vcvt.f32.s32 v10;
	v4 =	vld.idx.msk [tilespmem:v4+s13+$0x0], $0xffff  }
0x43c: {  	v9 =	vmul.f32 $2.116666600e+01, v9;
	v11 =	vmax.f32 v17, $0.0e+00;
	v0 =	vsub.f32 v0, v16;
	v16 =	vld.idx.msk [tilespmem:v8+s17+$0x0], $0xffff  }
0x43d: {  	v56 =	vmul.f32 $2.116666600e+01, v7;
	v25 =	vmax.f32 v35, $0.0e+00;
	v7 =	vmin.f32 v11, $1.260000000e+02;
	v20 =	vld.idx.msk [tilespmem:v2+s17+$0x0], $0xffff  }
0x43e: {  	v11 =	vmax.f32 v9, $0.0e+00;
	v7 =	vtrunc.f32 v7;
	v14 =	vmul.f32 v0, v14;
	v0 =	vld.idx.msk [tilespmem:v2+s13+$0x0], $0xffff  }
0x43f: {  	v12 =	vcvt.s32.f32 v10;
	v2 =	vld.idx.msk [tilespmem:v8+s13+$0x0], $0xffff;
	v8 =	vcvt.f32.s32 v7;
	v7 =	vmin.f32 v11, $1.260000000e+02  }
0x440: {  	v55 =	vld [tilespmem:s1+$0x4230];
	v30 =	vmax.f32 v56, $0.0e+00;
	v11 =	vmin.f32 v25, $1.260000000e+02;
	v7 =	vtrunc.f32 v7  }
0x441: {  	v12 =	vsub.f32 v5, v12;
	v57 =	vld.idx.msk [tilespmem:v10+s17+$0x0], $0xffff;
	v11 =	vtrunc.f32 v11;
	v59 =	vcvt.f32.s32 v7  }
0x442: {  	v15 =	vadd.f32 $3.000000000e+00, v15;
	v25 =	vmin.f32 v30, $1.260000000e+02;
	v11 =	vcvt.f32.s32 v11  }
0x443: {  	v60 =	vld [tilespmem:s1+$0x4220];
	v13 =	vadd.f32 $3.000000000e+00, v13;
	v7 =	vtrunc.f32 v25;
	v25 =	vmul.f32 v6, v20  }
0x444: {  	v6 =	vld.idx.msk [tilespmem:v10+s13+$0x0], $0xffff;
	v14 =	vadd.f32 v14, v4;
	v30 =	vcvt.f32.s32 v7;
	v4 =	vcvt.s32.f32 v11  }
0x445: {  	v20 =	vadd.f32 $3.000000000e+00, v55;
	v55 =	vmul.f32 v3, v16;
	v5 =	vcvt.s32.f32 v59;
	v61 =	vld.idx.msk [tilespmem:v8+s17+$0x0], $0xffff  }
0x446: {  	v57 =	vmul.f32 v12, v57;
	v3 =	vsub.f32 v35, v4;
	v4 =	vcvt.s32.f32 v8;
	v58 =	vld.idx.msk [tilespmem:v8+s13+$0x0], $0xffff  }
0x447: {  	v10 =	vcvt.s32.f32 v30;
	v7 =	vsub.f32 v9, v5;
	v9 =	vmul.f32 $2.116666600e+01, v20;
	v35 =	vld.idx.msk [tilespmem:v59+s17+$0x0], $0xffff  }
0x448: {  	v8 =	vmul.f32 $2.116666600e+01, v13;
	v13 =	vadd.f32 $3.000000000e+00, v60;
	v20 =	vld.idx.msk [tilespmem:v11+s17+$0x0], $0xffff;
	v16 =	vsub.f32 v17, v4  }
0x449: {  	v5 =	vsub.f32 v56, v10;
	v10 =	vmul.f32 $2.116666600e+01, v15;
	v17 =	vmax.f32 v9, $0.0e+00;
	v56 =	vld.idx.msk [tilespmem:v59+s13+$0x0], $0xffff  }
0x44a: {  	[tilespmem:s29+$0xC230] =	vst v14;
	v15 =	vmul.f32 $2.116666600e+01, v13;
	v4 =	vld.idx.msk [tilespmem:v30+s17+$0x0], $0xffff;
	v60 =	vmin.f32 v17, $1.260000000e+02;
	v59 =	vmul.f32 v16, v61  }
.LBB2_61:
0x44b: {  	s2 =	sadd.s32 $0x40, s2;
	v12 =	vmax.f32 v8, $0.0e+00;
	v13 =	vmax.f32 v10, $0.0e+00;
	v14 =	vtrunc.f32 v60;
	s5 =	sadd.s32 $0x200, s5;
	v16 =	vld.idx.msk [tilespmem:v11+s13+$0x0], $0xffff  }
0x44c: {  	s0 =	sand.u32 $0x40, s2;
	s3 =	sand.u32 $0x3C00, s5;
	p0 =	slt.u32 s2, $0x7C0;
	v11 =	vmax.f32 v15, $0.0e+00;
	v14 =	vcvt.f32.s32 v14;
	v17 =	vld.idx.msk [tilespmem:v30+s13+$0x0], $0xffff;
	v30 =	vadd.f32 v59, v58  }
0x44d: {  	v12 =	vmin.f32 v12, $1.260000000e+02;
	v13 =	vmin.f32 v13, $1.260000000e+02;
	s0 =	sor.u32 s0, s3;
	v11 =	vmin.f32 v11, $1.260000000e+02  }
0x44e: {  	v61 =	vadd.f32 v25, v0;
	v12 =	vtrunc.f32 v12;
	v13 =	vtrunc.f32 v13;
	v58 =	vld [tilespmem:s0+$0x4230];
	[tilespmem:s28+$0xC230] =	vst v30  }
0x44f: {  	v62 =	vadd.f32 v55, v2;
	v12 =	vcvt.f32.s32 v12;
	v25 =	vtrunc.f32 v11;
	v59 =	vld [tilespmem:s0+$0x4200]  }
0x450: {  	v57 =	vadd.f32 v57, v6;
	v11 =	vcvt.f32.s32 v13;
	v30 =	vcvt.f32.s32 v25;
	v0 =	vmovc v56;
	v60 =	vld [tilespmem:s0+$0x4210];
	[tilespmem:s29+$0xC200] =	vst v61  }
0x451: {  	v25 =	vmul.f32 v7, v35;
	v55 =	vcvt.s32.f32 v12;
	v2 =	vmov v16;
	v13 =	vld [tilespmem:s0+$0x4220];
	[tilespmem:s29+$0xC210] =	vst v62  }
0x452: {  	v16 =	vcvt.s32.f32 v11;
	v56 =	vcvt.s32.f32 v30;
	v6 =	vmov v17;
	v61 =	vld.idx.msk [tilespmem:v14+s17+$0x0], $0xffff;
	[tilespmem:s29+$0xC220] =	vst v57;
	s29 =	smov.u32 s28;
	s28 =	smov.u32 s1;
	s1 =	smov.u32 s0  }
0x453: {  	v7 =	vsub.f32 v8, v55;
	v55 =	vmul.f32 v3, v20;
	v17 =	vadd.f32 $3.000000000e+00, v58  }
.Ltmp32:
0x454: {  	v3 =	vsub.f32 v10, v16;
	v10 =	vcvt.s32.f32 v14;
	v8 =	vadd.f32 $3.000000000e+00, v59;
	v58 =	vld.idx.msk [tilespmem:v14+s13+$0x0], $0xffff;
	(pc) =	sbr.rel @p0 .LBB2_61-.Ltmp32, $4  }
0x455: {  	v15 =	vsub.f32 v15, v56;
	v14 =	vadd.f32 $3.000000000e+00, v60;
	v16 =	vmul.f32 $2.116666600e+01, v17;
	v35 =	vld.idx.msk [tilespmem:v12+s17+$0x0], $0xffff  }
0x456: {  	v17 =	vsub.f32 v9, v10;
	v8 =	vmul.f32 $2.116666600e+01, v8;
	v13 =	vadd.f32 $3.000000000e+00, v13;
	v20 =	vld.idx.msk [tilespmem:v11+s17+$0x0], $0xffff  }
0x457: {  	v57 =	vmul.f32 v5, v4;
	v5 =	vmovc v15;
	v10 =	vmul.f32 $2.116666600e+01, v14;
	v14 =	vmax.f32 v16, $0.0e+00;
	v4 =	vld.idx.msk [tilespmem:v30+s17+$0x0], $0xffff;
	v9 =	vmovc v16  }
0x458: {  	v59 =	vmul.f32 v17, v61;
	v15 =	vmul.f32 $2.116666600e+01, v13;
	v60 =	vmin.f32 v14, $1.260000000e+02;
	v56 =	vld.idx.msk [tilespmem:v12+s13+$0x0], $0xffff  }
0x459: {  	v12 =	vtrunc.f32 v60;
	v13 =	vmax.f32 v8, $0.0e+00  }
0x45a: {  	v14 =	vmax.f32 v10, $0.0e+00;
	v12 =	vcvt.f32.s32 v12;
	v13 =	vmin.f32 v13, $1.260000000e+02  }
0x45b: {  	v14 =	vmin.f32 v14, $1.260000000e+02;
	v13 =	vtrunc.f32 v13  }
0x45c: {  	v16 =	vmax.f32 v15, $0.0e+00;
	v14 =	vtrunc.f32 v14;
	v13 =	vcvt.f32.s32 v13  }
0x45d: {  	v16 =	vmin.f32 v16, $1.260000000e+02;
	v14 =	vcvt.f32.s32 v14  }
0x45e: {  	v11 =	vld.idx.msk [tilespmem:v11+s13+$0x0], $0xffff;
	v16 =	vtrunc.f32 v16  }
0x45f: {  	v30 =	vld.idx.msk [tilespmem:v30+s13+$0x0], $0xffff;
	v16 =	vcvt.f32.s32 v16  }
0x460: {  	v0 =	vadd.f32 v25, v0;
	v17 =	vld.idx.msk [tilespmem:v12+s17+$0x0], $0xffff  }
0x461: {  	v60 =	vcvt.s32.f32 v12;
	v12 =	vld.idx.msk [tilespmem:v12+s13+$0x0], $0xffff  }
0x462: {  	v2 =	vadd.f32 v55, v2;
	[tilespmem:s29+$0xC200] =	vst v0;
	v0 =	vadd.f32 v57, v6;
	v25 =	vld.idx.msk [tilespmem:v13+s17+$0x0], $0xffff  }
0x463: {  	v7 =	vmul.f32 v7, v35;
	v3 =	vmul.f32 v3, v20;
	v9 =	vsub.f32 v9, v60;
	v61 =	vld.idx.msk [tilespmem:v14+s17+$0x0], $0xffff  }
0x464: {  	v4 =	vmul.f32 v5, v4;
	[tilespmem:s29+$0xC220] =	vst v0;
	v6 =	vcvt.s32.f32 v13;
	v0 =	vld.idx.msk [tilespmem:v13+s13+$0x0], $0xffff  }
0x465: {  	v58 =	vadd.f32 v59, v58;
	[tilespmem:s29+$0xC210] =	vst v2;
	v2 =	vld.idx.msk [tilespmem:v16+s17+$0x0], $0xffff;
	v9 =	vmul.f32 v9, v17;
	v17 =	vcvt.s32.f32 v14  }
0x466: {  	v7 =	vadd.f32 v7, v56;
	v62 =	vcvt.s32.f32 v16;
	v6 =	vsub.f32 v8, v6;
	v8 =	vld.idx.msk [tilespmem:v14+s13+$0x0], $0xffff  }
0x467: {  	[tilespmem:s28+$0xC230] =	vst v58;
	v3 =	vadd.f32 v3, v11;
	v5 =	vld.idx.msk [tilespmem:v16+s13+$0x0], $0xffff;
	v10 =	vsub.f32 v10, v17  }
0x468: {  	v4 =	vadd.f32 v4, v30;
	[tilespmem:s28+$0xC200] =	vst v7;
	v63 =	vsub.f32 v15, v62;
	v6 =	vmul.f32 v6, v25  }
0x469: {  	[tilespmem:s28+$0xC210] =	vst v3;
	v9 =	vadd.f32 v9, v12;
	v7 =	vmul.f32 v10, v61  }
0x46a: {  	[tilespmem:s28+$0xC220] =	vst v4;
	v2 =	vmul.f32 v63, v2;
	v0 =	vadd.f32 v6, v0  }
0x46b: {  	[tilespmem:s1+$0xC230] =	vst v9;
	v3 =	vadd.f32 v7, v8  }
0x46c: {  	s0 =	simm.s32 $0x0;
	s2 =	simm.s32 $0x0;
	[tilespmem:s1+$0xC200] =	vst v0;
	v0 =	vadd.f32 v2, v5  }
0x46d: {  	s2 =	sand.u32 $0x40, s2;
	s0 =	sand.u32 $0x3C00, s0;
	[tilespmem:s1+$0xC210] =	vst v3  }
0x46e: {  	s28 =	sor.u32 s2, s0;
	[tilespmem:s1+$0xC220] =	vst v0  }
0x46f: {  	v0 =	vld [tilespmem:s28+$0x42B0]  }
0x470: {  	v2 =	vld [tilespmem:s28+$0x4280]  }
0x471: {  	v3 =	vld [tilespmem:s28+$0x4290]  }
0x472: {  	v4 =	vld [tilespmem:s28+$0x42A0];
	_ =	sdelay $0x1  }
0x473: {  	p1 =	por $0x1, $0x1;
	v0 =	vadd.f32 $3.000000000e+00, v0  }
.Ltmp33:
0x474: {  	_ = 	snop;
	(pc) =	sbr.rel @!p1 .LBB2_63-.Ltmp33, $4  }
0x475: {  	v2 =	vadd.f32 $3.000000000e+00, v2;
	v5 =	vmul.f32 $2.116666600e+01, v0  }
0x476: {  	v0 =	vadd.f32 $3.000000000e+00, v3;
	v3 =	vadd.f32 $3.000000000e+00, v4  }
0x477: {  	v57 =	vmul.f32 $2.116666600e+01, v2;
	v2 =	vmax.f32 v5, $0.0e+00  }
0x478: {  	p2 =	por $0x0, $0x0;
	p0 =	por $0x0, $0x0;
	v56 =	vmul.f32 $2.116666600e+01, v0;
	v55 =	vmul.f32 $2.116666600e+01, v3;
	v9 =	vmin.f32 v2, $1.260000000e+02  }
0x479: {  	s0 =	simm.s32 $0x40;
	s1 =	simm.s32 $0x200  }
0x47a: {  	v0 =	vmax.f32 v57, $0.0e+00;
	v2 =	vtrunc.f32 v9;
	s0 =	sand.u32 $0x40, s0;
	s1 =	sand.u32 $0x3C00, s1  }
0x47b: {  	v2 =	vcvt.f32.s32 v2;
	v0 =	vmin.f32 v0, $1.260000000e+02;
	s29 =	sor.u32 s0, s1  }
0x47c: {  	v3 =	vmax.f32 v56, $0.0e+00;
	v4 =	vmax.f32 v55, $0.0e+00;
	v0 =	vtrunc.f32 v0;
	v6 =	vld [tilespmem:s29+$0x42B0]  }
0x47d: {  	v3 =	vmin.f32 v3, $1.260000000e+02;
	v4 =	vmin.f32 v4, $1.260000000e+02;
	v7 =	vld [tilespmem:s29+$0x4280];
	v8 =	vcvt.f32.s32 v0  }
0x47e: {  	v3 =	vtrunc.f32 v3;
	v0 =	vtrunc.f32 v4;
	v4 =	vld [tilespmem:s29+$0x4290]  }
0x47f: {  	v9 =	vld [tilespmem:s29+$0x42A0];
	v14 =	vcvt.s32.f32 v2;
	v30 =	vcvt.f32.s32 v3  }
0x480: {  	v20 =	vcvt.f32.s32 v0;
	v0 =	vcvt.s32.f32 v8  }
0x481: {  	p3 =	por $0x1, $0x1;
	v5 =	vsub.f32 v5, v14;
	v3 =	vcvt.s32.f32 v30;
	v13 =	vld.idx.msk [tilespmem:v2+s17+$0x0], $0xffff;
	v6 =	vadd.f32 $3.000000000e+00, v6  }
.Ltmp34:
0x482: {  	v12 =	vcvt.s32.f32 v20;
	v10 =	vsub.f32 v57, v0;
	v0 =	vld.idx.msk [tilespmem:v2+s13+$0x0], $0xffff;
	v7 =	vadd.f32 $3.000000000e+00, v7;
	(pc) =	sbr.rel @!p3 .LBB2_65-.Ltmp34, $4  }
0x483: {  	v58 =	vsub.f32 v56, v3;
	v2 =	vadd.f32 $3.000000000e+00, v4;
	v59 =	vld.idx.msk [tilespmem:v8+s17+$0x0], $0xffff;
	v11 =	vmul.f32 $2.116666600e+01, v6  }
0x484: {  	v3 =	vsub.f32 v55, v12;
	v25 =	vld.idx.msk [tilespmem:v8+s13+$0x0], $0xffff;
	v6 =	vadd.f32 $3.000000000e+00, v9  }
0x485: {  	v15 =	vld.idx.msk [tilespmem:v30+s17+$0x0], $0xffff;
	v57 =	vmul.f32 $2.116666600e+01, v7;
	v56 =	vmul.f32 $2.116666600e+01, v2;
	v2 =	vmax.f32 v11, $0.0e+00  }
0x486: {  	p2 =	por $0x1, $0x1;
	v4 =	vld.idx.msk [tilespmem:v20+s17+$0x0], $0xffff;
	v55 =	vmul.f32 $2.116666600e+01, v6;
	v6 =	vmul.f32 v5, v13;
	v9 =	vmin.f32 v2, $1.260000000e+02  }
0x487: {  	_ =	sdelay $0x2  }
0x488: {  	s2 =	simm.s32 $0x80;
	v2 =	vmax.f32 v57, $0.0e+00;
	s5 =	simm.s32 $0x400  }
0x489: {  	v5 =	vmax.f32 v56, $0.0e+00;
	v7 =	vtrunc.f32 v9;
	v60 =	vld.idx.msk [tilespmem:v30+s13+$0x0], $0xffff;
	s0 =	sand.u32 $0x40, s2;
	s1 =	sand.u32 $0x3C00, s5;
	v8 =	vmax.f32 v55, $0.0e+00  }
0x48a: {  	v35 =	vld.idx.msk [tilespmem:v20+s13+$0x0], $0xffff;
	v7 =	vcvt.f32.s32 v7;
	v2 =	vmin.f32 v2, $1.260000000e+02;
	v5 =	vmin.f32 v5, $1.260000000e+02;
	s6 =	sor.u32 s0, s1  }
0x48b: {  	v8 =	vmin.f32 v8, $1.260000000e+02;
	v2 =	vtrunc.f32 v2;
	v5 =	vtrunc.f32 v5;
	v9 =	vld [tilespmem:s6+$0x42B0]  }
0x48c: {  	v12 =	vld [tilespmem:s6+$0x4280];
	v13 =	vcvt.f32.s32 v2;
	v2 =	vtrunc.f32 v8  }
0x48d: {  	v8 =	vld [tilespmem:s6+$0x4290];
	v30 =	vcvt.f32.s32 v5;
	v20 =	vcvt.f32.s32 v2  }
0x48e: {  	v61 =	vmul.f32 v10, v59;
	v14 =	vld [tilespmem:s6+$0x42A0];
	v2 =	vcvt.s32.f32 v13  }
0x48f: {  	v6 =	vadd.f32 v6, v0;
	v0 =	vcvt.s32.f32 v30;
	v16 =	vcvt.s32.f32 v20  }
0x490: {  	p4 =	por $0x1, $0x1;
	v10 =	vsub.f32 v57, v2;
	v17 =	vld.idx.msk [tilespmem:v7+s17+$0x0], $0xffff;
	v2 =	vmul.f32 v58, v15;
	v5 =	vadd.f32 $3.000000000e+00, v9  }
.Ltmp35:
0x491: {  	v58 =	vsub.f32 v56, v0;
	v0 =	vld.idx.msk [tilespmem:v7+s13+$0x0], $0xffff;
	v9 =	vadd.f32 $3.000000000e+00, v12;
	v12 =	vcvt.s32.f32 v7;
	(pc) =	sbr.rel @!p4 .LBB2_67-.Ltmp35, $4  }
0x492: {  	v8 =	vadd.f32 $3.000000000e+00, v8;
	v7 =	vsub.f32 v55, v16;
	v59 =	vld.idx.msk [tilespmem:v13+s17+$0x0], $0xffff;
	v5 =	vmul.f32 $2.116666600e+01, v5  }
0x493: {  	v15 =	vld.idx.msk [tilespmem:v30+s17+$0x0], $0xffff;
	v57 =	vmul.f32 $2.116666600e+01, v9;
	v9 =	vadd.f32 $3.000000000e+00, v14;
	v11 =	vsub.f32 v11, v12  }
0x494: {  	v56 =	vmul.f32 $2.116666600e+01, v8;
	v8 =	vmul.f32 v3, v4;
	v4 =	vld.idx.msk [tilespmem:v20+s17+$0x0], $0xffff;
	v12 =	vmax.f32 v5, $0.0e+00  }
0x495: {  	p3 =	por $0x1, $0x1;
	s1 =	smov.u32 s28;
	[tilespmem:s28+$0xC2B0] =	vst v6;
	v3 =	vld.idx.msk [tilespmem:v13+s13+$0x0], $0xffff;
	v55 =	vmul.f32 $2.116666600e+01, v9;
	v6 =	vmul.f32 v11, v17;
	v9 =	vmin.f32 v12, $1.260000000e+02  }
.LBB2_68:
0x496: {  	s2 =	sadd.s32 $0x40, s2;
	v11 =	vmax.f32 v57, $0.0e+00;
	v12 =	vmax.f32 v56, $0.0e+00;
	v9 =	vtrunc.f32 v9;
	s5 =	sadd.s32 $0x200, s5;
	v13 =	vld.idx.msk [tilespmem:v30+s13+$0x0], $0xffff  }
0x497: {  	s0 =	sand.u32 $0x40, s2;
	s3 =	sand.u32 $0x3C00, s5;
	p4 =	slt.u32 s2, $0x7C0;
	v14 =	vmax.f32 v55, $0.0e+00;
	v9 =	vcvt.f32.s32 v9;
	v16 =	vld.idx.msk [tilespmem:v20+s13+$0x0], $0xffff;
	v0 =	vadd.f32 v6, v0  }
0x498: {  	v6 =	vmin.f32 v11, $1.260000000e+02;
	v11 =	vmin.f32 v12, $1.260000000e+02;
	s0 =	sor.u32 s0, s3;
	v12 =	vmin.f32 v14, $1.260000000e+02  }
0x499: {  	v6 =	vtrunc.f32 v6;
	v11 =	vtrunc.f32 v11;
	v14 =	vld [tilespmem:s0+$0x42B0];
	[tilespmem:s29+$0xC2B0] =	vst v0;
	v0 =	vadd.f32 v61, v25  }
0x49a: {  	v2 =	vadd.f32 v2, v60;
	v6 =	vcvt.f32.s32 v6;
	v12 =	vtrunc.f32 v12;
	v17 =	vld [tilespmem:s0+$0x4280]  }
0x49b: {  	v30 =	vcvt.f32.s32 v11;
	v20 =	vcvt.f32.s32 v12;
	v25 =	vmovc v3;
	v62 =	vld [tilespmem:s0+$0x4290];
	[tilespmem:s1+$0xC280] =	vst v0;
	v0 =	vadd.f32 v8, v35  }
0x49c: {  	v61 =	vmul.f32 v10, v59;
	v8 =	vcvt.s32.f32 v6;
	v60 =	vmov v13;
	v3 =	vld [tilespmem:s0+$0x42A0];
	[tilespmem:s1+$0xC290] =	vst v2  }
0x49d: {  	v11 =	vcvt.s32.f32 v30;
	v12 =	vcvt.s32.f32 v20;
	v35 =	vmov v16;
	v13 =	vld.idx.msk [tilespmem:v9+s17+$0x0], $0xffff;
	[tilespmem:s1+$0xC2A0] =	vst v0;
	s1 =	smov.u32 s29;
	s29 =	smov.u32 s6;
	s6 =	smov.u32 s0  }
0x49e: {  	v2 =	vmul.f32 v58, v15;
	v10 =	vsub.f32 v57, v8;
	v14 =	vadd.f32 $3.000000000e+00, v14  }
.Ltmp36:
0x49f: {  	v58 =	vsub.f32 v56, v11;
	v11 =	vcvt.s32.f32 v9;
	v8 =	vadd.f32 $3.000000000e+00, v17;
	v0 =	vld.idx.msk [tilespmem:v9+s13+$0x0], $0xffff;
	(pc) =	sbr.rel @p4 .LBB2_68-.Ltmp36, $4  }
0x4a0: {  	v12 =	vsub.f32 v55, v12;
	v9 =	vadd.f32 $3.000000000e+00, v62;
	v14 =	vmul.f32 $2.116666600e+01, v14;
	v59 =	vld.idx.msk [tilespmem:v6+s17+$0x0], $0xffff  }
0x4a1: {  	v11 =	vsub.f32 v5, v11;
	v57 =	vmul.f32 $2.116666600e+01, v8;
	v3 =	vadd.f32 $3.000000000e+00, v3;
	v15 =	vld.idx.msk [tilespmem:v30+s17+$0x0], $0xffff  }
0x4a2: {  	v8 =	vmul.f32 v7, v4;
	v7 =	vmovc v12;
	v56 =	vmul.f32 $2.116666600e+01, v9;
	v9 =	vmax.f32 v14, $0.0e+00;
	v4 =	vld.idx.msk [tilespmem:v20+s17+$0x0], $0xffff;
	v5 =	vmovc v14  }
0x4a3: {  	v55 =	vmul.f32 $2.116666600e+01, v3;
	v9 =	vmin.f32 v9, $1.260000000e+02;
	v3 =	vld.idx.msk [tilespmem:v6+s13+$0x0], $0xffff;
	v6 =	vmul.f32 v11, v13  }
0x4a4: {  	_ =	sdelay $0x3  }
0x4a5: {  	s0 =	smov.u32 s29;
	v62 =	vmov v25;
	s29 =	smov.u32 s6;
	v25 =	vmov v3;
	v3 =	vmov v7  }
.LBB2_70:
0x4a6: {  	v7 =	vtrunc.f32 v9;
	v9 =	vmax.f32 v57, $0.0e+00  }
0x4a7: {  	v11 =	vmax.f32 v56, $0.0e+00;
	v7 =	vcvt.f32.s32 v7;
	v9 =	vmin.f32 v9, $1.260000000e+02  }
0x4a8: {  	v12 =	vmax.f32 v55, $0.0e+00;
	v11 =	vmin.f32 v11, $1.260000000e+02;
	v9 =	vtrunc.f32 v9  }
0x4a9: {  	v12 =	vmin.f32 v12, $1.260000000e+02;
	v11 =	vtrunc.f32 v11;
	v9 =	vcvt.f32.s32 v9  }
0x4aa: {  	v12 =	vtrunc.f32 v12;
	v11 =	vcvt.f32.s32 v11  }
0x4ab: {  	v13 =	vld.idx.msk @p2 [tilespmem:v30+s13+$0x0], $0xffff;
	v0 =	vadd.f32 @p2 v6, v0;
	v6 =	vcvt.f32.s32 v12  }
0x4ac: {  	v14 =	vld.idx.msk @p2 [tilespmem:v20+s13+$0x0], $0xffff  }
0x4ad: {  	[tilespmem:s0+$0xC2B0] =	vst @p2 v0;
	v0 =	vadd.f32 @p3 v2, v60;
	v12 =	vadd.f32 @p3 v61, v62;
	v16 =	vld.idx.msk [tilespmem:v7+s17+$0x0], $0xffff  }
0x4ae: {  	v2 =	vcvt.s32.f32 v7;
	v17 =	vcvt.s32.f32 v9;
	v7 =	vld.idx.msk [tilespmem:v7+s13+$0x0], $0xffff  }
0x4af: {  	v8 =	vadd.f32 @p3 v8, v35;
	v10 =	vmul.f32 @p2 v10, v59;
	[tilespmem:s1+$0xC290] =	vst @p3 v0;
	v0 =	vcvt.s32.f32 v11;
	v20 =	vld.idx.msk [tilespmem:v9+s17+$0x0], $0xffff  }
0x4b0: {  	v15 =	vmul.f32 @p2 v58, v15;
	v2 =	vsub.f32 v5, v2;
	v63 =	vsub.f32 v57, v17;
	v17 =	vld.idx.msk [tilespmem:v11+s17+$0x0], $0xffff  }
0x4b1: {  	[tilespmem:s1+$0xC280] =	vst @p3 v12;
	v62 =	vcvt.s32.f32 v6;
	v12 =	vmov @p2 v25;
	v0 =	vsub.f32 v56, v0;
	v25 =	vld.idx.msk [tilespmem:v6+s17+$0x0], $0xffff  }
0x4b2: {  	v3 =	vmul.f32 @p2 v3, v4;
	v4 =	vld.idx.msk [tilespmem:v9+s13+$0x0], $0xffff;
	v2 =	vmul.f32 v2, v16  }
0x4b3: {  	[tilespmem:s1+$0xC2A0] =	vst @p3 v8;
	v5 =	vmov @p2 v13;
	v13 =	vsub.f32 v55, v62;
	v9 =	vpsel p2, v12, v0;
	v11 =	vld.idx.msk [tilespmem:v11+s13+$0x0], $0xffff  }
0x4b4: {  	v8 =	vmovc @p2 v14;
	v10 =	vpsel p2, v10, v0;
	v5 =	vpsel p2, v5, v0;
	v2 =	vadd.f32 v2, v7  }
0x4b5: {  	v8 =	vpsel p2, v8, v0;
	v6 =	vld.idx.msk [tilespmem:v6+s13+$0x0], $0xffff;
	v9 =	vadd.f32 @p2 v10, v9;
	v7 =	vpsel p2, v15, v0  }
0x4b6: {  	s0 =	smov.u32 @p2 s0;
	v3 =	vpsel p2, v3, v0;
	v0 =	vmul.f32 v0, v17;
	[tilespmem:s29+$0xC2B0] =	vst v2;
	v2 =	vadd.f32 @p2 v7, v5  }
0x4b7: {  	v3 =	vadd.f32 @p2 v3, v8;
	[tilespmem:s0+$0xC280] =	vst @p2 v9;
	v5 =	vmul.f32 v63, v20  }
0x4b8: {  	v0 =	vadd.f32 v0, v11;
	[tilespmem:s0+$0xC290] =	vst @p2 v2;
	v2 =	vmul.f32 v13, v25  }
0x4b9: {  	[tilespmem:s0+$0xC2A0] =	vst @p2 v3;
	v4 =	vadd.f32 v5, v4  }
0x4ba: {  	[tilespmem:s29+$0xC290] =	vst v0;
	v2 =	vadd.f32 v2, v6  }
0x4bb: {  	[tilespmem:s29+$0xC280] =	vst v4  }
0x4bc: {  	[tilespmem:s29+$0xC2A0] =	vst v2  }
0x4bd: {  	v0 =	vld [tilespmem:s28+$0x4330]  }
0x4be: {  	v2 =	vld [tilespmem:s28+$0x4300]  }
0x4bf: {  	v3 =	vld [tilespmem:s28+$0x4310]  }
0x4c0: {  	v4 =	vld [tilespmem:s28+$0x4320];
	_ =	sdelay $0x1  }
0x4c1: {  	v0 =	vadd.f32 $3.000000000e+00, v0  }
.Ltmp37:
0x4c2: {  	_ = 	snop;
	(pc) =	sbr.rel @!p1 .LBB2_71-.Ltmp37, $4  }
0x4c3: {  	v2 =	vadd.f32 $3.000000000e+00, v2;
	v5 =	vmul.f32 $2.116666600e+01, v0  }
0x4c4: {  	v0 =	vadd.f32 $3.000000000e+00, v3;
	v3 =	vadd.f32 $3.000000000e+00, v4  }
0x4c5: {  	v57 =	vmul.f32 $2.116666600e+01, v2;
	v2 =	vmax.f32 v5, $0.0e+00  }
0x4c6: {  	v56 =	vmul.f32 $2.116666600e+01, v0;
	v55 =	vmul.f32 $2.116666600e+01, v3;
	v9 =	vmin.f32 v2, $1.260000000e+02  }
0x4c7: {  	s0 =	simm.s32 $0x40;
	s1 =	simm.s32 $0x200  }
0x4c8: {  	v0 =	vmax.f32 v57, $0.0e+00;
	v2 =	vtrunc.f32 v9;
	s0 =	sand.u32 $0x40, s0;
	s1 =	sand.u32 $0x3C00, s1  }
0x4c9: {  	v2 =	vcvt.f32.s32 v2;
	v0 =	vmin.f32 v0, $1.260000000e+02;
	s1 =	sor.u32 s0, s1  }
0x4ca: {  	v3 =	vmax.f32 v56, $0.0e+00;
	v4 =	vmax.f32 v55, $0.0e+00;
	v0 =	vtrunc.f32 v0;
	v6 =	vld [tilespmem:s1+$0x4330]  }
0x4cb: {  	v3 =	vmin.f32 v3, $1.260000000e+02;
	v4 =	vmin.f32 v4, $1.260000000e+02;
	v7 =	vld [tilespmem:s1+$0x4300];
	v8 =	vcvt.f32.s32 v0  }
0x4cc: {  	v3 =	vtrunc.f32 v3;
	v0 =	vtrunc.f32 v4;
	v4 =	vld [tilespmem:s1+$0x4310]  }
0x4cd: {  	v9 =	vld [tilespmem:s1+$0x4320];
	v14 =	vcvt.s32.f32 v2;
	v30 =	vcvt.f32.s32 v3  }
0x4ce: {  	v20 =	vcvt.f32.s32 v0;
	v0 =	vcvt.s32.f32 v8  }
0x4cf: {  	p2 =	por $0x1, $0x1;
	v5 =	vsub.f32 v5, v14;
	v3 =	vcvt.s32.f32 v30;
	v13 =	vld.idx.msk [tilespmem:v2+s17+$0x0], $0xffff;
	v6 =	vadd.f32 $3.000000000e+00, v6  }
.Ltmp38:
0x4d0: {  	v12 =	vcvt.s32.f32 v20;
	v10 =	vsub.f32 v57, v0;
	v0 =	vld.idx.msk [tilespmem:v2+s13+$0x0], $0xffff;
	v7 =	vadd.f32 $3.000000000e+00, v7;
	(pc) =	sbr.rel @!p2 .LBB2_73-.Ltmp38, $4  }
0x4d1: {  	v58 =	vsub.f32 v56, v3;
	v2 =	vadd.f32 $3.000000000e+00, v4;
	v59 =	vld.idx.msk [tilespmem:v8+s17+$0x0], $0xffff;
	v11 =	vmul.f32 $2.116666600e+01, v6  }
0x4d2: {  	v3 =	vsub.f32 v55, v12;
	v25 =	vld.idx.msk [tilespmem:v8+s13+$0x0], $0xffff;
	v6 =	vadd.f32 $3.000000000e+00, v9  }
0x4d3: {  	v15 =	vld.idx.msk [tilespmem:v30+s17+$0x0], $0xffff;
	v57 =	vmul.f32 $2.116666600e+01, v7;
	v56 =	vmul.f32 $2.116666600e+01, v2;
	v2 =	vmax.f32 v11, $0.0e+00  }
0x4d4: {  	p1 =	por $0x1, $0x1;
	v4 =	vld.idx.msk [tilespmem:v20+s17+$0x0], $0xffff;
	v55 =	vmul.f32 $2.116666600e+01, v6;
	v7 =	vmul.f32 v5, v13;
	v9 =	vmin.f32 v2, $1.260000000e+02  }
0x4d5: {  	_ =	sdelay $0x2  }
0x4d6: {  	s2 =	simm.s32 $0x80;
	v2 =	vmax.f32 v57, $0.0e+00;
	s6 =	simm.s32 $0x400  }
0x4d7: {  	v5 =	vmax.f32 v56, $0.0e+00;
	v6 =	vtrunc.f32 v9;
	v60 =	vld.idx.msk [tilespmem:v30+s13+$0x0], $0xffff;
	s0 =	sand.u32 $0x40, s2;
	s3 =	sand.u32 $0x3C00, s6;
	v8 =	vmax.f32 v55, $0.0e+00  }
0x4d8: {  	v35 =	vld.idx.msk [tilespmem:v20+s13+$0x0], $0xffff;
	v6 =	vcvt.f32.s32 v6;
	v2 =	vmin.f32 v2, $1.260000000e+02;
	v5 =	vmin.f32 v5, $1.260000000e+02;
	s5 =	sor.u32 s0, s3  }
0x4d9: {  	v8 =	vmin.f32 v8, $1.260000000e+02;
	v2 =	vtrunc.f32 v2;
	v5 =	vtrunc.f32 v5;
	v9 =	vld [tilespmem:s5+$0x4330]  }
0x4da: {  	v12 =	vld [tilespmem:s5+$0x4300];
	v13 =	vcvt.f32.s32 v2;
	v2 =	vtrunc.f32 v8  }
0x4db: {  	v8 =	vld [tilespmem:s5+$0x4310];
	v30 =	vcvt.f32.s32 v5;
	v20 =	vcvt.f32.s32 v2  }
0x4dc: {  	v61 =	vmul.f32 v10, v59;
	v14 =	vld [tilespmem:s5+$0x4320];
	v2 =	vcvt.s32.f32 v13  }
0x4dd: {  	v7 =	vadd.f32 v7, v0;
	v0 =	vcvt.s32.f32 v30;
	v16 =	vcvt.s32.f32 v20  }
0x4de: {  	p2 =	por $0x1, $0x1;
	v10 =	vsub.f32 v57, v2;
	v17 =	vld.idx.msk [tilespmem:v6+s17+$0x0], $0xffff;
	v2 =	vmul.f32 v58, v15;
	v5 =	vadd.f32 $3.000000000e+00, v9  }
.Ltmp39:
0x4df: {  	v58 =	vsub.f32 v56, v0;
	v0 =	vld.idx.msk [tilespmem:v6+s13+$0x0], $0xffff;
	v9 =	vadd.f32 $3.000000000e+00, v12;
	v12 =	vcvt.s32.f32 v6;
	(pc) =	sbr.rel @!p2 .LBB2_75-.Ltmp39, $4  }
0x4e0: {  	v8 =	vadd.f32 $3.000000000e+00, v8;
	v6 =	vsub.f32 v55, v16;
	v59 =	vld.idx.msk [tilespmem:v13+s17+$0x0], $0xffff;
	v5 =	vmul.f32 $2.116666600e+01, v5  }
0x4e1: {  	v15 =	vld.idx.msk [tilespmem:v30+s17+$0x0], $0xffff;
	v57 =	vmul.f32 $2.116666600e+01, v9;
	v9 =	vadd.f32 $3.000000000e+00, v14;
	v11 =	vsub.f32 v11, v12  }
0x4e2: {  	v56 =	vmul.f32 $2.116666600e+01, v8;
	v8 =	vmul.f32 v3, v4;
	v4 =	vld.idx.msk [tilespmem:v20+s17+$0x0], $0xffff;
	v12 =	vmax.f32 v5, $0.0e+00  }
0x4e3: {  	p0 =	por $0x1, $0x1;
	[tilespmem:s28+$0xC330] =	vst v7;
	v3 =	vld.idx.msk [tilespmem:v13+s13+$0x0], $0xffff;
	v55 =	vmul.f32 $2.116666600e+01, v9;
	v7 =	vmul.f32 v11, v17;
	v9 =	vmin.f32 v12, $1.260000000e+02  }
.LBB2_76:
0x4e4: {  	s2 =	sadd.s32 $0x40, s2;
	v11 =	vmax.f32 v57, $0.0e+00;
	v12 =	vmax.f32 v56, $0.0e+00;
	v9 =	vtrunc.f32 v9;
	s6 =	sadd.s32 $0x200, s6;
	v13 =	vld.idx.msk [tilespmem:v30+s13+$0x0], $0xffff  }
0x4e5: {  	s0 =	sand.u32 $0x40, s2;
	s3 =	sand.u32 $0x3C00, s6;
	p2 =	slt.u32 s2, $0x7C0;
	v14 =	vmax.f32 v55, $0.0e+00;
	v9 =	vcvt.f32.s32 v9;
	v16 =	vld.idx.msk [tilespmem:v20+s13+$0x0], $0xffff;
	v0 =	vadd.f32 v7, v0  }
0x4e6: {  	v7 =	vmin.f32 v11, $1.260000000e+02;
	v11 =	vmin.f32 v12, $1.260000000e+02;
	s0 =	sor.u32 s0, s3;
	v12 =	vmin.f32 v14, $1.260000000e+02  }
0x4e7: {  	v7 =	vtrunc.f32 v7;
	v11 =	vtrunc.f32 v11;
	v14 =	vld [tilespmem:s0+$0x4330];
	[tilespmem:s1+$0xC330] =	vst v0;
	v0 =	vadd.f32 v61, v25  }
0x4e8: {  	v2 =	vadd.f32 v2, v60;
	v7 =	vcvt.f32.s32 v7;
	v12 =	vtrunc.f32 v12;
	v17 =	vld [tilespmem:s0+$0x4300]  }
0x4e9: {  	v30 =	vcvt.f32.s32 v11;
	v20 =	vcvt.f32.s32 v12;
	v25 =	vmovc v3;
	v62 =	vld [tilespmem:s0+$0x4310];
	[tilespmem:s28+$0xC300] =	vst v0;
	v0 =	vadd.f32 v8, v35  }
0x4ea: {  	v61 =	vmul.f32 v10, v59;
	v8 =	vcvt.s32.f32 v7;
	v60 =	vmov v13;
	v3 =	vld [tilespmem:s0+$0x4320];
	[tilespmem:s28+$0xC310] =	vst v2  }
0x4eb: {  	v11 =	vcvt.s32.f32 v30;
	v12 =	vcvt.s32.f32 v20;
	v35 =	vmov v16;
	v13 =	vld.idx.msk [tilespmem:v9+s17+$0x0], $0xffff;
	[tilespmem:s28+$0xC320] =	vst v0;
	s28 =	smov.u32 s1;
	s1 =	smov.u32 s5;
	s5 =	smov.u32 s0  }
0x4ec: {  	v2 =	vmul.f32 v58, v15;
	v10 =	vsub.f32 v57, v8;
	v14 =	vadd.f32 $3.000000000e+00, v14  }
.Ltmp40:
0x4ed: {  	v58 =	vsub.f32 v56, v11;
	v11 =	vcvt.s32.f32 v9;
	v8 =	vadd.f32 $3.000000000e+00, v17;
	v0 =	vld.idx.msk [tilespmem:v9+s13+$0x0], $0xffff;
	(pc) =	sbr.rel @p2 .LBB2_76-.Ltmp40, $4  }
0x4ee: {  	v12 =	vsub.f32 v55, v12;
	v9 =	vadd.f32 $3.000000000e+00, v62;
	v14 =	vmul.f32 $2.116666600e+01, v14;
	v59 =	vld.idx.msk [tilespmem:v7+s17+$0x0], $0xffff  }
0x4ef: {  	v11 =	vsub.f32 v5, v11;
	v57 =	vmul.f32 $2.116666600e+01, v8;
	v3 =	vadd.f32 $3.000000000e+00, v3;
	v15 =	vld.idx.msk [tilespmem:v30+s17+$0x0], $0xffff  }
0x4f0: {  	v8 =	vmul.f32 v6, v4;
	v6 =	vmovc v12;
	v56 =	vmul.f32 $2.116666600e+01, v9;
	v9 =	vmax.f32 v14, $0.0e+00;
	v4 =	vld.idx.msk [tilespmem:v20+s17+$0x0], $0xffff;
	v5 =	vmovc v14  }
0x4f1: {  	v55 =	vmul.f32 $2.116666600e+01, v3;
	v9 =	vmin.f32 v9, $1.260000000e+02;
	v3 =	vld.idx.msk [tilespmem:v7+s13+$0x0], $0xffff;
	v7 =	vmul.f32 v11, v13  }
0x4f2: {  	_ =	sdelay $0x3  }
0x4f3: {  	v62 =	vmov v25;
	s2 =	smov.u32 s28;
	s0 =	smov.u32 s1;
	s28 =	smov.u32 s5;
	v25 =	vmov v3;
	v3 =	vmov v6  }
.LBB2_78:
0x4f4: {  	v6 =	vtrunc.f32 v9;
	v9 =	vmax.f32 v57, $0.0e+00  }
0x4f5: {  	v11 =	vmax.f32 v56, $0.0e+00;
	v6 =	vcvt.f32.s32 v6;
	v9 =	vmin.f32 v9, $1.260000000e+02  }
0x4f6: {  	v12 =	vmax.f32 v55, $0.0e+00;
	v11 =	vmin.f32 v11, $1.260000000e+02;
	v9 =	vtrunc.f32 v9  }
0x4f7: {  	v12 =	vmin.f32 v12, $1.260000000e+02;
	v11 =	vtrunc.f32 v11;
	v9 =	vcvt.f32.s32 v9  }
0x4f8: {  	v12 =	vtrunc.f32 v12;
	v11 =	vcvt.f32.s32 v11  }
0x4f9: {  	v13 =	vld.idx.msk @p1 [tilespmem:v30+s13+$0x0], $0xffff;
	v0 =	vadd.f32 @p1 v7, v0;
	v7 =	vcvt.f32.s32 v12  }
0x4fa: {  	v14 =	vld.idx.msk @p1 [tilespmem:v20+s13+$0x0], $0xffff  }
0x4fb: {  	[tilespmem:s0+$0xC330] =	vst @p1 v0;
	v0 =	vadd.f32 @p0 v2, v60;
	v12 =	vadd.f32 @p0 v61, v62;
	v16 =	vld.idx.msk [tilespmem:v6+s17+$0x0], $0xffff  }
0x4fc: {  	v2 =	vcvt.s32.f32 v6;
	v17 =	vcvt.s32.f32 v9;
	v6 =	vld.idx.msk [tilespmem:v6+s13+$0x0], $0xffff  }
0x4fd: {  	v8 =	vadd.f32 @p0 v8, v35;
	v10 =	vmul.f32 @p1 v10, v59;
	[tilespmem:s2+$0xC310] =	vst @p0 v0;
	v0 =	vcvt.s32.f32 v11;
	v20 =	vld.idx.msk [tilespmem:v9+s17+$0x0], $0xffff  }
0x4fe: {  	v15 =	vmul.f32 @p1 v58, v15;
	v2 =	vsub.f32 v5, v2;
	v63 =	vsub.f32 v57, v17;
	v17 =	vld.idx.msk [tilespmem:v11+s17+$0x0], $0xffff  }
0x4ff: {  	[tilespmem:s2+$0xC300] =	vst @p0 v12;
	v62 =	vcvt.s32.f32 v7;
	v12 =	vmov @p1 v25;
	v0 =	vsub.f32 v56, v0;
	v25 =	vld.idx.msk [tilespmem:v7+s17+$0x0], $0xffff  }
0x500: {  	v3 =	vmul.f32 @p1 v3, v4;
	v4 =	vld.idx.msk [tilespmem:v9+s13+$0x0], $0xffff;
	v2 =	vmul.f32 v2, v16  }
0x501: {  	[tilespmem:s2+$0xC320] =	vst @p0 v8;
	v5 =	vmov @p1 v13;
	v13 =	vsub.f32 v55, v62;
	v9 =	vpsel p1, v12, v0;
	v11 =	vld.idx.msk [tilespmem:v11+s13+$0x0], $0xffff  }
0x502: {  	v8 =	vmovc @p1 v14;
	v10 =	vpsel p1, v10, v0;
	v5 =	vpsel p1, v5, v0;
	v2 =	vadd.f32 v2, v6  }
0x503: {  	v8 =	vpsel p1, v8, v0;
	v7 =	vld.idx.msk [tilespmem:v7+s13+$0x0], $0xffff;
	v9 =	vadd.f32 @p1 v10, v9;
	v6 =	vpsel p1, v15, v0  }
0x504: {  	s0 =	smov.u32 @p1 s0;
	v3 =	vpsel p1, v3, v0;
	v0 =	vmul.f32 v0, v17;
	[tilespmem:s28+$0xC330] =	vst v2;
	v2 =	vadd.f32 @p1 v6, v5  }
0x505: {  	v3 =	vadd.f32 @p1 v3, v8;
	[tilespmem:s0+$0xC300] =	vst @p1 v9;
	v5 =	vmul.f32 v63, v20  }
0x506: {  	s1 =	simm.s32 $0x1;
	p0 =	por $0x0, $0x0;
	v0 =	vadd.f32 v0, v11;
	[tilespmem:s0+$0xC310] =	vst @p1 v2;
	v2 =	vmul.f32 v13, v25  }
0x507: {  	s1 =	simm.s32 @!p0 $0x0;
	[tilespmem:s0+$0xC320] =	vst @p1 v3;
	v4 =	vadd.f32 v5, v4  }
0x508: {  	s31 =	sshll.u32 s1, $0x6;
	[tilespmem:s28+$0xC310] =	vst v0;
	v2 =	vadd.f32 v2, v7  }
0x509: {  	s29 =	sadd.s32 $0x0, s31;
	[tilespmem:s28+$0xC300] =	vst v4  }
0x50a: {  	s6 =	sor.u32 $0x230, s29;
	[tilespmem:s28+$0xC320] =	vst v2  }
0x50b: {  	s9 =	sor.u32 $0x200, s29;
	v0 =	vld [tilespmem:s6+$0x4180]  }
0x50c: {  	s12 =	sor.u32 $0x210, s29;
	v2 =	vld [tilespmem:s9+$0x4180]  }
0x50d: {  	s22 =	sor.u32 $0x220, s29;
	v3 =	vld [tilespmem:s12+$0x4180]  }
0x50e: {  	v4 =	vld [tilespmem:s22+$0x4180]  }
0x50f: {  	p2 =	por $0x1, $0x1  }
.Ltmp41:
0x510: {  	v0 =	vadd.f32 $3.000000000e+00, v0;
	(pc) =	sbr.rel @!p2 .LBB2_79-.Ltmp41, $4  }
0x511: {  	_ = 	snop  }
0x512: {  	v2 =	vadd.f32 $3.000000000e+00, v2;
	v3 =	vadd.f32 $3.000000000e+00, v3;
	v58 =	vmul.f32 $2.116666600e+01, v0  }
0x513: {  	v7 =	vadd.f32 $3.000000000e+00, v4  }
0x514: {  	p1 =	por !p0, !p0;
	v55 =	vmul.f32 $2.116666600e+01, v2;
	v56 =	vmul.f32 $2.116666600e+01, v3;
	v11 =	vmax.f32 v58, $0.0e+00  }
0x515: {  	s0 =	simm.s32 $0x1  }
0x516: {  	s0 =	simm.s32 @!p1 $0x0  }
0x517: {  	v0 =	vmin.f32 v11, $1.260000000e+02;
	s0 =	sshll.u32 s0, $0x6  }
0x518: {  	v2 =	vmul.f32 $2.116666600e+01, v7;
	v3 =	vmax.f32 v55, $0.0e+00;
	v0 =	vtrunc.f32 v0;
	s0 =	sadd.s32 $0x200, s0  }
0x519: {  	v4 =	vmax.f32 v56, $0.0e+00;
	v0 =	vcvt.f32.s32 v0;
	v3 =	vmin.f32 v3, $1.260000000e+02;
	s2 =	sor.u32 $0x230, s0  }
0x51a: {  	v5 =	vmax.f32 v2, $0.0e+00;
	v4 =	vmin.f32 v4, $1.260000000e+02;
	v3 =	vtrunc.f32 v3;
	s28 =	sor.u32 $0x200, s0;
	v6 =	vld [tilespmem:s2+$0x4180]  }
0x51b: {  	v7 =	vmin.f32 v5, $1.260000000e+02;
	v4 =	vtrunc.f32 v4;
	s30 =	sor.u32 $0x210, s0;
	v5 =	vcvt.f32.s32 v3;
	v8 =	vld [tilespmem:s28+$0x4180]  }
0x51c: {  	s31 =	sor.u32 $0x220, s0;
	v3 =	vtrunc.f32 v7;
	v62 =	vcvt.f32.s32 v4;
	v7 =	vld [tilespmem:s30+$0x4180]  }
0x51d: {  	v61 =	vcvt.f32.s32 v3;
	v3 =	vld [tilespmem:s31+$0x4180];
	v4 =	vcvt.s32.f32 v5  }
0x51e: {  	p5 =	por $0x1, $0x1;
	v9 =	vcvt.s32.f32 v62  }
.Ltmp42:
0x51f: {  	v35 =	vld.idx.msk [tilespmem:v0+s17+$0x0], $0xffff;
	v59 =	vsub.f32 v55, v4;
	v4 =	vcvt.s32.f32 v61;
	v6 =	vadd.f32 $3.000000000e+00, v6;
	(pc) =	sbr.rel @!p5 .LBB2_81-.Ltmp42, $4  }
0x520: {  	v57 =	vsub.f32 v56, v9;
	v25 =	vld.idx.msk [tilespmem:v0+s13+$0x0], $0xffff;
	v0 =	vcvt.s32.f32 v0;
	v11 =	vadd.f32 $3.000000000e+00, v8  }
0x521: {  	v12 =	vadd.f32 $3.000000000e+00, v7;
	v10 =	vld.idx.msk [tilespmem:v5+s17+$0x0], $0xffff;
	v2 =	vsub.f32 v2, v4;
	v8 =	vmul.f32 $2.116666600e+01, v6  }
0x522: {  	v7 =	vadd.f32 $3.000000000e+00, v3;
	v60 =	vld.idx.msk [tilespmem:v62+s17+$0x0], $0xffff;
	v9 =	vsub.f32 v58, v0  }
0x523: {  	p4 =	por !p1, !p1;
	p3 =	por $0x1, $0x1;
	v3 =	vld.idx.msk [tilespmem:v61+s17+$0x0], $0xffff;
	v55 =	vmul.f32 $2.116666600e+01, v11;
	v56 =	vmul.f32 $2.116666600e+01, v12;
	v11 =	vmax.f32 v8, $0.0e+00  }
0x524: {  	_ =	sdelay $0x1  }
0x525: {  	s0 =	simm.s32 $0x1  }
0x526: {  	v4 =	vmul.f32 $2.116666600e+01, v7;
	s0 =	simm.s32 @!p4 $0x0  }
0x527: {  	v0 =	vmin.f32 v11, $1.260000000e+02;
	v63 =	vld.idx.msk [tilespmem:v5+s13+$0x0], $0xffff;
	v6 =	vmul.f32 v9, v35;
	v5 =	vmax.f32 v55, $0.0e+00;
	s0 =	sshll.u32 s0, $0x6  }
0x528: {  	v15 =	vld.idx.msk [tilespmem:v62+s13+$0x0], $0xffff;
	v7 =	vmax.f32 v56, $0.0e+00;
	v0 =	vtrunc.f32 v0;
	v9 =	vmax.f32 v4, $0.0e+00;
	s0 =	sadd.s32 $0x400, s0  }
0x529: {  	v20 =	vld.idx.msk [tilespmem:v61+s13+$0x0], $0xffff;
	v11 =	vcvt.f32.s32 v0;
	v0 =	vmin.f32 v5, $1.260000000e+02;
	v5 =	vmin.f32 v7, $1.260000000e+02;
	s11 =	sor.u32 $0x230, s0  }
0x52a: {  	v30 =	vmul.f32 v59, v10;
	v7 =	vmin.f32 v9, $1.260000000e+02;
	v0 =	vtrunc.f32 v0;
	s15 =	sor.u32 $0x200, s0;
	v9 =	vld [tilespmem:s11+$0x4180]  }
0x52b: {  	v12 =	vtrunc.f32 v5;
	s1 =	sor.u32 $0x210, s0;
	v5 =	vcvt.f32.s32 v0;
	v13 =	vld [tilespmem:s15+$0x4180]  }
0x52c: {  	v6 =	vadd.f32 v6, v25;
	v0 =	vtrunc.f32 v7;
	s5 =	sor.u32 $0x220, s0;
	v62 =	vcvt.f32.s32 v12;
	v7 =	vld [tilespmem:s1+$0x4180]  }
0x52d: {  	v16 =	vcvt.s32.f32 v11;
	v61 =	vcvt.f32.s32 v0;
	v12 =	vld [tilespmem:s5+$0x4180]  }
0x52e: {  	p6 =	por $0x1, $0x1;
	[tilespmem:s6+$0xC180] =	vst v6;
	v6 =	vmul.f32 v2, v3;
	v0 =	vcvt.s32.f32 v5  }
.Ltmp43:
0x52f: {  	v10 =	vcvt.s32.f32 v62;
	v14 =	vcvt.s32.f32 v61;
	v35 =	vld.idx.msk [tilespmem:v11+s17+$0x0], $0xffff;
	v9 =	vadd.f32 $3.000000000e+00, v9;
	(pc) =	sbr.rel @!p6 .LBB2_83-.Ltmp43, $4  }
0x530: {  	v59 =	vsub.f32 v55, v0;
	v0 =	vmul.f32 v57, v60;
	v25 =	vld.idx.msk [tilespmem:v11+s13+$0x0], $0xffff;
	v13 =	vadd.f32 $3.000000000e+00, v13  }
0x531: {  	v57 =	vsub.f32 v56, v10;
	v11 =	vadd.f32 $3.000000000e+00, v7;
	v10 =	vld.idx.msk [tilespmem:v5+s17+$0x0], $0xffff;
	v58 =	vmul.f32 $2.116666600e+01, v9  }
0x532: {  	s23 =	simm.s32 $0x80;
	v4 =	vsub.f32 v4, v14;
	v7 =	vadd.f32 $3.000000000e+00, v12;
	v60 =	vld.idx.msk [tilespmem:v62+s17+$0x0], $0xffff;
	v55 =	vmul.f32 $2.116666600e+01, v13  }
0x533: {  	p5 =	por !p4, !p4;
	p4 =	por $0x1, $0x1;
	s0 =	simm.s32 $0x400;
	v9 =	vsub.f32 v8, v16;
	v56 =	vmul.f32 $2.116666600e+01, v11;
	v8 =	vld.idx.msk [tilespmem:v61+s17+$0x0], $0xffff;
	v11 =	vmax.f32 v58, $0.0e+00  }
.LBB2_84:
0x534: {  	s3 =	simm.s32 $0x1  }
0x535: {  	s23 =	sadd.s32 $0x40, s23;
	v2 =	vmul.f32 $2.116666600e+01, v7;
	v3 =	vmin.f32 v11, $1.260000000e+02;
	v7 =	vld.idx.msk [tilespmem:v5+s13+$0x0], $0xffff;
	v5 =	vmul.f32 v9, v35;
	s3 =	simm.s32 @!p5 $0x0  }
0x536: {  	v9 =	vmax.f32 v55, $0.0e+00;
	s0 =	sadd.s32 $0x200, s0;
	p6 =	slt.u32 s23, $0x7C0;
	v11 =	vmax.f32 v56, $0.0e+00;
	v3 =	vtrunc.f32 v3;
	s3 =	sshll.u32 s3, $0x6;
	v12 =	vld.idx.msk [tilespmem:v62+s13+$0x0], $0xffff  }
0x537: {  	v13 =	vmax.f32 v2, $0.0e+00;
	v3 =	vcvt.f32.s32 v3;
	v5 =	vadd.f32 v5, v25;
	s3 =	sadd.s32 s3, s0;
	v14 =	vld.idx.msk [tilespmem:v61+s13+$0x0], $0xffff  }
0x538: {  	v9 =	vmin.f32 v9, $1.260000000e+02;
	v11 =	vmin.f32 v11, $1.260000000e+02;
	v13 =	vmin.f32 v13, $1.260000000e+02;
	s6 =	sor.u32 $0x200, s3;
	s14 =	sor.u32 $0x210, s3;
	s18 =	sor.u32 $0x230, s3  }
0x539: {  	v17 =	vadd.f32 v30, v63;
	v9 =	vtrunc.f32 v9;
	v11 =	vtrunc.f32 v11;
	s3 =	sor.u32 $0x220, s3;
	v16 =	vld [tilespmem:s18+$0x4180];
	[tilespmem:s2+$0xC180] =	vst v5;
	s2 =	smov.u32 s11;
	s11 =	smov.u32 s18  }
0x53a: {  	v0 =	vadd.f32 v0, v15;
	v5 =	vcvt.f32.s32 v9;
	v9 =	vtrunc.f32 v13;
	v25 =	vld [tilespmem:s6+$0x4180]  }
0x53b: {  	v6 =	vadd.f32 v6, v20;
	v62 =	vcvt.f32.s32 v11;
	v63 =	vmovc v7;
	v61 =	vcvt.f32.s32 v9;
	v13 =	vld [tilespmem:s14+$0x4180];
	[tilespmem:s9+$0xC180] =	vst v17;
	s9 =	smov.u32 s28;
	s28 =	smov.u32 s15;
	s15 =	smov.u32 s6  }
0x53c: {  	v30 =	vmul.f32 v59, v10;
	v9 =	vcvt.s32.f32 v5;
	v15 =	vmov v12;
	v7 =	vld [tilespmem:s3+$0x4180];
	[tilespmem:s12+$0xC180] =	vst v0;
	s12 =	smov.u32 s30;
	s30 =	smov.u32 s1;
	s1 =	smov.u32 s14  }
0x53d: {  	v10 =	vcvt.s32.f32 v62;
	v11 =	vcvt.s32.f32 v61;
	v20 =	vmov v14;
	v35 =	vld.idx.msk [tilespmem:v3+s17+$0x0], $0xffff;
	[tilespmem:s22+$0xC180] =	vst v6;
	s22 =	smov.u32 s31;
	s31 =	smov.u32 s5;
	s5 =	smov.u32 s3  }
.Ltmp44:
0x53e: {  	v0 =	vmul.f32 v57, v60;
	v59 =	vsub.f32 v55, v9;
	v6 =	vadd.f32 $3.000000000e+00, v16;
	(pc) =	sbr.rel @p6 .LBB2_84-.Ltmp44, $4  }
0x53f: {  	v12 =	vcvt.s32.f32 v3;
	v57 =	vsub.f32 v56, v10;
	v9 =	vadd.f32 $3.000000000e+00, v25;
	v25 =	vld.idx.msk [tilespmem:v3+s13+$0x0], $0xffff  }
0x540: {  	v2 =	vsub.f32 v2, v11;
	v3 =	vadd.f32 $3.000000000e+00, v13;
	v13 =	vmul.f32 $2.116666600e+01, v6;
	v10 =	vld.idx.msk [tilespmem:v5+s17+$0x0], $0xffff  }
0x541: {  	v55 =	vmul.f32 $2.116666600e+01, v9;
	v7 =	vadd.f32 $3.000000000e+00, v7;
	v60 =	vld.idx.msk [tilespmem:v62+s17+$0x0], $0xffff;
	v9 =	vsub.f32 v58, v12  }
0x542: {  	p5 =	por !p5, !p5;
	v6 =	vmul.f32 v4, v8;
	v4 =	vmovc v2;
	v56 =	vmul.f32 $2.116666600e+01, v3;
	v11 =	vmax.f32 v13, $0.0e+00;
	v8 =	vld.idx.msk [tilespmem:v61+s17+$0x0], $0xffff;
	v58 =	vmovc v13  }
0x543: {  	_ = 	snop  }
0x544: {  	s14 =	smov.u32 s9;
	s3 =	smov.u32 s12  }
0x545: {  	s18 =	smov.u32 s22;
	s23 =	smov.u32 s2;
	s6 =	smov.u32 s11  }
0x546: {  	s0 =	smov.u32 s28;
	s9 =	smov.u32 s15;
	s11 =	smov.u32 s30  }
0x547: {  	s12 =	smov.u32 s1;
	s1 =	smov.u32 s31;
	s22 =	smov.u32 s5;
	v2 =	vmov v4;
	v3 =	vmov v8  }
.LBB2_86:
0x548: {  	v4 =	vmin.f32 v11, $1.260000000e+02  }
0x549: {  	v7 =	vmul.f32 $2.116666600e+01, v7;
	v8 =	vmax.f32 v55, $0.0e+00;
	v4 =	vtrunc.f32 v4  }
0x54a: {  	v11 =	vmax.f32 v56, $0.0e+00;
	v8 =	vmin.f32 v8, $1.260000000e+02;
	v4 =	vcvt.f32.s32 v4  }
0x54b: {  	v11 =	vmin.f32 v11, $1.260000000e+02;
	v8 =	vtrunc.f32 v8  }
0x54c: {  	v12 =	vmax.f32 v7, $0.0e+00;
	v11 =	vtrunc.f32 v11;
	v8 =	vcvt.f32.s32 v8  }
0x54d: {  	v9 =	vmul.f32 @p3 v9, v35;
	v5 =	vld.idx.msk @p3 [tilespmem:v5+s13+$0x0], $0xffff;
	v12 =	vmin.f32 v12, $1.260000000e+02;
	v11 =	vcvt.f32.s32 v11  }
0x54e: {  	v13 =	vld.idx.msk @p3 [tilespmem:v62+s13+$0x0], $0xffff;
	v0 =	vadd.f32 @p4 v0, v15;
	v12 =	vtrunc.f32 v12  }
0x54f: {  	v14 =	vld.idx.msk @p3 [tilespmem:v61+s13+$0x0], $0xffff;
	v9 =	vadd.f32 @p3 v9, v25;
	v12 =	vcvt.f32.s32 v12  }
0x550: {  	v16 =	vadd.f32 @p4 v30, v63;
	[tilespmem:s3+$0xC180] =	vst @p4 v0;
	v0 =	vcvt.s32.f32 v11;
	v17 =	vld.idx.msk [tilespmem:v4+s17+$0x0], $0xffff  }
0x551: {  	v6 =	vadd.f32 @p4 v6, v20;
	[tilespmem:s23+$0xC180] =	vst @p3 v9;
	v9 =	vcvt.s32.f32 v4;
	v4 =	vld.idx.msk [tilespmem:v4+s13+$0x0], $0xffff  }
0x552: {  	[tilespmem:s14+$0xC180] =	vst @p4 v16;
	v0 =	vsub.f32 v56, v0;
	v16 =	vld.idx.msk [tilespmem:v8+s17+$0x0], $0xffff  }
0x553: {  	v10 =	vmul.f32 @p3 v59, v10;
	v2 =	vmul.f32 @p3 v2, v3;
	v63 =	vld.idx.msk [tilespmem:v11+s17+$0x0], $0xffff  }
0x554: {  	v61 =	vcvt.s32.f32 v8;
	v9 =	vsub.f32 v58, v9;
	v3 =	vpsel p3, v5, v0;
	v5 =	vld.idx.msk [tilespmem:v8+s13+$0x0], $0xffff  }
0x555: {  	[tilespmem:s18+$0xC180] =	vst @p4 v6;
	v25 =	vmul.f32 @p3 v57, v60;
	v6 =	vmov @p3 v14;
	v20 =	vcvt.s32.f32 v12;
	v30 =	vld.idx.msk [tilespmem:v12+s17+$0x0], $0xffff  }
0x556: {  	v62 =	vsub.f32 v55, v61;
	v8 =	vpsel p3, v10, v0;
	v11 =	vld.idx.msk [tilespmem:v11+s13+$0x0], $0xffff;
	v9 =	vmul.f32 v9, v17  }
0x557: {  	v7 =	vsub.f32 v7, v20;
	v10 =	vpsel p3, v13, v0;
	v3 =	vadd.f32 @p3 v8, v3;
	v12 =	vld.idx.msk [tilespmem:v12+s13+$0x0], $0xffff  }
0x558: {  	s0 =	smov.u32 @p3 s0;
	v6 =	vpsel p3, v6, v0;
	v2 =	vpsel p3, v2, v0;
	v4 =	vadd.f32 v9, v4  }
0x559: {  	v2 =	vadd.f32 @p3 v2, v6;
	[tilespmem:s0+$0xC180] =	vst @p3 v3;
	v9 =	vpsel p3, v25, v0;
	v0 =	vmul.f32 v0, v63  }
0x55a: {  	s2 =	smov.u32 @p3 s11;
	s0 =	smov.u32 @p3 s1;
	v3 =	vmul.f32 v7, v30;
	[tilespmem:s6+$0xC180] =	vst v4;
	v4 =	vadd.f32 @p3 v9, v10  }
0x55b: {  	s2 =	smov.u32 @p3 s2;
	[tilespmem:s0+$0xC180] =	vst @p3 v2;
	v8 =	vmul.f32 v62, v16;
	v0 =	vadd.f32 v0, v11  }
0x55c: {  	v2 =	vadd.f32 v3, v12;
	[tilespmem:s2+$0xC180] =	vst @p3 v4  }
0x55d: {  	v4 =	vadd.f32 v8, v5;
	[tilespmem:s12+$0xC180] =	vst v0  }
0x55e: {  	[tilespmem:s22+$0xC180] =	vst v2  }
0x55f: {  	s2 =	sor.u32 $0x2B0, s29;
	[tilespmem:s9+$0xC180] =	vst v4  }
0x560: {  	s28 =	sor.u32 $0x280, s29;
	v0 =	vld [tilespmem:s2+$0x4180]  }
0x561: {  	s30 =	sor.u32 $0x290, s29;
	v2 =	vld [tilespmem:s28+$0x4180]  }
0x562: {  	s29 =	sor.u32 $0x2A0, s29;
	v3 =	vld [tilespmem:s30+$0x4180]  }
0x563: {  	v4 =	vld [tilespmem:s29+$0x4180];
	_ =	sdelay $0x1  }
.Ltmp45:
0x564: {  	v0 =	vadd.f32 $3.000000000e+00, v0;
	(pc) =	sbr.rel @!p2 .LBB2_87-.Ltmp45, $4  }
0x565: {  	_ = 	snop  }
0x566: {  	v2 =	vadd.f32 $3.000000000e+00, v2;
	v3 =	vadd.f32 $3.000000000e+00, v3;
	v58 =	vmul.f32 $2.116666600e+01, v0  }
0x567: {  	v7 =	vadd.f32 $3.000000000e+00, v4  }
0x568: {  	v55 =	vmul.f32 $2.116666600e+01, v2;
	v56 =	vmul.f32 $2.116666600e+01, v3;
	v11 =	vmax.f32 v58, $0.0e+00  }
0x569: {  	s0 =	simm.s32 $0x1  }
0x56a: {  	s0 =	simm.s32 @!p1 $0x0  }
0x56b: {  	v0 =	vmin.f32 v11, $1.260000000e+02;
	s0 =	sshll.u32 s0, $0x6  }
0x56c: {  	v2 =	vmul.f32 $2.116666600e+01, v7;
	v3 =	vmax.f32 v55, $0.0e+00;
	v0 =	vtrunc.f32 v0;
	s0 =	sadd.s32 $0x200, s0  }
0x56d: {  	v4 =	vmax.f32 v56, $0.0e+00;
	v0 =	vcvt.f32.s32 v0;
	v3 =	vmin.f32 v3, $1.260000000e+02;
	s6 =	sor.u32 $0x2B0, s0  }
0x56e: {  	v5 =	vmax.f32 v2, $0.0e+00;
	v4 =	vmin.f32 v4, $1.260000000e+02;
	v3 =	vtrunc.f32 v3;
	s15 =	sor.u32 $0x280, s0;
	v6 =	vld [tilespmem:s6+$0x4180]  }
0x56f: {  	v7 =	vmin.f32 v5, $1.260000000e+02;
	v4 =	vtrunc.f32 v4;
	s1 =	sor.u32 $0x290, s0;
	v5 =	vcvt.f32.s32 v3;
	v8 =	vld [tilespmem:s15+$0x4180]  }
0x570: {  	s5 =	sor.u32 $0x2A0, s0;
	v3 =	vtrunc.f32 v7;
	v62 =	vcvt.f32.s32 v4;
	v7 =	vld [tilespmem:s1+$0x4180]  }
0x571: {  	v61 =	vcvt.f32.s32 v3;
	v3 =	vld [tilespmem:s5+$0x4180];
	v4 =	vcvt.s32.f32 v5  }
0x572: {  	p3 =	por $0x1, $0x1;
	v9 =	vcvt.s32.f32 v62  }
.Ltmp46:
0x573: {  	v35 =	vld.idx.msk [tilespmem:v0+s17+$0x0], $0xffff;
	v59 =	vsub.f32 v55, v4;
	v4 =	vcvt.s32.f32 v61;
	v6 =	vadd.f32 $3.000000000e+00, v6;
	(pc) =	sbr.rel @!p3 .LBB2_89-.Ltmp46, $4  }
0x574: {  	v57 =	vsub.f32 v56, v9;
	v25 =	vld.idx.msk [tilespmem:v0+s13+$0x0], $0xffff;
	v0 =	vcvt.s32.f32 v0;
	v10 =	vadd.f32 $3.000000000e+00, v8  }
0x575: {  	v11 =	vadd.f32 $3.000000000e+00, v7;
	v63 =	vld.idx.msk [tilespmem:v5+s17+$0x0], $0xffff;
	v2 =	vsub.f32 v2, v4;
	v8 =	vmul.f32 $2.116666600e+01, v6  }
0x576: {  	v7 =	vadd.f32 $3.000000000e+00, v3;
	v60 =	vld.idx.msk [tilespmem:v62+s17+$0x0], $0xffff;
	v9 =	vsub.f32 v58, v0  }
0x577: {  	p2 =	por !p1, !p1;
	p1 =	por $0x1, $0x1;
	v3 =	vld.idx.msk [tilespmem:v61+s17+$0x0], $0xffff;
	v55 =	vmul.f32 $2.116666600e+01, v10;
	v56 =	vmul.f32 $2.116666600e+01, v11;
	v11 =	vmax.f32 v8, $0.0e+00  }
0x578: {  	_ =	sdelay $0x1  }
0x579: {  	s0 =	simm.s32 $0x1  }
0x57a: {  	v4 =	vmul.f32 $2.116666600e+01, v7;
	s0 =	simm.s32 @!p2 $0x0  }
0x57b: {  	v0 =	vmin.f32 v11, $1.260000000e+02;
	v10 =	vld.idx.msk [tilespmem:v5+s13+$0x0], $0xffff;
	v6 =	vmul.f32 v9, v35;
	v5 =	vmax.f32 v55, $0.0e+00;
	s0 =	sshll.u32 s0, $0x6  }
0x57c: {  	v15 =	vld.idx.msk [tilespmem:v62+s13+$0x0], $0xffff;
	v7 =	vmax.f32 v56, $0.0e+00;
	v0 =	vtrunc.f32 v0;
	v9 =	vmax.f32 v4, $0.0e+00;
	s0 =	sadd.s32 $0x400, s0  }
0x57d: {  	v20 =	vld.idx.msk [tilespmem:v61+s13+$0x0], $0xffff;
	v11 =	vcvt.f32.s32 v0;
	v0 =	vmin.f32 v5, $1.260000000e+02;
	v5 =	vmin.f32 v7, $1.260000000e+02;
	s11 =	sor.u32 $0x2B0, s0  }
0x57e: {  	v30 =	vmul.f32 v59, v63;
	v7 =	vmin.f32 v9, $1.260000000e+02;
	v0 =	vtrunc.f32 v0;
	s9 =	sor.u32 $0x280, s0;
	v9 =	vld [tilespmem:s11+$0x4180]  }
0x57f: {  	v12 =	vtrunc.f32 v5;
	s12 =	sor.u32 $0x290, s0;
	v5 =	vcvt.f32.s32 v0;
	v13 =	vld [tilespmem:s9+$0x4180]  }
0x580: {  	v6 =	vadd.f32 v6, v25;
	v0 =	vtrunc.f32 v7;
	s22 =	sor.u32 $0x2A0, s0;
	v62 =	vcvt.f32.s32 v12;
	v7 =	vld [tilespmem:s12+$0x4180]  }
0x581: {  	v61 =	vcvt.f32.s32 v0;
	v12 =	vld [tilespmem:s22+$0x4180];
	v0 =	vcvt.s32.f32 v5  }
0x582: {  	p3 =	por $0x1, $0x1;
	[tilespmem:s2+$0xC180] =	vst v6;
	v6 =	vmul.f32 v2, v3;
	v14 =	vcvt.s32.f32 v62  }
.Ltmp47:
0x583: {  	v16 =	vcvt.s32.f32 v61;
	v59 =	vsub.f32 v55, v0;
	v35 =	vld.idx.msk [tilespmem:v11+s17+$0x0], $0xffff;
	v9 =	vadd.f32 $3.000000000e+00, v9;
	(pc) =	sbr.rel @!p3 .LBB2_91-.Ltmp47, $4  }
0x584: {  	v0 =	vmul.f32 v57, v60;
	v57 =	vsub.f32 v56, v14;
	v25 =	vld.idx.msk [tilespmem:v11+s13+$0x0], $0xffff;
	v13 =	vadd.f32 $3.000000000e+00, v13  }
0x585: {  	v14 =	vcvt.s32.f32 v11;
	v11 =	vadd.f32 $3.000000000e+00, v7;
	v63 =	vld.idx.msk [tilespmem:v5+s17+$0x0], $0xffff;
	v58 =	vmul.f32 $2.116666600e+01, v9  }
0x586: {  	s23 =	simm.s32 $0x80;
	v4 =	vsub.f32 v4, v16;
	v7 =	vadd.f32 $3.000000000e+00, v12;
	v60 =	vld.idx.msk [tilespmem:v62+s17+$0x0], $0xffff;
	v55 =	vmul.f32 $2.116666600e+01, v13  }
0x587: {  	p0 =	por $0x1, $0x1;
	p2 =	por !p2, !p2;
	s0 =	simm.s32 $0x400;
	v9 =	vsub.f32 v8, v14;
	v56 =	vmul.f32 $2.116666600e+01, v11;
	v8 =	vld.idx.msk [tilespmem:v61+s17+$0x0], $0xffff;
	v11 =	vmax.f32 v58, $0.0e+00  }
.LBB2_92:
0x588: {  	s2 =	simm.s32 $0x1  }
0x589: {  	s23 =	sadd.s32 $0x40, s23;
	v2 =	vmul.f32 $2.116666600e+01, v7;
	v3 =	vmin.f32 v11, $1.260000000e+02;
	v7 =	vld.idx.msk [tilespmem:v5+s13+$0x0], $0xffff;
	v5 =	vmul.f32 v9, v35;
	s2 =	simm.s32 @!p2 $0x0  }
0x58a: {  	v9 =	vmax.f32 v55, $0.0e+00;
	s0 =	sadd.s32 $0x200, s0;
	p3 =	slt.u32 s23, $0x7C0;
	v11 =	vmax.f32 v56, $0.0e+00;
	v3 =	vtrunc.f32 v3;
	s2 =	sshll.u32 s2, $0x6;
	v12 =	vld.idx.msk [tilespmem:v62+s13+$0x0], $0xffff  }
0x58b: {  	v13 =	vmax.f32 v2, $0.0e+00;
	v3 =	vcvt.f32.s32 v3;
	v5 =	vadd.f32 v5, v25;
	s2 =	sadd.s32 s2, s0;
	v14 =	vld.idx.msk [tilespmem:v61+s13+$0x0], $0xffff  }
0x58c: {  	v9 =	vmin.f32 v9, $1.260000000e+02;
	v11 =	vmin.f32 v11, $1.260000000e+02;
	v13 =	vmin.f32 v13, $1.260000000e+02;
	s3 =	sor.u32 $0x280, s2;
	s14 =	sor.u32 $0x290, s2;
	s18 =	sor.u32 $0x2B0, s2  }
0x58d: {  	v9 =	vtrunc.f32 v9;
	v25 =	vadd.f32 v30, v10;
	v11 =	vtrunc.f32 v11;
	s2 =	sor.u32 $0x2A0, s2;
	v16 =	vld [tilespmem:s18+$0x4180];
	[tilespmem:s6+$0xC180] =	vst v5  }
0x58e: {  	v0 =	vadd.f32 v0, v15;
	v5 =	vcvt.f32.s32 v9;
	v9 =	vtrunc.f32 v13;
	s6 =	smov.u32 s11;
	s11 =	smov.u32 s18;
	v17 =	vld [tilespmem:s3+$0x4180]  }
0x58f: {  	v6 =	vadd.f32 v6, v20;
	v62 =	vcvt.f32.s32 v11;
	v10 =	vmovc v7;
	v61 =	vcvt.f32.s32 v9;
	v13 =	vld [tilespmem:s14+$0x4180];
	[tilespmem:s28+$0xC180] =	vst v25;
	s28 =	smov.u32 s15;
	s15 =	smov.u32 s9;
	s9 =	smov.u32 s3  }
0x590: {  	v30 =	vmul.f32 v59, v63;
	v9 =	vcvt.s32.f32 v5;
	v15 =	vmov v12;
	v7 =	vld [tilespmem:s2+$0x4180];
	[tilespmem:s30+$0xC180] =	vst v0;
	s30 =	smov.u32 s1;
	s1 =	smov.u32 s12;
	s12 =	smov.u32 s14  }
0x591: {  	v11 =	vcvt.s32.f32 v62;
	v12 =	vcvt.s32.f32 v61;
	v20 =	vmov v14;
	v35 =	vld.idx.msk [tilespmem:v3+s17+$0x0], $0xffff;
	[tilespmem:s29+$0xC180] =	vst v6;
	s29 =	smov.u32 s5;
	s5 =	smov.u32 s22;
	s22 =	smov.u32 s2  }
.Ltmp48:
0x592: {  	v0 =	vmul.f32 v57, v60;
	v59 =	vsub.f32 v55, v9;
	v6 =	vadd.f32 $3.000000000e+00, v16;
	(pc) =	sbr.rel @p3 .LBB2_92-.Ltmp48, $4  }
0x593: {  	v57 =	vsub.f32 v56, v11;
	v11 =	vcvt.s32.f32 v3;
	v9 =	vadd.f32 $3.000000000e+00, v17;
	v25 =	vld.idx.msk [tilespmem:v3+s13+$0x0], $0xffff  }
0x594: {  	v2 =	vsub.f32 v2, v12;
	v3 =	vadd.f32 $3.000000000e+00, v13;
	v13 =	vmul.f32 $2.116666600e+01, v6;
	v63 =	vld.idx.msk [tilespmem:v5+s17+$0x0], $0xffff  }
0x595: {  	v55 =	vmul.f32 $2.116666600e+01, v9;
	v7 =	vadd.f32 $3.000000000e+00, v7;
	v60 =	vld.idx.msk [tilespmem:v62+s17+$0x0], $0xffff;
	v9 =	vsub.f32 v58, v11  }
0x596: {  	p2 =	por !p2, !p2;
	v6 =	vmul.f32 v4, v8;
	v4 =	vmovc v2;
	v56 =	vmul.f32 $2.116666600e+01, v3;
	v11 =	vmax.f32 v13, $0.0e+00;
	v8 =	vld.idx.msk [tilespmem:v61+s17+$0x0], $0xffff;
	v58 =	vmovc v13  }
0x597: {  	_ = 	snop  }
0x598: {  	s14 =	smov.u32 s28;
	s3 =	smov.u32 s30  }
0x599: {  	s18 =	smov.u32 s29;
	s23 =	smov.u32 s6;
	s2 =	smov.u32 s11  }
0x59a: {  	s0 =	smov.u32 s15;
	s28 =	smov.u32 s9;
	s9 =	smov.u32 s1  }
0x59b: {  	s30 =	smov.u32 s12;
	s11 =	smov.u32 s5;
	s29 =	smov.u32 s22;
	v2 =	vmov v4;
	v3 =	vmov v8  }
.LBB2_94:
0x59c: {  	v4 =	vmin.f32 v11, $1.260000000e+02  }
0x59d: {  	v4 =	vtrunc.f32 v4  }
0x59e: {  	v8 =	vmax.f32 v55, $0.0e+00;
	v4 =	vcvt.f32.s32 v4  }
0x59f: {  	v7 =	vmul.f32 $2.116666600e+01, v7;
	v11 =	vmax.f32 v56, $0.0e+00;
	v8 =	vmin.f32 v8, $1.260000000e+02  }
0x5a0: {  	v9 =	vmul.f32 @p1 v9, v35;
	v11 =	vmin.f32 v11, $1.260000000e+02;
	v8 =	vtrunc.f32 v8  }
0x5a1: {  	v12 =	vmax.f32 v7, $0.0e+00;
	v11 =	vtrunc.f32 v11;
	v8 =	vcvt.f32.s32 v8  }
0x5a2: {  	v5 =	vld.idx.msk @p1 [tilespmem:v5+s13+$0x0], $0xffff;
	v12 =	vmin.f32 v12, $1.260000000e+02;
	v11 =	vcvt.f32.s32 v11  }
0x5a3: {  	v14 =	vld.idx.msk @p1 [tilespmem:v61+s13+$0x0], $0xffff;
	v9 =	vadd.f32 @p1 v9, v25;
	v12 =	vtrunc.f32 v12  }
0x5a4: {  	v0 =	vadd.f32 @p0 v0, v15;
	v12 =	vcvt.f32.s32 v12;
	v16 =	vld.idx.msk [tilespmem:v4+s17+$0x0], $0xffff  }
0x5a5: {  	v13 =	vld.idx.msk @p1 [tilespmem:v62+s13+$0x0], $0xffff;
	v6 =	vadd.f32 @p0 v6, v20;
	[tilespmem:s23+$0xC180] =	vst @p1 v9;
	v9 =	vcvt.s32.f32 v4  }
0x5a6: {  	v10 =	vadd.f32 @p0 v30, v10;
	[tilespmem:s3+$0xC180] =	vst @p0 v0;
	v0 =	vcvt.s32.f32 v11;
	v4 =	vld.idx.msk [tilespmem:v4+s13+$0x0], $0xffff  }
0x5a7: {  	v15 =	vmul.f32 @p1 v59, v63;
	v2 =	vmul.f32 @p1 v2, v3;
	v9 =	vsub.f32 v58, v9;
	v17 =	vld.idx.msk [tilespmem:v8+s17+$0x0], $0xffff  }
0x5a8: {  	[tilespmem:s14+$0xC180] =	vst @p0 v10;
	v10 =	vcvt.s32.f32 v8;
	v20 =	vcvt.s32.f32 v12;
	v0 =	vsub.f32 v56, v0;
	v63 =	vld.idx.msk [tilespmem:v11+s17+$0x0], $0xffff  }
0x5a9: {  	[tilespmem:s18+$0xC180] =	vst @p0 v6;
	v25 =	vmul.f32 @p1 v57, v60;
	v6 =	vmov @p1 v14;
	v11 =	vld.idx.msk [tilespmem:v11+s13+$0x0], $0xffff;
	v9 =	vmul.f32 v9, v16  }
0x5aa: {  	v10 =	vsub.f32 v55, v10;
	v7 =	vsub.f32 v7, v20;
	v3 =	vpsel p1, v5, v0;
	v30 =	vld.idx.msk [tilespmem:v12+s17+$0x0], $0xffff  }
0x5ab: {  	v5 =	vld.idx.msk [tilespmem:v8+s13+$0x0], $0xffff;
	v8 =	vpsel p1, v15, v0;
	v13 =	vpsel p1, v13, v0;
	v4 =	vadd.f32 v9, v4  }
0x5ac: {  	v6 =	vpsel p1, v6, v0;
	v3 =	vadd.f32 @p1 v8, v3;
	v12 =	vld.idx.msk [tilespmem:v12+s13+$0x0], $0xffff;
	v9 =	vpsel p1, v25, v0  }
0x5ad: {  	s1 =	smov.u32 @p1 s9;
	s0 =	smov.u32 @p1 s0;
	v2 =	vpsel p1, v2, v0;
	v0 =	vmul.f32 v0, v63;
	[tilespmem:s2+$0xC180] =	vst v4;
	v4 =	vadd.f32 @p1 v9, v13  }
0x5ae: {  	s1 =	smov.u32 @p1 s1;
	v2 =	vadd.f32 @p1 v2, v6;
	[tilespmem:s0+$0xC180] =	vst @p1 v3;
	v8 =	vmul.f32 v10, v17;
	s2 =	smov.u32 @p1 s11  }
0x5af: {  	p0 =	por $0x0, $0x0;
	v3 =	vmul.f32 v7, v30;
	v0 =	vadd.f32 v0, v11;
	s0 =	smov.u32 @p1 s2;
	[tilespmem:s1+$0xC180] =	vst @p1 v4;
	s1 =	simm.s32 $0x1  }
0x5b0: {  	v4 =	vadd.f32 v8, v5;
	[tilespmem:s0+$0xC180] =	vst @p1 v2;
	s1 =	simm.s32 @!p0 $0x0  }
0x5b1: {  	v2 =	vadd.f32 v3, v12;
	[tilespmem:s30+$0xC180] =	vst v0;
	s23 =	sshll.u32 s1, $0x6  }
0x5b2: {  	[tilespmem:s28+$0xC180] =	vst v4;
	s28 =	sadd.s32 $0x0, s23  }
0x5b3: {  	[tilespmem:s29+$0xC180] =	vst v2;
	s2 =	sor.u32 $0x330, s28  }
0x5b4: {  	s29 =	sor.u32 $0x300, s28;
	v0 =	vld [tilespmem:s2+$0x4180]  }
0x5b5: {  	s30 =	sor.u32 $0x310, s28;
	v2 =	vld [tilespmem:s29+$0x4180]  }
0x5b6: {  	s31 =	sor.u32 $0x320, s28;
	v3 =	vld [tilespmem:s30+$0x4180]  }
0x5b7: {  	v4 =	vld [tilespmem:s31+$0x4180]  }
0x5b8: {  	p2 =	por $0x1, $0x1  }
.Ltmp49:
0x5b9: {  	v0 =	vadd.f32 $3.000000000e+00, v0;
	(pc) =	sbr.rel @!p2 .LBB2_95-.Ltmp49, $4  }
0x5ba: {  	_ = 	snop  }
0x5bb: {  	v2 =	vadd.f32 $3.000000000e+00, v2;
	v3 =	vadd.f32 $3.000000000e+00, v3;
	v58 =	vmul.f32 $2.116666600e+01, v0  }
0x5bc: {  	v7 =	vadd.f32 $3.000000000e+00, v4  }
0x5bd: {  	p1 =	por !p0, !p0;
	v55 =	vmul.f32 $2.116666600e+01, v2;
	v56 =	vmul.f32 $2.116666600e+01, v3;
	v11 =	vmax.f32 v58, $0.0e+00  }
0x5be: {  	s0 =	simm.s32 $0x1  }
0x5bf: {  	s0 =	simm.s32 @!p1 $0x0  }
0x5c0: {  	v0 =	vmin.f32 v11, $1.260000000e+02;
	s0 =	sshll.u32 s0, $0x6  }
0x5c1: {  	v2 =	vmul.f32 $2.116666600e+01, v7;
	v3 =	vmax.f32 v55, $0.0e+00;
	v0 =	vtrunc.f32 v0;
	s0 =	sadd.s32 $0x200, s0  }
0x5c2: {  	v4 =	vmax.f32 v56, $0.0e+00;
	v0 =	vcvt.f32.s32 v0;
	v3 =	vmin.f32 v3, $1.260000000e+02;
	s6 =	sor.u32 $0x330, s0  }
0x5c3: {  	v5 =	vmax.f32 v2, $0.0e+00;
	v4 =	vmin.f32 v4, $1.260000000e+02;
	v3 =	vtrunc.f32 v3;
	s15 =	sor.u32 $0x300, s0;
	v6 =	vld [tilespmem:s6+$0x4180]  }
0x5c4: {  	v7 =	vmin.f32 v5, $1.260000000e+02;
	v4 =	vtrunc.f32 v4;
	s1 =	sor.u32 $0x310, s0;
	v5 =	vcvt.f32.s32 v3;
	v8 =	vld [tilespmem:s15+$0x4180]  }
0x5c5: {  	s5 =	sor.u32 $0x320, s0;
	v3 =	vtrunc.f32 v7;
	v62 =	vcvt.f32.s32 v4;
	v7 =	vld [tilespmem:s1+$0x4180]  }
0x5c6: {  	v61 =	vcvt.f32.s32 v3;
	v3 =	vld [tilespmem:s5+$0x4180];
	v4 =	vcvt.s32.f32 v5  }
0x5c7: {  	p5 =	por $0x1, $0x1;
	v9 =	vcvt.s32.f32 v62  }
.Ltmp50:
0x5c8: {  	v35 =	vld.idx.msk [tilespmem:v0+s17+$0x0], $0xffff;
	v59 =	vsub.f32 v55, v4;
	v4 =	vcvt.s32.f32 v61;
	v6 =	vadd.f32 $3.000000000e+00, v6;
	(pc) =	sbr.rel @!p5 .LBB2_97-.Ltmp50, $4  }
0x5c9: {  	v57 =	vsub.f32 v56, v9;
	v25 =	vld.idx.msk [tilespmem:v0+s13+$0x0], $0xffff;
	v0 =	vcvt.s32.f32 v0;
	v11 =	vadd.f32 $3.000000000e+00, v8  }
0x5ca: {  	v12 =	vadd.f32 $3.000000000e+00, v7;
	v10 =	vld.idx.msk [tilespmem:v5+s17+$0x0], $0xffff;
	v2 =	vsub.f32 v2, v4;
	v8 =	vmul.f32 $2.116666600e+01, v6  }
0x5cb: {  	v7 =	vadd.f32 $3.000000000e+00, v3;
	v60 =	vld.idx.msk [tilespmem:v62+s17+$0x0], $0xffff;
	v9 =	vsub.f32 v58, v0  }
0x5cc: {  	p4 =	por !p1, !p1;
	p3 =	por $0x1, $0x1;
	v3 =	vld.idx.msk [tilespmem:v61+s17+$0x0], $0xffff;
	v55 =	vmul.f32 $2.116666600e+01, v11;
	v56 =	vmul.f32 $2.116666600e+01, v12;
	v11 =	vmax.f32 v8, $0.0e+00  }
0x5cd: {  	_ =	sdelay $0x1  }
0x5ce: {  	s0 =	simm.s32 $0x1  }
0x5cf: {  	v4 =	vmul.f32 $2.116666600e+01, v7;
	s0 =	simm.s32 @!p4 $0x0  }
0x5d0: {  	v0 =	vmin.f32 v11, $1.260000000e+02;
	v63 =	vld.idx.msk [tilespmem:v5+s13+$0x0], $0xffff;
	v6 =	vmul.f32 v9, v35;
	v5 =	vmax.f32 v55, $0.0e+00;
	s0 =	sshll.u32 s0, $0x6  }
0x5d1: {  	v15 =	vld.idx.msk [tilespmem:v62+s13+$0x0], $0xffff;
	v7 =	vmax.f32 v56, $0.0e+00;
	v0 =	vtrunc.f32 v0;
	v9 =	vmax.f32 v4, $0.0e+00;
	s0 =	sadd.s32 $0x400, s0  }
0x5d2: {  	v20 =	vld.idx.msk [tilespmem:v61+s13+$0x0], $0xffff;
	v11 =	vcvt.f32.s32 v0;
	v0 =	vmin.f32 v5, $1.260000000e+02;
	v5 =	vmin.f32 v7, $1.260000000e+02;
	s11 =	sor.u32 $0x330, s0  }
0x5d3: {  	v30 =	vmul.f32 v59, v10;
	v7 =	vmin.f32 v9, $1.260000000e+02;
	v0 =	vtrunc.f32 v0;
	s9 =	sor.u32 $0x300, s0;
	v9 =	vld [tilespmem:s11+$0x4180]  }
0x5d4: {  	v12 =	vtrunc.f32 v5;
	s12 =	sor.u32 $0x310, s0;
	v5 =	vcvt.f32.s32 v0;
	v13 =	vld [tilespmem:s9+$0x4180]  }
0x5d5: {  	v6 =	vadd.f32 v6, v25;
	v0 =	vtrunc.f32 v7;
	s22 =	sor.u32 $0x320, s0;
	v62 =	vcvt.f32.s32 v12;
	v7 =	vld [tilespmem:s12+$0x4180]  }
0x5d6: {  	v16 =	vcvt.s32.f32 v11;
	v61 =	vcvt.f32.s32 v0;
	v12 =	vld [tilespmem:s22+$0x4180]  }
0x5d7: {  	p6 =	por $0x1, $0x1;
	[tilespmem:s2+$0xC180] =	vst v6;
	v6 =	vmul.f32 v2, v3;
	v0 =	vcvt.s32.f32 v5  }
.Ltmp51:
0x5d8: {  	v10 =	vcvt.s32.f32 v62;
	v14 =	vcvt.s32.f32 v61;
	v35 =	vld.idx.msk [tilespmem:v11+s17+$0x0], $0xffff;
	v9 =	vadd.f32 $3.000000000e+00, v9;
	(pc) =	sbr.rel @!p6 .LBB2_99-.Ltmp51, $4  }
0x5d9: {  	v59 =	vsub.f32 v55, v0;
	v0 =	vmul.f32 v57, v60;
	v25 =	vld.idx.msk [tilespmem:v11+s13+$0x0], $0xffff;
	v13 =	vadd.f32 $3.000000000e+00, v13  }
0x5da: {  	v57 =	vsub.f32 v56, v10;
	v11 =	vadd.f32 $3.000000000e+00, v7;
	v10 =	vld.idx.msk [tilespmem:v5+s17+$0x0], $0xffff;
	v58 =	vmul.f32 $2.116666600e+01, v9  }
0x5db: {  	s23 =	simm.s32 $0x80;
	v4 =	vsub.f32 v4, v14;
	v7 =	vadd.f32 $3.000000000e+00, v12;
	v60 =	vld.idx.msk [tilespmem:v62+s17+$0x0], $0xffff;
	v55 =	vmul.f32 $2.116666600e+01, v13  }
0x5dc: {  	p5 =	por !p4, !p4;
	p4 =	por $0x1, $0x1;
	s0 =	simm.s32 $0x400;
	v9 =	vsub.f32 v8, v16;
	v56 =	vmul.f32 $2.116666600e+01, v11;
	v8 =	vld.idx.msk [tilespmem:v61+s17+$0x0], $0xffff;
	v11 =	vmax.f32 v58, $0.0e+00  }
.LBB2_100:
0x5dd: {  	s2 =	simm.s32 $0x1  }
0x5de: {  	s23 =	sadd.s32 $0x40, s23;
	v2 =	vmul.f32 $2.116666600e+01, v7;
	v3 =	vmin.f32 v11, $1.260000000e+02;
	v7 =	vld.idx.msk [tilespmem:v5+s13+$0x0], $0xffff;
	v5 =	vmul.f32 v9, v35;
	s2 =	simm.s32 @!p5 $0x0  }
0x5df: {  	v9 =	vmax.f32 v55, $0.0e+00;
	s0 =	sadd.s32 $0x200, s0;
	p6 =	slt.u32 s23, $0x7C0;
	v11 =	vmax.f32 v56, $0.0e+00;
	v3 =	vtrunc.f32 v3;
	s2 =	sshll.u32 s2, $0x6;
	v12 =	vld.idx.msk [tilespmem:v62+s13+$0x0], $0xffff  }
0x5e0: {  	v13 =	vmax.f32 v2, $0.0e+00;
	v3 =	vcvt.f32.s32 v3;
	v5 =	vadd.f32 v5, v25;
	s2 =	sadd.s32 s2, s0;
	v14 =	vld.idx.msk [tilespmem:v61+s13+$0x0], $0xffff  }
0x5e1: {  	v9 =	vmin.f32 v9, $1.260000000e+02;
	v11 =	vmin.f32 v11, $1.260000000e+02;
	v13 =	vmin.f32 v13, $1.260000000e+02;
	s3 =	sor.u32 $0x300, s2;
	s14 =	sor.u32 $0x310, s2;
	s18 =	sor.u32 $0x330, s2  }
0x5e2: {  	v17 =	vadd.f32 v30, v63;
	v9 =	vtrunc.f32 v9;
	v11 =	vtrunc.f32 v11;
	s2 =	sor.u32 $0x320, s2;
	v16 =	vld [tilespmem:s18+$0x4180];
	[tilespmem:s6+$0xC180] =	vst v5;
	s6 =	smov.u32 s11;
	s11 =	smov.u32 s18  }
0x5e3: {  	v0 =	vadd.f32 v0, v15;
	v5 =	vcvt.f32.s32 v9;
	v9 =	vtrunc.f32 v13;
	v25 =	vld [tilespmem:s3+$0x4180]  }
0x5e4: {  	v6 =	vadd.f32 v6, v20;
	v62 =	vcvt.f32.s32 v11;
	v63 =	vmovc v7;
	v61 =	vcvt.f32.s32 v9;
	v13 =	vld [tilespmem:s14+$0x4180];
	[tilespmem:s29+$0xC180] =	vst v17;
	s29 =	smov.u32 s15;
	s15 =	smov.u32 s9;
	s9 =	smov.u32 s3  }
0x5e5: {  	v30 =	vmul.f32 v59, v10;
	v9 =	vcvt.s32.f32 v5;
	v15 =	vmov v12;
	v7 =	vld [tilespmem:s2+$0x4180];
	[tilespmem:s30+$0xC180] =	vst v0;
	s30 =	smov.u32 s1;
	s1 =	smov.u32 s12;
	s12 =	smov.u32 s14  }
0x5e6: {  	v10 =	vcvt.s32.f32 v62;
	v11 =	vcvt.s32.f32 v61;
	v20 =	vmov v14;
	v35 =	vld.idx.msk [tilespmem:v3+s17+$0x0], $0xffff;
	[tilespmem:s31+$0xC180] =	vst v6;
	s31 =	smov.u32 s5;
	s5 =	smov.u32 s22;
	s22 =	smov.u32 s2  }
.Ltmp52:
0x5e7: {  	v0 =	vmul.f32 v57, v60;
	v59 =	vsub.f32 v55, v9;
	v6 =	vadd.f32 $3.000000000e+00, v16;
	(pc) =	sbr.rel @p6 .LBB2_100-.Ltmp52, $4  }
0x5e8: {  	v12 =	vcvt.s32.f32 v3;
	v57 =	vsub.f32 v56, v10;
	v9 =	vadd.f32 $3.000000000e+00, v25;
	v25 =	vld.idx.msk [tilespmem:v3+s13+$0x0], $0xffff  }
0x5e9: {  	v2 =	vsub.f32 v2, v11;
	v3 =	vadd.f32 $3.000000000e+00, v13;
	v13 =	vmul.f32 $2.116666600e+01, v6;
	v10 =	vld.idx.msk [tilespmem:v5+s17+$0x0], $0xffff  }
0x5ea: {  	v55 =	vmul.f32 $2.116666600e+01, v9;
	v7 =	vadd.f32 $3.000000000e+00, v7;
	v60 =	vld.idx.msk [tilespmem:v62+s17+$0x0], $0xffff;
	v9 =	vsub.f32 v58, v12  }
0x5eb: {  	p5 =	por !p5, !p5;
	v6 =	vmul.f32 v4, v8;
	v4 =	vmovc v2;
	v56 =	vmul.f32 $2.116666600e+01, v3;
	v11 =	vmax.f32 v13, $0.0e+00;
	v8 =	vld.idx.msk [tilespmem:v61+s17+$0x0], $0xffff;
	v58 =	vmovc v13  }
0x5ec: {  	_ = 	snop  }
0x5ed: {  	s14 =	smov.u32 s29;
	s3 =	smov.u32 s30  }
0x5ee: {  	s18 =	smov.u32 s31;
	s23 =	smov.u32 s6;
	s2 =	smov.u32 s11  }
0x5ef: {  	s0 =	smov.u32 s15;
	s29 =	smov.u32 s9;
	s9 =	smov.u32 s1  }
0x5f0: {  	s30 =	smov.u32 s12;
	s11 =	smov.u32 s5;
	s31 =	smov.u32 s22;
	v2 =	vmov v4;
	v3 =	vmov v8  }
.LBB2_102:
0x5f1: {  	v4 =	vmin.f32 v11, $1.260000000e+02  }
0x5f2: {  	v4 =	vtrunc.f32 v4  }
0x5f3: {  	v8 =	vmax.f32 v55, $0.0e+00;
	v4 =	vcvt.f32.s32 v4  }
0x5f4: {  	v7 =	vmul.f32 $2.116666600e+01, v7;
	v11 =	vmax.f32 v56, $0.0e+00;
	v8 =	vmin.f32 v8, $1.260000000e+02  }
0x5f5: {  	v9 =	vmul.f32 @p3 v9, v35;
	v11 =	vmin.f32 v11, $1.260000000e+02;
	v8 =	vtrunc.f32 v8  }
0x5f6: {  	v12 =	vmax.f32 v7, $0.0e+00;
	v11 =	vtrunc.f32 v11;
	v8 =	vcvt.f32.s32 v8  }
0x5f7: {  	v5 =	vld.idx.msk @p3 [tilespmem:v5+s13+$0x0], $0xffff;
	v12 =	vmin.f32 v12, $1.260000000e+02;
	v11 =	vcvt.f32.s32 v11  }
0x5f8: {  	v14 =	vld.idx.msk @p3 [tilespmem:v61+s13+$0x0], $0xffff;
	v9 =	vadd.f32 @p3 v9, v25;
	v12 =	vtrunc.f32 v12  }
0x5f9: {  	v0 =	vadd.f32 @p4 v0, v15;
	v12 =	vcvt.f32.s32 v12;
	v17 =	vld.idx.msk [tilespmem:v4+s17+$0x0], $0xffff  }
0x5fa: {  	v13 =	vld.idx.msk @p3 [tilespmem:v62+s13+$0x0], $0xffff;
	v16 =	vadd.f32 @p4 v30, v63;
	v6 =	vadd.f32 @p4 v6, v20;
	[tilespmem:s23+$0xC180] =	vst @p3 v9;
	v9 =	vcvt.s32.f32 v4  }
0x5fb: {  	v10 =	vmul.f32 @p3 v59, v10;
	[tilespmem:s3+$0xC180] =	vst @p4 v0;
	v0 =	vcvt.s32.f32 v11;
	v4 =	vld.idx.msk [tilespmem:v4+s13+$0x0], $0xffff  }
0x5fc: {  	v2 =	vmul.f32 @p3 v2, v3;
	[tilespmem:s14+$0xC180] =	vst @p4 v16;
	v9 =	vsub.f32 v58, v9;
	v16 =	vld.idx.msk [tilespmem:v8+s17+$0x0], $0xffff  }
0x5fd: {  	v61 =	vcvt.s32.f32 v8;
	v20 =	vcvt.s32.f32 v12;
	v0 =	vsub.f32 v56, v0;
	v63 =	vld.idx.msk [tilespmem:v11+s17+$0x0], $0xffff  }
0x5fe: {  	[tilespmem:s18+$0xC180] =	vst @p4 v6;
	v25 =	vmul.f32 @p3 v57, v60;
	v6 =	vmov @p3 v14;
	v11 =	vld.idx.msk [tilespmem:v11+s13+$0x0], $0xffff;
	v9 =	vmul.f32 v9, v17  }
0x5ff: {  	v62 =	vsub.f32 v55, v61;
	v7 =	vsub.f32 v7, v20;
	v3 =	vpsel p3, v5, v0;
	v30 =	vld.idx.msk [tilespmem:v12+s17+$0x0], $0xffff  }
0x600: {  	v5 =	vld.idx.msk [tilespmem:v8+s13+$0x0], $0xffff;
	v8 =	vpsel p3, v10, v0;
	v10 =	vpsel p3, v13, v0;
	v4 =	vadd.f32 v9, v4  }
0x601: {  	v6 =	vpsel p3, v6, v0;
	v3 =	vadd.f32 @p3 v8, v3;
	v12 =	vld.idx.msk [tilespmem:v12+s13+$0x0], $0xffff;
	v9 =	vpsel p3, v25, v0  }
0x602: {  	s1 =	smov.u32 @p3 s9;
	s0 =	smov.u32 @p3 s0;
	v2 =	vpsel p3, v2, v0;
	v0 =	vmul.f32 v0, v63;
	[tilespmem:s2+$0xC180] =	vst v4;
	v4 =	vadd.f32 @p3 v9, v10  }
0x603: {  	s1 =	smov.u32 @p3 s1;
	v2 =	vadd.f32 @p3 v2, v6;
	[tilespmem:s0+$0xC180] =	vst @p3 v3;
	v8 =	vmul.f32 v62, v16;
	s2 =	smov.u32 @p3 s11  }
0x604: {  	v3 =	vmul.f32 v7, v30;
	v0 =	vadd.f32 v0, v11;
	s0 =	smov.u32 @p3 s2;
	[tilespmem:s1+$0xC180] =	vst @p3 v4  }
0x605: {  	v4 =	vadd.f32 v8, v5;
	[tilespmem:s0+$0xC180] =	vst @p3 v2  }
0x606: {  	v2 =	vadd.f32 v3, v12;
	[tilespmem:s30+$0xC180] =	vst v0  }
0x607: {  	[tilespmem:s29+$0xC180] =	vst v4  }
0x608: {  	s2 =	sor.u32 $0x3B0, s28;
	[tilespmem:s31+$0xC180] =	vst v2  }
0x609: {  	s29 =	sor.u32 $0x380, s28;
	v0 =	vld [tilespmem:s2+$0x4180]  }
0x60a: {  	s30 =	sor.u32 $0x390, s28;
	v2 =	vld [tilespmem:s29+$0x4180]  }
0x60b: {  	s28 =	sor.u32 $0x3A0, s28;
	v3 =	vld [tilespmem:s30+$0x4180]  }
0x60c: {  	v4 =	vld [tilespmem:s28+$0x4180];
	_ =	sdelay $0x1  }
.Ltmp53:
0x60d: {  	v0 =	vadd.f32 $3.000000000e+00, v0;
	(pc) =	sbr.rel @!p2 .LBB2_103-.Ltmp53, $4  }
0x60e: {  	_ = 	snop  }
0x60f: {  	v2 =	vadd.f32 $3.000000000e+00, v2;
	v3 =	vadd.f32 $3.000000000e+00, v3;
	v58 =	vmul.f32 $2.116666600e+01, v0  }
0x610: {  	v7 =	vadd.f32 $3.000000000e+00, v4  }
0x611: {  	v55 =	vmul.f32 $2.116666600e+01, v2;
	v56 =	vmul.f32 $2.116666600e+01, v3;
	v11 =	vmax.f32 v58, $0.0e+00  }
0x612: {  	s0 =	simm.s32 $0x1  }
0x613: {  	s0 =	simm.s32 @!p1 $0x0  }
0x614: {  	v0 =	vmin.f32 v11, $1.260000000e+02;
	s0 =	sshll.u32 s0, $0x6  }
0x615: {  	v2 =	vmul.f32 $2.116666600e+01, v7;
	v3 =	vmax.f32 v55, $0.0e+00;
	v0 =	vtrunc.f32 v0;
	s0 =	sadd.s32 $0x200, s0  }
0x616: {  	v4 =	vmax.f32 v56, $0.0e+00;
	v0 =	vcvt.f32.s32 v0;
	v3 =	vmin.f32 v3, $1.260000000e+02;
	s6 =	sor.u32 $0x3B0, s0  }
0x617: {  	v5 =	vmax.f32 v2, $0.0e+00;
	v4 =	vmin.f32 v4, $1.260000000e+02;
	v3 =	vtrunc.f32 v3;
	s15 =	sor.u32 $0x380, s0;
	v6 =	vld [tilespmem:s6+$0x4180]  }
0x618: {  	v5 =	vmin.f32 v5, $1.260000000e+02;
	v4 =	vtrunc.f32 v4;
	s1 =	sor.u32 $0x390, s0;
	v10 =	vcvt.f32.s32 v3;
	v7 =	vld [tilespmem:s15+$0x4180]  }
0x619: {  	v3 =	vtrunc.f32 v5;
	v62 =	vcvt.f32.s32 v4;
	v5 =	vld [tilespmem:s1+$0x4180]  }
0x61a: {  	s5 =	sor.u32 $0x3A0, s0;
	v61 =	vcvt.f32.s32 v3;
	v4 =	vcvt.s32.f32 v10  }
0x61b: {  	p3 =	por $0x1, $0x1;
	v3 =	vld [tilespmem:s5+$0x4180]  }
.Ltmp54:
0x61c: {  	v8 =	vcvt.s32.f32 v62;
	v35 =	vld.idx.msk [tilespmem:v0+s17+$0x0], $0xffff;
	v59 =	vsub.f32 v55, v4;
	v6 =	vadd.f32 $3.000000000e+00, v6;
	(pc) =	sbr.rel @!p3 .LBB2_105-.Ltmp54, $4  }
0x61d: {  	v4 =	vcvt.s32.f32 v61;
	v25 =	vld.idx.msk [tilespmem:v0+s13+$0x0], $0xffff;
	v0 =	vcvt.s32.f32 v0;
	v7 =	vadd.f32 $3.000000000e+00, v7  }
0x61e: {  	v57 =	vsub.f32 v56, v8;
	v5 =	vadd.f32 $3.000000000e+00, v5;
	v63 =	vld.idx.msk [tilespmem:v10+s17+$0x0], $0xffff;
	v8 =	vmul.f32 $2.116666600e+01, v6  }
0x61f: {  	v2 =	vsub.f32 v2, v4;
	v60 =	vld.idx.msk [tilespmem:v62+s17+$0x0], $0xffff;
	v9 =	vsub.f32 v58, v0;
	v55 =	vmul.f32 $2.116666600e+01, v7  }
0x620: {  	p2 =	por !p1, !p1;
	p1 =	por $0x1, $0x1;
	v7 =	vadd.f32 $3.000000000e+00, v3;
	v56 =	vmul.f32 $2.116666600e+01, v5;
	v3 =	vld.idx.msk [tilespmem:v61+s17+$0x0], $0xffff;
	v11 =	vmax.f32 v8, $0.0e+00  }
0x621: {  	_ =	sdelay $0x1  }
0x622: {  	s0 =	simm.s32 $0x1  }
0x623: {  	v0 =	vmin.f32 v11, $1.260000000e+02;
	v6 =	vmul.f32 v9, v35;
	s0 =	simm.s32 @!p2 $0x0  }
0x624: {  	v5 =	vld.idx.msk [tilespmem:v10+s13+$0x0], $0xffff;
	v4 =	vmul.f32 $2.116666600e+01, v7;
	v0 =	vtrunc.f32 v0;
	s0 =	sshll.u32 s0, $0x6  }
0x625: {  	v15 =	vld.idx.msk [tilespmem:v62+s13+$0x0], $0xffff;
	v7 =	vmax.f32 v55, $0.0e+00;
	v9 =	vmax.f32 v56, $0.0e+00;
	v11 =	vcvt.f32.s32 v0;
	s0 =	sadd.s32 $0x400, s0  }
0x626: {  	v20 =	vld.idx.msk [tilespmem:v61+s13+$0x0], $0xffff;
	v0 =	vmin.f32 v7, $1.260000000e+02;
	v7 =	vmin.f32 v9, $1.260000000e+02;
	v10 =	vmax.f32 v4, $0.0e+00;
	s11 =	sor.u32 $0x3B0, s0  }
0x627: {  	v0 =	vtrunc.f32 v0;
	v7 =	vtrunc.f32 v7;
	s9 =	sor.u32 $0x380, s0;
	v9 =	vmin.f32 v10, $1.260000000e+02;
	v12 =	vld [tilespmem:s11+$0x4180]  }
0x628: {  	s12 =	sor.u32 $0x390, s0;
	v10 =	vcvt.f32.s32 v0;
	v13 =	vld [tilespmem:s9+$0x4180];
	v0 =	vtrunc.f32 v9  }
0x629: {  	s22 =	sor.u32 $0x3A0, s0;
	v62 =	vcvt.f32.s32 v7;
	v9 =	vld [tilespmem:s12+$0x4180];
	v61 =	vcvt.f32.s32 v0  }
0x62a: {  	v30 =	vmul.f32 v59, v63;
	v7 =	vld [tilespmem:s22+$0x4180];
	v0 =	vcvt.s32.f32 v10  }
0x62b: {  	p3 =	por $0x1, $0x1;
	v6 =	vadd.f32 v6, v25;
	v14 =	vcvt.s32.f32 v62;
	v16 =	vcvt.s32.f32 v61  }
.Ltmp55:
0x62c: {  	v59 =	vsub.f32 v55, v0;
	v35 =	vld.idx.msk [tilespmem:v11+s17+$0x0], $0xffff;
	v0 =	vmul.f32 v57, v60;
	v12 =	vadd.f32 $3.000000000e+00, v12;
	(pc) =	sbr.rel @!p3 .LBB2_107-.Ltmp55, $4  }
0x62d: {  	v57 =	vsub.f32 v56, v14;
	v14 =	vcvt.s32.f32 v11;
	v25 =	vld.idx.msk [tilespmem:v11+s13+$0x0], $0xffff;
	v13 =	vadd.f32 $3.000000000e+00, v13  }
0x62e: {  	v11 =	vadd.f32 $3.000000000e+00, v9;
	v63 =	vld.idx.msk [tilespmem:v10+s17+$0x0], $0xffff;
	v4 =	vsub.f32 v4, v16;
	v58 =	vmul.f32 $2.116666600e+01, v12  }
0x62f: {  	s23 =	simm.s32 $0x80;
	[tilespmem:s2+$0xC180] =	vst v6;
	v6 =	vmul.f32 v2, v3;
	v7 =	vadd.f32 $3.000000000e+00, v7;
	v60 =	vld.idx.msk [tilespmem:v62+s17+$0x0], $0xffff;
	v9 =	vsub.f32 v8, v14  }
0x630: {  	p0 =	por $0x1, $0x1;
	p2 =	por !p2, !p2;
	s0 =	simm.s32 $0x400;
	v55 =	vmul.f32 $2.116666600e+01, v13;
	v56 =	vmul.f32 $2.116666600e+01, v11;
	v8 =	vld.idx.msk [tilespmem:v61+s17+$0x0], $0xffff;
	v11 =	vmax.f32 v58, $0.0e+00  }
.LBB2_108:
0x631: {  	s2 =	simm.s32 $0x1  }
0x632: {  	s23 =	sadd.s32 $0x40, s23;
	v2 =	vmul.f32 $2.116666600e+01, v7;
	v3 =	vmin.f32 v11, $1.260000000e+02;
	v7 =	vld.idx.msk [tilespmem:v10+s13+$0x0], $0xffff;
	v9 =	vmul.f32 v9, v35;
	s2 =	simm.s32 @!p2 $0x0  }
0x633: {  	v10 =	vmax.f32 v55, $0.0e+00;
	s0 =	sadd.s32 $0x200, s0;
	p3 =	slt.u32 s23, $0x7C0;
	v11 =	vmax.f32 v56, $0.0e+00;
	v3 =	vtrunc.f32 v3;
	s2 =	sshll.u32 s2, $0x6;
	v12 =	vld.idx.msk [tilespmem:v62+s13+$0x0], $0xffff  }
0x634: {  	v13 =	vmax.f32 v2, $0.0e+00;
	v3 =	vcvt.f32.s32 v3;
	v9 =	vadd.f32 v9, v25;
	s2 =	sadd.s32 s2, s0;
	v14 =	vld.idx.msk [tilespmem:v61+s13+$0x0], $0xffff  }
0x635: {  	v10 =	vmin.f32 v10, $1.260000000e+02;
	v11 =	vmin.f32 v11, $1.260000000e+02;
	v13 =	vmin.f32 v13, $1.260000000e+02;
	s3 =	sor.u32 $0x380, s2;
	s14 =	sor.u32 $0x390, s2;
	s18 =	sor.u32 $0x3B0, s2  }
0x636: {  	v10 =	vtrunc.f32 v10;
	v25 =	vadd.f32 v30, v5;
	v11 =	vtrunc.f32 v11;
	s2 =	sor.u32 $0x3A0, s2;
	v16 =	vld [tilespmem:s18+$0x4180];
	[tilespmem:s6+$0xC180] =	vst v9;
	s6 =	smov.u32 s11;
	s11 =	smov.u32 s18  }
0x637: {  	v0 =	vadd.f32 v0, v15;
	v10 =	vcvt.f32.s32 v10;
	v13 =	vtrunc.f32 v13;
	v9 =	vld [tilespmem:s3+$0x4180]  }
0x638: {  	v6 =	vadd.f32 v6, v20;
	v62 =	vcvt.f32.s32 v11;
	v61 =	vcvt.f32.s32 v13;
	v5 =	vmovc v7;
	v17 =	vld [tilespmem:s14+$0x4180];
	[tilespmem:s29+$0xC180] =	vst v25;
	s29 =	smov.u32 s15;
	s15 =	smov.u32 s9;
	s9 =	smov.u32 s3  }
0x639: {  	v30 =	vmul.f32 v59, v63;
	v11 =	vcvt.s32.f32 v10;
	v15 =	vmov v12;
	v7 =	vld [tilespmem:s2+$0x4180];
	[tilespmem:s30+$0xC180] =	vst v0;
	s30 =	smov.u32 s1;
	s1 =	smov.u32 s12;
	s12 =	smov.u32 s14  }
0x63a: {  	v12 =	vcvt.s32.f32 v62;
	v13 =	vcvt.s32.f32 v61;
	v20 =	vmov v14;
	v35 =	vld.idx.msk [tilespmem:v3+s17+$0x0], $0xffff;
	[tilespmem:s28+$0xC180] =	vst v6;
	s28 =	smov.u32 s5;
	s5 =	smov.u32 s22;
	s22 =	smov.u32 s2  }
.Ltmp56:
0x63b: {  	v59 =	vsub.f32 v55, v11;
	v0 =	vmul.f32 v57, v60;
	v6 =	vadd.f32 $3.000000000e+00, v16;
	(pc) =	sbr.rel @p3 .LBB2_108-.Ltmp56, $4  }
0x63c: {  	v11 =	vcvt.s32.f32 v3;
	v57 =	vsub.f32 v56, v12;
	v9 =	vadd.f32 $3.000000000e+00, v9;
	v25 =	vld.idx.msk [tilespmem:v3+s13+$0x0], $0xffff  }
0x63d: {  	v2 =	vsub.f32 v2, v13;
	v3 =	vadd.f32 $3.000000000e+00, v17;
	v12 =	vmul.f32 $2.116666600e+01, v6;
	v63 =	vld.idx.msk [tilespmem:v10+s17+$0x0], $0xffff  }
0x63e: {  	v55 =	vmul.f32 $2.116666600e+01, v9;
	v7 =	vadd.f32 $3.000000000e+00, v7;
	v60 =	vld.idx.msk [tilespmem:v62+s17+$0x0], $0xffff;
	v9 =	vsub.f32 v58, v11  }
0x63f: {  	p2 =	por !p2, !p2;
	v6 =	vmul.f32 v4, v8;
	v4 =	vmovc v2;
	v56 =	vmul.f32 $2.116666600e+01, v3;
	v11 =	vmax.f32 v12, $0.0e+00;
	v8 =	vld.idx.msk [tilespmem:v61+s17+$0x0], $0xffff;
	v58 =	vmovc v12  }
0x640: {  	_ = 	snop  }
0x641: {  	s14 =	smov.u32 s29;
	s3 =	smov.u32 s30  }
0x642: {  	s18 =	smov.u32 s28;
	s23 =	smov.u32 s6;
	s2 =	smov.u32 s11  }
0x643: {  	s0 =	smov.u32 s15;
	s29 =	smov.u32 s9;
	s9 =	smov.u32 s1  }
0x644: {  	s30 =	smov.u32 s12;
	s11 =	smov.u32 s5;
	s28 =	smov.u32 s22;
	v2 =	vmov v4;
	v3 =	vmov v8  }
.LBB2_110:
0x645: {  	v4 =	vmin.f32 v11, $1.260000000e+02;
	v8 =	vmax.f32 v55, $0.0e+00  }
0x646: {  	v7 =	vmul.f32 $2.116666600e+01, v7;
	v4 =	vtrunc.f32 v4;
	v8 =	vmin.f32 v8, $1.260000000e+02  }
0x647: {  	v4 =	vcvt.f32.s32 v4;
	v8 =	vtrunc.f32 v8  }
0x648: {  	v9 =	vmul.f32 @p1 v9, v35;
	v35 =	vmax.f32 v56, $0.0e+00;
	v8 =	vcvt.f32.s32 v8  }
0x649: {  	v11 =	vmin.f32 v35, $1.260000000e+02;
	v12 =	vmax.f32 v7, $0.0e+00  }
0x64a: {  	v10 =	vld.idx.msk @p1 [tilespmem:v10+s13+$0x0], $0xffff;
	v11 =	vtrunc.f32 v11;
	v12 =	vmin.f32 v12, $1.260000000e+02  }
0x64b: {  	v13 =	vld.idx.msk @p1 [tilespmem:v62+s13+$0x0], $0xffff;
	v11 =	vcvt.f32.s32 v11;
	v12 =	vtrunc.f32 v12  }
0x64c: {  	v14 =	vld.idx.msk @p1 [tilespmem:v61+s13+$0x0], $0xffff;
	v0 =	vadd.f32 @p0 v0, v15;
	v12 =	vcvt.f32.s32 v12  }
0x64d: {  	v5 =	vadd.f32 @p0 v30, v5;
	v15 =	vmul.f32 @p1 v59, v63;
	v16 =	vld.idx.msk [tilespmem:v4+s17+$0x0], $0xffff  }
0x64e: {  	v9 =	vadd.f32 @p1 v9, v25;
	[tilespmem:s3+$0xC180] =	vst @p0 v0;
	v62 =	vcvt.s32.f32 v4;
	v0 =	vcvt.s32.f32 v11;
	v17 =	vld.idx.msk [tilespmem:v8+s17+$0x0], $0xffff  }
0x64f: {  	v2 =	vmul.f32 @p1 v2, v3;
	[tilespmem:s14+$0xC180] =	vst @p0 v5;
	v5 =	vadd.f32 @p0 v6, v20;
	v35 =	vcvt.s32.f32 v8;
	v4 =	vld.idx.msk [tilespmem:v4+s13+$0x0], $0xffff  }
0x650: {  	[tilespmem:s23+$0xC180] =	vst @p1 v9;
	v9 =	vsub.f32 v58, v62;
	v0 =	vsub.f32 v56, v0;
	v61 =	vld.idx.msk [tilespmem:v8+s13+$0x0], $0xffff  }
0x651: {  	v25 =	vmul.f32 @p1 v57, v60;
	v6 =	vmovc @p1 v10;
	v20 =	vcvt.s32.f32 v12;
	v10 =	vsub.f32 v55, v35;
	v59 =	vld.idx.msk [tilespmem:v11+s17+$0x0], $0xffff  }
0x652: {  	v3 =	vpsel p1, v6, v0;
	v8 =	vpsel p1, v15, v0;
	v30 =	vld.idx.msk [tilespmem:v12+s17+$0x0], $0xffff;
	v9 =	vmul.f32 v9, v16  }
0x653: {  	[tilespmem:s18+$0xC180] =	vst @p0 v5;
	v5 =	vmov @p1 v14;
	v11 =	vld.idx.msk [tilespmem:v11+s13+$0x0], $0xffff;
	v3 =	vadd.f32 @p1 v8, v3;
	v62 =	vmul.f32 v10, v17  }
0x654: {  	s0 =	smov.u32 @p1 s0;
	v7 =	vsub.f32 v7, v20;
	v13 =	vpsel p1, v13, v0;
	v12 =	vld.idx.msk [tilespmem:v12+s13+$0x0], $0xffff;
	v4 =	vadd.f32 v9, v4  }
0x655: {  	v5 =	vpsel p1, v5, v0;
	[tilespmem:s0+$0xC180] =	vst @p1 v3;
	v9 =	vpsel p1, v25, v0;
	v63 =	vadd.f32 v62, v61  }
0x656: {  	s1 =	smov.u32 @p1 s9;
	v2 =	vpsel p1, v2, v0;
	v0 =	vmul.f32 v0, v59;
	[tilespmem:s2+$0xC180] =	vst v4;
	v4 =	vadd.f32 @p1 v9, v13  }
0x657: {  	s1 =	smov.u32 @p1 s1;
	v2 =	vadd.f32 @p1 v2, v5;
	v3 =	vmul.f32 v7, v30;
	s2 =	smov.u32 @p1 s11;
	[tilespmem:s29+$0xC180] =	vst v63  }
0x658: {  	v0 =	vadd.f32 v0, v11;
	s0 =	smov.u32 @p1 s2;
	[tilespmem:s1+$0xC180] =	vst @p1 v4  }
0x659: {  	p0 =	seq.s32 s24, $0x7;
	[tilespmem:s0+$0xC180] =	vst @p1 v2;
	v2 =	vadd.f32 v3, v12  }
0x65a: {  	s31 =	simm.s32 $0xC180;
	[tilespmem:s30+$0xC180] =	vst v0;
	s0 =	sadd.s32 @!p0 s10, s25  }
0x65b: {  	s2 =	simm.s32 @!p0 $0x4180;
	s30 =	sadd.s32 s26, s8;
	s0 =	sshll.u32 @!p0 s0, $0xC;
	[tilespmem:s28+$0xC180] =	vst v2  }
0x65c: {  	[hbm4b:s30+s4] =	stream.linear.scatter [tilespmem:s31], [sflag:$0x4], $0x4000, $0x38;
	[tilespmem:$0x10180] =	vst v63  }
0x65d: {  	s1 =	simm.s32 @!p0 $0x0;
	p1 =	sne.s32 @!p0 s25, $0x8;
	s0 =	sadd.s32 @!p0 s0, s7  }
0x65e: {  	[tilespmem:s2], [sflag:$0x2] =	stream.linear.gather @!p0 [hbm4b:s0+s1], $0x4000, $0x38;
	[tilespmem:$0x10180] =	vst v63  }
0x65f: {  	p0 =	por p0, !p1  }
.Ltmp57:
0x660: {  	_ = 	snop;
	(pc) =	sbr.rel @!p0 .LBB2_2-.Ltmp57, $4  }
.Ltmp58:
0x661: {  	_ = 	snop;
	(pc) =	sbr.rel @p0 .LBB2_111-.Ltmp58, $4  }
0x662: {  	_ = 	snop  }
0x663: {  	_ = 	snop  }
0x664: {  	_ = 	snop  }
0x665: {  	_ = 	snop  }
.LBB2_7:
.Ltmp59:
0x666: {  	(pc) =	sbr.rel .LBB2_14-.Ltmp59, $2  }
0x667: {  	_ =	sdelay $0x2  }
0x668: {  	s26 =	smov.u32 s25;
	p4 =	por $0x0, $0x0  }
.LBB2_15:
.Ltmp60:
0x669: {  	(pc) =	sbr.rel .LBB2_22-.Ltmp60, $2  }
0x66a: {  	_ =	sdelay $0x2  }
0x66b: {  	p2 =	por $0x0, $0x0  }
.LBB2_23:
.Ltmp61:
0x66c: {  	(pc) =	sbr.rel .LBB2_30-.Ltmp61, $2  }
0x66d: {  	_ =	sdelay $0x2  }
0x66e: {  	p4 =	por $0x0, $0x0;
	p5 =	por $0x0, $0x0  }
.LBB2_31:
.Ltmp62:
0x66f: {  	(pc) =	sbr.rel .LBB2_38-.Ltmp62, $2  }
0x670: {  	_ =	sdelay $0x2  }
0x671: {  	p2 =	por $0x0, $0x0  }
.LBB2_39:
.Ltmp63:
0x672: {  	(pc) =	sbr.rel .LBB2_46-.Ltmp63, $2  }
0x673: {  	_ =	sdelay $0x2  }
0x674: {  	p4 =	por $0x0, $0x0;
	p5 =	por $0x0, $0x0  }
.LBB2_47:
.Ltmp64:
0x675: {  	(pc) =	sbr.rel .LBB2_54-.Ltmp64, $2  }
0x676: {  	_ =	sdelay $0x2  }
0x677: {  	p2 =	por $0x0, $0x0  }
.LBB2_63:
.Ltmp65:
0x678: {  	(pc) =	sbr.rel .LBB2_70-.Ltmp65, $2  }
0x679: {  	_ =	sdelay $0x2  }
0x67a: {  	s29 =	smov.u32 s28;
	p3 =	por $0x0, $0x0  }
.LBB2_71:
.Ltmp66:
0x67b: {  	(pc) =	sbr.rel .LBB2_78-.Ltmp66, $2  }
0x67c: {  	_ =	sdelay $0x2  }
0x67d: {  	p1 =	por $0x0, $0x0  }
.LBB2_79:
.Ltmp67:
0x67e: {  	(pc) =	sbr.rel .LBB2_86-.Ltmp67, $2  }
0x67f: {  	_ =	sdelay $0x2  }
0x680: {  	p3 =	por $0x0, $0x0;
	p4 =	por $0x0, $0x0  }
.LBB2_87:
.Ltmp68:
0x681: {  	(pc) =	sbr.rel .LBB2_94-.Ltmp68, $2  }
0x682: {  	_ =	sdelay $0x2  }
0x683: {  	p1 =	por $0x0, $0x0  }
.LBB2_95:
.Ltmp69:
0x684: {  	(pc) =	sbr.rel .LBB2_102-.Ltmp69, $2  }
0x685: {  	_ =	sdelay $0x2  }
0x686: {  	p3 =	por $0x0, $0x0;
	p4 =	por $0x0, $0x0  }
.LBB2_103:
.Ltmp70:
0x687: {  	(pc) =	sbr.rel .LBB2_110-.Ltmp70, $2  }
0x688: {  	_ =	sdelay $0x2  }
0x689: {  	p1 =	por $0x0, $0x0  }
.LBB2_9:
.Ltmp71:
0x68a: {  	(pc) =	sbr.rel .LBB2_14-.Ltmp71, $2  }
0x68b: {  	_ =	sdelay $0x2  }
0x68c: {  	s0 =	smov.u32 s25;
	v5 =	vmov v11;
	p4 =	por $0x0, $0x0  }
.LBB2_17:
.Ltmp72:
0x68d: {  	(pc) =	sbr.rel .LBB2_22-.Ltmp72, $2  }
0x68e: {  	_ =	sdelay $0x2  }
0x68f: {  	s0 =	smov.u32 s25;
	s25 =	smov.u32 s1;
	v5 =	vmov v11  }
.LBB2_25:
.Ltmp73:
0x690: {  	(pc) =	sbr.rel .LBB2_30-.Ltmp73, $4  }
0x691: {  	_ = 	snop  }
0x692: {  	s12 =	smov.u32 s30;
	s0 =	smov.u32 s25;
	s6 =	smov.u32 s28  }
0x693: {  	s9 =	smov.u32 s11;
	s30 =	smov.u32 s15;
	s25 =	smov.u32 s1  }
0x694: {  	s28 =	smov.u32 s5;
	s11 =	smov.u32 s2;
	v58 =	vmov v3;
	p5 =	por $0x0, $0x0  }
.LBB2_33:
.Ltmp74:
0x695: {  	(pc) =	sbr.rel .LBB2_38-.Ltmp74, $4  }
0x696: {  	_ = 	snop  }
0x697: {  	s12 =	smov.u32 s2;
	s0 =	smov.u32 s25  }
0x698: {  	s9 =	smov.u32 s28;
	s11 =	smov.u32 s26;
	s2 =	smov.u32 s6  }
0x699: {  	s25 =	smov.u32 s1;
	s28 =	smov.u32 s5;
	s26 =	smov.u32 s29;
	v58 =	vmov v8  }
.LBB2_41:
.Ltmp75:
0x69a: {  	(pc) =	sbr.rel .LBB2_46-.Ltmp75, $4  }
0x69b: {  	_ = 	snop  }
0x69c: {  	s12 =	smov.u32 s30;
	s0 =	smov.u32 s26;
	s6 =	smov.u32 s28  }
0x69d: {  	s9 =	smov.u32 s29;
	s30 =	smov.u32 s15;
	s26 =	smov.u32 s1  }
0x69e: {  	s28 =	smov.u32 s5;
	s29 =	smov.u32 s2;
	v58 =	vmov v8;
	p5 =	por $0x0, $0x0  }
.LBB2_49:
.Ltmp76:
0x69f: {  	(pc) =	sbr.rel .LBB2_54-.Ltmp76, $4  }
0x6a0: {  	_ = 	snop  }
0x6a1: {  	s12 =	smov.u32 s2;
	s0 =	smov.u32 s26  }
0x6a2: {  	s6 =	smov.u32 s28;
	s9 =	smov.u32 s25;
	s2 =	smov.u32 s15  }
0x6a3: {  	s26 =	smov.u32 s1;
	s28 =	smov.u32 s5;
	s25 =	smov.u32 s29;
	v58 =	vmov v8  }
.LBB2_65:
.Ltmp77:
0x6a4: {  	(pc) =	sbr.rel .LBB2_70-.Ltmp77, $2  }
0x6a5: {  	_ =	sdelay $0x2  }
0x6a6: {  	s0 =	smov.u32 s28;
	v5 =	vmov v11;
	p3 =	por $0x0, $0x0  }
.LBB2_73:
.Ltmp78:
0x6a7: {  	(pc) =	sbr.rel .LBB2_78-.Ltmp78, $2  }
0x6a8: {  	_ =	sdelay $0x2  }
0x6a9: {  	s0 =	smov.u32 s28;
	s28 =	smov.u32 s1;
	v5 =	vmov v11  }
.LBB2_81:
.Ltmp79:
0x6aa: {  	(pc) =	sbr.rel .LBB2_86-.Ltmp79, $4  }
0x6ab: {  	_ = 	snop  }
0x6ac: {  	s23 =	smov.u32 s6;
	s0 =	smov.u32 s9;
	s11 =	smov.u32 s12  }
0x6ad: {  	s1 =	smov.u32 s22;
	s6 =	smov.u32 s2;
	s9 =	smov.u32 s28  }
0x6ae: {  	s12 =	smov.u32 s30;
	s22 =	smov.u32 s31;
	v58 =	vmov v8;
	p4 =	por $0x0, $0x0  }
.LBB2_89:
.Ltmp80:
0x6af: {  	(pc) =	sbr.rel .LBB2_94-.Ltmp80, $4  }
0x6b0: {  	_ = 	snop  }
0x6b1: {  	s23 =	smov.u32 s2;
	s0 =	smov.u32 s28  }
0x6b2: {  	s9 =	smov.u32 s30;
	s11 =	smov.u32 s29;
	s2 =	smov.u32 s6  }
0x6b3: {  	s28 =	smov.u32 s15;
	s30 =	smov.u32 s1;
	s29 =	smov.u32 s5;
	v58 =	vmov v8  }
.LBB2_97:
.Ltmp81:
0x6b4: {  	(pc) =	sbr.rel .LBB2_102-.Ltmp81, $4  }
0x6b5: {  	_ = 	snop  }
0x6b6: {  	s23 =	smov.u32 s2;
	s0 =	smov.u32 s29;
	s9 =	smov.u32 s30  }
0x6b7: {  	s11 =	smov.u32 s31;
	s2 =	smov.u32 s6;
	s29 =	smov.u32 s15  }
0x6b8: {  	s30 =	smov.u32 s1;
	s31 =	smov.u32 s5;
	v58 =	vmov v8;
	p4 =	por $0x0, $0x0  }
.LBB2_105:
.Ltmp82:
0x6b9: {  	(pc) =	sbr.rel .LBB2_110-.Ltmp82, $4  }
0x6ba: {  	_ = 	snop  }
0x6bb: {  	s23 =	smov.u32 s2;
	s0 =	smov.u32 s29  }
0x6bc: {  	s9 =	smov.u32 s30;
	s11 =	smov.u32 s28;
	s2 =	smov.u32 s6  }
0x6bd: {  	s29 =	smov.u32 s15;
	s30 =	smov.u32 s1;
	s28 =	smov.u32 s5;
	v58 =	vmov v8  }
.LBB2_11:
.Ltmp83:
0x6be: {  	_ = 	snop;
	(pc) =	sbr.rel .LBB2_14-.Ltmp83, $2  }
0x6bf: {  	_ =	sdelay $0x2  }
0x6c0: {  	s0 =	smov.u32 s26;
	v62 =	vmov v25;
	s1 =	smov.u32 s25;
	s26 =	smov.u32 s6;
	v25 =	vmov v3;
	v3 =	vmov v7  }
.LBB2_19:
.Ltmp84:
0x6c1: {  	_ = 	snop;
	(pc) =	sbr.rel .LBB2_22-.Ltmp84, $2  }
0x6c2: {  	_ =	sdelay $0x2  }
0x6c3: {  	v62 =	vmov v25;
	s2 =	smov.u32 s25;
	s0 =	smov.u32 s1;
	s25 =	smov.u32 s5;
	v25 =	vmov v3;
	v3 =	vmov v6  }
.LBB2_27:
.Ltmp85:
0x6c4: {  	_ = 	snop;
	(pc) =	sbr.rel .LBB2_30-.Ltmp85, $4  }
0x6c5: {  	s22 =	smov.u32 s25;
	s14 =	smov.u32 s28;
	s23 =	smov.u32 s11  }
0x6c6: {  	s12 =	smov.u32 s15;
	s30 =	smov.u32 s9;
	s0 =	smov.u32 s1  }
0x6c7: {  	s25 =	smov.u32 s6;
	s6 =	smov.u32 s5;
	s28 =	smov.u32 s31  }
0x6c8: {  	s9 =	smov.u32 s2;
	s11 =	smov.u32 s29;
	v4 =	vmov v2;
	p3 =	por $0x1, $0x1;
	v8 =	vmov v3  }
.LBB2_35:
.Ltmp86:
0x6c9: {  	_ = 	snop;
	(pc) =	sbr.rel .LBB2_38-.Ltmp86, $4  }
0x6ca: {  	s14 =	smov.u32 s25;
	s3 =	smov.u32 s28  }
0x6cb: {  	s18 =	smov.u32 s26;
	s12 =	smov.u32 s6;
	s2 =	smov.u32 s9  }
0x6cc: {  	s0 =	smov.u32 s1;
	s25 =	smov.u32 s15;
	s9 =	smov.u32 s5  }
0x6cd: {  	s28 =	smov.u32 s11;
	s11 =	smov.u32 s29;
	s26 =	smov.u32 s30;
	v2 =	vmov v4;
	v3 =	vmov v8  }
.LBB2_43:
.Ltmp87:
0x6ce: {  	_ = 	snop;
	(pc) =	sbr.rel .LBB2_46-.Ltmp87, $4  }
0x6cf: {  	s22 =	smov.u32 s26;
	s14 =	smov.u32 s28;
	s23 =	smov.u32 s29  }
0x6d0: {  	s12 =	smov.u32 s15;
	s30 =	smov.u32 s9;
	s0 =	smov.u32 s1  }
0x6d1: {  	s26 =	smov.u32 s6;
	s6 =	smov.u32 s5;
	s28 =	smov.u32 s11  }
0x6d2: {  	s9 =	smov.u32 s2;
	s29 =	smov.u32 s31;
	v2 =	vmov v4;
	p3 =	por $0x1, $0x1;
	v3 =	vmov v8  }
.LBB2_51:
.Ltmp88:
0x6d3: {  	_ = 	snop;
	(pc) =	sbr.rel .LBB2_54-.Ltmp88, $4  }
0x6d4: {  	s14 =	smov.u32 s26;
	s3 =	smov.u32 s28  }
0x6d5: {  	s18 =	smov.u32 s25;
	s12 =	smov.u32 s15;
	s2 =	smov.u32 s9  }
0x6d6: {  	s0 =	smov.u32 s1;
	s26 =	smov.u32 s6;
	s6 =	smov.u32 s5  }
0x6d7: {  	s28 =	smov.u32 s11;
	s9 =	smov.u32 s29;
	s25 =	smov.u32 s30;
	v2 =	vmov v4;
	v3 =	vmov v8  }
.LBB2_67:
.Ltmp89:
0x6d8: {  	_ = 	snop;
	(pc) =	sbr.rel .LBB2_70-.Ltmp89, $2  }
0x6d9: {  	_ =	sdelay $0x2  }
0x6da: {  	s0 =	smov.u32 s29;
	v62 =	vmov v25;
	s1 =	smov.u32 s28;
	s29 =	smov.u32 s6;
	v25 =	vmov v3;
	v3 =	vmov v7  }
.LBB2_75:
.Ltmp90:
0x6db: {  	_ = 	snop;
	(pc) =	sbr.rel .LBB2_78-.Ltmp90, $2  }
0x6dc: {  	_ =	sdelay $0x2  }
0x6dd: {  	v62 =	vmov v25;
	s2 =	smov.u32 s28;
	s0 =	smov.u32 s1;
	s28 =	smov.u32 s5;
	v25 =	vmov v3;
	v3 =	vmov v6  }
.LBB2_83:
.Ltmp91:
0x6de: {  	_ = 	snop;
	(pc) =	sbr.rel .LBB2_86-.Ltmp91, $4  }
0x6df: {  	s14 =	smov.u32 s9;
	s3 =	smov.u32 s12  }
0x6e0: {  	s18 =	smov.u32 s22;
	s23 =	smov.u32 s2;
	s6 =	smov.u32 s11  }
0x6e1: {  	s0 =	smov.u32 s28;
	s9 =	smov.u32 s15;
	s11 =	smov.u32 s30  }
0x6e2: {  	s12 =	smov.u32 s1;
	s1 =	smov.u32 s31;
	s22 =	smov.u32 s5;
	v2 =	vmov v4;
	v3 =	vmov v8  }
.LBB2_91:
.Ltmp92:
0x6e3: {  	_ = 	snop;
	(pc) =	sbr.rel .LBB2_94-.Ltmp92, $4  }
0x6e4: {  	s14 =	smov.u32 s28;
	s3 =	smov.u32 s30  }
0x6e5: {  	s18 =	smov.u32 s29;
	s23 =	smov.u32 s6;
	s2 =	smov.u32 s11  }
0x6e6: {  	s0 =	smov.u32 s15;
	s28 =	smov.u32 s9;
	s9 =	smov.u32 s1  }
0x6e7: {  	s30 =	smov.u32 s12;
	s11 =	smov.u32 s5;
	s29 =	smov.u32 s22;
	v2 =	vmov v4;
	v3 =	vmov v8  }
.LBB2_99:
.Ltmp93:
0x6e8: {  	_ = 	snop;
	(pc) =	sbr.rel .LBB2_102-.Ltmp93, $4  }
0x6e9: {  	s14 =	smov.u32 s29;
	s3 =	smov.u32 s30  }
0x6ea: {  	s18 =	smov.u32 s31;
	s23 =	smov.u32 s6;
	s2 =	smov.u32 s11  }
0x6eb: {  	s0 =	smov.u32 s15;
	s29 =	smov.u32 s9;
	s9 =	smov.u32 s1  }
0x6ec: {  	s30 =	smov.u32 s12;
	s11 =	smov.u32 s5;
	s31 =	smov.u32 s22;
	v2 =	vmov v4;
	v3 =	vmov v8  }
.LBB2_107:
.Ltmp94:
0x6ed: {  	_ = 	snop;
	(pc) =	sbr.rel .LBB2_110-.Ltmp94, $4  }
0x6ee: {  	s14 =	smov.u32 s29;
	s3 =	smov.u32 s30  }
0x6ef: {  	s18 =	smov.u32 s28;
	s23 =	smov.u32 s6;
	s2 =	smov.u32 s11  }
0x6f0: {  	s0 =	smov.u32 s15;
	s29 =	smov.u32 s9;
	s9 =	smov.u32 s1  }
0x6f1: {  	s30 =	smov.u32 s12;
	s11 =	smov.u32 s5;
	s28 =	smov.u32 s22;
	v2 =	vmov v4;
	v3 =	vmov v8  }
.LBB2_112:
0x6f2: {  	_ =	sfence.sel $0x180000  }
0x6f3: {  	[bflag:$0x0] =	sbarrier.arrive $0xFFFF  }
0x6f4: {  	_ =	strace $0x90000047  }
0x6f5: {  	s0 =	stileid.u32;
	[bflag:$0x2] =	sbarrier.arrive $0xFFFF  }
0x6f6: {  	p0 =	sne.s32 s0, $0x0;
	s0 =	rddreg [dreg:$0x3]  }
0x6f7: {  	s0 =	sadd.s32 @!p0 $0x100000, s0  }
0x6f8: {  	[sflag:s0] =	ssyncadd.tile.s32 @!p0 $0x1;
	_ =	shalt  }
.Lfunc_end2:
_tile_overlayer_lowered:
.L_overlay_start_2:
0x6f9: {  	(tag) =	ssettag $0x2  }
0x6fa: {  	s0 =	rddreg [dreg:$0x0];
	s2 =	stileid.u32  }
0x6fb: {  	s1 =	rddreg [dreg:$0x1];
	p0 =	sne.s32 s2, $0x0  }
0x6fc: {  	s3 =	rddreg [dreg:$0x2];
	[bflag:$0x3] =	sbarrier.arrive $0xFFFF;
	s2 =	simm.s32 @!p0 $0x1C05  }
0x6fd: {  	[timem:s3], [sflag:s2] =	dma.local @!p0 [hbm:s0], s1  }
0x6fe: {  	s0 =	simm.s32 @!p0 $0x5  }
0x6ff: {  	_ =	swait.ge @!p0 [sflag:s0], s1  }
0x700: {  	s1 =	ssub.s32 @!p0 $0x0, s1;
	[sflag:s0] =	ssyncset.done @!p0 $0x0  }
0x701: {  	[sflag:s0] =	ssyncadd.s32 @!p0 s1  }
0x702: {  	[bflag:$0x3] =	sbarrier.arrive $0xFFFF  }
0x703: {  	_ =	shalt  }

</sc_bundles>
